<compile_context>
chip_gen: v7x
topology: tpu7x:2x2x1
jax: 0.10.2.dev20260603
libtpu: 0.0.44.dev20260713+nightly
codegen_flags: <defaults>
</compile_context>

<pallas_src>
import functools
import math

import jax
import jax.numpy as jnp
from jax import lax
from jax.experimental import pallas as pl
from jax.experimental.pallas import tpu as pltpu
from jax.experimental.pallas import tpu_sc as plsc

NC = 2
NS = 16
NW = NC * NS
LANES = 16
CHUNK = 128


def _sc_mesh():
    return plsc.VectorSubcoreMesh(
        core_axis_name="c", subcore_axis_name="s", num_cores=NC, num_subcores=NS
    )


def _sc_degree(dst_r, np_rows):
    nch = dst_r.shape[1]
    rpt = np_rows // NS

    @functools.partial(
        pl.kernel,
        out_type=jax.ShapeDtypeStruct((NC, np_rows), jnp.float32),
        mesh=_sc_mesh(),
        scratch_types=[
            pltpu.VMEM((nch, CHUNK), jnp.int32),
            pltpu.VMEM((CHUNK,), jnp.float32),
            pltpu.VMEM((rpt,), jnp.float32),
            pltpu.VMEM_SHARED((np_rows,), jnp.float32),
        ],
    )
    def k(dst_hbm, out_hbm, dst_v, ones_v, z_v, acc_sh):
        c = lax.axis_index("c")
        s = lax.axis_index("s")
        wid = c * NS + s
        pltpu.sync_copy(dst_hbm.at[wid], dst_v)
        for i in range(CHUNK // LANES):
            ones_v[pl.ds(i * LANES, LANES)] = jnp.full((LANES,), 1.0, jnp.float32)
        for i in range(rpt // LANES):
            z_v[pl.ds(i * LANES, LANES)] = jnp.zeros((LANES,), jnp.float32)
        pltpu.sync_copy(z_v, acc_sh.at[pl.ds(s * rpt, rpt)])
        plsc.subcore_barrier()

        def step(j, carry):
            pltpu.sync_copy(ones_v, acc_sh.at[dst_v.at[j]], add=True)
            return carry

        lax.fori_loop(0, nch, step, 0)
        plsc.subcore_barrier()
        pltpu.sync_copy(acc_sh.at[pl.ds(s * rpt, rpt)], out_hbm.at[c, pl.ds(s * rpt, rpt)])

    return k(dst_r)


NCH_ALL = 160
NCH_HALF = 80
NQA = 40


def _agg_loop(tab_dummy_hbm, tab_sh, src_hbm, dst_hbm, tile, nch, src_v, dst_v,
              bufs, acc_sh, gsem, ssem):
    nq4 = NQA // 4
    for seg in range(nch // NQA):
        pltpu.sync_copy(src_hbm.at[tile, pl.ds(seg * NQA, NQA)], src_v)
        pltpu.sync_copy(dst_hbm.at[tile, pl.ds(seg * NQA, NQA)], dst_v)
        pltpu.async_copy(tab_sh.at[src_v.at[0]], bufs[0], gsem)
        pltpu.async_copy(tab_sh.at[src_v.at[1]], bufs[1], gsem)

        def body(j4, carry):
            j0 = j4 * 4
            for b in range(4):
                j = j0 + b
                nb = (b + 2) % 4
                if b < 2:
                    @pl.when(j4 > 0)
                    def _w():
                        pltpu.make_async_copy(
                            tab_dummy_hbm.at[pl.ds(0, CHUNK)], bufs[nb], ssem
                        ).wait()
                else:
                    pltpu.make_async_copy(
                        tab_dummy_hbm.at[pl.ds(0, CHUNK)], bufs[nb], ssem
                    ).wait()
                if b < 2:
                    pltpu.async_copy(tab_sh.at[src_v.at[j + 2]], bufs[nb], gsem)
                else:
                    @pl.when(j4 < nq4 - 1)
                    def _f():
                        pltpu.async_copy(tab_sh.at[src_v.at[j + 2]], bufs[nb], gsem)
                pltpu.make_async_copy(
                    tab_dummy_hbm.at[pl.ds(0, CHUNK)], bufs[b], gsem
                ).wait()
                pltpu.async_copy(bufs[b], acc_sh.at[dst_v.at[j]], ssem, add=True)
            return carry

        lax.fori_loop(0, nq4, body, 0)
        pltpu.make_async_copy(tab_dummy_hbm.at[pl.ds(0, CHUNK)], bufs[2], ssem).wait()
        pltpu.make_async_copy(tab_dummy_hbm.at[pl.ds(0, CHUNK)], bufs[3], ssem).wait()


def _sc_agg_chsplit(tab2, src_r, dst_r, np_rows, d):
    assert src_r.shape == (NS, NCH_ALL, CHUNK)
    rpt = np_rows // NS

    @functools.partial(
        pl.kernel,
        out_type=jax.ShapeDtypeStruct((NC, np_rows, d), jnp.float32),
        mesh=_sc_mesh(),
        compiler_params=pltpu.CompilerParams(use_tc_tiling_on_sc=False),
        scratch_types=[
            pltpu.VMEM((NQA, CHUNK), jnp.int32),
            pltpu.VMEM((NQA, CHUNK), jnp.int32),
            pltpu.VMEM((CHUNK, d), jnp.float32),
            pltpu.VMEM((CHUNK, d), jnp.float32),
            pltpu.VMEM((CHUNK, d), jnp.float32),
            pltpu.VMEM((CHUNK, d), jnp.float32),
            pltpu.VMEM_SHARED((np_rows, d), jnp.float32),
            pltpu.VMEM_SHARED((np_rows, d), jnp.float32),
            pltpu.SemaphoreType.DMA,
            pltpu.SemaphoreType.DMA,
        ],
    )
    def k(tab_hbm, src_hbm, dst_hbm, out_hbm, src_v, dst_v, r0, r1, r2, r3,
          tab_sh, acc_sh, gsem, ssem):
        c = lax.axis_index("c")
        s = lax.axis_index("s")
        sl = pl.ds(s * rpt, rpt)
        pltpu.sync_copy(tab_hbm.at[c, sl], tab_sh.at[sl])
        pltpu.sync_copy(tab_hbm.at[c, sl], acc_sh.at[sl])
        plsc.subcore_barrier()
        _agg_loop(tab_hbm.at[0], tab_sh, src_hbm, dst_hbm, s, NCH_ALL,
                  src_v, dst_v, [r0, r1, r2, r3], acc_sh, gsem, ssem)
        plsc.subcore_barrier()
        pltpu.sync_copy(acc_sh.at[sl], out_hbm.at[c, sl])

    return k(tab2, src_r, dst_r)


def _sc_agg_edgesplit(table, src_r, dst_r, np_rows, d):
    assert src_r.shape == (NW, NCH_HALF, CHUNK)
    rpt = np_rows // NS

    @functools.partial(
        pl.kernel,
        out_type=jax.ShapeDtypeStruct((NC, np_rows, d), jnp.float32),
        mesh=_sc_mesh(),
        compiler_params=pltpu.CompilerParams(use_tc_tiling_on_sc=False),
        scratch_types=[
            pltpu.VMEM((NQA, CHUNK), jnp.int32),
            pltpu.VMEM((NQA, CHUNK), jnp.int32),
            pltpu.VMEM((CHUNK, d), jnp.float32),
            pltpu.VMEM((CHUNK, d), jnp.float32),
            pltpu.VMEM((CHUNK, d), jnp.float32),
            pltpu.VMEM((CHUNK, d), jnp.float32),
            pltpu.VMEM_SHARED((np_rows, d), jnp.float32),
            pltpu.VMEM_SHARED((np_rows, d), jnp.float32),
            pltpu.SemaphoreType.DMA,
            pltpu.SemaphoreType.DMA,
        ],
    )
    def k(tab_hbm, src_hbm, dst_hbm, out_hbm, src_v, dst_v, r0, r1, r2, r3,
          tab_sh, acc_sh, gsem, ssem):
        c = lax.axis_index("c")
        s = lax.axis_index("s")
        wid = c * NS + s
        sl = pl.ds(s * rpt, rpt)
        pltpu.sync_copy(tab_hbm.at[sl], tab_sh.at[sl])
        pltpu.sync_copy(tab_hbm.at[sl], acc_sh.at[sl])
        plsc.subcore_barrier()
        _agg_loop(tab_hbm, tab_sh, src_hbm, dst_hbm, wid, NCH_HALF,
                  src_v, dst_v, [r0, r1, r2, r3], acc_sh, gsem, ssem)
        plsc.subcore_barrier()
        pltpu.sync_copy(acc_sh.at[sl], out_hbm.at[c, sl])

    return k(table, src_r, dst_r)


def _tc_layer1(x, w1, dparts, np_rows):
    n = x.shape[0]
    h = w1.shape[0]
    hh = h // 2

    def body(x_ref, w_ref, d_ref, hs_ref, dis_ref):
        deg = d_ref[0] + d_ref[1] + 1.0
        dis = lax.rsqrt(deg)
        dis_ref[...] = dis
        hraw = lax.dot_general(
            x_ref[...], w_ref[...], (((1,), (1,)), ((), ())),
            preferred_element_type=jnp.float32,
        )
        hs = hraw * dis[:n]
        hs_ref[0, pl.ds(0, n)] = hs[:, :hh]
        hs_ref[1, pl.ds(0, n)] = hs[:, hh:]
        zpad = jnp.zeros((np_rows - n, hh), jnp.float32)
        hs_ref[0, pl.ds(n, np_rows - n)] = zpad
        hs_ref[1, pl.ds(n, np_rows - n)] = zpad

    return pl.pallas_call(
        body,
        out_shape=[
            jax.ShapeDtypeStruct((2, np_rows, hh), jnp.float32),
            jax.ShapeDtypeStruct((np_rows, 1), jnp.float32),
        ],
    )(x, w1, dparts)


def _tc_mid(parts, dis, b1, w2):
    np_rows = parts.shape[1]
    o = w2.shape[0]

    def body(p_ref, dis_ref, b1_ref, w2_ref, hs2_ref):
        agg = jnp.concatenate([p_ref[0], p_ref[1]], axis=1)
        t = jnp.maximum(agg * dis_ref[...] + b1_ref[...], 0.0)
        h2 = lax.dot_general(
            t, w2_ref[...], (((1,), (1,)), ((), ())),
            preferred_element_type=jnp.float32,
        )
        hs2_ref[...] = h2 * dis_ref[...]

    return pl.pallas_call(
        body, out_shape=jax.ShapeDtypeStruct((np_rows, o), jnp.float32)
    )(parts, dis, b1, w2)


def _tc_final(parts, hs2, dis, b2, n):
    o = b2.shape[1]

    def body(q_ref, hs2_ref, dis_ref, b2_ref, o_ref):
        agg = q_ref[0] + q_ref[1] - hs2_ref[...]
        u = (agg * dis_ref[...])[:, :o] + b2_ref[...]
        m = jnp.max(u, axis=1, keepdims=True)
        e = jnp.exp(u - m)
        lse = jnp.log(jnp.sum(e, axis=1, keepdims=True)) + m
        o_ref[...] = (u - lse)[:n]

    return pl.pallas_call(
        body, out_shape=jax.ShapeDtypeStruct((n, o), jnp.float32)
    )(parts, hs2, dis, b2)


@jax.jit
def kernel(x, edge_index, W1, b1, W2, b2):
    n, _ = x.shape
    e = edge_index.shape[1]

    np_rows = (NS * LANES) * math.ceil((n + 1) / (NS * LANES))
    dummy = n

    etot = NCH_ALL * NS * CHUNK
    assert etot >= e and NCH_HALF * NW == NCH_ALL * NS
    src = edge_index[0].astype(jnp.int32)
    dst = edge_index[1].astype(jnp.int32)
    src_p = jnp.concatenate([src, jnp.zeros((etot - e,), jnp.int32)])
    dst_p = jnp.concatenate([dst, jnp.full((etot - e,), dummy, jnp.int32)])
    src_all = src_p.reshape(NS, NCH_ALL, CHUNK)
    dst_all = dst_p.reshape(NS, NCH_ALL, CHUNK)
    src_sym = src_p.reshape(NW, NCH_HALF, CHUNK)
    dst_sym = dst_p.reshape(NW, NCH_HALF, CHUNK)

    dparts = _sc_degree(dst_sym, np_rows)
    hs1_halves, dis = _tc_layer1(x, W1, dparts.reshape(NC, np_rows, 1), np_rows)
    p = _sc_agg_chsplit(hs1_halves, src_all, dst_all, np_rows, W1.shape[0] // 2)
    hs2 = _tc_mid(p, dis, b1.reshape(1, -1), W2)
    q = _sc_agg_edgesplit(hs2, src_sym, dst_sym, np_rows, hs2.shape[1])
    return _tc_final(q, hs2, dis, b2.reshape(1, -1), n)

# --- scband reference (transcript-rebuilt; emitter-appended) ---
"""Pipeline reference for scband-gcnnode-14525579395557 (READ-ONLY COPY).

The authoritative reference and input builder live on the scoring server;
editing this copy changes nothing except your own understanding.
"""

import jax, jax.numpy as jnp
import numpy as np

N_NODES = 10000
N_EDGES = 320000
IN_CH = 128
HID_CH = 128
OUT_CH = 64


def gcn_conv(x, src, dst, W, b, n_nodes):
    # symmetric-normalized GCN conv (PyG GCNConv defaults: add_self_loops=True,
    # normalize=True, bias=True). src/dst already include self-loops.
    deg = jnp.zeros((n_nodes,), dtype=x.dtype).at[dst].add(1.0)
    deg_inv_sqrt = jnp.where(deg > 0, 1.0 / jnp.sqrt(deg), 0.0)
    norm = deg_inv_sqrt[src] * deg_inv_sqrt[dst]
    h = x @ W.T
    msg = h[src] * norm[:, None]
    out = jnp.zeros((n_nodes, W.shape[0]), dtype=x.dtype).at[dst].add(msg)
    return out + b


def setup_inputs(seed: int = 0) -> dict:
    key = jax.random.key(seed)
    k_x, k_e, k_w1, k_b1, k_w2, k_b2 = jax.random.split(key, 6)
    x = jax.random.normal(k_x, (N_NODES, IN_CH), dtype=jnp.float32)
    edge_index = jax.random.randint(k_e, (2, N_EDGES), 0, N_NODES, dtype=jnp.int64)
    # glorot-ish init for linear weights, zeros for bias (PyG GCNConv default)
    W1 = jax.random.normal(k_w1, (HID_CH, IN_CH), dtype=jnp.float32) * (1.0 / np.sqrt(IN_CH))
    b1 = jnp.zeros((HID_CH,), dtype=jnp.float32)
    W2 = jax.random.normal(k_w2, (OUT_CH, HID_CH), dtype=jnp.float32) * (1.0 / np.sqrt(HID_CH))
    b2 = jnp.zeros((OUT_CH,), dtype=jnp.float32)
    return {"x": x, "edge_index": edge_index, "W1": W1, "b1": b1, "W2": W2, "b2": b2}


def reference(x, edge_index, W1, b1, W2, b2):
    n_nodes = x.shape[0]
    loop = jnp.arange(n_nodes, dtype=edge_index.dtype)
    src = jnp.concatenate([edge_index[0], loop])
    dst = jnp.concatenate([edge_index[1], loop])
    h = gcn_conv(x, src, dst, W1, b1, n_nodes)
    h = jax.nn.relu(h)
    h = gcn_conv(h, src, dst, W2, b2, n_nodes)
    return jax.nn.log_softmax(h, axis=1)

if __name__ == "__main__":
    import jax
    _d = setup_inputs()
    print(jax.jit(kernel)(*tuple(_d.values())))

</pallas_src>

<mosaic_0001>
#map = affine_map<(d0, d1) -> (0, 0, 0)>
#map1 = affine_map<(d0, d1) -> (0, 0)>
module attributes {stable_mosaic.version = 14 : i64} {
  func.func @k(%arg0: i32, %arg1: i32, %arg2: memref<32x80x128xi32, #tpu.memory_space<hbm>>, %arg3: memref<2x10240xf32, #tpu.memory_space<hbm>>, %arg4: memref<80x128xi32, #tpu.memory_space<vmem>>, %arg5: memref<128xf32, #tpu.memory_space<vmem>>, %arg6: memref<640xf32, #tpu.memory_space<vmem>>, %arg7: memref<10240xf32, #tpu.memory_space<vmem_shared>>) attributes {dimension_semantics = [#tpu.dimension_semantics<core_parallel>, #tpu.dimension_semantics<subcore_parallel>], iteration_bounds = array<i64: 2, 16>, scalar_prefetch = 0 : i64, scratch_operands = 4 : i64, tpu.core_type = #tpu.core_type<sc_vector_subcore>, window_params = [{transform_indices = #map}, {transform_indices = #map1}]} {
    %mul3A = arith.constant 16 : i32
    %mul3A_0 = arith.muli %arg0, %mul3A : i32
    %add3A = arith.addi %mul3A_0, %arg1 : i32
    "tpu.region"() ({
      %run_scoped3A = tpu.sem_alloc : memref<!tpu.dma_semaphore, #tpu.memory_space<semaphore_mem>>
      %dma_start3A = arith.constant 0 : i32
      %dma_start3A_299 = arith.constant 0 : i32
      %dma_start3A_300 = tpu.memref_slice %arg2[%add3A, %dma_start3A, %dma_start3A_299] : memref<32x80x128xi32, #tpu.memory_space<hbm>> -> memref<1x80x128xi32, #tpu.memory_space<hbm>>
      %dma_start3A_301 = tpu.memref_squeeze %dma_start3A_300 : memref<1x80x128xi32, #tpu.memory_space<hbm>> -> memref<80x128xi32, #tpu.memory_space<hbm>>
      %dma_start3A_302 = arith.constant 0 : i32
      %dma_start3A_303 = arith.constant 0 : i32
      %dma_start3A_304 = tpu.memref_slice %arg2[%add3A, %dma_start3A_302, %dma_start3A_303] : memref<32x80x128xi32, #tpu.memory_space<hbm>> -> memref<1x80x128xi32, #tpu.memory_space<hbm>>
      %dma_start3A_305 = tpu.memref_squeeze %dma_start3A_304 : memref<1x80x128xi32, #tpu.memory_space<hbm>> -> memref<80x128xi32, #tpu.memory_space<hbm>>
      tpu.enqueue_dma source(%dma_start3A_305 : memref<80x128xi32, #tpu.memory_space<hbm>>) target(%arg4 : memref<80x128xi32, #tpu.memory_space<vmem>>) target_semaphore(%run_scoped3A : memref<!tpu.dma_semaphore, #tpu.memory_space<semaphore_mem>>)
      %dma_wait3A = arith.constant 0 : i32
      %dma_wait3A_306 = arith.constant 0 : i32
      %dma_wait3A_307 = tpu.memref_slice %arg2[%add3A, %dma_wait3A, %dma_wait3A_306] : memref<32x80x128xi32, #tpu.memory_space<hbm>> -> memref<1x80x128xi32, #tpu.memory_space<hbm>>
      %dma_wait3A_308 = tpu.memref_squeeze %dma_wait3A_307 : memref<1x80x128xi32, #tpu.memory_space<hbm>> -> memref<80x128xi32, #tpu.memory_space<hbm>>
      %dma_wait3A_309 = arith.constant 0 : i32
      %dma_wait3A_310 = arith.constant 0 : i32
      %dma_wait3A_311 = tpu.memref_slice %arg2[%add3A, %dma_wait3A_309, %dma_wait3A_310] : memref<32x80x128xi32, #tpu.memory_space<hbm>> -> memref<1x80x128xi32, #tpu.memory_space<hbm>>
      %dma_wait3A_312 = tpu.memref_squeeze %dma_wait3A_311 : memref<1x80x128xi32, #tpu.memory_space<hbm>> -> memref<80x128xi32, #tpu.memory_space<hbm>>
      tpu.wait_dma2 semaphore(%run_scoped3A : memref<!tpu.dma_semaphore, #tpu.memory_space<semaphore_mem>>) src(%dma_wait3A_312 : memref<80x128xi32, #tpu.memory_space<hbm>>) dst(%arg4 : memref<80x128xi32, #tpu.memory_space<vmem>>)
      tpu.yield
    }) : () -> ()
    %broadcast_in_dim3A = arith.constant 1.000000e+00 : f32
    %broadcast_in_dim3A_1 = vector.broadcast %broadcast_in_dim3A : f32 to vector<16xf32>
    %swap3A = arith.constant 0 : index
    %swap3A_2 = tpu.vector_load %arg5[%swap3A] {strides = array<i32>} : memref<128xf32, #tpu.memory_space<vmem>>, vector<16xf32>,
    %swap3A_3 = vector.shape_cast %swap3A_2 : vector<16xf32> to vector<16xf32>
    %swap3A_4 = vector.shape_cast %broadcast_in_dim3A_1 : vector<16xf32> to vector<16xf32>
    tpu.vector_store %arg5[%swap3A], %swap3A_4 {strides = array<i32>} : memref<128xf32, #tpu.memory_space<vmem>>, vector<16xf32>,
    %broadcast_in_dim3A_5 = arith.constant 1.000000e+00 : f32
    %broadcast_in_dim3A_6 = vector.broadcast %broadcast_in_dim3A_5 : f32 to vector<16xf32>
    %swap3A_7 = arith.constant 16 : index
    %swap3A_8 = tpu.vector_load %arg5[%swap3A_7] {strides = array<i32>} : memref<128xf32, #tpu.memory_space<vmem>>, vector<16xf32>,
    %swap3A_9 = vector.shape_cast %swap3A_8 : vector<16xf32> to vector<16xf32>
    %swap3A_10 = vector.shape_cast %broadcast_in_dim3A_6 : vector<16xf32> to vector<16xf32>
    tpu.vector_store %arg5[%swap3A_7], %swap3A_10 {strides = array<i32>} : memref<128xf32, #tpu.memory_space<vmem>>, vector<16xf32>,
    %broadcast_in_dim3A_11 = arith.constant 1.000000e+00 : f32
    %broadcast_in_dim3A_12 = vector.broadcast %broadcast_in_dim3A_11 : f32 to vector<16xf32>
    %swap3A_13 = arith.constant 32 : index
    %swap3A_14 = tpu.vector_load %arg5[%swap3A_13] {strides = array<i32>} : memref<128xf32, #tpu.memory_space<vmem>>, vector<16xf32>,
    %swap3A_15 = vector.shape_cast %swap3A_14 : vector<16xf32> to vector<16xf32>
    %swap3A_16 = vector.shape_cast %broadcast_in_dim3A_12 : vector<16xf32> to vector<16xf32>
    tpu.vector_store %arg5[%swap3A_13], %swap3A_16 {strides = array<i32>} : memref<128xf32, #tpu.memory_space<vmem>>, vector<16xf32>,
    %broadcast_in_dim3A_17 = arith.constant 1.000000e+00 : f32
    %broadcast_in_dim3A_18 = vector.broadcast %broadcast_in_dim3A_17 : f32 to vector<16xf32>
    %swap3A_19 = arith.constant 48 : index
    %swap3A_20 = tpu.vector_load %arg5[%swap3A_19] {strides = array<i32>} : memref<128xf32, #tpu.memory_space<vmem>>, vector<16xf32>,
    %swap3A_21 = vector.shape_cast %swap3A_20 : vector<16xf32> to vector<16xf32>
    %swap3A_22 = vector.shape_cast %broadcast_in_dim3A_18 : vector<16xf32> to vector<16xf32>
    tpu.vector_store %arg5[%swap3A_19], %swap3A_22 {strides = array<i32>} : memref<128xf32, #tpu.memory_space<vmem>>, vector<16xf32>,
    %broadcast_in_dim3A_23 = arith.constant 1.000000e+00 : f32
    %broadcast_in_dim3A_24 = vector.broadcast %broadcast_in_dim3A_23 : f32 to vector<16xf32>
    %swap3A_25 = arith.constant 64 : index
    %swap3A_26 = tpu.vector_load %arg5[%swap3A_25] {strides = array<i32>} : memref<128xf32, #tpu.memory_space<vmem>>, vector<16xf32>,
    %swap3A_27 = vector.shape_cast %swap3A_26 : vector<16xf32> to vector<16xf32>
    %swap3A_28 = vector.shape_cast %broadcast_in_dim3A_24 : vector<16xf32> to vector<16xf32>
    tpu.vector_store %arg5[%swap3A_25], %swap3A_28 {strides = array<i32>} : memref<128xf32, #tpu.memory_space<vmem>>, vector<16xf32>,
    %broadcast_in_dim3A_29 = arith.constant 1.000000e+00 : f32
    %broadcast_in_dim3A_30 = vector.broadcast %broadcast_in_dim3A_29 : f32 to vector<16xf32>
    %swap3A_31 = arith.constant 80 : index
    %swap3A_32 = tpu.vector_load %arg5[%swap3A_31] {strides = array<i32>} : memref<128xf32, #tpu.memory_space<vmem>>, vector<16xf32>,
    %swap3A_33 = vector.shape_cast %swap3A_32 : vector<16xf32> to vector<16xf32>
    %swap3A_34 = vector.shape_cast %broadcast_in_dim3A_30 : vector<16xf32> to vector<16xf32>
    tpu.vector_store %arg5[%swap3A_31], %swap3A_34 {strides = array<i32>} : memref<128xf32, #tpu.memory_space<vmem>>, vector<16xf32>,
    %broadcast_in_dim3A_35 = arith.constant 1.000000e+00 : f32
    %broadcast_in_dim3A_36 = vector.broadcast %broadcast_in_dim3A_35 : f32 to vector<16xf32>
    %swap3A_37 = arith.constant 96 : index
    %swap3A_38 = tpu.vector_load %arg5[%swap3A_37] {strides = array<i32>} : memref<128xf32, #tpu.memory_space<vmem>>, vector<16xf32>,
    %swap3A_39 = vector.shape_cast %swap3A_38 : vector<16xf32> to vector<16xf32>
    %swap3A_40 = vector.shape_cast %broadcast_in_dim3A_36 : vector<16xf32> to vector<16xf32>
    tpu.vector_store %arg5[%swap3A_37], %swap3A_40 {strides = array<i32>} : memref<128xf32, #tpu.memory_space<vmem>>, vector<16xf32>,
    %broadcast_in_dim3A_41 = arith.constant 1.000000e+00 : f32
    %broadcast_in_dim3A_42 = vector.broadcast %broadcast_in_dim3A_41 : f32 to vector<16xf32>
    %swap3A_43 = arith.constant 112 : index
    %swap3A_44 = tpu.vector_load %arg5[%swap3A_43] {strides = array<i32>} : memref<128xf32, #tpu.memory_space<vmem>>, vector<16xf32>,
    %swap3A_45 = vector.shape_cast %swap3A_44 : vector<16xf32> to vector<16xf32>
    %swap3A_46 = vector.shape_cast %broadcast_in_dim3A_42 : vector<16xf32> to vector<16xf32>
    tpu.vector_store %arg5[%swap3A_43], %swap3A_46 {strides = array<i32>} : memref<128xf32, #tpu.memory_space<vmem>>, vector<16xf32>,
    %broadcast_in_dim3A_47 = arith.constant 0.000000e+00 : f32
    %broadcast_in_dim3A_48 = vector.broadcast %broadcast_in_dim3A_47 : f32 to vector<16xf32>
    %swap3A_49 = arith.constant 0 : index
    %swap3A_50 = tpu.vector_load %arg6[%swap3A_49] {strides = array<i32>} : memref<640xf32, #tpu.memory_space<vmem>>, vector<16xf32>,
    %swap3A_51 = vector.shape_cast %swap3A_50 : vector<16xf32> to vector<16xf32>
    %swap3A_52 = vector.shape_cast %broadcast_in_dim3A_48 : vector<16xf32> to vector<16xf32>
    tpu.vector_store %arg6[%swap3A_49], %swap3A_52 {strides = array<i32>} : memref<640xf32, #tpu.memory_space<vmem>>, vector<16xf32>,
    %broadcast_in_dim3A_53 = arith.constant 0.000000e+00 : f32
    %broadcast_in_dim3A_54 = vector.broadcast %broadcast_in_dim3A_53 : f32 to vector<16xf32>
    %swap3A_55 = arith.constant 16 : index
    %swap3A_56 = tpu.vector_load %arg6[%swap3A_55] {strides = array<i32>} : memref<640xf32, #tpu.memory_space<vmem>>, vector<16xf32>,
    %swap3A_57 = vector.shape_cast %swap3A_56 : vector<16xf32> to vector<16xf32>
    %swap3A_58 = vector.shape_cast %broadcast_in_dim3A_54 : vector<16xf32> to vector<16xf32>
    tpu.vector_store %arg6[%swap3A_55], %swap3A_58 {strides = array<i32>} : memref<640xf32, #tpu.memory_space<vmem>>, vector<16xf32>,
    %broadcast_in_dim3A_59 = arith.constant 0.000000e+00 : f32
    %broadcast_in_dim3A_60 = vector.broadcast %broadcast_in_dim3A_59 : f32 to vector<16xf32>
    %swap3A_61 = arith.constant 32 : index
    %swap3A_62 = tpu.vector_load %arg6[%swap3A_61] {strides = array<i32>} : memref<640xf32, #tpu.memory_space<vmem>>, vector<16xf32>,
    %swap3A_63 = vector.shape_cast %swap3A_62 : vector<16xf32> to vector<16xf32>
    %swap3A_64 = vector.shape_cast %broadcast_in_dim3A_60 : vector<16xf32> to vector<16xf32>
    tpu.vector_store %arg6[%swap3A_61], %swap3A_64 {strides = array<i32>} : memref<640xf32, #tpu.memory_space<vmem>>, vector<16xf32>,
    %broadcast_in_dim3A_65 = arith.constant 0.000000e+00 : f32
    %broadcast_in_dim3A_66 = vector.broadcast %broadcast_in_dim3A_65 : f32 to vector<16xf32>
    %swap3A_67 = arith.constant 48 : index
    %swap3A_68 = tpu.vector_load %arg6[%swap3A_67] {strides = array<i32>} : memref<640xf32, #tpu.memory_space<vmem>>, vector<16xf32>,
    %swap3A_69 = vector.shape_cast %swap3A_68 : vector<16xf32> to vector<16xf32>
    %swap3A_70 = vector.shape_cast %broadcast_in_dim3A_66 : vector<16xf32> to vector<16xf32>
    tpu.vector_store %arg6[%swap3A_67], %swap3A_70 {strides = array<i32>} : memref<640xf32, #tpu.memory_space<vmem>>, vector<16xf32>,
    %broadcast_in_dim3A_71 = arith.constant 0.000000e+00 : f32
    %broadcast_in_dim3A_72 = vector.broadcast %broadcast_in_dim3A_71 : f32 to vector<16xf32>
    %swap3A_73 = arith.constant 64 : index
    %swap3A_74 = tpu.vector_load %arg6[%swap3A_73] {strides = array<i32>} : memref<640xf32, #tpu.memory_space<vmem>>, vector<16xf32>,
    %swap3A_75 = vector.shape_cast %swap3A_74 : vector<16xf32> to vector<16xf32>
    %swap3A_76 = vector.shape_cast %broadcast_in_dim3A_72 : vector<16xf32> to vector<16xf32>
    tpu.vector_store %arg6[%swap3A_73], %swap3A_76 {strides = array<i32>} : memref<640xf32, #tpu.memory_space<vmem>>, vector<16xf32>,
    %broadcast_in_dim3A_77 = arith.constant 0.000000e+00 : f32
    %broadcast_in_dim3A_78 = vector.broadcast %broadcast_in_dim3A_77 : f32 to vector<16xf32>
    %swap3A_79 = arith.constant 80 : index
    %swap3A_80 = tpu.vector_load %arg6[%swap3A_79] {strides = array<i32>} : memref<640xf32, #tpu.memory_space<vmem>>, vector<16xf32>,
    %swap3A_81 = vector.shape_cast %swap3A_80 : vector<16xf32> to vector<16xf32>
    %swap3A_82 = vector.shape_cast %broadcast_in_dim3A_78 : vector<16xf32> to vector<16xf32>
    tpu.vector_store %arg6[%swap3A_79], %swap3A_82 {strides = array<i32>} : memref<640xf32, #tpu.memory_space<vmem>>, vector<16xf32>,
    %broadcast_in_dim3A_83 = arith.constant 0.000000e+00 : f32
    %broadcast_in_dim3A_84 = vector.broadcast %broadcast_in_dim3A_83 : f32 to vector<16xf32>
    %swap3A_85 = arith.constant 96 : index
    %swap3A_86 = tpu.vector_load %arg6[%swap3A_85] {strides = array<i32>} : memref<640xf32, #tpu.memory_space<vmem>>, vector<16xf32>,
    %swap3A_87 = vector.shape_cast %swap3A_86 : vector<16xf32> to vector<16xf32>
    %swap3A_88 = vector.shape_cast %broadcast_in_dim3A_84 : vector<16xf32> to vector<16xf32>
    tpu.vector_store %arg6[%swap3A_85], %swap3A_88 {strides = array<i32>} : memref<640xf32, #tpu.memory_space<vmem>>, vector<16xf32>,
    %broadcast_in_dim3A_89 = arith.constant 0.000000e+00 : f32
    %broadcast_in_dim3A_90 = vector.broadcast %broadcast_in_dim3A_89 : f32 to vector<16xf32>
    %swap3A_91 = arith.constant 112 : index
    %swap3A_92 = tpu.vector_load %arg6[%swap3A_91] {strides = array<i32>} : memref<640xf32, #tpu.memory_space<vmem>>, vector<16xf32>,
    %swap3A_93 = vector.shape_cast %swap3A_92 : vector<16xf32> to vector<16xf32>
    %swap3A_94 = vector.shape_cast %broadcast_in_dim3A_90 : vector<16xf32> to vector<16xf32>
    tpu.vector_store %arg6[%swap3A_91], %swap3A_94 {strides = array<i32>} : memref<640xf32, #tpu.memory_space<vmem>>, vector<16xf32>,
    %broadcast_in_dim3A_95 = arith.constant 0.000000e+00 : f32
    %broadcast_in_dim3A_96 = vector.broadcast %broadcast_in_dim3A_95 : f32 to vector<16xf32>
    %swap3A_97 = arith.constant 128 : index
    %swap3A_98 = tpu.vector_load %arg6[%swap3A_97] {strides = array<i32>} : memref<640xf32, #tpu.memory_space<vmem>>, vector<16xf32>,
    %swap3A_99 = vector.shape_cast %swap3A_98 : vector<16xf32> to vector<16xf32>
    %swap3A_100 = vector.shape_cast %broadcast_in_dim3A_96 : vector<16xf32> to vector<16xf32>
    tpu.vector_store %arg6[%swap3A_97], %swap3A_100 {strides = array<i32>} : memref<640xf32, #tpu.memory_space<vmem>>, vector<16xf32>,
    %broadcast_in_dim3A_101 = arith.constant 0.000000e+00 : f32
    %broadcast_in_dim3A_102 = vector.broadcast %broadcast_in_dim3A_101 : f32 to vector<16xf32>
    %swap3A_103 = arith.constant 144 : index
    %swap3A_104 = tpu.vector_load %arg6[%swap3A_103] {strides = array<i32>} : memref<640xf32, #tpu.memory_space<vmem>>, vector<16xf32>,
    %swap3A_105 = vector.shape_cast %swap3A_104 : vector<16xf32> to vector<16xf32>
    %swap3A_106 = vector.shape_cast %broadcast_in_dim3A_102 : vector<16xf32> to vector<16xf32>
    tpu.vector_store %arg6[%swap3A_103], %swap3A_106 {strides = array<i32>} : memref<640xf32, #tpu.memory_space<vmem>>, vector<16xf32>,
    %broadcast_in_dim3A_107 = arith.constant 0.000000e+00 : f32
    %broadcast_in_dim3A_108 = vector.broadcast %broadcast_in_dim3A_107 : f32 to vector<16xf32>
    %swap3A_109 = arith.constant 160 : index
    %swap3A_110 = tpu.vector_load %arg6[%swap3A_109] {strides = array<i32>} : memref<640xf32, #tpu.memory_space<vmem>>, vector<16xf32>,
    %swap3A_111 = vector.shape_cast %swap3A_110 : vector<16xf32> to vector<16xf32>
    %swap3A_112 = vector.shape_cast %broadcast_in_dim3A_108 : vector<16xf32> to vector<16xf32>
    tpu.vector_store %arg6[%swap3A_109], %swap3A_112 {strides = array<i32>} : memref<640xf32, #tpu.memory_space<vmem>>, vector<16xf32>,
    %broadcast_in_dim3A_113 = arith.constant 0.000000e+00 : f32
    %broadcast_in_dim3A_114 = vector.broadcast %broadcast_in_dim3A_113 : f32 to vector<16xf32>
    %swap3A_115 = arith.constant 176 : index
    %swap3A_116 = tpu.vector_load %arg6[%swap3A_115] {strides = array<i32>} : memref<640xf32, #tpu.memory_space<vmem>>, vector<16xf32>,
    %swap3A_117 = vector.shape_cast %swap3A_116 : vector<16xf32> to vector<16xf32>
    %swap3A_118 = vector.shape_cast %broadcast_in_dim3A_114 : vector<16xf32> to vector<16xf32>
    tpu.vector_store %arg6[%swap3A_115], %swap3A_118 {strides = array<i32>} : memref<640xf32, #tpu.memory_space<vmem>>, vector<16xf32>,
    %broadcast_in_dim3A_119 = arith.constant 0.000000e+00 : f32
    %broadcast_in_dim3A_120 = vector.broadcast %broadcast_in_dim3A_119 : f32 to vector<16xf32>
    %swap3A_121 = arith.constant 192 : index
    %swap3A_122 = tpu.vector_load %arg6[%swap3A_121] {strides = array<i32>} : memref<640xf32, #tpu.memory_space<vmem>>, vector<16xf32>,
    %swap3A_123 = vector.shape_cast %swap3A_122 : vector<16xf32> to vector<16xf32>
    %swap3A_124 = vector.shape_cast %broadcast_in_dim3A_120 : vector<16xf32> to vector<16xf32>
    tpu.vector_store %arg6[%swap3A_121], %swap3A_124 {strides = array<i32>} : memref<640xf32, #tpu.memory_space<vmem>>, vector<16xf32>,
    %broadcast_in_dim3A_125 = arith.constant 0.000000e+00 : f32
    %broadcast_in_dim3A_126 = vector.broadcast %broadcast_in_dim3A_125 : f32 to vector<16xf32>
    %swap3A_127 = arith.constant 208 : index
    %swap3A_128 = tpu.vector_load %arg6[%swap3A_127] {strides = array<i32>} : memref<640xf32, #tpu.memory_space<vmem>>, vector<16xf32>,
    %swap3A_129 = vector.shape_cast %swap3A_128 : vector<16xf32> to vector<16xf32>
    %swap3A_130 = vector.shape_cast %broadcast_in_dim3A_126 : vector<16xf32> to vector<16xf32>
    tpu.vector_store %arg6[%swap3A_127], %swap3A_130 {strides = array<i32>} : memref<640xf32, #tpu.memory_space<vmem>>, vector<16xf32>,
    %broadcast_in_dim3A_131 = arith.constant 0.000000e+00 : f32
    %broadcast_in_dim3A_132 = vector.broadcast %broadcast_in_dim3A_131 : f32 to vector<16xf32>
    %swap3A_133 = arith.constant 224 : index
    %swap3A_134 = tpu.vector_load %arg6[%swap3A_133] {strides = array<i32>} : memref<640xf32, #tpu.memory_space<vmem>>, vector<16xf32>,
    %swap3A_135 = vector.shape_cast %swap3A_134 : vector<16xf32> to vector<16xf32>
    %swap3A_136 = vector.shape_cast %broadcast_in_dim3A_132 : vector<16xf32> to vector<16xf32>
    tpu.vector_store %arg6[%swap3A_133], %swap3A_136 {strides = array<i32>} : memref<640xf32, #tpu.memory_space<vmem>>, vector<16xf32>,
    %broadcast_in_dim3A_137 = arith.constant 0.000000e+00 : f32
    %broadcast_in_dim3A_138 = vector.broadcast %broadcast_in_dim3A_137 : f32 to vector<16xf32>
    %swap3A_139 = arith.constant 240 : index
    %swap3A_140 = tpu.vector_load %arg6[%swap3A_139] {strides = array<i32>} : memref<640xf32, #tpu.memory_space<vmem>>, vector<16xf32>,
    %swap3A_141 = vector.shape_cast %swap3A_140 : vector<16xf32> to vector<16xf32>
    %swap3A_142 = vector.shape_cast %broadcast_in_dim3A_138 : vector<16xf32> to vector<16xf32>
    tpu.vector_store %arg6[%swap3A_139], %swap3A_142 {strides = array<i32>} : memref<640xf32, #tpu.memory_space<vmem>>, vector<16xf32>,
    %broadcast_in_dim3A_143 = arith.constant 0.000000e+00 : f32
    %broadcast_in_dim3A_144 = vector.broadcast %broadcast_in_dim3A_143 : f32 to vector<16xf32>
    %swap3A_145 = arith.constant 256 : index
    %swap3A_146 = tpu.vector_load %arg6[%swap3A_145] {strides = array<i32>} : memref<640xf32, #tpu.memory_space<vmem>>, vector<16xf32>,
    %swap3A_147 = vector.shape_cast %swap3A_146 : vector<16xf32> to vector<16xf32>
    %swap3A_148 = vector.shape_cast %broadcast_in_dim3A_144 : vector<16xf32> to vector<16xf32>
    tpu.vector_store %arg6[%swap3A_145], %swap3A_148 {strides = array<i32>} : memref<640xf32, #tpu.memory_space<vmem>>, vector<16xf32>,
    %broadcast_in_dim3A_149 = arith.constant 0.000000e+00 : f32
    %broadcast_in_dim3A_150 = vector.broadcast %broadcast_in_dim3A_149 : f32 to vector<16xf32>
    %swap3A_151 = arith.constant 272 : index
    %swap3A_152 = tpu.vector_load %arg6[%swap3A_151] {strides = array<i32>} : memref<640xf32, #tpu.memory_space<vmem>>, vector<16xf32>,
    %swap3A_153 = vector.shape_cast %swap3A_152 : vector<16xf32> to vector<16xf32>
    %swap3A_154 = vector.shape_cast %broadcast_in_dim3A_150 : vector<16xf32> to vector<16xf32>
    tpu.vector_store %arg6[%swap3A_151], %swap3A_154 {strides = array<i32>} : memref<640xf32, #tpu.memory_space<vmem>>, vector<16xf32>,
    %broadcast_in_dim3A_155 = arith.constant 0.000000e+00 : f32
    %broadcast_in_dim3A_156 = vector.broadcast %broadcast_in_dim3A_155 : f32 to vector<16xf32>
    %swap3A_157 = arith.constant 288 : index
    %swap3A_158 = tpu.vector_load %arg6[%swap3A_157] {strides = array<i32>} : memref<640xf32, #tpu.memory_space<vmem>>, vector<16xf32>,
    %swap3A_159 = vector.shape_cast %swap3A_158 : vector<16xf32> to vector<16xf32>
    %swap3A_160 = vector.shape_cast %broadcast_in_dim3A_156 : vector<16xf32> to vector<16xf32>
    tpu.vector_store %arg6[%swap3A_157], %swap3A_160 {strides = array<i32>} : memref<640xf32, #tpu.memory_space<vmem>>, vector<16xf32>,
    %broadcast_in_dim3A_161 = arith.constant 0.000000e+00 : f32
    %broadcast_in_dim3A_162 = vector.broadcast %broadcast_in_dim3A_161 : f32 to vector<16xf32>
    %swap3A_163 = arith.constant 304 : index
    %swap3A_164 = tpu.vector_load %arg6[%swap3A_163] {strides = array<i32>} : memref<640xf32, #tpu.memory_space<vmem>>, vector<16xf32>,
    %swap3A_165 = vector.shape_cast %swap3A_164 : vector<16xf32> to vector<16xf32>
    %swap3A_166 = vector.shape_cast %broadcast_in_dim3A_162 : vector<16xf32> to vector<16xf32>
    tpu.vector_store %arg6[%swap3A_163], %swap3A_166 {strides = array<i32>} : memref<640xf32, #tpu.memory_space<vmem>>, vector<16xf32>,
    %broadcast_in_dim3A_167 = arith.constant 0.000000e+00 : f32
    %broadcast_in_dim3A_168 = vector.broadcast %broadcast_in_dim3A_167 : f32 to vector<16xf32>
    %swap3A_169 = arith.constant 320 : index
    %swap3A_170 = tpu.vector_load %arg6[%swap3A_169] {strides = array<i32>} : memref<640xf32, #tpu.memory_space<vmem>>, vector<16xf32>,
    %swap3A_171 = vector.shape_cast %swap3A_170 : vector<16xf32> to vector<16xf32>
    %swap3A_172 = vector.shape_cast %broadcast_in_dim3A_168 : vector<16xf32> to vector<16xf32>
    tpu.vector_store %arg6[%swap3A_169], %swap3A_172 {strides = array<i32>} : memref<640xf32, #tpu.memory_space<vmem>>, vector<16xf32>,
    %broadcast_in_dim3A_173 = arith.constant 0.000000e+00 : f32
    %broadcast_in_dim3A_174 = vector.broadcast %broadcast_in_dim3A_173 : f32 to vector<16xf32>
    %swap3A_175 = arith.constant 336 : index
    %swap3A_176 = tpu.vector_load %arg6[%swap3A_175] {strides = array<i32>} : memref<640xf32, #tpu.memory_space<vmem>>, vector<16xf32>,
    %swap3A_177 = vector.shape_cast %swap3A_176 : vector<16xf32> to vector<16xf32>
    %swap3A_178 = vector.shape_cast %broadcast_in_dim3A_174 : vector<16xf32> to vector<16xf32>
    tpu.vector_store %arg6[%swap3A_175], %swap3A_178 {strides = array<i32>} : memref<640xf32, #tpu.memory_space<vmem>>, vector<16xf32>,
    %broadcast_in_dim3A_179 = arith.constant 0.000000e+00 : f32
    %broadcast_in_dim3A_180 = vector.broadcast %broadcast_in_dim3A_179 : f32 to vector<16xf32>
    %swap3A_181 = arith.constant 352 : index
    %swap3A_182 = tpu.vector_load %arg6[%swap3A_181] {strides = array<i32>} : memref<640xf32, #tpu.memory_space<vmem>>, vector<16xf32>,
    %swap3A_183 = vector.shape_cast %swap3A_182 : vector<16xf32> to vector<16xf32>
    %swap3A_184 = vector.shape_cast %broadcast_in_dim3A_180 : vector<16xf32> to vector<16xf32>
    tpu.vector_store %arg6[%swap3A_181], %swap3A_184 {strides = array<i32>} : memref<640xf32, #tpu.memory_space<vmem>>, vector<16xf32>,
    %broadcast_in_dim3A_185 = arith.constant 0.000000e+00 : f32
    %broadcast_in_dim3A_186 = vector.broadcast %broadcast_in_dim3A_185 : f32 to vector<16xf32>
    %swap3A_187 = arith.constant 368 : index
    %swap3A_188 = tpu.vector_load %arg6[%swap3A_187] {strides = array<i32>} : memref<640xf32, #tpu.memory_space<vmem>>, vector<16xf32>,
    %swap3A_189 = vector.shape_cast %swap3A_188 : vector<16xf32> to vector<16xf32>
    %swap3A_190 = vector.shape_cast %broadcast_in_dim3A_186 : vector<16xf32> to vector<16xf32>
    tpu.vector_store %arg6[%swap3A_187], %swap3A_190 {strides = array<i32>} : memref<640xf32, #tpu.memory_space<vmem>>, vector<16xf32>,
    %broadcast_in_dim3A_191 = arith.constant 0.000000e+00 : f32
    %broadcast_in_dim3A_192 = vector.broadcast %broadcast_in_dim3A_191 : f32 to vector<16xf32>
    %swap3A_193 = arith.constant 384 : index
    %swap3A_194 = tpu.vector_load %arg6[%swap3A_193] {strides = array<i32>} : memref<640xf32, #tpu.memory_space<vmem>>, vector<16xf32>,
    %swap3A_195 = vector.shape_cast %swap3A_194 : vector<16xf32> to vector<16xf32>
    %swap3A_196 = vector.shape_cast %broadcast_in_dim3A_192 : vector<16xf32> to vector<16xf32>
    tpu.vector_store %arg6[%swap3A_193], %swap3A_196 {strides = array<i32>} : memref<640xf32, #tpu.memory_space<vmem>>, vector<16xf32>,
    %broadcast_in_dim3A_197 = arith.constant 0.000000e+00 : f32
    %broadcast_in_dim3A_198 = vector.broadcast %broadcast_in_dim3A_197 : f32 to vector<16xf32>
    %swap3A_199 = arith.constant 400 : index
    %swap3A_200 = tpu.vector_load %arg6[%swap3A_199] {strides = array<i32>} : memref<640xf32, #tpu.memory_space<vmem>>, vector<16xf32>,
    %swap3A_201 = vector.shape_cast %swap3A_200 : vector<16xf32> to vector<16xf32>
    %swap3A_202 = vector.shape_cast %broadcast_in_dim3A_198 : vector<16xf32> to vector<16xf32>
    tpu.vector_store %arg6[%swap3A_199], %swap3A_202 {strides = array<i32>} : memref<640xf32, #tpu.memory_space<vmem>>, vector<16xf32>,
    %broadcast_in_dim3A_203 = arith.constant 0.000000e+00 : f32
    %broadcast_in_dim3A_204 = vector.broadcast %broadcast_in_dim3A_203 : f32 to vector<16xf32>
    %swap3A_205 = arith.constant 416 : index
    %swap3A_206 = tpu.vector_load %arg6[%swap3A_205] {strides = array<i32>} : memref<640xf32, #tpu.memory_space<vmem>>, vector<16xf32>,
    %swap3A_207 = vector.shape_cast %swap3A_206 : vector<16xf32> to vector<16xf32>
    %swap3A_208 = vector.shape_cast %broadcast_in_dim3A_204 : vector<16xf32> to vector<16xf32>
    tpu.vector_store %arg6[%swap3A_205], %swap3A_208 {strides = array<i32>} : memref<640xf32, #tpu.memory_space<vmem>>, vector<16xf32>,
    %broadcast_in_dim3A_209 = arith.constant 0.000000e+00 : f32
    %broadcast_in_dim3A_210 = vector.broadcast %broadcast_in_dim3A_209 : f32 to vector<16xf32>
    %swap3A_211 = arith.constant 432 : index
    %swap3A_212 = tpu.vector_load %arg6[%swap3A_211] {strides = array<i32>} : memref<640xf32, #tpu.memory_space<vmem>>, vector<16xf32>,
    %swap3A_213 = vector.shape_cast %swap3A_212 : vector<16xf32> to vector<16xf32>
    %swap3A_214 = vector.shape_cast %broadcast_in_dim3A_210 : vector<16xf32> to vector<16xf32>
    tpu.vector_store %arg6[%swap3A_211], %swap3A_214 {strides = array<i32>} : memref<640xf32, #tpu.memory_space<vmem>>, vector<16xf32>,
    %broadcast_in_dim3A_215 = arith.constant 0.000000e+00 : f32
    %broadcast_in_dim3A_216 = vector.broadcast %broadcast_in_dim3A_215 : f32 to vector<16xf32>
    %swap3A_217 = arith.constant 448 : index
    %swap3A_218 = tpu.vector_load %arg6[%swap3A_217] {strides = array<i32>} : memref<640xf32, #tpu.memory_space<vmem>>, vector<16xf32>,
    %swap3A_219 = vector.shape_cast %swap3A_218 : vector<16xf32> to vector<16xf32>
    %swap3A_220 = vector.shape_cast %broadcast_in_dim3A_216 : vector<16xf32> to vector<16xf32>
    tpu.vector_store %arg6[%swap3A_217], %swap3A_220 {strides = array<i32>} : memref<640xf32, #tpu.memory_space<vmem>>, vector<16xf32>,
    %broadcast_in_dim3A_221 = arith.constant 0.000000e+00 : f32
    %broadcast_in_dim3A_222 = vector.broadcast %broadcast_in_dim3A_221 : f32 to vector<16xf32>
    %swap3A_223 = arith.constant 464 : index
    %swap3A_224 = tpu.vector_load %arg6[%swap3A_223] {strides = array<i32>} : memref<640xf32, #tpu.memory_space<vmem>>, vector<16xf32>,
    %swap3A_225 = vector.shape_cast %swap3A_224 : vector<16xf32> to vector<16xf32>
    %swap3A_226 = vector.shape_cast %broadcast_in_dim3A_222 : vector<16xf32> to vector<16xf32>
    tpu.vector_store %arg6[%swap3A_223], %swap3A_226 {strides = array<i32>} : memref<640xf32, #tpu.memory_space<vmem>>, vector<16xf32>,
    %broadcast_in_dim3A_227 = arith.constant 0.000000e+00 : f32
    %broadcast_in_dim3A_228 = vector.broadcast %broadcast_in_dim3A_227 : f32 to vector<16xf32>
    %swap3A_229 = arith.constant 480 : index
    %swap3A_230 = tpu.vector_load %arg6[%swap3A_229] {strides = array<i32>} : memref<640xf32, #tpu.memory_space<vmem>>, vector<16xf32>,
    %swap3A_231 = vector.shape_cast %swap3A_230 : vector<16xf32> to vector<16xf32>
    %swap3A_232 = vector.shape_cast %broadcast_in_dim3A_228 : vector<16xf32> to vector<16xf32>
    tpu.vector_store %arg6[%swap3A_229], %swap3A_232 {strides = array<i32>} : memref<640xf32, #tpu.memory_space<vmem>>, vector<16xf32>,
    %broadcast_in_dim3A_233 = arith.constant 0.000000e+00 : f32
    %broadcast_in_dim3A_234 = vector.broadcast %broadcast_in_dim3A_233 : f32 to vector<16xf32>
    %swap3A_235 = arith.constant 496 : index
    %swap3A_236 = tpu.vector_load %arg6[%swap3A_235] {strides = array<i32>} : memref<640xf32, #tpu.memory_space<vmem>>, vector<16xf32>,
    %swap3A_237 = vector.shape_cast %swap3A_236 : vector<16xf32> to vector<16xf32>
    %swap3A_238 = vector.shape_cast %broadcast_in_dim3A_234 : vector<16xf32> to vector<16xf32>
    tpu.vector_store %arg6[%swap3A_235], %swap3A_238 {strides = array<i32>} : memref<640xf32, #tpu.memory_space<vmem>>, vector<16xf32>,
    %broadcast_in_dim3A_239 = arith.constant 0.000000e+00 : f32
    %broadcast_in_dim3A_240 = vector.broadcast %broadcast_in_dim3A_239 : f32 to vector<16xf32>
    %swap3A_241 = arith.constant 512 : index
    %swap3A_242 = tpu.vector_load %arg6[%swap3A_241] {strides = array<i32>} : memref<640xf32, #tpu.memory_space<vmem>>, vector<16xf32>,
    %swap3A_243 = vector.shape_cast %swap3A_242 : vector<16xf32> to vector<16xf32>
    %swap3A_244 = vector.shape_cast %broadcast_in_dim3A_240 : vector<16xf32> to vector<16xf32>
    tpu.vector_store %arg6[%swap3A_241], %swap3A_244 {strides = array<i32>} : memref<640xf32, #tpu.memory_space<vmem>>, vector<16xf32>,
    %broadcast_in_dim3A_245 = arith.constant 0.000000e+00 : f32
    %broadcast_in_dim3A_246 = vector.broadcast %broadcast_in_dim3A_245 : f32 to vector<16xf32>
    %swap3A_247 = arith.constant 528 : index
    %swap3A_248 = tpu.vector_load %arg6[%swap3A_247] {strides = array<i32>} : memref<640xf32, #tpu.memory_space<vmem>>, vector<16xf32>,
    %swap3A_249 = vector.shape_cast %swap3A_248 : vector<16xf32> to vector<16xf32>
    %swap3A_250 = vector.shape_cast %broadcast_in_dim3A_246 : vector<16xf32> to vector<16xf32>
    tpu.vector_store %arg6[%swap3A_247], %swap3A_250 {strides = array<i32>} : memref<640xf32, #tpu.memory_space<vmem>>, vector<16xf32>,
    %broadcast_in_dim3A_251 = arith.constant 0.000000e+00 : f32
    %broadcast_in_dim3A_252 = vector.broadcast %broadcast_in_dim3A_251 : f32 to vector<16xf32>
    %swap3A_253 = arith.constant 544 : index
    %swap3A_254 = tpu.vector_load %arg6[%swap3A_253] {strides = array<i32>} : memref<640xf32, #tpu.memory_space<vmem>>, vector<16xf32>,
    %swap3A_255 = vector.shape_cast %swap3A_254 : vector<16xf32> to vector<16xf32>
    %swap3A_256 = vector.shape_cast %broadcast_in_dim3A_252 : vector<16xf32> to vector<16xf32>
    tpu.vector_store %arg6[%swap3A_253], %swap3A_256 {strides = array<i32>} : memref<640xf32, #tpu.memory_space<vmem>>, vector<16xf32>,
    %broadcast_in_dim3A_257 = arith.constant 0.000000e+00 : f32
    %broadcast_in_dim3A_258 = vector.broadcast %broadcast_in_dim3A_257 : f32 to vector<16xf32>
    %swap3A_259 = arith.constant 560 : index
    %swap3A_260 = tpu.vector_load %arg6[%swap3A_259] {strides = array<i32>} : memref<640xf32, #tpu.memory_space<vmem>>, vector<16xf32>,
    %swap3A_261 = vector.shape_cast %swap3A_260 : vector<16xf32> to vector<16xf32>
    %swap3A_262 = vector.shape_cast %broadcast_in_dim3A_258 : vector<16xf32> to vector<16xf32>
    tpu.vector_store %arg6[%swap3A_259], %swap3A_262 {strides = array<i32>} : memref<640xf32, #tpu.memory_space<vmem>>, vector<16xf32>,
    %broadcast_in_dim3A_263 = arith.constant 0.000000e+00 : f32
    %broadcast_in_dim3A_264 = vector.broadcast %broadcast_in_dim3A_263 : f32 to vector<16xf32>
    %swap3A_265 = arith.constant 576 : index
    %swap3A_266 = tpu.vector_load %arg6[%swap3A_265] {strides = array<i32>} : memref<640xf32, #tpu.memory_space<vmem>>, vector<16xf32>,
    %swap3A_267 = vector.shape_cast %swap3A_266 : vector<16xf32> to vector<16xf32>
    %swap3A_268 = vector.shape_cast %broadcast_in_dim3A_264 : vector<16xf32> to vector<16xf32>
    tpu.vector_store %arg6[%swap3A_265], %swap3A_268 {strides = array<i32>} : memref<640xf32, #tpu.memory_space<vmem>>, vector<16xf32>,
    %broadcast_in_dim3A_269 = arith.constant 0.000000e+00 : f32
    %broadcast_in_dim3A_270 = vector.broadcast %broadcast_in_dim3A_269 : f32 to vector<16xf32>
    %swap3A_271 = arith.constant 592 : index
    %swap3A_272 = tpu.vector_load %arg6[%swap3A_271] {strides = array<i32>} : memref<640xf32, #tpu.memory_space<vmem>>, vector<16xf32>,
    %swap3A_273 = vector.shape_cast %swap3A_272 : vector<16xf32> to vector<16xf32>
    %swap3A_274 = vector.shape_cast %broadcast_in_dim3A_270 : vector<16xf32> to vector<16xf32>
    tpu.vector_store %arg6[%swap3A_271], %swap3A_274 {strides = array<i32>} : memref<640xf32, #tpu.memory_space<vmem>>, vector<16xf32>,
    %broadcast_in_dim3A_275 = arith.constant 0.000000e+00 : f32
    %broadcast_in_dim3A_276 = vector.broadcast %broadcast_in_dim3A_275 : f32 to vector<16xf32>
    %swap3A_277 = arith.constant 608 : index
    %swap3A_278 = tpu.vector_load %arg6[%swap3A_277] {strides = array<i32>} : memref<640xf32, #tpu.memory_space<vmem>>, vector<16xf32>,
    %swap3A_279 = vector.shape_cast %swap3A_278 : vector<16xf32> to vector<16xf32>
    %swap3A_280 = vector.shape_cast %broadcast_in_dim3A_276 : vector<16xf32> to vector<16xf32>
    tpu.vector_store %arg6[%swap3A_277], %swap3A_280 {strides = array<i32>} : memref<640xf32, #tpu.memory_space<vmem>>, vector<16xf32>,
    %broadcast_in_dim3A_281 = arith.constant 0.000000e+00 : f32
    %broadcast_in_dim3A_282 = vector.broadcast %broadcast_in_dim3A_281 : f32 to vector<16xf32>
    %swap3A_283 = arith.constant 624 : index
    %swap3A_284 = tpu.vector_load %arg6[%swap3A_283] {strides = array<i32>} : memref<640xf32, #tpu.memory_space<vmem>>, vector<16xf32>,
    %swap3A_285 = vector.shape_cast %swap3A_284 : vector<16xf32> to vector<16xf32>
    %swap3A_286 = vector.shape_cast %broadcast_in_dim3A_282 : vector<16xf32> to vector<16xf32>
    tpu.vector_store %arg6[%swap3A_283], %swap3A_286 {strides = array<i32>} : memref<640xf32, #tpu.memory_space<vmem>>, vector<16xf32>,
    %mul3A_287 = arith.constant 640 : i32
    %mul3A_288 = arith.muli %arg1, %mul3A_287 : i32
    "tpu.region"() ({
      %run_scoped3A = tpu.sem_alloc : memref<!tpu.dma_semaphore, #tpu.memory_space<semaphore_mem>>
      %dma_start3A = tpu.memref_slice %arg7[%mul3A_288] : memref<10240xf32, #tpu.memory_space<vmem_shared>> -> memref<640xf32, #tpu.memory_space<vmem_shared>>
      %dma_start3A_299 = tpu.memref_slice %arg7[%mul3A_288] : memref<10240xf32, #tpu.memory_space<vmem_shared>> -> memref<640xf32, #tpu.memory_space<vmem_shared>>
      tpu.enqueue_dma source(%arg6 : memref<640xf32, #tpu.memory_space<vmem>>) target(%dma_start3A_299 : memref<640xf32, #tpu.memory_space<vmem_shared>>) target_semaphore(%run_scoped3A : memref<!tpu.dma_semaphore, #tpu.memory_space<semaphore_mem>>)
      %dma_wait3A = tpu.memref_slice %arg7[%mul3A_288] : memref<10240xf32, #tpu.memory_space<vmem_shared>> -> memref<640xf32, #tpu.memory_space<vmem_shared>>
      %dma_wait3A_300 = tpu.memref_slice %arg7[%mul3A_288] : memref<10240xf32, #tpu.memory_space<vmem_shared>> -> memref<640xf32, #tpu.memory_space<vmem_shared>>
      tpu.wait_dma2 semaphore(%run_scoped3A : memref<!tpu.dma_semaphore, #tpu.memory_space<semaphore_mem>>) src(%arg6 : memref<640xf32, #tpu.memory_space<vmem>>) dst(%dma_wait3A_300 : memref<640xf32, #tpu.memory_space<vmem_shared>>)
      tpu.yield
    }) : () -> ()
    %barrier3A = arith.constant 0 : index
    tpu.barrier barrier_id(%barrier3A)
    %scan3A = arith.constant 0 : i32
    %scan3A_289 = arith.constant 0 : i32
    %scan3A_290 = arith.constant 80 : i32
    %scan3A_291 = arith.addi %scan3A_289, %scan3A_290 : i32
    %scan3A_292 = arith.constant 1 : i32
    scf.for %scan3A_299 = %scan3A_289 to %scan3A_291 step %scan3A_292  : i32 {
      "tpu.region"() ({
        %run_scoped3A = tpu.sem_alloc : memref<!tpu.dma_semaphore, #tpu.memory_space<semaphore_mem>>
        %dma_start3A = arith.constant 0 : i32
        %dma_start3A_300 = tpu.memref_slice %arg4[%scan3A_299, %dma_start3A] : memref<80x128xi32, #tpu.memory_space<vmem>> -> memref<1x128xi32, #tpu.memory_space<vmem>>
        %dma_start3A_301 = tpu.memref_squeeze %dma_start3A_300 : memref<1x128xi32, #tpu.memory_space<vmem>> -> memref<128xi32, #tpu.memory_space<vmem>>
        %dma_start3A_302 = arith.constant 0 : i32
        %dma_start3A_303 = tpu.memref_slice %arg7[%dma_start3A_302] : memref<10240xf32, #tpu.memory_space<vmem_shared>> -> memref<10240xf32, #tpu.memory_space<vmem_shared>>
        tpu.enqueue_indirect_dma source(%arg5 : memref<128xf32, #tpu.memory_space<vmem>>) target(%dma_start3A_303 : memref<10240xf32, #tpu.memory_space<vmem_shared>>) offsets(%dma_start3A_301 : memref<128xi32, #tpu.memory_space<vmem>>) semaphore(%run_scoped3A : memref<!tpu.dma_semaphore, #tpu.memory_space<semaphore_mem>>) {add = true}
        %dma_wait3A = arith.constant 0 : i32
        %dma_wait3A_304 = tpu.memref_slice %arg4[%scan3A_299, %dma_wait3A] : memref<80x128xi32, #tpu.memory_space<vmem>> -> memref<1x128xi32, #tpu.memory_space<vmem>>
        %dma_wait3A_305 = tpu.memref_squeeze %dma_wait3A_304 : memref<1x128xi32, #tpu.memory_space<vmem>> -> memref<128xi32, #tpu.memory_space<vmem>>
        %dma_wait3A_306 = arith.constant 0 : i32
        %dma_wait3A_307 = tpu.memref_slice %arg7[%dma_wait3A_306] : memref<10240xf32, #tpu.memory_space<vmem_shared>> -> memref<10240xf32, #tpu.memory_space<vmem_shared>>
        tpu.wait_indirect_dma semaphore(%run_scoped3A : memref<!tpu.dma_semaphore, #tpu.memory_space<semaphore_mem>>) src(%arg5 : memref<128xf32, #tpu.memory_space<vmem>>) dst(%dma_wait3A_307 : memref<10240xf32, #tpu.memory_space<vmem_shared>>)
        tpu.yield
      }) : () -> ()
    }
    %scan3A_293 = arith.constant 80 : i32
    %barrier3A_294 = arith.constant 0 : index
    tpu.barrier barrier_id(%barrier3A_294)
    %mul3A_295 = arith.constant 640 : i32
    %mul3A_296 = arith.muli %arg1, %mul3A_295 : i32
    %mul3A_297 = arith.constant 640 : i32
    %mul3A_298 = arith.muli %arg1, %mul3A_297 : i32
    "tpu.region"() ({
      %run_scoped3A = tpu.sem_alloc : memref<!tpu.dma_semaphore, #tpu.memory_space<semaphore_mem>>
      %dma_start3A = tpu.memref_slice %arg3[%arg0, %mul3A_298] : memref<2x10240xf32, #tpu.memory_space<hbm>> -> memref<1x640xf32, #tpu.memory_space<hbm>>
      %dma_start3A_299 = tpu.memref_squeeze %dma_start3A : memref<1x640xf32, #tpu.memory_space<hbm>> -> memref<640xf32, #tpu.memory_space<hbm>>
      %dma_start3A_300 = tpu.memref_slice %arg7[%mul3A_296] : memref<10240xf32, #tpu.memory_space<vmem_shared>> -> memref<640xf32, #tpu.memory_space<vmem_shared>>
      tpu.enqueue_dma source(%dma_start3A_300 : memref<640xf32, #tpu.memory_space<vmem_shared>>) target(%dma_start3A_299 : memref<640xf32, #tpu.memory_space<hbm>>) target_semaphore(%run_scoped3A : memref<!tpu.dma_semaphore, #tpu.memory_space<semaphore_mem>>)
      %dma_wait3A = tpu.memref_slice %arg3[%arg0, %mul3A_298] : memref<2x10240xf32, #tpu.memory_space<hbm>> -> memref<1x640xf32, #tpu.memory_space<hbm>>
      %dma_wait3A_301 = tpu.memref_squeeze %dma_wait3A : memref<1x640xf32, #tpu.memory_space<hbm>> -> memref<640xf32, #tpu.memory_space<hbm>>
      %dma_wait3A_302 = tpu.memref_slice %arg7[%mul3A_296] : memref<10240xf32, #tpu.memory_space<vmem_shared>> -> memref<640xf32, #tpu.memory_space<vmem_shared>>
      tpu.wait_dma2 semaphore(%run_scoped3A : memref<!tpu.dma_semaphore, #tpu.memory_space<semaphore_mem>>) src(%dma_wait3A_302 : memref<640xf32, #tpu.memory_space<vmem_shared>>) dst(%dma_wait3A_301 : memref<640xf32, #tpu.memory_space<hbm>>)
      tpu.yield
    }) : () -> ()
    return
  }
}

#map = affine_map<(d0, d1) -> (0, 0)>
#map1 = affine_map<(d0, d1) -> (0, 0, 0)>
module attributes {stable_mosaic.version = 14 : i64} {
  func.func @k(%arg0: i32, %arg1: i32, %arg2: memref<10240x64xf32, #tpu.memory_space<hbm>>, %arg3: memref<32x80x128xi32, #tpu.memory_space<hbm>>, %arg4: memref<32x80x128xi32, #tpu.memory_space<hbm>>, %arg5: memref<2x10240x64xf32, #tpu.memory_space<hbm>>, %arg6: memref<40x128xi32, #tpu.memory_space<vmem>>, %arg7: memref<40x128xi32, #tpu.memory_space<vmem>>, %arg8: memref<128x64xf32, #tpu.memory_space<vmem>>, %arg9: memref<128x64xf32, #tpu.memory_space<vmem>>, %arg10: memref<128x64xf32, #tpu.memory_space<vmem>>, %arg11: memref<128x64xf32, #tpu.memory_space<vmem>>, %arg12: memref<10240x64xf32, #tpu.memory_space<vmem_shared>>, %arg13: memref<10240x64xf32, #tpu.memory_space<vmem_shared>>, %arg14: memref<!tpu.dma_semaphore, #tpu.memory_space<semaphore_mem>>, %arg15: memref<!tpu.dma_semaphore, #tpu.memory_space<semaphore_mem>>) attributes {dimension_semantics = [#tpu.dimension_semantics<core_parallel>, #tpu.dimension_semantics<subcore_parallel>], iteration_bounds = array<i64: 2, 16>, scalar_prefetch = 0 : i64, scratch_operands = 10 : i64, tpu.core_type = #tpu.core_type<sc_vector_subcore>, window_params = [{transform_indices = #map}, {transform_indices = #map1}, {transform_indices = #map1}, {transform_indices = #map1}]} {
    %mul3A = arith.constant 16 : i32
    %mul3A_0 = arith.muli %arg0, %mul3A : i32
    %add3A = arith.addi %mul3A_0, %arg1 : i32
    %mul3A_1 = arith.constant 640 : i32
    %mul3A_2 = arith.muli %arg1, %mul3A_1 : i32
    "tpu.region"() ({
      %run_scoped3A = tpu.sem_alloc : memref<!tpu.dma_semaphore, #tpu.memory_space<semaphore_mem>>
      %dma_start3A_65 = arith.constant 0 : i32
      %dma_start3A_66 = tpu.memref_slice %arg12[%mul3A_2, %dma_start3A_65] : memref<10240x64xf32, #tpu.memory_space<vmem_shared>> -> memref<640x64xf32, #tpu.memory_space<vmem_shared>>
      %dma_start3A_67 = arith.constant 0 : i32
      %dma_start3A_68 = tpu.memref_slice %arg2[%mul3A_2, %dma_start3A_67] : memref<10240x64xf32, #tpu.memory_space<hbm>> -> memref<640x64xf32, #tpu.memory_space<hbm>>
      tpu.enqueue_dma source(%dma_start3A_68 : memref<640x64xf32, #tpu.memory_space<hbm>>) target(%dma_start3A_66 : memref<640x64xf32, #tpu.memory_space<vmem_shared>>) target_semaphore(%run_scoped3A : memref<!tpu.dma_semaphore, #tpu.memory_space<semaphore_mem>>)
      %dma_wait3A_69 = arith.constant 0 : i32
      %dma_wait3A_70 = tpu.memref_slice %arg12[%mul3A_2, %dma_wait3A_69] : memref<10240x64xf32, #tpu.memory_space<vmem_shared>> -> memref<640x64xf32, #tpu.memory_space<vmem_shared>>
      %dma_wait3A_71 = arith.constant 0 : i32
      %dma_wait3A_72 = tpu.memref_slice %arg2[%mul3A_2, %dma_wait3A_71] : memref<10240x64xf32, #tpu.memory_space<hbm>> -> memref<640x64xf32, #tpu.memory_space<hbm>>
      tpu.wait_dma2 semaphore(%run_scoped3A : memref<!tpu.dma_semaphore, #tpu.memory_space<semaphore_mem>>) src(%dma_wait3A_72 : memref<640x64xf32, #tpu.memory_space<hbm>>) dst(%dma_wait3A_70 : memref<640x64xf32, #tpu.memory_space<vmem_shared>>)
      tpu.yield
    }) : () -> ()
    "tpu.region"() ({
      %run_scoped3A = tpu.sem_alloc : memref<!tpu.dma_semaphore, #tpu.memory_space<semaphore_mem>>
      %dma_start3A_65 = arith.constant 0 : i32
      %dma_start3A_66 = tpu.memref_slice %arg13[%mul3A_2, %dma_start3A_65] : memref<10240x64xf32, #tpu.memory_space<vmem_shared>> -> memref<640x64xf32, #tpu.memory_space<vmem_shared>>
      %dma_start3A_67 = arith.constant 0 : i32
      %dma_start3A_68 = tpu.memref_slice %arg2[%mul3A_2, %dma_start3A_67] : memref<10240x64xf32, #tpu.memory_space<hbm>> -> memref<640x64xf32, #tpu.memory_space<hbm>>
      tpu.enqueue_dma source(%dma_start3A_68 : memref<640x64xf32, #tpu.memory_space<hbm>>) target(%dma_start3A_66 : memref<640x64xf32, #tpu.memory_space<vmem_shared>>) target_semaphore(%run_scoped3A : memref<!tpu.dma_semaphore, #tpu.memory_space<semaphore_mem>>)
      %dma_wait3A_69 = arith.constant 0 : i32
      %dma_wait3A_70 = tpu.memref_slice %arg13[%mul3A_2, %dma_wait3A_69] : memref<10240x64xf32, #tpu.memory_space<vmem_shared>> -> memref<640x64xf32, #tpu.memory_space<vmem_shared>>
      %dma_wait3A_71 = arith.constant 0 : i32
      %dma_wait3A_72 = tpu.memref_slice %arg2[%mul3A_2, %dma_wait3A_71] : memref<10240x64xf32, #tpu.memory_space<hbm>> -> memref<640x64xf32, #tpu.memory_space<hbm>>
      tpu.wait_dma2 semaphore(%run_scoped3A : memref<!tpu.dma_semaphore, #tpu.memory_space<semaphore_mem>>) src(%dma_wait3A_72 : memref<640x64xf32, #tpu.memory_space<hbm>>) dst(%dma_wait3A_70 : memref<640x64xf32, #tpu.memory_space<vmem_shared>>)
      tpu.yield
    }) : () -> ()
    %barrier3A = arith.constant 0 : index
    tpu.barrier barrier_id(%barrier3A)
    "tpu.region"() ({
      %run_scoped3A = tpu.sem_alloc : memref<!tpu.dma_semaphore, #tpu.memory_space<semaphore_mem>>
      %dma_start3A_65 = arith.constant 0 : i32
      %dma_start3A_66 = arith.constant 0 : i32
      %dma_start3A_67 = tpu.memref_slice %arg3[%add3A, %dma_start3A_65, %dma_start3A_66] : memref<32x80x128xi32, #tpu.memory_space<hbm>> -> memref<1x40x128xi32, #tpu.memory_space<hbm>>
      %dma_start3A_68 = tpu.memref_squeeze %dma_start3A_67 : memref<1x40x128xi32, #tpu.memory_space<hbm>> -> memref<40x128xi32, #tpu.memory_space<hbm>>
      %dma_start3A_69 = arith.constant 0 : i32
      %dma_start3A_70 = arith.constant 0 : i32
      %dma_start3A_71 = tpu.memref_slice %arg3[%add3A, %dma_start3A_69, %dma_start3A_70] : memref<32x80x128xi32, #tpu.memory_space<hbm>> -> memref<1x40x128xi32, #tpu.memory_space<hbm>>
      %dma_start3A_72 = tpu.memref_squeeze %dma_start3A_71 : memref<1x40x128xi32, #tpu.memory_space<hbm>> -> memref<40x128xi32, #tpu.memory_space<hbm>>
      tpu.enqueue_dma source(%dma_start3A_72 : memref<40x128xi32, #tpu.memory_space<hbm>>) target(%arg6 : memref<40x128xi32, #tpu.memory_space<vmem>>) target_semaphore(%run_scoped3A : memref<!tpu.dma_semaphore, #tpu.memory_space<semaphore_mem>>)
      %dma_wait3A_73 = arith.constant 0 : i32
      %dma_wait3A_74 = arith.constant 0 : i32
      %dma_wait3A_75 = tpu.memref_slice %arg3[%add3A, %dma_wait3A_73, %dma_wait3A_74] : memref<32x80x128xi32, #tpu.memory_space<hbm>> -> memref<1x40x128xi32, #tpu.memory_space<hbm>>
      %dma_wait3A_76 = tpu.memref_squeeze %dma_wait3A_75 : memref<1x40x128xi32, #tpu.memory_space<hbm>> -> memref<40x128xi32, #tpu.memory_space<hbm>>
      %dma_wait3A_77 = arith.constant 0 : i32
      %dma_wait3A_78 = arith.constant 0 : i32
      %dma_wait3A_79 = tpu.memref_slice %arg3[%add3A, %dma_wait3A_77, %dma_wait3A_78] : memref<32x80x128xi32, #tpu.memory_space<hbm>> -> memref<1x40x128xi32, #tpu.memory_space<hbm>>
      %dma_wait3A_80 = tpu.memref_squeeze %dma_wait3A_79 : memref<1x40x128xi32, #tpu.memory_space<hbm>> -> memref<40x128xi32, #tpu.memory_space<hbm>>
      tpu.wait_dma2 semaphore(%run_scoped3A : memref<!tpu.dma_semaphore, #tpu.memory_space<semaphore_mem>>) src(%dma_wait3A_80 : memref<40x128xi32, #tpu.memory_space<hbm>>) dst(%arg6 : memref<40x128xi32, #tpu.memory_space<vmem>>)
      tpu.yield
    }) : () -> ()
    "tpu.region"() ({
      %run_scoped3A = tpu.sem_alloc : memref<!tpu.dma_semaphore, #tpu.memory_space<semaphore_mem>>
      %dma_start3A_65 = arith.constant 0 : i32
      %dma_start3A_66 = arith.constant 0 : i32
      %dma_start3A_67 = tpu.memref_slice %arg4[%add3A, %dma_start3A_65, %dma_start3A_66] : memref<32x80x128xi32, #tpu.memory_space<hbm>> -> memref<1x40x128xi32, #tpu.memory_space<hbm>>
      %dma_start3A_68 = tpu.memref_squeeze %dma_start3A_67 : memref<1x40x128xi32, #tpu.memory_space<hbm>> -> memref<40x128xi32, #tpu.memory_space<hbm>>
      %dma_start3A_69 = arith.constant 0 : i32
      %dma_start3A_70 = arith.constant 0 : i32
      %dma_start3A_71 = tpu.memref_slice %arg4[%add3A, %dma_start3A_69, %dma_start3A_70] : memref<32x80x128xi32, #tpu.memory_space<hbm>> -> memref<1x40x128xi32, #tpu.memory_space<hbm>>
      %dma_start3A_72 = tpu.memref_squeeze %dma_start3A_71 : memref<1x40x128xi32, #tpu.memory_space<hbm>> -> memref<40x128xi32, #tpu.memory_space<hbm>>
      tpu.enqueue_dma source(%dma_start3A_72 : memref<40x128xi32, #tpu.memory_space<hbm>>) target(%arg7 : memref<40x128xi32, #tpu.memory_space<vmem>>) target_semaphore(%run_scoped3A : memref<!tpu.dma_semaphore, #tpu.memory_space<semaphore_mem>>)
      %dma_wait3A_73 = arith.constant 0 : i32
      %dma_wait3A_74 = arith.constant 0 : i32
      %dma_wait3A_75 = tpu.memref_slice %arg4[%add3A, %dma_wait3A_73, %dma_wait3A_74] : memref<32x80x128xi32, #tpu.memory_space<hbm>> -> memref<1x40x128xi32, #tpu.memory_space<hbm>>
      %dma_wait3A_76 = tpu.memref_squeeze %dma_wait3A_75 : memref<1x40x128xi32, #tpu.memory_space<hbm>> -> memref<40x128xi32, #tpu.memory_space<hbm>>
      %dma_wait3A_77 = arith.constant 0 : i32
      %dma_wait3A_78 = arith.constant 0 : i32
      %dma_wait3A_79 = tpu.memref_slice %arg4[%add3A, %dma_wait3A_77, %dma_wait3A_78] : memref<32x80x128xi32, #tpu.memory_space<hbm>> -> memref<1x40x128xi32, #tpu.memory_space<hbm>>
      %dma_wait3A_80 = tpu.memref_squeeze %dma_wait3A_79 : memref<1x40x128xi32, #tpu.memory_space<hbm>> -> memref<40x128xi32, #tpu.memory_space<hbm>>
      tpu.wait_dma2 semaphore(%run_scoped3A : memref<!tpu.dma_semaphore, #tpu.memory_space<semaphore_mem>>) src(%dma_wait3A_80 : memref<40x128xi32, #tpu.memory_space<hbm>>) dst(%arg7 : memref<40x128xi32, #tpu.memory_space<vmem>>)
      tpu.yield
    }) : () -> ()
    %dma_start3A = arith.constant 0 : i32
    %dma_start3A_3 = arith.constant 0 : i32
    %dma_start3A_4 = tpu.memref_slice %arg6[%dma_start3A, %dma_start3A_3] : memref<40x128xi32, #tpu.memory_space<vmem>> -> memref<1x128xi32, #tpu.memory_space<vmem>>
    %dma_start3A_5 = tpu.memref_squeeze %dma_start3A_4 : memref<1x128xi32, #tpu.memory_space<vmem>> -> memref<128xi32, #tpu.memory_space<vmem>>
    %dma_start3A_6 = arith.constant 0 : i32
    %dma_start3A_7 = arith.constant 0 : i32
    %dma_start3A_8 = tpu.memref_slice %arg12[%dma_start3A_6, %dma_start3A_7] : memref<10240x64xf32, #tpu.memory_space<vmem_shared>> -> memref<10240x64xf32, #tpu.memory_space<vmem_shared>>
    tpu.enqueue_indirect_dma source(%dma_start3A_8 : memref<10240x64xf32, #tpu.memory_space<vmem_shared>>) target(%arg8 : memref<128x64xf32, #tpu.memory_space<vmem>>) offsets(%dma_start3A_5 : memref<128xi32, #tpu.memory_space<vmem>>) semaphore(%arg14 : memref<!tpu.dma_semaphore, #tpu.memory_space<semaphore_mem>>)
    %dma_start3A_9 = arith.constant 1 : i32
    %dma_start3A_10 = arith.constant 0 : i32
    %dma_start3A_11 = tpu.memref_slice %arg6[%dma_start3A_9, %dma_start3A_10] : memref<40x128xi32, #tpu.memory_space<vmem>> -> memref<1x128xi32, #tpu.memory_space<vmem>>
    %dma_start3A_12 = tpu.memref_squeeze %dma_start3A_11 : memref<1x128xi32, #tpu.memory_space<vmem>> -> memref<128xi32, #tpu.memory_space<vmem>>
    %dma_start3A_13 = arith.constant 0 : i32
    %dma_start3A_14 = arith.constant 0 : i32
    %dma_start3A_15 = tpu.memref_slice %arg12[%dma_start3A_13, %dma_start3A_14] : memref<10240x64xf32, #tpu.memory_space<vmem_shared>> -> memref<10240x64xf32, #tpu.memory_space<vmem_shared>>
    tpu.enqueue_indirect_dma source(%dma_start3A_15 : memref<10240x64xf32, #tpu.memory_space<vmem_shared>>) target(%arg9 : memref<128x64xf32, #tpu.memory_space<vmem>>) offsets(%dma_start3A_12 : memref<128xi32, #tpu.memory_space<vmem>>) semaphore(%arg14 : memref<!tpu.dma_semaphore, #tpu.memory_space<semaphore_mem>>)
    %scan3A = arith.constant 0 : i32
    %scan3A_16 = arith.constant 0 : i32
    %scan3A_17 = arith.constant 10 : i32
    %scan3A_18 = arith.addi %scan3A_16, %scan3A_17 : i32
    %scan3A_19 = arith.constant 1 : i32
    scf.for %scan3A_65 = %scan3A_16 to %scan3A_18 step %scan3A_19  : i32 {
      %mul3A_66 = arith.constant 4 : i32
      %mul3A_67 = arith.muli %scan3A_65, %mul3A_66 : i32
      %add3A_68 = arith.constant 0 : i32
      %add3A_69 = arith.addi %mul3A_67, %add3A_68 : i32
      %gt3A = arith.constant 0 : i32
      %gt3A_70 = arith.cmpi sgt, %scan3A_65, %gt3A : i32
      %convert_element_type3A = arith.extui %gt3A_70 : i1 to i32
      %cond3A = arith.constant 0 : i32
      %cond3A_71 = arith.cmpi ne, %convert_element_type3A, %cond3A : i32
      scf.if %cond3A_71 {
        %dma_wait3A_168 = arith.constant 0 : i32
        %dma_wait3A_169 = arith.constant 0 : i32
        %dma_wait3A_170 = tpu.memref_slice %arg2[%dma_wait3A_168, %dma_wait3A_169] : memref<10240x64xf32, #tpu.memory_space<hbm>> -> memref<128x64xf32, #tpu.memory_space<hbm>>
        %dma_wait3A_171 = arith.constant 0 : i32
        %dma_wait3A_172 = arith.constant 0 : i32
        %dma_wait3A_173 = tpu.memref_slice %arg2[%dma_wait3A_171, %dma_wait3A_172] : memref<10240x64xf32, #tpu.memory_space<hbm>> -> memref<128x64xf32, #tpu.memory_space<hbm>>
        tpu.wait_dma2 semaphore(%arg15 : memref<!tpu.dma_semaphore, #tpu.memory_space<semaphore_mem>>) src(%dma_wait3A_173 : memref<128x64xf32, #tpu.memory_space<hbm>>) dst(%arg10 : memref<128x64xf32, #tpu.memory_space<vmem>>)
      } else {
      }
      %add3A_72 = arith.constant 2 : i32
      %add3A_73 = arith.addi %add3A_69, %add3A_72 : i32
      %dma_start3A_74 = arith.constant 0 : i32
      %dma_start3A_75 = tpu.memref_slice %arg6[%add3A_73, %dma_start3A_74] : memref<40x128xi32, #tpu.memory_space<vmem>> -> memref<1x128xi32, #tpu.memory_space<vmem>>
      %dma_start3A_76 = tpu.memref_squeeze %dma_start3A_75 : memref<1x128xi32, #tpu.memory_space<vmem>> -> memref<128xi32, #tpu.memory_space<vmem>>
      %dma_start3A_77 = arith.constant 0 : i32
      %dma_start3A_78 = arith.constant 0 : i32
      %dma_start3A_79 = tpu.memref_slice %arg12[%dma_start3A_77, %dma_start3A_78] : memref<10240x64xf32, #tpu.memory_space<vmem_shared>> -> memref<10240x64xf32, #tpu.memory_space<vmem_shared>>
      tpu.enqueue_indirect_dma source(%dma_start3A_79 : memref<10240x64xf32, #tpu.memory_space<vmem_shared>>) target(%arg10 : memref<128x64xf32, #tpu.memory_space<vmem>>) offsets(%dma_start3A_76 : memref<128xi32, #tpu.memory_space<vmem>>) semaphore(%arg14 : memref<!tpu.dma_semaphore, #tpu.memory_space<semaphore_mem>>)
      %dma_wait3A_80 = arith.constant 0 : i32
      %dma_wait3A_81 = arith.constant 0 : i32
      %dma_wait3A_82 = tpu.memref_slice %arg2[%dma_wait3A_80, %dma_wait3A_81] : memref<10240x64xf32, #tpu.memory_space<hbm>> -> memref<128x64xf32, #tpu.memory_space<hbm>>
      %dma_wait3A_83 = arith.constant 0 : i32
      %dma_wait3A_84 = arith.constant 0 : i32
      %dma_wait3A_85 = tpu.memref_slice %arg2[%dma_wait3A_83, %dma_wait3A_84] : memref<10240x64xf32, #tpu.memory_space<hbm>> -> memref<128x64xf32, #tpu.memory_space<hbm>>
      tpu.wait_dma2 semaphore(%arg14 : memref<!tpu.dma_semaphore, #tpu.memory_space<semaphore_mem>>) src(%dma_wait3A_85 : memref<128x64xf32, #tpu.memory_space<hbm>>) dst(%arg8 : memref<128x64xf32, #tpu.memory_space<vmem>>)
      %dma_start3A_86 = arith.constant 0 : i32
      %dma_start3A_87 = tpu.memref_slice %arg7[%add3A_69, %dma_start3A_86] : memref<40x128xi32, #tpu.memory_space<vmem>> -> memref<1x128xi32, #tpu.memory_space<vmem>>
      %dma_start3A_88 = tpu.memref_squeeze %dma_start3A_87 : memref<1x128xi32, #tpu.memory_space<vmem>> -> memref<128xi32, #tpu.memory_space<vmem>>
      %dma_start3A_89 = arith.constant 0 : i32
      %dma_start3A_90 = arith.constant 0 : i32
      %dma_start3A_91 = tpu.memref_slice %arg13[%dma_start3A_89, %dma_start3A_90] : memref<10240x64xf32, #tpu.memory_space<vmem_shared>> -> memref<10240x64xf32, #tpu.memory_space<vmem_shared>>
      tpu.enqueue_indirect_dma source(%arg8 : memref<128x64xf32, #tpu.memory_space<vmem>>) target(%dma_start3A_91 : memref<10240x64xf32, #tpu.memory_space<vmem_shared>>) offsets(%dma_start3A_88 : memref<128xi32, #tpu.memory_space<vmem>>) semaphore(%arg15 : memref<!tpu.dma_semaphore, #tpu.memory_space<semaphore_mem>>) {add = true}
      %add3A_92 = arith.constant 1 : i32
      %add3A_93 = arith.addi %mul3A_67, %add3A_92 : i32
      %gt3A_94 = arith.constant 0 : i32
      %gt3A_95 = arith.cmpi sgt, %scan3A_65, %gt3A_94 : i32
      %convert_element_type3A_96 = arith.extui %gt3A_95 : i1 to i32
      %cond3A_97 = arith.constant 0 : i32
      %cond3A_98 = arith.cmpi ne, %convert_element_type3A_96, %cond3A_97 : i32
      scf.if %cond3A_98 {
        %dma_wait3A_168 = arith.constant 0 : i32
        %dma_wait3A_169 = arith.constant 0 : i32
        %dma_wait3A_170 = tpu.memref_slice %arg2[%dma_wait3A_168, %dma_wait3A_169] : memref<10240x64xf32, #tpu.memory_space<hbm>> -> memref<128x64xf32, #tpu.memory_space<hbm>>
        %dma_wait3A_171 = arith.constant 0 : i32
        %dma_wait3A_172 = arith.constant 0 : i32
        %dma_wait3A_173 = tpu.memref_slice %arg2[%dma_wait3A_171, %dma_wait3A_172] : memref<10240x64xf32, #tpu.memory_space<hbm>> -> memref<128x64xf32, #tpu.memory_space<hbm>>
        tpu.wait_dma2 semaphore(%arg15 : memref<!tpu.dma_semaphore, #tpu.memory_space<semaphore_mem>>) src(%dma_wait3A_173 : memref<128x64xf32, #tpu.memory_space<hbm>>) dst(%arg11 : memref<128x64xf32, #tpu.memory_space<vmem>>)
      } else {
      }
      %add3A_99 = arith.constant 2 : i32
      %add3A_100 = arith.addi %add3A_93, %add3A_99 : i32
      %dma_start3A_101 = arith.constant 0 : i32
      %dma_start3A_102 = tpu.memref_slice %arg6[%add3A_100, %dma_start3A_101] : memref<40x128xi32, #tpu.memory_space<vmem>> -> memref<1x128xi32, #tpu.memory_space<vmem>>
      %dma_start3A_103 = tpu.memref_squeeze %dma_start3A_102 : memref<1x128xi32, #tpu.memory_space<vmem>> -> memref<128xi32, #tpu.memory_space<vmem>>
      %dma_start3A_104 = arith.constant 0 : i32
      %dma_start3A_105 = arith.constant 0 : i32
      %dma_start3A_106 = tpu.memref_slice %arg12[%dma_start3A_104, %dma_start3A_105] : memref<10240x64xf32, #tpu.memory_space<vmem_shared>> -> memref<10240x64xf32, #tpu.memory_space<vmem_shared>>
      tpu.enqueue_indirect_dma source(%dma_start3A_106 : memref<10240x64xf32, #tpu.memory_space<vmem_shared>>) target(%arg11 : memref<128x64xf32, #tpu.memory_space<vmem>>) offsets(%dma_start3A_103 : memref<128xi32, #tpu.memory_space<vmem>>) semaphore(%arg14 : memref<!tpu.dma_semaphore, #tpu.memory_space<semaphore_mem>>)
      %dma_wait3A_107 = arith.constant 0 : i32
      %dma_wait3A_108 = arith.constant 0 : i32
      %dma_wait3A_109 = tpu.memref_slice %arg2[%dma_wait3A_107, %dma_wait3A_108] : memref<10240x64xf32, #tpu.memory_space<hbm>> -> memref<128x64xf32, #tpu.memory_space<hbm>>
      %dma_wait3A_110 = arith.constant 0 : i32
      %dma_wait3A_111 = arith.constant 0 : i32
      %dma_wait3A_112 = tpu.memref_slice %arg2[%dma_wait3A_110, %dma_wait3A_111] : memref<10240x64xf32, #tpu.memory_space<hbm>> -> memref<128x64xf32, #tpu.memory_space<hbm>>
      tpu.wait_dma2 semaphore(%arg14 : memref<!tpu.dma_semaphore, #tpu.memory_space<semaphore_mem>>) src(%dma_wait3A_112 : memref<128x64xf32, #tpu.memory_space<hbm>>) dst(%arg9 : memref<128x64xf32, #tpu.memory_space<vmem>>)
      %dma_start3A_113 = arith.constant 0 : i32
      %dma_start3A_114 = tpu.memref_slice %arg7[%add3A_93, %dma_start3A_113] : memref<40x128xi32, #tpu.memory_space<vmem>> -> memref<1x128xi32, #tpu.memory_space<vmem>>
      %dma_start3A_115 = tpu.memref_squeeze %dma_start3A_114 : memref<1x128xi32, #tpu.memory_space<vmem>> -> memref<128xi32, #tpu.memory_space<vmem>>
      %dma_start3A_116 = arith.constant 0 : i32
      %dma_start3A_117 = arith.constant 0 : i32
      %dma_start3A_118 = tpu.memref_slice %arg13[%dma_start3A_116, %dma_start3A_117] : memref<10240x64xf32, #tpu.memory_space<vmem_shared>> -> memref<10240x64xf32, #tpu.memory_space<vmem_shared>>
      tpu.enqueue_indirect_dma source(%arg9 : memref<128x64xf32, #tpu.memory_space<vmem>>) target(%dma_start3A_118 : memref<10240x64xf32, #tpu.memory_space<vmem_shared>>) offsets(%dma_start3A_115 : memref<128xi32, #tpu.memory_space<vmem>>) semaphore(%arg15 : memref<!tpu.dma_semaphore, #tpu.memory_space<semaphore_mem>>) {add = true}
      %add3A_119 = arith.constant 2 : i32
      %add3A_120 = arith.addi %mul3A_67, %add3A_119 : i32
      %dma_wait3A_121 = arith.constant 0 : i32
      %dma_wait3A_122 = arith.constant 0 : i32
      %dma_wait3A_123 = tpu.memref_slice %arg2[%dma_wait3A_121, %dma_wait3A_122] : memref<10240x64xf32, #tpu.memory_space<hbm>> -> memref<128x64xf32, #tpu.memory_space<hbm>>
      %dma_wait3A_124 = arith.constant 0 : i32
      %dma_wait3A_125 = arith.constant 0 : i32
      %dma_wait3A_126 = tpu.memref_slice %arg2[%dma_wait3A_124, %dma_wait3A_125] : memref<10240x64xf32, #tpu.memory_space<hbm>> -> memref<128x64xf32, #tpu.memory_space<hbm>>
      tpu.wait_dma2 semaphore(%arg15 : memref<!tpu.dma_semaphore, #tpu.memory_space<semaphore_mem>>) src(%dma_wait3A_126 : memref<128x64xf32, #tpu.memory_space<hbm>>) dst(%arg8 : memref<128x64xf32, #tpu.memory_space<vmem>>)
      %lt3A = arith.constant 9 : i32
      %lt3A_127 = arith.cmpi slt, %scan3A_65, %lt3A : i32
      %convert_element_type3A_128 = arith.extui %lt3A_127 : i1 to i32
      %cond3A_129 = arith.constant 0 : i32
      %cond3A_130 = arith.cmpi ne, %convert_element_type3A_128, %cond3A_129 : i32
      scf.if %cond3A_130 {
        %add3A_168 = arith.constant 2 : i32
        %add3A_169 = arith.addi %add3A_120, %add3A_168 : i32
        %dma_start3A_170 = arith.constant 0 : i32
        %dma_start3A_171 = tpu.memref_slice %arg6[%add3A_169, %dma_start3A_170] : memref<40x128xi32, #tpu.memory_space<vmem>> -> memref<1x128xi32, #tpu.memory_space<vmem>>
        %dma_start3A_172 = tpu.memref_squeeze %dma_start3A_171 : memref<1x128xi32, #tpu.memory_space<vmem>> -> memref<128xi32, #tpu.memory_space<vmem>>
        %dma_start3A_173 = arith.constant 0 : i32
        %dma_start3A_174 = arith.constant 0 : i32
        %dma_start3A_175 = tpu.memref_slice %arg12[%dma_start3A_173, %dma_start3A_174] : memref<10240x64xf32, #tpu.memory_space<vmem_shared>> -> memref<10240x64xf32, #tpu.memory_space<vmem_shared>>
        tpu.enqueue_indirect_dma source(%dma_start3A_175 : memref<10240x64xf32, #tpu.memory_space<vmem_shared>>) target(%arg8 : memref<128x64xf32, #tpu.memory_space<vmem>>) offsets(%dma_start3A_172 : memref<128xi32, #tpu.memory_space<vmem>>) semaphore(%arg14 : memref<!tpu.dma_semaphore, #tpu.memory_space<semaphore_mem>>)
      } else {
      }
      %dma_wait3A_131 = arith.constant 0 : i32
      %dma_wait3A_132 = arith.constant 0 : i32
      %dma_wait3A_133 = tpu.memref_slice %arg2[%dma_wait3A_131, %dma_wait3A_132] : memref<10240x64xf32, #tpu.memory_space<hbm>> -> memref<128x64xf32, #tpu.memory_space<hbm>>
      %dma_wait3A_134 = arith.constant 0 : i32
      %dma_wait3A_135 = arith.constant 0 : i32
      %dma_wait3A_136 = tpu.memref_slice %arg2[%dma_wait3A_134, %dma_wait3A_135] : memref<10240x64xf32, #tpu.memory_space<hbm>> -> memref<128x64xf32, #tpu.memory_space<hbm>>
      tpu.wait_dma2 semaphore(%arg14 : memref<!tpu.dma_semaphore, #tpu.memory_space<semaphore_mem>>) src(%dma_wait3A_136 : memref<128x64xf32, #tpu.memory_space<hbm>>) dst(%arg10 : memref<128x64xf32, #tpu.memory_space<vmem>>)
      %dma_start3A_137 = arith.constant 0 : i32
      %dma_start3A_138 = tpu.memref_slice %arg7[%add3A_120, %dma_start3A_137] : memref<40x128xi32, #tpu.memory_space<vmem>> -> memref<1x128xi32, #tpu.memory_space<vmem>>
      %dma_start3A_139 = tpu.memref_squeeze %dma_start3A_138 : memref<1x128xi32, #tpu.memory_space<vmem>> -> memref<128xi32, #tpu.memory_space<vmem>>
      %dma_start3A_140 = arith.constant 0 : i32
      %dma_start3A_141 = arith.constant 0 : i32
      %dma_start3A_142 = tpu.memref_slice %arg13[%dma_start3A_140, %dma_start3A_141] : memref<10240x64xf32, #tpu.memory_space<vmem_shared>> -> memref<10240x64xf32, #tpu.memory_space<vmem_shared>>
      tpu.enqueue_indirect_dma source(%arg10 : memref<128x64xf32, #tpu.memory_space<vmem>>) target(%dma_start3A_142 : memref<10240x64xf32, #tpu.memory_space<vmem_shared>>) offsets(%dma_start3A_139 : memref<128xi32, #tpu.memory_space<vmem>>) semaphore(%arg15 : memref<!tpu.dma_semaphore, #tpu.memory_space<semaphore_mem>>) {add = true}
      %add3A_143 = arith.constant 3 : i32
      %add3A_144 = arith.addi %mul3A_67, %add3A_143 : i32
      %dma_wait3A_145 = arith.constant 0 : i32
      %dma_wait3A_146 = arith.constant 0 : i32
      %dma_wait3A_147 = tpu.memref_slice %arg2[%dma_wait3A_145, %dma_wait3A_146] : memref<10240x64xf32, #tpu.memory_space<hbm>> -> memref<128x64xf32, #tpu.memory_space<hbm>>
      %dma_wait3A_148 = arith.constant 0 : i32
      %dma_wait3A_149 = arith.constant 0 : i32
      %dma_wait3A_150 = tpu.memref_slice %arg2[%dma_wait3A_148, %dma_wait3A_149] : memref<10240x64xf32, #tpu.memory_space<hbm>> -> memref<128x64xf32, #tpu.memory_space<hbm>>
      tpu.wait_dma2 semaphore(%arg15 : memref<!tpu.dma_semaphore, #tpu.memory_space<semaphore_mem>>) src(%dma_wait3A_150 : memref<128x64xf32, #tpu.memory_space<hbm>>) dst(%arg9 : memref<128x64xf32, #tpu.memory_space<vmem>>)
      %lt3A_151 = arith.constant 9 : i32
      %lt3A_152 = arith.cmpi slt, %scan3A_65, %lt3A_151 : i32
      %convert_element_type3A_153 = arith.extui %lt3A_152 : i1 to i32
      %cond3A_154 = arith.constant 0 : i32
      %cond3A_155 = arith.cmpi ne, %convert_element_type3A_153, %cond3A_154 : i32
      scf.if %cond3A_155 {
        %add3A_168 = arith.constant 2 : i32
        %add3A_169 = arith.addi %add3A_144, %add3A_168 : i32
        %dma_start3A_170 = arith.constant 0 : i32
        %dma_start3A_171 = tpu.memref_slice %arg6[%add3A_169, %dma_start3A_170] : memref<40x128xi32, #tpu.memory_space<vmem>> -> memref<1x128xi32, #tpu.memory_space<vmem>>
        %dma_start3A_172 = tpu.memref_squeeze %dma_start3A_171 : memref<1x128xi32, #tpu.memory_space<vmem>> -> memref<128xi32, #tpu.memory_space<vmem>>
        %dma_start3A_173 = arith.constant 0 : i32
        %dma_start3A_174 = arith.constant 0 : i32
        %dma_start3A_175 = tpu.memref_slice %arg12[%dma_start3A_173, %dma_start3A_174] : memref<10240x64xf32, #tpu.memory_space<vmem_shared>> -> memref<10240x64xf32, #tpu.memory_space<vmem_shared>>
        tpu.enqueue_indirect_dma source(%dma_start3A_175 : memref<10240x64xf32, #tpu.memory_space<vmem_shared>>) target(%arg9 : memref<128x64xf32, #tpu.memory_space<vmem>>) offsets(%dma_start3A_172 : memref<128xi32, #tpu.memory_space<vmem>>) semaphore(%arg14 : memref<!tpu.dma_semaphore, #tpu.memory_space<semaphore_mem>>)
      } else {
      }
      %dma_wait3A_156 = arith.constant 0 : i32
      %dma_wait3A_157 = arith.constant 0 : i32
      %dma_wait3A_158 = tpu.memref_slice %arg2[%dma_wait3A_156, %dma_wait3A_157] : memref<10240x64xf32, #tpu.memory_space<hbm>> -> memref<128x64xf32, #tpu.memory_space<hbm>>
      %dma_wait3A_159 = arith.constant 0 : i32
      %dma_wait3A_160 = arith.constant 0 : i32
      %dma_wait3A_161 = tpu.memref_slice %arg2[%dma_wait3A_159, %dma_wait3A_160] : memref<10240x64xf32, #tpu.memory_space<hbm>> -> memref<128x64xf32, #tpu.memory_space<hbm>>
      tpu.wait_dma2 semaphore(%arg14 : memref<!tpu.dma_semaphore, #tpu.memory_space<semaphore_mem>>) src(%dma_wait3A_161 : memref<128x64xf32, #tpu.memory_space<hbm>>) dst(%arg11 : memref<128x64xf32, #tpu.memory_space<vmem>>)
      %dma_start3A_162 = arith.constant 0 : i32
      %dma_start3A_163 = tpu.memref_slice %arg7[%add3A_144, %dma_start3A_162] : memref<40x128xi32, #tpu.memory_space<vmem>> -> memref<1x128xi32, #tpu.memory_space<vmem>>
      %dma_start3A_164 = tpu.memref_squeeze %dma_start3A_163 : memref<1x128xi32, #tpu.memory_space<vmem>> -> memref<128xi32, #tpu.memory_space<vmem>>
      %dma_start3A_165 = arith.constant 0 : i32
      %dma_start3A_166 = arith.constant 0 : i32
      %dma_start3A_167 = tpu.memref_slice %arg13[%dma_start3A_165, %dma_start3A_166] : memref<10240x64xf32, #tpu.memory_space<vmem_shared>> -> memref<10240x64xf32, #tpu.memory_space<vmem_shared>>
      tpu.enqueue_indirect_dma source(%arg11 : memref<128x64xf32, #tpu.memory_space<vmem>>) target(%dma_start3A_167 : memref<10240x64xf32, #tpu.memory_space<vmem_shared>>) offsets(%dma_start3A_164 : memref<128xi32, #tpu.memory_space<vmem>>) semaphore(%arg15 : memref<!tpu.dma_semaphore, #tpu.memory_space<semaphore_mem>>) {add = true}
    }
    %scan3A_20 = arith.constant 10 : i32
    %dma_wait3A = arith.constant 0 : i32
    %dma_wait3A_21 = arith.constant 0 : i32
    %dma_wait3A_22 = tpu.memref_slice %arg2[%dma_wait3A, %dma_wait3A_21] : memref<10240x64xf32, #tpu.memory_space<hbm>> -> memref<128x64xf32, #tpu.memory_space<hbm>>
    %dma_wait3A_23 = arith.constant 0 : i32
    %dma_wait3A_24 = arith.constant 0 : i32
    %dma_wait3A_25 = tpu.memref_slice %arg2[%dma_wait3A_23, %dma_wait3A_24] : memref<10240x64xf32, #tpu.memory_space<hbm>> -> memref<128x64xf32, #tpu.memory_space<hbm>>
    tpu.wait_dma2 semaphore(%arg15 : memref<!tpu.dma_semaphore, #tpu.memory_space<semaphore_mem>>) src(%dma_wait3A_25 : memref<128x64xf32, #tpu.memory_space<hbm>>) dst(%arg10 : memref<128x64xf32, #tpu.memory_space<vmem>>)
    %dma_wait3A_26 = arith.constant 0 : i32
    %dma_wait3A_27 = arith.constant 0 : i32
    %dma_wait3A_28 = tpu.memref_slice %arg2[%dma_wait3A_26, %dma_wait3A_27] : memref<10240x64xf32, #tpu.memory_space<hbm>> -> memref<128x64xf32, #tpu.memory_space<hbm>>
    %dma_wait3A_29 = arith.constant 0 : i32
    %dma_wait3A_30 = arith.constant 0 : i32
    %dma_wait3A_31 = tpu.memref_slice %arg2[%dma_wait3A_29, %dma_wait3A_30] : memref<10240x64xf32, #tpu.memory_space<hbm>> -> memref<128x64xf32, #tpu.memory_space<hbm>>
    tpu.wait_dma2 semaphore(%arg15 : memref<!tpu.dma_semaphore, #tpu.memory_space<semaphore_mem>>) src(%dma_wait3A_31 : memref<128x64xf32, #tpu.memory_space<hbm>>) dst(%arg11 : memref<128x64xf32, #tpu.memory_space<vmem>>)
    "tpu.region"() ({
      %run_scoped3A = tpu.sem_alloc : memref<!tpu.dma_semaphore, #tpu.memory_space<semaphore_mem>>
      %dma_start3A_65 = arith.constant 40 : i32
      %dma_start3A_66 = arith.constant 0 : i32
      %dma_start3A_67 = tpu.memref_slice %arg3[%add3A, %dma_start3A_65, %dma_start3A_66] : memref<32x80x128xi32, #tpu.memory_space<hbm>> -> memref<1x40x128xi32, #tpu.memory_space<hbm>>
      %dma_start3A_68 = tpu.memref_squeeze %dma_start3A_67 : memref<1x40x128xi32, #tpu.memory_space<hbm>> -> memref<40x128xi32, #tpu.memory_space<hbm>>
      %dma_start3A_69 = arith.constant 40 : i32
      %dma_start3A_70 = arith.constant 0 : i32
      %dma_start3A_71 = tpu.memref_slice %arg3[%add3A, %dma_start3A_69, %dma_start3A_70] : memref<32x80x128xi32, #tpu.memory_space<hbm>> -> memref<1x40x128xi32, #tpu.memory_space<hbm>>
      %dma_start3A_72 = tpu.memref_squeeze %dma_start3A_71 : memref<1x40x128xi32, #tpu.memory_space<hbm>> -> memref<40x128xi32, #tpu.memory_space<hbm>>
      tpu.enqueue_dma source(%dma_start3A_72 : memref<40x128xi32, #tpu.memory_space<hbm>>) target(%arg6 : memref<40x128xi32, #tpu.memory_space<vmem>>) target_semaphore(%run_scoped3A : memref<!tpu.dma_semaphore, #tpu.memory_space<semaphore_mem>>)
      %dma_wait3A_73 = arith.constant 40 : i32
      %dma_wait3A_74 = arith.constant 0 : i32
      %dma_wait3A_75 = tpu.memref_slice %arg3[%add3A, %dma_wait3A_73, %dma_wait3A_74] : memref<32x80x128xi32, #tpu.memory_space<hbm>> -> memref<1x40x128xi32, #tpu.memory_space<hbm>>
      %dma_wait3A_76 = tpu.memref_squeeze %dma_wait3A_75 : memref<1x40x128xi32, #tpu.memory_space<hbm>> -> memref<40x128xi32, #tpu.memory_space<hbm>>
      %dma_wait3A_77 = arith.constant 40 : i32
      %dma_wait3A_78 = arith.constant 0 : i32
      %dma_wait3A_79 = tpu.memref_slice %arg3[%add3A, %dma_wait3A_77, %dma_wait3A_78] : memref<32x80x128xi32, #tpu.memory_space<hbm>> -> memref<1x40x128xi32, #tpu.memory_space<hbm>>
      %dma_wait3A_80 = tpu.memref_squeeze %dma_wait3A_79 : memref<1x40x128xi32, #tpu.memory_space<hbm>> -> memref<40x128xi32, #tpu.memory_space<hbm>>
      tpu.wait_dma2 semaphore(%run_scoped3A : memref<!tpu.dma_semaphore, #tpu.memory_space<semaphore_mem>>) src(%dma_wait3A_80 : memref<40x128xi32, #tpu.memory_space<hbm>>) dst(%arg6 : memref<40x128xi32, #tpu.memory_space<vmem>>)
      tpu.yield
    }) : () -> ()
    "tpu.region"() ({
      %run_scoped3A = tpu.sem_alloc : memref<!tpu.dma_semaphore, #tpu.memory_space<semaphore_mem>>
      %dma_start3A_65 = arith.constant 40 : i32
      %dma_start3A_66 = arith.constant 0 : i32
      %dma_start3A_67 = tpu.memref_slice %arg4[%add3A, %dma_start3A_65, %dma_start3A_66] : memref<32x80x128xi32, #tpu.memory_space<hbm>> -> memref<1x40x128xi32, #tpu.memory_space<hbm>>
      %dma_start3A_68 = tpu.memref_squeeze %dma_start3A_67 : memref<1x40x128xi32, #tpu.memory_space<hbm>> -> memref<40x128xi32, #tpu.memory_space<hbm>>
      %dma_start3A_69 = arith.constant 40 : i32
      %dma_start3A_70 = arith.constant 0 : i32
      %dma_start3A_71 = tpu.memref_slice %arg4[%add3A, %dma_start3A_69, %dma_start3A_70] : memref<32x80x128xi32, #tpu.memory_space<hbm>> -> memref<1x40x128xi32, #tpu.memory_space<hbm>>
      %dma_start3A_72 = tpu.memref_squeeze %dma_start3A_71 : memref<1x40x128xi32, #tpu.memory_space<hbm>> -> memref<40x128xi32, #tpu.memory_space<hbm>>
      tpu.enqueue_dma source(%dma_start3A_72 : memref<40x128xi32, #tpu.memory_space<hbm>>) target(%arg7 : memref<40x128xi32, #tpu.memory_space<vmem>>) target_semaphore(%run_scoped3A : memref<!tpu.dma_semaphore, #tpu.memory_space<semaphore_mem>>)
      %dma_wait3A_73 = arith.constant 40 : i32
      %dma_wait3A_74 = arith.constant 0 : i32
      %dma_wait3A_75 = tpu.memref_slice %arg4[%add3A, %dma_wait3A_73, %dma_wait3A_74] : memref<32x80x128xi32, #tpu.memory_space<hbm>> -> memref<1x40x128xi32, #tpu.memory_space<hbm>>
      %dma_wait3A_76 = tpu.memref_squeeze %dma_wait3A_75 : memref<1x40x128xi32, #tpu.memory_space<hbm>> -> memref<40x128xi32, #tpu.memory_space<hbm>>
      %dma_wait3A_77 = arith.constant 40 : i32
      %dma_wait3A_78 = arith.constant 0 : i32
      %dma_wait3A_79 = tpu.memref_slice %arg4[%add3A, %dma_wait3A_77, %dma_wait3A_78] : memref<32x80x128xi32, #tpu.memory_space<hbm>> -> memref<1x40x128xi32, #tpu.memory_space<hbm>>
      %dma_wait3A_80 = tpu.memref_squeeze %dma_wait3A_79 : memref<1x40x128xi32, #tpu.memory_space<hbm>> -> memref<40x128xi32, #tpu.memory_space<hbm>>
      tpu.wait_dma2 semaphore(%run_scoped3A : memref<!tpu.dma_semaphore, #tpu.memory_space<semaphore_mem>>) src(%dma_wait3A_80 : memref<40x128xi32, #tpu.memory_space<hbm>>) dst(%arg7 : memref<40x128xi32, #tpu.memory_space<vmem>>)
      tpu.yield
    }) : () -> ()
    %dma_start3A_32 = arith.constant 0 : i32
    %dma_start3A_33 = arith.constant 0 : i32
    %dma_start3A_34 = tpu.memref_slice %arg6[%dma_start3A_32, %dma_start3A_33] : memref<40x128xi32, #tpu.memory_space<vmem>> -> memref<1x128xi32, #tpu.memory_space<vmem>>
    %dma_start3A_35 = tpu.memref_squeeze %dma_start3A_34 : memref<1x128xi32, #tpu.memory_space<vmem>> -> memref<128xi32, #tpu.memory_space<vmem>>
    %dma_start3A_36 = arith.constant 0 : i32
    %dma_start3A_37 = arith.constant 0 : i32
    %dma_start3A_38 = tpu.memref_slice %arg12[%dma_start3A_36, %dma_start3A_37] : memref<10240x64xf32, #tpu.memory_space<vmem_shared>> -> memref<10240x64xf32, #tpu.memory_space<vmem_shared>>
    tpu.enqueue_indirect_dma source(%dma_start3A_38 : memref<10240x64xf32, #tpu.memory_space<vmem_shared>>) target(%arg8 : memref<128x64xf32, #tpu.memory_space<vmem>>) offsets(%dma_start3A_35 : memref<128xi32, #tpu.memory_space<vmem>>) semaphore(%arg14 : memref<!tpu.dma_semaphore, #tpu.memory_space<semaphore_mem>>)
    %dma_start3A_39 = arith.constant 1 : i32
    %dma_start3A_40 = arith.constant 0 : i32
    %dma_start3A_41 = tpu.memref_slice %arg6[%dma_start3A_39, %dma_start3A_40] : memref<40x128xi32, #tpu.memory_space<vmem>> -> memref<1x128xi32, #tpu.memory_space<vmem>>
    %dma_start3A_42 = tpu.memref_squeeze %dma_start3A_41 : memref<1x128xi32, #tpu.memory_space<vmem>> -> memref<128xi32, #tpu.memory_space<vmem>>
    %dma_start3A_43 = arith.constant 0 : i32
    %dma_start3A_44 = arith.constant 0 : i32
    %dma_start3A_45 = tpu.memref_slice %arg12[%dma_start3A_43, %dma_start3A_44] : memref<10240x64xf32, #tpu.memory_space<vmem_shared>> -> memref<10240x64xf32, #tpu.memory_space<vmem_shared>>
    tpu.enqueue_indirect_dma source(%dma_start3A_45 : memref<10240x64xf32, #tpu.memory_space<vmem_shared>>) target(%arg9 : memref<128x64xf32, #tpu.memory_space<vmem>>) offsets(%dma_start3A_42 : memref<128xi32, #tpu.memory_space<vmem>>) semaphore(%arg14 : memref<!tpu.dma_semaphore, #tpu.memory_space<semaphore_mem>>)
    %scan3A_46 = arith.constant 0 : i32
    %scan3A_47 = arith.constant 0 : i32
    %scan3A_48 = arith.constant 10 : i32
    %scan3A_49 = arith.addi %scan3A_47, %scan3A_48 : i32
    %scan3A_50 = arith.constant 1 : i32
    scf.for %scan3A_65 = %scan3A_47 to %scan3A_49 step %scan3A_50  : i32 {
      %mul3A_66 = arith.constant 4 : i32
      %mul3A_67 = arith.muli %scan3A_65, %mul3A_66 : i32
      %add3A_68 = arith.constant 0 : i32
      %add3A_69 = arith.addi %mul3A_67, %add3A_68 : i32
      %gt3A = arith.constant 0 : i32
      %gt3A_70 = arith.cmpi sgt, %scan3A_65, %gt3A : i32
      %convert_element_type3A = arith.extui %gt3A_70 : i1 to i32
      %cond3A = arith.constant 0 : i32
      %cond3A_71 = arith.cmpi ne, %convert_element_type3A, %cond3A : i32
      scf.if %cond3A_71 {
        %dma_wait3A_168 = arith.constant 0 : i32
        %dma_wait3A_169 = arith.constant 0 : i32
        %dma_wait3A_170 = tpu.memref_slice %arg2[%dma_wait3A_168, %dma_wait3A_169] : memref<10240x64xf32, #tpu.memory_space<hbm>> -> memref<128x64xf32, #tpu.memory_space<hbm>>
        %dma_wait3A_171 = arith.constant 0 : i32
        %dma_wait3A_172 = arith.constant 0 : i32
        %dma_wait3A_173 = tpu.memref_slice %arg2[%dma_wait3A_171, %dma_wait3A_172] : memref<10240x64xf32, #tpu.memory_space<hbm>> -> memref<128x64xf32, #tpu.memory_space<hbm>>
        tpu.wait_dma2 semaphore(%arg15 : memref<!tpu.dma_semaphore, #tpu.memory_space<semaphore_mem>>) src(%dma_wait3A_173 : memref<128x64xf32, #tpu.memory_space<hbm>>) dst(%arg10 : memref<128x64xf32, #tpu.memory_space<vmem>>)
      } else {
      }
      %add3A_72 = arith.constant 2 : i32
      %add3A_73 = arith.addi %add3A_69, %add3A_72 : i32
      %dma_start3A_74 = arith.constant 0 : i32
      %dma_start3A_75 = tpu.memref_slice %arg6[%add3A_73, %dma_start3A_74] : memref<40x128xi32, #tpu.memory_space<vmem>> -> memref<1x128xi32, #tpu.memory_space<vmem>>
      %dma_start3A_76 = tpu.memref_squeeze %dma_start3A_75 : memref<1x128xi32, #tpu.memory_space<vmem>> -> memref<128xi32, #tpu.memory_space<vmem>>
      %dma_start3A_77 = arith.constant 0 : i32
      %dma_start3A_78 = arith.constant 0 : i32
      %dma_start3A_79 = tpu.memref_slice %arg12[%dma_start3A_77, %dma_start3A_78] : memref<10240x64xf32, #tpu.memory_space<vmem_shared>> -> memref<10240x64xf32, #tpu.memory_space<vmem_shared>>
      tpu.enqueue_indirect_dma source(%dma_start3A_79 : memref<10240x64xf32, #tpu.memory_space<vmem_shared>>) target(%arg10 : memref<128x64xf32, #tpu.memory_space<vmem>>) offsets(%dma_start3A_76 : memref<128xi32, #tpu.memory_space<vmem>>) semaphore(%arg14 : memref<!tpu.dma_semaphore, #tpu.memory_space<semaphore_mem>>)
      %dma_wait3A_80 = arith.constant 0 : i32
      %dma_wait3A_81 = arith.constant 0 : i32
      %dma_wait3A_82 = tpu.memref_slice %arg2[%dma_wait3A_80, %dma_wait3A_81] : memref<10240x64xf32, #tpu.memory_space<hbm>> -> memref<128x64xf32, #tpu.memory_space<hbm>>
      %dma_wait3A_83 = arith.constant 0 : i32
      %dma_wait3A_84 = arith.constant 0 : i32
      %dma_wait3A_85 = tpu.memref_slice %arg2[%dma_wait3A_83, %dma_wait3A_84] : memref<10240x64xf32, #tpu.memory_space<hbm>> -> memref<128x64xf32, #tpu.memory_space<hbm>>
      tpu.wait_dma2 semaphore(%arg14 : memref<!tpu.dma_semaphore, #tpu.memory_space<semaphore_mem>>) src(%dma_wait3A_85 : memref<128x64xf32, #tpu.memory_space<hbm>>) dst(%arg8 : memref<128x64xf32, #tpu.memory_space<vmem>>)
      %dma_start3A_86 = arith.constant 0 : i32
      %dma_start3A_87 = tpu.memref_slice %arg7[%add3A_69, %dma_start3A_86] : memref<40x128xi32, #tpu.memory_space<vmem>> -> memref<1x128xi32, #tpu.memory_space<vmem>>
      %dma_start3A_88 = tpu.memref_squeeze %dma_start3A_87 : memref<1x128xi32, #tpu.memory_space<vmem>> -> memref<128xi32, #tpu.memory_space<vmem>>
      %dma_start3A_89 = arith.constant 0 : i32
      %dma_start3A_90 = arith.constant 0 : i32
      %dma_start3A_91 = tpu.memref_slice %arg13[%dma_start3A_89, %dma_start3A_90] : memref<10240x64xf32, #tpu.memory_space<vmem_shared>> -> memref<10240x64xf32, #tpu.memory_space<vmem_shared>>
      tpu.enqueue_indirect_dma source(%arg8 : memref<128x64xf32, #tpu.memory_space<vmem>>) target(%dma_start3A_91 : memref<10240x64xf32, #tpu.memory_space<vmem_shared>>) offsets(%dma_start3A_88 : memref<128xi32, #tpu.memory_space<vmem>>) semaphore(%arg15 : memref<!tpu.dma_semaphore, #tpu.memory_space<semaphore_mem>>) {add = true}
      %add3A_92 = arith.constant 1 : i32
      %add3A_93 = arith.addi %mul3A_67, %add3A_92 : i32
      %gt3A_94 = arith.constant 0 : i32
      %gt3A_95 = arith.cmpi sgt, %scan3A_65, %gt3A_94 : i32
      %convert_element_type3A_96 = arith.extui %gt3A_95 : i1 to i32
      %cond3A_97 = arith.constant 0 : i32
      %cond3A_98 = arith.cmpi ne, %convert_element_type3A_96, %cond3A_97 : i32
      scf.if %cond3A_98 {
        %dma_wait3A_168 = arith.constant 0 : i32
        %dma_wait3A_169 = arith.constant 0 : i32
        %dma_wait3A_170 = tpu.memref_slice %arg2[%dma_wait3A_168, %dma_wait3A_169] : memref<10240x64xf32, #tpu.memory_space<hbm>> -> memref<128x64xf32, #tpu.memory_space<hbm>>
        %dma_wait3A_171 = arith.constant 0 : i32
        %dma_wait3A_172 = arith.constant 0 : i32
        %dma_wait3A_173 = tpu.memref_slice %arg2[%dma_wait3A_171, %dma_wait3A_172] : memref<10240x64xf32, #tpu.memory_space<hbm>> -> memref<128x64xf32, #tpu.memory_space<hbm>>
        tpu.wait_dma2 semaphore(%arg15 : memref<!tpu.dma_semaphore, #tpu.memory_space<semaphore_mem>>) src(%dma_wait3A_173 : memref<128x64xf32, #tpu.memory_space<hbm>>) dst(%arg11 : memref<128x64xf32, #tpu.memory_space<vmem>>)
      } else {
      }
      %add3A_99 = arith.constant 2 : i32
      %add3A_100 = arith.addi %add3A_93, %add3A_99 : i32
      %dma_start3A_101 = arith.constant 0 : i32
      %dma_start3A_102 = tpu.memref_slice %arg6[%add3A_100, %dma_start3A_101] : memref<40x128xi32, #tpu.memory_space<vmem>> -> memref<1x128xi32, #tpu.memory_space<vmem>>
      %dma_start3A_103 = tpu.memref_squeeze %dma_start3A_102 : memref<1x128xi32, #tpu.memory_space<vmem>> -> memref<128xi32, #tpu.memory_space<vmem>>
      %dma_start3A_104 = arith.constant 0 : i32
      %dma_start3A_105 = arith.constant 0 : i32
      %dma_start3A_106 = tpu.memref_slice %arg12[%dma_start3A_104, %dma_start3A_105] : memref<10240x64xf32, #tpu.memory_space<vmem_shared>> -> memref<10240x64xf32, #tpu.memory_space<vmem_shared>>
      tpu.enqueue_indirect_dma source(%dma_start3A_106 : memref<10240x64xf32, #tpu.memory_space<vmem_shared>>) target(%arg11 : memref<128x64xf32, #tpu.memory_space<vmem>>) offsets(%dma_start3A_103 : memref<128xi32, #tpu.memory_space<vmem>>) semaphore(%arg14 : memref<!tpu.dma_semaphore, #tpu.memory_space<semaphore_mem>>)
      %dma_wait3A_107 = arith.constant 0 : i32
      %dma_wait3A_108 = arith.constant 0 : i32
      %dma_wait3A_109 = tpu.memref_slice %arg2[%dma_wait3A_107, %dma_wait3A_108] : memref<10240x64xf32, #tpu.memory_space<hbm>> -> memref<128x64xf32, #tpu.memory_space<hbm>>
      %dma_wait3A_110 = arith.constant 0 : i32
      %dma_wait3A_111 = arith.constant 0 : i32
      %dma_wait3A_112 = tpu.memref_slice %arg2[%dma_wait3A_110, %dma_wait3A_111] : memref<10240x64xf32, #tpu.memory_space<hbm>> -> memref<128x64xf32, #tpu.memory_space<hbm>>
      tpu.wait_dma2 semaphore(%arg14 : memref<!tpu.dma_semaphore, #tpu.memory_space<semaphore_mem>>) src(%dma_wait3A_112 : memref<128x64xf32, #tpu.memory_space<hbm>>) dst(%arg9 : memref<128x64xf32, #tpu.memory_space<vmem>>)
      %dma_start3A_113 = arith.constant 0 : i32
      %dma_start3A_114 = tpu.memref_slice %arg7[%add3A_93, %dma_start3A_113] : memref<40x128xi32, #tpu.memory_space<vmem>> -> memref<1x128xi32, #tpu.memory_space<vmem>>
      %dma_start3A_115 = tpu.memref_squeeze %dma_start3A_114 : memref<1x128xi32, #tpu.memory_space<vmem>> -> memref<128xi32, #tpu.memory_space<vmem>>
      %dma_start3A_116 = arith.constant 0 : i32
      %dma_start3A_117 = arith.constant 0 : i32
      %dma_start3A_118 = tpu.memref_slice %arg13[%dma_start3A_116, %dma_start3A_117] : memref<10240x64xf32, #tpu.memory_space<vmem_shared>> -> memref<10240x64xf32, #tpu.memory_space<vmem_shared>>
      tpu.enqueue_indirect_dma source(%arg9 : memref<128x64xf32, #tpu.memory_space<vmem>>) target(%dma_start3A_118 : memref<10240x64xf32, #tpu.memory_space<vmem_shared>>) offsets(%dma_start3A_115 : memref<128xi32, #tpu.memory_space<vmem>>) semaphore(%arg15 : memref<!tpu.dma_semaphore, #tpu.memory_space<semaphore_mem>>) {add = true}
      %add3A_119 = arith.constant 2 : i32
      %add3A_120 = arith.addi %mul3A_67, %add3A_119 : i32
      %dma_wait3A_121 = arith.constant 0 : i32
      %dma_wait3A_122 = arith.constant 0 : i32
      %dma_wait3A_123 = tpu.memref_slice %arg2[%dma_wait3A_121, %dma_wait3A_122] : memref<10240x64xf32, #tpu.memory_space<hbm>> -> memref<128x64xf32, #tpu.memory_space<hbm>>
      %dma_wait3A_124 = arith.constant 0 : i32
      %dma_wait3A_125 = arith.constant 0 : i32
      %dma_wait3A_126 = tpu.memref_slice %arg2[%dma_wait3A_124, %dma_wait3A_125] : memref<10240x64xf32, #tpu.memory_space<hbm>> -> memref<128x64xf32, #tpu.memory_space<hbm>>
      tpu.wait_dma2 semaphore(%arg15 : memref<!tpu.dma_semaphore, #tpu.memory_space<semaphore_mem>>) src(%dma_wait3A_126 : memref<128x64xf32, #tpu.memory_space<hbm>>) dst(%arg8 : memref<128x64xf32, #tpu.memory_space<vmem>>)
      %lt3A = arith.constant 9 : i32
      %lt3A_127 = arith.cmpi slt, %scan3A_65, %lt3A : i32
      %convert_element_type3A_128 = arith.extui %lt3A_127 : i1 to i32
      %cond3A_129 = arith.constant 0 : i32
      %cond3A_130 = arith.cmpi ne, %convert_element_type3A_128, %cond3A_129 : i32
      scf.if %cond3A_130 {
        %add3A_168 = arith.constant 2 : i32
        %add3A_169 = arith.addi %add3A_120, %add3A_168 : i32
        %dma_start3A_170 = arith.constant 0 : i32
        %dma_start3A_171 = tpu.memref_slice %arg6[%add3A_169, %dma_start3A_170] : memref<40x128xi32, #tpu.memory_space<vmem>> -> memref<1x128xi32, #tpu.memory_space<vmem>>
        %dma_start3A_172 = tpu.memref_squeeze %dma_start3A_171 : memref<1x128xi32, #tpu.memory_space<vmem>> -> memref<128xi32, #tpu.memory_space<vmem>>
        %dma_start3A_173 = arith.constant 0 : i32
        %dma_start3A_174 = arith.constant 0 : i32
        %dma_start3A_175 = tpu.memref_slice %arg12[%dma_start3A_173, %dma_start3A_174] : memref<10240x64xf32, #tpu.memory_space<vmem_shared>> -> memref<10240x64xf32, #tpu.memory_space<vmem_shared>>
        tpu.enqueue_indirect_dma source(%dma_start3A_175 : memref<10240x64xf32, #tpu.memory_space<vmem_shared>>) target(%arg8 : memref<128x64xf32, #tpu.memory_space<vmem>>) offsets(%dma_start3A_172 : memref<128xi32, #tpu.memory_space<vmem>>) semaphore(%arg14 : memref<!tpu.dma_semaphore, #tpu.memory_space<semaphore_mem>>)
      } else {
      }
      %dma_wait3A_131 = arith.constant 0 : i32
      %dma_wait3A_132 = arith.constant 0 : i32
      %dma_wait3A_133 = tpu.memref_slice %arg2[%dma_wait3A_131, %dma_wait3A_132] : memref<10240x64xf32, #tpu.memory_space<hbm>> -> memref<128x64xf32, #tpu.memory_space<hbm>>
      %dma_wait3A_134 = arith.constant 0 : i32
      %dma_wait3A_135 = arith.constant 0 : i32
      %dma_wait3A_136 = tpu.memref_slice %arg2[%dma_wait3A_134, %dma_wait3A_135] : memref<10240x64xf32, #tpu.memory_space<hbm>> -> memref<128x64xf32, #tpu.memory_space<hbm>>
      tpu.wait_dma2 semaphore(%arg14 : memref<!tpu.dma_semaphore, #tpu.memory_space<semaphore_mem>>) src(%dma_wait3A_136 : memref<128x64xf32, #tpu.memory_space<hbm>>) dst(%arg10 : memref<128x64xf32, #tpu.memory_space<vmem>>)
      %dma_start3A_137 = arith.constant 0 : i32
      %dma_start3A_138 = tpu.memref_slice %arg7[%add3A_120, %dma_start3A_137] : memref<40x128xi32, #tpu.memory_space<vmem>> -> memref<1x128xi32, #tpu.memory_space<vmem>>
      %dma_start3A_139 = tpu.memref_squeeze %dma_start3A_138 : memref<1x128xi32, #tpu.memory_space<vmem>> -> memref<128xi32, #tpu.memory_space<vmem>>
      %dma_start3A_140 = arith.constant 0 : i32
      %dma_start3A_141 = arith.constant 0 : i32
      %dma_start3A_142 = tpu.memref_slice %arg13[%dma_start3A_140, %dma_start3A_141] : memref<10240x64xf32, #tpu.memory_space<vmem_shared>> -> memref<10240x64xf32, #tpu.memory_space<vmem_shared>>
      tpu.enqueue_indirect_dma source(%arg10 : memref<128x64xf32, #tpu.memory_space<vmem>>) target(%dma_start3A_142 : memref<10240x64xf32, #tpu.memory_space<vmem_shared>>) offsets(%dma_start3A_139 : memref<128xi32, #tpu.memory_space<vmem>>) semaphore(%arg15 : memref<!tpu.dma_semaphore, #tpu.memory_space<semaphore_mem>>) {add = true}
      %add3A_143 = arith.constant 3 : i32
      %add3A_144 = arith.addi %mul3A_67, %add3A_143 : i32
      %dma_wait3A_145 = arith.constant 0 : i32
      %dma_wait3A_146 = arith.constant 0 : i32
      %dma_wait3A_147 = tpu.memref_slice %arg2[%dma_wait3A_145, %dma_wait3A_146] : memref<10240x64xf32, #tpu.memory_space<hbm>> -> memref<128x64xf32, #tpu.memory_space<hbm>>
      %dma_wait3A_148 = arith.constant 0 : i32
      %dma_wait3A_149 = arith.constant 0 : i32
      %dma_wait3A_150 = tpu.memref_slice %arg2[%dma_wait3A_148, %dma_wait3A_149] : memref<10240x64xf32, #tpu.memory_space<hbm>> -> memref<128x64xf32, #tpu.memory_space<hbm>>
      tpu.wait_dma2 semaphore(%arg15 : memref<!tpu.dma_semaphore, #tpu.memory_space<semaphore_mem>>) src(%dma_wait3A_150 : memref<128x64xf32, #tpu.memory_space<hbm>>) dst(%arg9 : memref<128x64xf32, #tpu.memory_space<vmem>>)
      %lt3A_151 = arith.constant 9 : i32
      %lt3A_152 = arith.cmpi slt, %scan3A_65, %lt3A_151 : i32
      %convert_element_type3A_153 = arith.extui %lt3A_152 : i1 to i32
      %cond3A_154 = arith.constant 0 : i32
      %cond3A_155 = arith.cmpi ne, %convert_element_type3A_153, %cond3A_154 : i32
      scf.if %cond3A_155 {
        %add3A_168 = arith.constant 2 : i32
        %add3A_169 = arith.addi %add3A_144, %add3A_168 : i32
        %dma_start3A_170 = arith.constant 0 : i32
        %dma_start3A_171 = tpu.memref_slice %arg6[%add3A_169, %dma_start3A_170] : memref<40x128xi32, #tpu.memory_space<vmem>> -> memref<1x128xi32, #tpu.memory_space<vmem>>
        %dma_start3A_172 = tpu.memref_squeeze %dma_start3A_171 : memref<1x128xi32, #tpu.memory_space<vmem>> -> memref<128xi32, #tpu.memory_space<vmem>>
        %dma_start3A_173 = arith.constant 0 : i32
        %dma_start3A_174 = arith.constant 0 : i32
        %dma_start3A_175 = tpu.memref_slice %arg12[%dma_start3A_173, %dma_start3A_174] : memref<10240x64xf32, #tpu.memory_space<vmem_shared>> -> memref<10240x64xf32, #tpu.memory_space<vmem_shared>>
        tpu.enqueue_indirect_dma source(%dma_start3A_175 : memref<10240x64xf32, #tpu.memory_space<vmem_shared>>) target(%arg9 : memref<128x64xf32, #tpu.memory_space<vmem>>) offsets(%dma_start3A_172 : memref<128xi32, #tpu.memory_space<vmem>>) semaphore(%arg14 : memref<!tpu.dma_semaphore, #tpu.memory_space<semaphore_mem>>)
      } else {
      }
      %dma_wait3A_156 = arith.constant 0 : i32
      %dma_wait3A_157 = arith.constant 0 : i32
      %dma_wait3A_158 = tpu.memref_slice %arg2[%dma_wait3A_156, %dma_wait3A_157] : memref<10240x64xf32, #tpu.memory_space<hbm>> -> memref<128x64xf32, #tpu.memory_space<hbm>>
      %dma_wait3A_159 = arith.constant 0 : i32
      %dma_wait3A_160 = arith.constant 0 : i32
      %dma_wait3A_161 = tpu.memref_slice %arg2[%dma_wait3A_159, %dma_wait3A_160] : memref<10240x64xf32, #tpu.memory_space<hbm>> -> memref<128x64xf32, #tpu.memory_space<hbm>>
      tpu.wait_dma2 semaphore(%arg14 : memref<!tpu.dma_semaphore, #tpu.memory_space<semaphore_mem>>) src(%dma_wait3A_161 : memref<128x64xf32, #tpu.memory_space<hbm>>) dst(%arg11 : memref<128x64xf32, #tpu.memory_space<vmem>>)
      %dma_start3A_162 = arith.constant 0 : i32
      %dma_start3A_163 = tpu.memref_slice %arg7[%add3A_144, %dma_start3A_162] : memref<40x128xi32, #tpu.memory_space<vmem>> -> memref<1x128xi32, #tpu.memory_space<vmem>>
      %dma_start3A_164 = tpu.memref_squeeze %dma_start3A_163 : memref<1x128xi32, #tpu.memory_space<vmem>> -> memref<128xi32, #tpu.memory_space<vmem>>
      %dma_start3A_165 = arith.constant 0 : i32
      %dma_start3A_166 = arith.constant 0 : i32
      %dma_start3A_167 = tpu.memref_slice %arg13[%dma_start3A_165, %dma_start3A_166] : memref<10240x64xf32, #tpu.memory_space<vmem_shared>> -> memref<10240x64xf32, #tpu.memory_space<vmem_shared>>
      tpu.enqueue_indirect_dma source(%arg11 : memref<128x64xf32, #tpu.memory_space<vmem>>) target(%dma_start3A_167 : memref<10240x64xf32, #tpu.memory_space<vmem_shared>>) offsets(%dma_start3A_164 : memref<128xi32, #tpu.memory_space<vmem>>) semaphore(%arg15 : memref<!tpu.dma_semaphore, #tpu.memory_space<semaphore_mem>>) {add = true}
    }
    %scan3A_51 = arith.constant 10 : i32
    %dma_wait3A_52 = arith.constant 0 : i32
    %dma_wait3A_53 = arith.constant 0 : i32
    %dma_wait3A_54 = tpu.memref_slice %arg2[%dma_wait3A_52, %dma_wait3A_53] : memref<10240x64xf32, #tpu.memory_space<hbm>> -> memref<128x64xf32, #tpu.memory_space<hbm>>
    %dma_wait3A_55 = arith.constant 0 : i32
    %dma_wait3A_56 = arith.constant 0 : i32
    %dma_wait3A_57 = tpu.memref_slice %arg2[%dma_wait3A_55, %dma_wait3A_56] : memref<10240x64xf32, #tpu.memory_space<hbm>> -> memref<128x64xf32, #tpu.memory_space<hbm>>
    tpu.wait_dma2 semaphore(%arg15 : memref<!tpu.dma_semaphore, #tpu.memory_space<semaphore_mem>>) src(%dma_wait3A_57 : memref<128x64xf32, #tpu.memory_space<hbm>>) dst(%arg10 : memref<128x64xf32, #tpu.memory_space<vmem>>)
    %dma_wait3A_58 = arith.constant 0 : i32
    %dma_wait3A_59 = arith.constant 0 : i32
    %dma_wait3A_60 = tpu.memref_slice %arg2[%dma_wait3A_58, %dma_wait3A_59] : memref<10240x64xf32, #tpu.memory_space<hbm>> -> memref<128x64xf32, #tpu.memory_space<hbm>>
    %dma_wait3A_61 = arith.constant 0 : i32
    %dma_wait3A_62 = arith.constant 0 : i32
    %dma_wait3A_63 = tpu.memref_slice %arg2[%dma_wait3A_61, %dma_wait3A_62] : memref<10240x64xf32, #tpu.memory_space<hbm>> -> memref<128x64xf32, #tpu.memory_space<hbm>>
    tpu.wait_dma2 semaphore(%arg15 : memref<!tpu.dma_semaphore, #tpu.memory_space<semaphore_mem>>) src(%dma_wait3A_63 : memref<128x64xf32, #tpu.memory_space<hbm>>) dst(%arg11 : memref<128x64xf32, #tpu.memory_space<vmem>>)
    %barrier3A_64 = arith.constant 0 : index
    tpu.barrier barrier_id(%barrier3A_64)
    "tpu.region"() ({
      %run_scoped3A = tpu.sem_alloc : memref<!tpu.dma_semaphore, #tpu.memory_space<semaphore_mem>>
      %dma_start3A_65 = arith.constant 0 : i32
      %dma_start3A_66 = tpu.memref_slice %arg5[%arg0, %mul3A_2, %dma_start3A_65] : memref<2x10240x64xf32, #tpu.memory_space<hbm>> -> memref<1x640x64xf32, #tpu.memory_space<hbm>>
      %dma_start3A_67 = tpu.memref_squeeze %dma_start3A_66 : memref<1x640x64xf32, #tpu.memory_space<hbm>> -> memref<640x64xf32, #tpu.memory_space<hbm>>
      %dma_start3A_68 = arith.constant 0 : i32
      %dma_start3A_69 = tpu.memref_slice %arg13[%mul3A_2, %dma_start3A_68] : memref<10240x64xf32, #tpu.memory_space<vmem_shared>> -> memref<640x64xf32, #tpu.memory_space<vmem_shared>>
      tpu.enqueue_dma source(%dma_start3A_69 : memref<640x64xf32, #tpu.memory_space<vmem_shared>>) target(%dma_start3A_67 : memref<640x64xf32, #tpu.memory_space<hbm>>) target_semaphore(%run_scoped3A : memref<!tpu.dma_semaphore, #tpu.memory_space<semaphore_mem>>)
      %dma_wait3A_70 = arith.constant 0 : i32
      %dma_wait3A_71 = tpu.memref_slice %arg5[%arg0, %mul3A_2, %dma_wait3A_70] : memref<2x10240x64xf32, #tpu.memory_space<hbm>> -> memref<1x640x64xf32, #tpu.memory_space<hbm>>
      %dma_wait3A_72 = tpu.memref_squeeze %dma_wait3A_71 : memref<1x640x64xf32, #tpu.memory_space<hbm>> -> memref<640x64xf32, #tpu.memory_space<hbm>>
      %dma_wait3A_73 = arith.constant 0 : i32
      %dma_wait3A_74 = tpu.memref_slice %arg13[%mul3A_2, %dma_wait3A_73] : memref<10240x64xf32, #tpu.memory_space<vmem_shared>> -> memref<640x64xf32, #tpu.memory_space<vmem_shared>>
      tpu.wait_dma2 semaphore(%run_scoped3A : memref<!tpu.dma_semaphore, #tpu.memory_space<semaphore_mem>>) src(%dma_wait3A_74 : memref<640x64xf32, #tpu.memory_space<vmem_shared>>) dst(%dma_wait3A_72 : memref<640x64xf32, #tpu.memory_space<hbm>>)
      tpu.yield
    }) : () -> ()
    return
  }
}

#map = affine_map<(d0, d1) -> (0, 0, 0)>
module attributes {stable_mosaic.version = 14 : i64} {
  func.func @k(%arg0: i32, %arg1: i32, %arg2: memref<2x10240x64xf32, #tpu.memory_space<hbm>>, %arg3: memref<16x160x128xi32, #tpu.memory_space<hbm>>, %arg4: memref<16x160x128xi32, #tpu.memory_space<hbm>>, %arg5: memref<2x10240x64xf32, #tpu.memory_space<hbm>>, %arg6: memref<40x128xi32, #tpu.memory_space<vmem>>, %arg7: memref<40x128xi32, #tpu.memory_space<vmem>>, %arg8: memref<128x64xf32, #tpu.memory_space<vmem>>, %arg9: memref<128x64xf32, #tpu.memory_space<vmem>>, %arg10: memref<128x64xf32, #tpu.memory_space<vmem>>, %arg11: memref<128x64xf32, #tpu.memory_space<vmem>>, %arg12: memref<10240x64xf32, #tpu.memory_space<vmem_shared>>, %arg13: memref<10240x64xf32, #tpu.memory_space<vmem_shared>>, %arg14: memref<!tpu.dma_semaphore, #tpu.memory_space<semaphore_mem>>, %arg15: memref<!tpu.dma_semaphore, #tpu.memory_space<semaphore_mem>>) attributes {dimension_semantics = [#tpu.dimension_semantics<core_parallel>, #tpu.dimension_semantics<subcore_parallel>], iteration_bounds = array<i64: 2, 16>, scalar_prefetch = 0 : i64, scratch_operands = 10 : i64, tpu.core_type = #tpu.core_type<sc_vector_subcore>, window_params = [{transform_indices = #map}, {transform_indices = #map}, {transform_indices = #map}, {transform_indices = #map}]} {
    %mul3A = arith.constant 640 : i32
    %mul3A_0 = arith.muli %arg1, %mul3A : i32
    "tpu.region"() ({
      %run_scoped3A = tpu.sem_alloc : memref<!tpu.dma_semaphore, #tpu.memory_space<semaphore_mem>>
      %dma_start3A_203 = arith.constant 0 : i32
      %dma_start3A_204 = tpu.memref_slice %arg12[%mul3A_0, %dma_start3A_203] : memref<10240x64xf32, #tpu.memory_space<vmem_shared>> -> memref<640x64xf32, #tpu.memory_space<vmem_shared>>
      %dma_start3A_205 = arith.constant 0 : i32
      %dma_start3A_206 = tpu.memref_slice %arg2[%arg0, %mul3A_0, %dma_start3A_205] : memref<2x10240x64xf32, #tpu.memory_space<hbm>> -> memref<1x640x64xf32, #tpu.memory_space<hbm>>
      %dma_start3A_207 = tpu.memref_squeeze %dma_start3A_206 : memref<1x640x64xf32, #tpu.memory_space<hbm>> -> memref<640x64xf32, #tpu.memory_space<hbm>>
      tpu.enqueue_dma source(%dma_start3A_207 : memref<640x64xf32, #tpu.memory_space<hbm>>) target(%dma_start3A_204 : memref<640x64xf32, #tpu.memory_space<vmem_shared>>) target_semaphore(%run_scoped3A : memref<!tpu.dma_semaphore, #tpu.memory_space<semaphore_mem>>)
      %dma_wait3A_208 = arith.constant 0 : i32
      %dma_wait3A_209 = tpu.memref_slice %arg12[%mul3A_0, %dma_wait3A_208] : memref<10240x64xf32, #tpu.memory_space<vmem_shared>> -> memref<640x64xf32, #tpu.memory_space<vmem_shared>>
      %dma_wait3A_210 = arith.constant 0 : i32
      %dma_wait3A_211 = tpu.memref_slice %arg2[%arg0, %mul3A_0, %dma_wait3A_210] : memref<2x10240x64xf32, #tpu.memory_space<hbm>> -> memref<1x640x64xf32, #tpu.memory_space<hbm>>
      %dma_wait3A_212 = tpu.memref_squeeze %dma_wait3A_211 : memref<1x640x64xf32, #tpu.memory_space<hbm>> -> memref<640x64xf32, #tpu.memory_space<hbm>>
      tpu.wait_dma2 semaphore(%run_scoped3A : memref<!tpu.dma_semaphore, #tpu.memory_space<semaphore_mem>>) src(%dma_wait3A_212 : memref<640x64xf32, #tpu.memory_space<hbm>>) dst(%dma_wait3A_209 : memref<640x64xf32, #tpu.memory_space<vmem_shared>>)
      tpu.yield
    }) : () -> ()
    "tpu.region"() ({
      %run_scoped3A = tpu.sem_alloc : memref<!tpu.dma_semaphore, #tpu.memory_space<semaphore_mem>>
      %dma_start3A_203 = arith.constant 0 : i32
      %dma_start3A_204 = tpu.memref_slice %arg13[%mul3A_0, %dma_start3A_203] : memref<10240x64xf32, #tpu.memory_space<vmem_shared>> -> memref<640x64xf32, #tpu.memory_space<vmem_shared>>
      %dma_start3A_205 = arith.constant 0 : i32
      %dma_start3A_206 = tpu.memref_slice %arg2[%arg0, %mul3A_0, %dma_start3A_205] : memref<2x10240x64xf32, #tpu.memory_space<hbm>> -> memref<1x640x64xf32, #tpu.memory_space<hbm>>
      %dma_start3A_207 = tpu.memref_squeeze %dma_start3A_206 : memref<1x640x64xf32, #tpu.memory_space<hbm>> -> memref<640x64xf32, #tpu.memory_space<hbm>>
      tpu.enqueue_dma source(%dma_start3A_207 : memref<640x64xf32, #tpu.memory_space<hbm>>) target(%dma_start3A_204 : memref<640x64xf32, #tpu.memory_space<vmem_shared>>) target_semaphore(%run_scoped3A : memref<!tpu.dma_semaphore, #tpu.memory_space<semaphore_mem>>)
      %dma_wait3A_208 = arith.constant 0 : i32
      %dma_wait3A_209 = tpu.memref_slice %arg13[%mul3A_0, %dma_wait3A_208] : memref<10240x64xf32, #tpu.memory_space<vmem_shared>> -> memref<640x64xf32, #tpu.memory_space<vmem_shared>>
      %dma_wait3A_210 = arith.constant 0 : i32
      %dma_wait3A_211 = tpu.memref_slice %arg2[%arg0, %mul3A_0, %dma_wait3A_210] : memref<2x10240x64xf32, #tpu.memory_space<hbm>> -> memref<1x640x64xf32, #tpu.memory_space<hbm>>
      %dma_wait3A_212 = tpu.memref_squeeze %dma_wait3A_211 : memref<1x640x64xf32, #tpu.memory_space<hbm>> -> memref<640x64xf32, #tpu.memory_space<hbm>>
      tpu.wait_dma2 semaphore(%run_scoped3A : memref<!tpu.dma_semaphore, #tpu.memory_space<semaphore_mem>>) src(%dma_wait3A_212 : memref<640x64xf32, #tpu.memory_space<hbm>>) dst(%dma_wait3A_209 : memref<640x64xf32, #tpu.memory_space<vmem_shared>>)
      tpu.yield
    }) : () -> ()
    %barrier3A = arith.constant 0 : index
    tpu.barrier barrier_id(%barrier3A)
    "tpu.region"() ({
      %run_scoped3A = tpu.sem_alloc : memref<!tpu.dma_semaphore, #tpu.memory_space<semaphore_mem>>
      %dma_start3A_203 = arith.constant 0 : i32
      %dma_start3A_204 = arith.constant 0 : i32
      %dma_start3A_205 = tpu.memref_slice %arg3[%arg1, %dma_start3A_203, %dma_start3A_204] : memref<16x160x128xi32, #tpu.memory_space<hbm>> -> memref<1x40x128xi32, #tpu.memory_space<hbm>>
      %dma_start3A_206 = tpu.memref_squeeze %dma_start3A_205 : memref<1x40x128xi32, #tpu.memory_space<hbm>> -> memref<40x128xi32, #tpu.memory_space<hbm>>
      %dma_start3A_207 = arith.constant 0 : i32
      %dma_start3A_208 = arith.constant 0 : i32
      %dma_start3A_209 = tpu.memref_slice %arg3[%arg1, %dma_start3A_207, %dma_start3A_208] : memref<16x160x128xi32, #tpu.memory_space<hbm>> -> memref<1x40x128xi32, #tpu.memory_space<hbm>>
      %dma_start3A_210 = tpu.memref_squeeze %dma_start3A_209 : memref<1x40x128xi32, #tpu.memory_space<hbm>> -> memref<40x128xi32, #tpu.memory_space<hbm>>
      tpu.enqueue_dma source(%dma_start3A_210 : memref<40x128xi32, #tpu.memory_space<hbm>>) target(%arg6 : memref<40x128xi32, #tpu.memory_space<vmem>>) target_semaphore(%run_scoped3A : memref<!tpu.dma_semaphore, #tpu.memory_space<semaphore_mem>>)
      %dma_wait3A_211 = arith.constant 0 : i32
      %dma_wait3A_212 = arith.constant 0 : i32
      %dma_wait3A_213 = tpu.memref_slice %arg3[%arg1, %dma_wait3A_211, %dma_wait3A_212] : memref<16x160x128xi32, #tpu.memory_space<hbm>> -> memref<1x40x128xi32, #tpu.memory_space<hbm>>
      %dma_wait3A_214 = tpu.memref_squeeze %dma_wait3A_213 : memref<1x40x128xi32, #tpu.memory_space<hbm>> -> memref<40x128xi32, #tpu.memory_space<hbm>>
      %dma_wait3A_215 = arith.constant 0 : i32
      %dma_wait3A_216 = arith.constant 0 : i32
      %dma_wait3A_217 = tpu.memref_slice %arg3[%arg1, %dma_wait3A_215, %dma_wait3A_216] : memref<16x160x128xi32, #tpu.memory_space<hbm>> -> memref<1x40x128xi32, #tpu.memory_space<hbm>>
      %dma_wait3A_218 = tpu.memref_squeeze %dma_wait3A_217 : memref<1x40x128xi32, #tpu.memory_space<hbm>> -> memref<40x128xi32, #tpu.memory_space<hbm>>
      tpu.wait_dma2 semaphore(%run_scoped3A : memref<!tpu.dma_semaphore, #tpu.memory_space<semaphore_mem>>) src(%dma_wait3A_218 : memref<40x128xi32, #tpu.memory_space<hbm>>) dst(%arg6 : memref<40x128xi32, #tpu.memory_space<vmem>>)
      tpu.yield
    }) : () -> ()
    "tpu.region"() ({
      %run_scoped3A = tpu.sem_alloc : memref<!tpu.dma_semaphore, #tpu.memory_space<semaphore_mem>>
      %dma_start3A_203 = arith.constant 0 : i32
      %dma_start3A_204 = arith.constant 0 : i32
      %dma_start3A_205 = tpu.memref_slice %arg4[%arg1, %dma_start3A_203, %dma_start3A_204] : memref<16x160x128xi32, #tpu.memory_space<hbm>> -> memref<1x40x128xi32, #tpu.memory_space<hbm>>
      %dma_start3A_206 = tpu.memref_squeeze %dma_start3A_205 : memref<1x40x128xi32, #tpu.memory_space<hbm>> -> memref<40x128xi32, #tpu.memory_space<hbm>>
      %dma_start3A_207 = arith.constant 0 : i32
      %dma_start3A_208 = arith.constant 0 : i32
      %dma_start3A_209 = tpu.memref_slice %arg4[%arg1, %dma_start3A_207, %dma_start3A_208] : memref<16x160x128xi32, #tpu.memory_space<hbm>> -> memref<1x40x128xi32, #tpu.memory_space<hbm>>
      %dma_start3A_210 = tpu.memref_squeeze %dma_start3A_209 : memref<1x40x128xi32, #tpu.memory_space<hbm>> -> memref<40x128xi32, #tpu.memory_space<hbm>>
      tpu.enqueue_dma source(%dma_start3A_210 : memref<40x128xi32, #tpu.memory_space<hbm>>) target(%arg7 : memref<40x128xi32, #tpu.memory_space<vmem>>) target_semaphore(%run_scoped3A : memref<!tpu.dma_semaphore, #tpu.memory_space<semaphore_mem>>)
      %dma_wait3A_211 = arith.constant 0 : i32
      %dma_wait3A_212 = arith.constant 0 : i32
      %dma_wait3A_213 = tpu.memref_slice %arg4[%arg1, %dma_wait3A_211, %dma_wait3A_212] : memref<16x160x128xi32, #tpu.memory_space<hbm>> -> memref<1x40x128xi32, #tpu.memory_space<hbm>>
      %dma_wait3A_214 = tpu.memref_squeeze %dma_wait3A_213 : memref<1x40x128xi32, #tpu.memory_space<hbm>> -> memref<40x128xi32, #tpu.memory_space<hbm>>
      %dma_wait3A_215 = arith.constant 0 : i32
      %dma_wait3A_216 = arith.constant 0 : i32
      %dma_wait3A_217 = tpu.memref_slice %arg4[%arg1, %dma_wait3A_215, %dma_wait3A_216] : memref<16x160x128xi32, #tpu.memory_space<hbm>> -> memref<1x40x128xi32, #tpu.memory_space<hbm>>
      %dma_wait3A_218 = tpu.memref_squeeze %dma_wait3A_217 : memref<1x40x128xi32, #tpu.memory_space<hbm>> -> memref<40x128xi32, #tpu.memory_space<hbm>>
      tpu.wait_dma2 semaphore(%run_scoped3A : memref<!tpu.dma_semaphore, #tpu.memory_space<semaphore_mem>>) src(%dma_wait3A_218 : memref<40x128xi32, #tpu.memory_space<hbm>>) dst(%arg7 : memref<40x128xi32, #tpu.memory_space<vmem>>)
      tpu.yield
    }) : () -> ()
    %dma_start3A = arith.constant 0 : i32
    %dma_start3A_1 = arith.constant 0 : i32
    %dma_start3A_2 = tpu.memref_slice %arg6[%dma_start3A, %dma_start3A_1] : memref<40x128xi32, #tpu.memory_space<vmem>> -> memref<1x128xi32, #tpu.memory_space<vmem>>
    %dma_start3A_3 = tpu.memref_squeeze %dma_start3A_2 : memref<1x128xi32, #tpu.memory_space<vmem>> -> memref<128xi32, #tpu.memory_space<vmem>>
    %dma_start3A_4 = arith.constant 0 : i32
    %dma_start3A_5 = arith.constant 0 : i32
    %dma_start3A_6 = tpu.memref_slice %arg12[%dma_start3A_4, %dma_start3A_5] : memref<10240x64xf32, #tpu.memory_space<vmem_shared>> -> memref<10240x64xf32, #tpu.memory_space<vmem_shared>>
    tpu.enqueue_indirect_dma source(%dma_start3A_6 : memref<10240x64xf32, #tpu.memory_space<vmem_shared>>) target(%arg8 : memref<128x64xf32, #tpu.memory_space<vmem>>) offsets(%dma_start3A_3 : memref<128xi32, #tpu.memory_space<vmem>>) semaphore(%arg14 : memref<!tpu.dma_semaphore, #tpu.memory_space<semaphore_mem>>)
    %dma_start3A_7 = arith.constant 1 : i32
    %dma_start3A_8 = arith.constant 0 : i32
    %dma_start3A_9 = tpu.memref_slice %arg6[%dma_start3A_7, %dma_start3A_8] : memref<40x128xi32, #tpu.memory_space<vmem>> -> memref<1x128xi32, #tpu.memory_space<vmem>>
    %dma_start3A_10 = tpu.memref_squeeze %dma_start3A_9 : memref<1x128xi32, #tpu.memory_space<vmem>> -> memref<128xi32, #tpu.memory_space<vmem>>
    %dma_start3A_11 = arith.constant 0 : i32
    %dma_start3A_12 = arith.constant 0 : i32
    %dma_start3A_13 = tpu.memref_slice %arg12[%dma_start3A_11, %dma_start3A_12] : memref<10240x64xf32, #tpu.memory_space<vmem_shared>> -> memref<10240x64xf32, #tpu.memory_space<vmem_shared>>
    tpu.enqueue_indirect_dma source(%dma_start3A_13 : memref<10240x64xf32, #tpu.memory_space<vmem_shared>>) target(%arg9 : memref<128x64xf32, #tpu.memory_space<vmem>>) offsets(%dma_start3A_10 : memref<128xi32, #tpu.memory_space<vmem>>) semaphore(%arg14 : memref<!tpu.dma_semaphore, #tpu.memory_space<semaphore_mem>>)
    %scan3A = arith.constant 0 : i32
    %scan3A_14 = arith.constant 0 : i32
    %scan3A_15 = arith.constant 0 : i32
    %scan3A_16 = arith.constant 10 : i32
    %scan3A_17 = arith.addi %scan3A_15, %scan3A_16 : i32
    %scan3A_18 = arith.constant 1 : i32
    scf.for %scan3A_203 = %scan3A_15 to %scan3A_17 step %scan3A_18  : i32 {
      %mul3A_204 = arith.constant 4 : i32
      %mul3A_205 = arith.muli %scan3A_203, %mul3A_204 : i32
      %add3A = arith.constant 0 : i32
      %add3A_206 = arith.addi %mul3A_205, %add3A : i32
      %gt3A = arith.constant 0 : i32
      %gt3A_207 = arith.cmpi sgt, %scan3A_203, %gt3A : i32
      %convert_element_type3A = arith.extui %gt3A_207 : i1 to i32
      %cond3A = arith.constant 0 : i32
      %cond3A_208 = arith.cmpi ne, %convert_element_type3A, %cond3A : i32
      scf.if %cond3A_208 {
        %dma_wait3A_353 = arith.constant 0 : i32
        %dma_wait3A_354 = arith.constant 0 : i32
        %dma_wait3A_355 = tpu.memref_slice %arg2[%scan3A_14, %dma_wait3A_353, %dma_wait3A_354] : memref<2x10240x64xf32, #tpu.memory_space<hbm>> -> memref<1x10240x64xf32, #tpu.memory_space<hbm>>
        %dma_wait3A_356 = tpu.memref_squeeze %dma_wait3A_355 : memref<1x10240x64xf32, #tpu.memory_space<hbm>> -> memref<10240x64xf32, #tpu.memory_space<hbm>>
        %dma_wait3A_357 = arith.constant 0 : i32
        %dma_wait3A_358 = arith.constant 0 : i32
        %dma_wait3A_359 = tpu.memref_slice %dma_wait3A_356[%dma_wait3A_357, %dma_wait3A_358] : memref<10240x64xf32, #tpu.memory_space<hbm>> -> memref<128x64xf32, #tpu.memory_space<hbm>>
        %dma_wait3A_360 = arith.constant 0 : i32
        %dma_wait3A_361 = arith.constant 0 : i32
        %dma_wait3A_362 = tpu.memref_slice %arg2[%scan3A_14, %dma_wait3A_360, %dma_wait3A_361] : memref<2x10240x64xf32, #tpu.memory_space<hbm>> -> memref<1x10240x64xf32, #tpu.memory_space<hbm>>
        %dma_wait3A_363 = tpu.memref_squeeze %dma_wait3A_362 : memref<1x10240x64xf32, #tpu.memory_space<hbm>> -> memref<10240x64xf32, #tpu.memory_space<hbm>>
        %dma_wait3A_364 = arith.constant 0 : i32
        %dma_wait3A_365 = arith.constant 0 : i32
        %dma_wait3A_366 = tpu.memref_slice %dma_wait3A_363[%dma_wait3A_364, %dma_wait3A_365] : memref<10240x64xf32, #tpu.memory_space<hbm>> -> memref<128x64xf32, #tpu.memory_space<hbm>>
        tpu.wait_dma2 semaphore(%arg15 : memref<!tpu.dma_semaphore, #tpu.memory_space<semaphore_mem>>) src(%dma_wait3A_366 : memref<128x64xf32, #tpu.memory_space<hbm>>) dst(%arg10 : memref<128x64xf32, #tpu.memory_space<vmem>>)
      } else {
      }
      %add3A_209 = arith.constant 2 : i32
      %add3A_210 = arith.addi %add3A_206, %add3A_209 : i32
      %dma_start3A_211 = arith.constant 0 : i32
      %dma_start3A_212 = tpu.memref_slice %arg6[%add3A_210, %dma_start3A_211] : memref<40x128xi32, #tpu.memory_space<vmem>> -> memref<1x128xi32, #tpu.memory_space<vmem>>
      %dma_start3A_213 = tpu.memref_squeeze %dma_start3A_212 : memref<1x128xi32, #tpu.memory_space<vmem>> -> memref<128xi32, #tpu.memory_space<vmem>>
      %dma_start3A_214 = arith.constant 0 : i32
      %dma_start3A_215 = arith.constant 0 : i32
      %dma_start3A_216 = tpu.memref_slice %arg12[%dma_start3A_214, %dma_start3A_215] : memref<10240x64xf32, #tpu.memory_space<vmem_shared>> -> memref<10240x64xf32, #tpu.memory_space<vmem_shared>>
      tpu.enqueue_indirect_dma source(%dma_start3A_216 : memref<10240x64xf32, #tpu.memory_space<vmem_shared>>) target(%arg10 : memref<128x64xf32, #tpu.memory_space<vmem>>) offsets(%dma_start3A_213 : memref<128xi32, #tpu.memory_space<vmem>>) semaphore(%arg14 : memref<!tpu.dma_semaphore, #tpu.memory_space<semaphore_mem>>)
      %dma_wait3A_217 = arith.constant 0 : i32
      %dma_wait3A_218 = arith.constant 0 : i32
      %dma_wait3A_219 = tpu.memref_slice %arg2[%scan3A_14, %dma_wait3A_217, %dma_wait3A_218] : memref<2x10240x64xf32, #tpu.memory_space<hbm>> -> memref<1x10240x64xf32, #tpu.memory_space<hbm>>
      %dma_wait3A_220 = tpu.memref_squeeze %dma_wait3A_219 : memref<1x10240x64xf32, #tpu.memory_space<hbm>> -> memref<10240x64xf32, #tpu.memory_space<hbm>>
      %dma_wait3A_221 = arith.constant 0 : i32
      %dma_wait3A_222 = arith.constant 0 : i32
      %dma_wait3A_223 = tpu.memref_slice %dma_wait3A_220[%dma_wait3A_221, %dma_wait3A_222] : memref<10240x64xf32, #tpu.memory_space<hbm>> -> memref<128x64xf32, #tpu.memory_space<hbm>>
      %dma_wait3A_224 = arith.constant 0 : i32
      %dma_wait3A_225 = arith.constant 0 : i32
      %dma_wait3A_226 = tpu.memref_slice %arg2[%scan3A_14, %dma_wait3A_224, %dma_wait3A_225] : memref<2x10240x64xf32, #tpu.memory_space<hbm>> -> memref<1x10240x64xf32, #tpu.memory_space<hbm>>
      %dma_wait3A_227 = tpu.memref_squeeze %dma_wait3A_226 : memref<1x10240x64xf32, #tpu.memory_space<hbm>> -> memref<10240x64xf32, #tpu.memory_space<hbm>>
      %dma_wait3A_228 = arith.constant 0 : i32
      %dma_wait3A_229 = arith.constant 0 : i32
      %dma_wait3A_230 = tpu.memref_slice %dma_wait3A_227[%dma_wait3A_228, %dma_wait3A_229] : memref<10240x64xf32, #tpu.memory_space<hbm>> -> memref<128x64xf32, #tpu.memory_space<hbm>>
      tpu.wait_dma2 semaphore(%arg14 : memref<!tpu.dma_semaphore, #tpu.memory_space<semaphore_mem>>) src(%dma_wait3A_230 : memref<128x64xf32, #tpu.memory_space<hbm>>) dst(%arg8 : memref<128x64xf32, #tpu.memory_space<vmem>>)
      %dma_start3A_231 = arith.constant 0 : i32
      %dma_start3A_232 = tpu.memref_slice %arg7[%add3A_206, %dma_start3A_231] : memref<40x128xi32, #tpu.memory_space<vmem>> -> memref<1x128xi32, #tpu.memory_space<vmem>>
      %dma_start3A_233 = tpu.memref_squeeze %dma_start3A_232 : memref<1x128xi32, #tpu.memory_space<vmem>> -> memref<128xi32, #tpu.memory_space<vmem>>
      %dma_start3A_234 = arith.constant 0 : i32
      %dma_start3A_235 = arith.constant 0 : i32
      %dma_start3A_236 = tpu.memref_slice %arg13[%dma_start3A_234, %dma_start3A_235] : memref<10240x64xf32, #tpu.memory_space<vmem_shared>> -> memref<10240x64xf32, #tpu.memory_space<vmem_shared>>
      tpu.enqueue_indirect_dma source(%arg8 : memref<128x64xf32, #tpu.memory_space<vmem>>) target(%dma_start3A_236 : memref<10240x64xf32, #tpu.memory_space<vmem_shared>>) offsets(%dma_start3A_233 : memref<128xi32, #tpu.memory_space<vmem>>) semaphore(%arg15 : memref<!tpu.dma_semaphore, #tpu.memory_space<semaphore_mem>>) {add = true}
      %add3A_237 = arith.constant 1 : i32
      %add3A_238 = arith.addi %mul3A_205, %add3A_237 : i32
      %gt3A_239 = arith.constant 0 : i32
      %gt3A_240 = arith.cmpi sgt, %scan3A_203, %gt3A_239 : i32
      %convert_element_type3A_241 = arith.extui %gt3A_240 : i1 to i32
      %cond3A_242 = arith.constant 0 : i32
      %cond3A_243 = arith.cmpi ne, %convert_element_type3A_241, %cond3A_242 : i32
      scf.if %cond3A_243 {
        %dma_wait3A_353 = arith.constant 0 : i32
        %dma_wait3A_354 = arith.constant 0 : i32
        %dma_wait3A_355 = tpu.memref_slice %arg2[%scan3A_14, %dma_wait3A_353, %dma_wait3A_354] : memref<2x10240x64xf32, #tpu.memory_space<hbm>> -> memref<1x10240x64xf32, #tpu.memory_space<hbm>>
        %dma_wait3A_356 = tpu.memref_squeeze %dma_wait3A_355 : memref<1x10240x64xf32, #tpu.memory_space<hbm>> -> memref<10240x64xf32, #tpu.memory_space<hbm>>
        %dma_wait3A_357 = arith.constant 0 : i32
        %dma_wait3A_358 = arith.constant 0 : i32
        %dma_wait3A_359 = tpu.memref_slice %dma_wait3A_356[%dma_wait3A_357, %dma_wait3A_358] : memref<10240x64xf32, #tpu.memory_space<hbm>> -> memref<128x64xf32, #tpu.memory_space<hbm>>
        %dma_wait3A_360 = arith.constant 0 : i32
        %dma_wait3A_361 = arith.constant 0 : i32
        %dma_wait3A_362 = tpu.memref_slice %arg2[%scan3A_14, %dma_wait3A_360, %dma_wait3A_361] : memref<2x10240x64xf32, #tpu.memory_space<hbm>> -> memref<1x10240x64xf32, #tpu.memory_space<hbm>>
        %dma_wait3A_363 = tpu.memref_squeeze %dma_wait3A_362 : memref<1x10240x64xf32, #tpu.memory_space<hbm>> -> memref<10240x64xf32, #tpu.memory_space<hbm>>
        %dma_wait3A_364 = arith.constant 0 : i32
        %dma_wait3A_365 = arith.constant 0 : i32
        %dma_wait3A_366 = tpu.memref_slice %dma_wait3A_363[%dma_wait3A_364, %dma_wait3A_365] : memref<10240x64xf32, #tpu.memory_space<hbm>> -> memref<128x64xf32, #tpu.memory_space<hbm>>
        tpu.wait_dma2 semaphore(%arg15 : memref<!tpu.dma_semaphore, #tpu.memory_space<semaphore_mem>>) src(%dma_wait3A_366 : memref<128x64xf32, #tpu.memory_space<hbm>>) dst(%arg11 : memref<128x64xf32, #tpu.memory_space<vmem>>)
      } else {
      }
      %add3A_244 = arith.constant 2 : i32
      %add3A_245 = arith.addi %add3A_238, %add3A_244 : i32
      %dma_start3A_246 = arith.constant 0 : i32
      %dma_start3A_247 = tpu.memref_slice %arg6[%add3A_245, %dma_start3A_246] : memref<40x128xi32, #tpu.memory_space<vmem>> -> memref<1x128xi32, #tpu.memory_space<vmem>>
      %dma_start3A_248 = tpu.memref_squeeze %dma_start3A_247 : memref<1x128xi32, #tpu.memory_space<vmem>> -> memref<128xi32, #tpu.memory_space<vmem>>
      %dma_start3A_249 = arith.constant 0 : i32
      %dma_start3A_250 = arith.constant 0 : i32
      %dma_start3A_251 = tpu.memref_slice %arg12[%dma_start3A_249, %dma_start3A_250] : memref<10240x64xf32, #tpu.memory_space<vmem_shared>> -> memref<10240x64xf32, #tpu.memory_space<vmem_shared>>
      tpu.enqueue_indirect_dma source(%dma_start3A_251 : memref<10240x64xf32, #tpu.memory_space<vmem_shared>>) target(%arg11 : memref<128x64xf32, #tpu.memory_space<vmem>>) offsets(%dma_start3A_248 : memref<128xi32, #tpu.memory_space<vmem>>) semaphore(%arg14 : memref<!tpu.dma_semaphore, #tpu.memory_space<semaphore_mem>>)
      %dma_wait3A_252 = arith.constant 0 : i32
      %dma_wait3A_253 = arith.constant 0 : i32
      %dma_wait3A_254 = tpu.memref_slice %arg2[%scan3A_14, %dma_wait3A_252, %dma_wait3A_253] : memref<2x10240x64xf32, #tpu.memory_space<hbm>> -> memref<1x10240x64xf32, #tpu.memory_space<hbm>>
      %dma_wait3A_255 = tpu.memref_squeeze %dma_wait3A_254 : memref<1x10240x64xf32, #tpu.memory_space<hbm>> -> memref<10240x64xf32, #tpu.memory_space<hbm>>
      %dma_wait3A_256 = arith.constant 0 : i32
      %dma_wait3A_257 = arith.constant 0 : i32
      %dma_wait3A_258 = tpu.memref_slice %dma_wait3A_255[%dma_wait3A_256, %dma_wait3A_257] : memref<10240x64xf32, #tpu.memory_space<hbm>> -> memref<128x64xf32, #tpu.memory_space<hbm>>
      %dma_wait3A_259 = arith.constant 0 : i32
      %dma_wait3A_260 = arith.constant 0 : i32
      %dma_wait3A_261 = tpu.memref_slice %arg2[%scan3A_14, %dma_wait3A_259, %dma_wait3A_260] : memref<2x10240x64xf32, #tpu.memory_space<hbm>> -> memref<1x10240x64xf32, #tpu.memory_space<hbm>>
      %dma_wait3A_262 = tpu.memref_squeeze %dma_wait3A_261 : memref<1x10240x64xf32, #tpu.memory_space<hbm>> -> memref<10240x64xf32, #tpu.memory_space<hbm>>
      %dma_wait3A_263 = arith.constant 0 : i32
      %dma_wait3A_264 = arith.constant 0 : i32
      %dma_wait3A_265 = tpu.memref_slice %dma_wait3A_262[%dma_wait3A_263, %dma_wait3A_264] : memref<10240x64xf32, #tpu.memory_space<hbm>> -> memref<128x64xf32, #tpu.memory_space<hbm>>
      tpu.wait_dma2 semaphore(%arg14 : memref<!tpu.dma_semaphore, #tpu.memory_space<semaphore_mem>>) src(%dma_wait3A_265 : memref<128x64xf32, #tpu.memory_space<hbm>>) dst(%arg9 : memref<128x64xf32, #tpu.memory_space<vmem>>)
      %dma_start3A_266 = arith.constant 0 : i32
      %dma_start3A_267 = tpu.memref_slice %arg7[%add3A_238, %dma_start3A_266] : memref<40x128xi32, #tpu.memory_space<vmem>> -> memref<1x128xi32, #tpu.memory_space<vmem>>
      %dma_start3A_268 = tpu.memref_squeeze %dma_start3A_267 : memref<1x128xi32, #tpu.memory_space<vmem>> -> memref<128xi32, #tpu.memory_space<vmem>>
      %dma_start3A_269 = arith.constant 0 : i32
      %dma_start3A_270 = arith.constant 0 : i32
      %dma_start3A_271 = tpu.memref_slice %arg13[%dma_start3A_269, %dma_start3A_270] : memref<10240x64xf32, #tpu.memory_space<vmem_shared>> -> memref<10240x64xf32, #tpu.memory_space<vmem_shared>>
      tpu.enqueue_indirect_dma source(%arg9 : memref<128x64xf32, #tpu.memory_space<vmem>>) target(%dma_start3A_271 : memref<10240x64xf32, #tpu.memory_space<vmem_shared>>) offsets(%dma_start3A_268 : memref<128xi32, #tpu.memory_space<vmem>>) semaphore(%arg15 : memref<!tpu.dma_semaphore, #tpu.memory_space<semaphore_mem>>) {add = true}
      %add3A_272 = arith.constant 2 : i32
      %add3A_273 = arith.addi %mul3A_205, %add3A_272 : i32
      %dma_wait3A_274 = arith.constant 0 : i32
      %dma_wait3A_275 = arith.constant 0 : i32
      %dma_wait3A_276 = tpu.memref_slice %arg2[%scan3A_14, %dma_wait3A_274, %dma_wait3A_275] : memref<2x10240x64xf32, #tpu.memory_space<hbm>> -> memref<1x10240x64xf32, #tpu.memory_space<hbm>>
      %dma_wait3A_277 = tpu.memref_squeeze %dma_wait3A_276 : memref<1x10240x64xf32, #tpu.memory_space<hbm>> -> memref<10240x64xf32, #tpu.memory_space<hbm>>
      %dma_wait3A_278 = arith.constant 0 : i32
      %dma_wait3A_279 = arith.constant 0 : i32
      %dma_wait3A_280 = tpu.memref_slice %dma_wait3A_277[%dma_wait3A_278, %dma_wait3A_279] : memref<10240x64xf32, #tpu.memory_space<hbm>> -> memref<128x64xf32, #tpu.memory_space<hbm>>
      %dma_wait3A_281 = arith.constant 0 : i32
      %dma_wait3A_282 = arith.constant 0 : i32
      %dma_wait3A_283 = tpu.memref_slice %arg2[%scan3A_14, %dma_wait3A_281, %dma_wait3A_282] : memref<2x10240x64xf32, #tpu.memory_space<hbm>> -> memref<1x10240x64xf32, #tpu.memory_space<hbm>>
      %dma_wait3A_284 = tpu.memref_squeeze %dma_wait3A_283 : memref<1x10240x64xf32, #tpu.memory_space<hbm>> -> memref<10240x64xf32, #tpu.memory_space<hbm>>
      %dma_wait3A_285 = arith.constant 0 : i32
      %dma_wait3A_286 = arith.constant 0 : i32
      %dma_wait3A_287 = tpu.memref_slice %dma_wait3A_284[%dma_wait3A_285, %dma_wait3A_286] : memref<10240x64xf32, #tpu.memory_space<hbm>> -> memref<128x64xf32, #tpu.memory_space<hbm>>
      tpu.wait_dma2 semaphore(%arg15 : memref<!tpu.dma_semaphore, #tpu.memory_space<semaphore_mem>>) src(%dma_wait3A_287 : memref<128x64xf32, #tpu.memory_space<hbm>>) dst(%arg8 : memref<128x64xf32, #tpu.memory_space<vmem>>)
      %lt3A = arith.constant 9 : i32
      %lt3A_288 = arith.cmpi slt, %scan3A_203, %lt3A : i32
      %convert_element_type3A_289 = arith.extui %lt3A_288 : i1 to i32
      %cond3A_290 = arith.constant 0 : i32
      %cond3A_291 = arith.cmpi ne, %convert_element_type3A_289, %cond3A_290 : i32
      scf.if %cond3A_291 {
        %add3A_353 = arith.constant 2 : i32
        %add3A_354 = arith.addi %add3A_273, %add3A_353 : i32
        %dma_start3A_355 = arith.constant 0 : i32
        %dma_start3A_356 = tpu.memref_slice %arg6[%add3A_354, %dma_start3A_355] : memref<40x128xi32, #tpu.memory_space<vmem>> -> memref<1x128xi32, #tpu.memory_space<vmem>>
        %dma_start3A_357 = tpu.memref_squeeze %dma_start3A_356 : memref<1x128xi32, #tpu.memory_space<vmem>> -> memref<128xi32, #tpu.memory_space<vmem>>
        %dma_start3A_358 = arith.constant 0 : i32
        %dma_start3A_359 = arith.constant 0 : i32
        %dma_start3A_360 = tpu.memref_slice %arg12[%dma_start3A_358, %dma_start3A_359] : memref<10240x64xf32, #tpu.memory_space<vmem_shared>> -> memref<10240x64xf32, #tpu.memory_space<vmem_shared>>
        tpu.enqueue_indirect_dma source(%dma_start3A_360 : memref<10240x64xf32, #tpu.memory_space<vmem_shared>>) target(%arg8 : memref<128x64xf32, #tpu.memory_space<vmem>>) offsets(%dma_start3A_357 : memref<128xi32, #tpu.memory_space<vmem>>) semaphore(%arg14 : memref<!tpu.dma_semaphore, #tpu.memory_space<semaphore_mem>>)
      } else {
      }
      %dma_wait3A_292 = arith.constant 0 : i32
      %dma_wait3A_293 = arith.constant 0 : i32
      %dma_wait3A_294 = tpu.memref_slice %arg2[%scan3A_14, %dma_wait3A_292, %dma_wait3A_293] : memref<2x10240x64xf32, #tpu.memory_space<hbm>> -> memref<1x10240x64xf32, #tpu.memory_space<hbm>>
      %dma_wait3A_295 = tpu.memref_squeeze %dma_wait3A_294 : memref<1x10240x64xf32, #tpu.memory_space<hbm>> -> memref<10240x64xf32, #tpu.memory_space<hbm>>
      %dma_wait3A_296 = arith.constant 0 : i32
      %dma_wait3A_297 = arith.constant 0 : i32
      %dma_wait3A_298 = tpu.memref_slice %dma_wait3A_295[%dma_wait3A_296, %dma_wait3A_297] : memref<10240x64xf32, #tpu.memory_space<hbm>> -> memref<128x64xf32, #tpu.memory_space<hbm>>
      %dma_wait3A_299 = arith.constant 0 : i32
      %dma_wait3A_300 = arith.constant 0 : i32
      %dma_wait3A_301 = tpu.memref_slice %arg2[%scan3A_14, %dma_wait3A_299, %dma_wait3A_300] : memref<2x10240x64xf32, #tpu.memory_space<hbm>> -> memref<1x10240x64xf32, #tpu.memory_space<hbm>>
      %dma_wait3A_302 = tpu.memref_squeeze %dma_wait3A_301 : memref<1x10240x64xf32, #tpu.memory_space<hbm>> -> memref<10240x64xf32, #tpu.memory_space<hbm>>
      %dma_wait3A_303 = arith.constant 0 : i32
      %dma_wait3A_304 = arith.constant 0 : i32
      %dma_wait3A_305 = tpu.memref_slice %dma_wait3A_302[%dma_wait3A_303, %dma_wait3A_304] : memref<10240x64xf32, #tpu.memory_space<hbm>> -> memref<128x64xf32, #tpu.memory_space<hbm>>
      tpu.wait_dma2 semaphore(%arg14 : memref<!tpu.dma_semaphore, #tpu.memory_space<semaphore_mem>>) src(%dma_wait3A_305 : memref<128x64xf32, #tpu.memory_space<hbm>>) dst(%arg10 : memref<128x64xf32, #tpu.memory_space<vmem>>)
      %dma_start3A_306 = arith.constant 0 : i32
      %dma_start3A_307 = tpu.memref_slice %arg7[%add3A_273, %dma_start3A_306] : memref<40x128xi32, #tpu.memory_space<vmem>> -> memref<1x128xi32, #tpu.memory_space<vmem>>
      %dma_start3A_308 = tpu.memref_squeeze %dma_start3A_307 : memref<1x128xi32, #tpu.memory_space<vmem>> -> memref<128xi32, #tpu.memory_space<vmem>>
      %dma_start3A_309 = arith.constant 0 : i32
      %dma_start3A_310 = arith.constant 0 : i32
      %dma_start3A_311 = tpu.memref_slice %arg13[%dma_start3A_309, %dma_start3A_310] : memref<10240x64xf32, #tpu.memory_space<vmem_shared>> -> memref<10240x64xf32, #tpu.memory_space<vmem_shared>>
      tpu.enqueue_indirect_dma source(%arg10 : memref<128x64xf32, #tpu.memory_space<vmem>>) target(%dma_start3A_311 : memref<10240x64xf32, #tpu.memory_space<vmem_shared>>) offsets(%dma_start3A_308 : memref<128xi32, #tpu.memory_space<vmem>>) semaphore(%arg15 : memref<!tpu.dma_semaphore, #tpu.memory_space<semaphore_mem>>) {add = true}
      %add3A_312 = arith.constant 3 : i32
      %add3A_313 = arith.addi %mul3A_205, %add3A_312 : i32
      %dma_wait3A_314 = arith.constant 0 : i32
      %dma_wait3A_315 = arith.constant 0 : i32
      %dma_wait3A_316 = tpu.memref_slice %arg2[%scan3A_14, %dma_wait3A_314, %dma_wait3A_315] : memref<2x10240x64xf32, #tpu.memory_space<hbm>> -> memref<1x10240x64xf32, #tpu.memory_space<hbm>>
      %dma_wait3A_317 = tpu.memref_squeeze %dma_wait3A_316 : memref<1x10240x64xf32, #tpu.memory_space<hbm>> -> memref<10240x64xf32, #tpu.memory_space<hbm>>
      %dma_wait3A_318 = arith.constant 0 : i32
      %dma_wait3A_319 = arith.constant 0 : i32
      %dma_wait3A_320 = tpu.memref_slice %dma_wait3A_317[%dma_wait3A_318, %dma_wait3A_319] : memref<10240x64xf32, #tpu.memory_space<hbm>> -> memref<128x64xf32, #tpu.memory_space<hbm>>
      %dma_wait3A_321 = arith.constant 0 : i32
      %dma_wait3A_322 = arith.constant 0 : i32
      %dma_wait3A_323 = tpu.memref_slice %arg2[%scan3A_14, %dma_wait3A_321, %dma_wait3A_322] : memref<2x10240x64xf32, #tpu.memory_space<hbm>> -> memref<1x10240x64xf32, #tpu.memory_space<hbm>>
      %dma_wait3A_324 = tpu.memref_squeeze %dma_wait3A_323 : memref<1x10240x64xf32, #tpu.memory_space<hbm>> -> memref<10240x64xf32, #tpu.memory_space<hbm>>
      %dma_wait3A_325 = arith.constant 0 : i32
      %dma_wait3A_326 = arith.constant 0 : i32
      %dma_wait3A_327 = tpu.memref_slice %dma_wait3A_324[%dma_wait3A_325, %dma_wait3A_326] : memref<10240x64xf32, #tpu.memory_space<hbm>> -> memref<128x64xf32, #tpu.memory_space<hbm>>
      tpu.wait_dma2 semaphore(%arg15 : memref<!tpu.dma_semaphore, #tpu.memory_space<semaphore_mem>>) src(%dma_wait3A_327 : memref<128x64xf32, #tpu.memory_space<hbm>>) dst(%arg9 : memref<128x64xf32, #tpu.memory_space<vmem>>)
      %lt3A_328 = arith.constant 9 : i32
      %lt3A_329 = arith.cmpi slt, %scan3A_203, %lt3A_328 : i32
      %convert_element_type3A_330 = arith.extui %lt3A_329 : i1 to i32
      %cond3A_331 = arith.constant 0 : i32
      %cond3A_332 = arith.cmpi ne, %convert_element_type3A_330, %cond3A_331 : i32
      scf.if %cond3A_332 {
        %add3A_353 = arith.constant 2 : i32
        %add3A_354 = arith.addi %add3A_313, %add3A_353 : i32
        %dma_start3A_355 = arith.constant 0 : i32
        %dma_start3A_356 = tpu.memref_slice %arg6[%add3A_354, %dma_start3A_355] : memref<40x128xi32, #tpu.memory_space<vmem>> -> memref<1x128xi32, #tpu.memory_space<vmem>>
        %dma_start3A_357 = tpu.memref_squeeze %dma_start3A_356 : memref<1x128xi32, #tpu.memory_space<vmem>> -> memref<128xi32, #tpu.memory_space<vmem>>
        %dma_start3A_358 = arith.constant 0 : i32
        %dma_start3A_359 = arith.constant 0 : i32
        %dma_start3A_360 = tpu.memref_slice %arg12[%dma_start3A_358, %dma_start3A_359] : memref<10240x64xf32, #tpu.memory_space<vmem_shared>> -> memref<10240x64xf32, #tpu.memory_space<vmem_shared>>
        tpu.enqueue_indirect_dma source(%dma_start3A_360 : memref<10240x64xf32, #tpu.memory_space<vmem_shared>>) target(%arg9 : memref<128x64xf32, #tpu.memory_space<vmem>>) offsets(%dma_start3A_357 : memref<128xi32, #tpu.memory_space<vmem>>) semaphore(%arg14 : memref<!tpu.dma_semaphore, #tpu.memory_space<semaphore_mem>>)
      } else {
      }
      %dma_wait3A_333 = arith.constant 0 : i32
      %dma_wait3A_334 = arith.constant 0 : i32
      %dma_wait3A_335 = tpu.memref_slice %arg2[%scan3A_14, %dma_wait3A_333, %dma_wait3A_334] : memref<2x10240x64xf32, #tpu.memory_space<hbm>> -> memref<1x10240x64xf32, #tpu.memory_space<hbm>>
      %dma_wait3A_336 = tpu.memref_squeeze %dma_wait3A_335 : memref<1x10240x64xf32, #tpu.memory_space<hbm>> -> memref<10240x64xf32, #tpu.memory_space<hbm>>
      %dma_wait3A_337 = arith.constant 0 : i32
      %dma_wait3A_338 = arith.constant 0 : i32
      %dma_wait3A_339 = tpu.memref_slice %dma_wait3A_336[%dma_wait3A_337, %dma_wait3A_338] : memref<10240x64xf32, #tpu.memory_space<hbm>> -> memref<128x64xf32, #tpu.memory_space<hbm>>
      %dma_wait3A_340 = arith.constant 0 : i32
      %dma_wait3A_341 = arith.constant 0 : i32
      %dma_wait3A_342 = tpu.memref_slice %arg2[%scan3A_14, %dma_wait3A_340, %dma_wait3A_341] : memref<2x10240x64xf32, #tpu.memory_space<hbm>> -> memref<1x10240x64xf32, #tpu.memory_space<hbm>>
      %dma_wait3A_343 = tpu.memref_squeeze %dma_wait3A_342 : memref<1x10240x64xf32, #tpu.memory_space<hbm>> -> memref<10240x64xf32, #tpu.memory_space<hbm>>
      %dma_wait3A_344 = arith.constant 0 : i32
      %dma_wait3A_345 = arith.constant 0 : i32
      %dma_wait3A_346 = tpu.memref_slice %dma_wait3A_343[%dma_wait3A_344, %dma_wait3A_345] : memref<10240x64xf32, #tpu.memory_space<hbm>> -> memref<128x64xf32, #tpu.memory_space<hbm>>
      tpu.wait_dma2 semaphore(%arg14 : memref<!tpu.dma_semaphore, #tpu.memory_space<semaphore_mem>>) src(%dma_wait3A_346 : memref<128x64xf32, #tpu.memory_space<hbm>>) dst(%arg11 : memref<128x64xf32, #tpu.memory_space<vmem>>)
      %dma_start3A_347 = arith.constant 0 : i32
      %dma_start3A_348 = tpu.memref_slice %arg7[%add3A_313, %dma_start3A_347] : memref<40x128xi32, #tpu.memory_space<vmem>> -> memref<1x128xi32, #tpu.memory_space<vmem>>
      %dma_start3A_349 = tpu.memref_squeeze %dma_start3A_348 : memref<1x128xi32, #tpu.memory_space<vmem>> -> memref<128xi32, #tpu.memory_space<vmem>>
      %dma_start3A_350 = arith.constant 0 : i32
      %dma_start3A_351 = arith.constant 0 : i32
      %dma_start3A_352 = tpu.memref_slice %arg13[%dma_start3A_350, %dma_start3A_351] : memref<10240x64xf32, #tpu.memory_space<vmem_shared>> -> memref<10240x64xf32, #tpu.memory_space<vmem_shared>>
      tpu.enqueue_indirect_dma source(%arg11 : memref<128x64xf32, #tpu.memory_space<vmem>>) target(%dma_start3A_352 : memref<10240x64xf32, #tpu.memory_space<vmem_shared>>) offsets(%dma_start3A_349 : memref<128xi32, #tpu.memory_space<vmem>>) semaphore(%arg15 : memref<!tpu.dma_semaphore, #tpu.memory_space<semaphore_mem>>) {add = true}
    }
    %scan3A_19 = arith.constant 10 : i32
    %dma_wait3A = arith.constant 0 : i32
    %dma_wait3A_20 = arith.constant 0 : i32
    %dma_wait3A_21 = arith.constant 0 : i32
    %dma_wait3A_22 = tpu.memref_slice %arg2[%dma_wait3A, %dma_wait3A_20, %dma_wait3A_21] : memref<2x10240x64xf32, #tpu.memory_space<hbm>> -> memref<1x10240x64xf32, #tpu.memory_space<hbm>>
    %dma_wait3A_23 = tpu.memref_squeeze %dma_wait3A_22 : memref<1x10240x64xf32, #tpu.memory_space<hbm>> -> memref<10240x64xf32, #tpu.memory_space<hbm>>
    %dma_wait3A_24 = arith.constant 0 : i32
    %dma_wait3A_25 = arith.constant 0 : i32
    %dma_wait3A_26 = tpu.memref_slice %dma_wait3A_23[%dma_wait3A_24, %dma_wait3A_25] : memref<10240x64xf32, #tpu.memory_space<hbm>> -> memref<128x64xf32, #tpu.memory_space<hbm>>
    %dma_wait3A_27 = arith.constant 0 : i32
    %dma_wait3A_28 = arith.constant 0 : i32
    %dma_wait3A_29 = tpu.memref_slice %arg2[%dma_wait3A, %dma_wait3A_27, %dma_wait3A_28] : memref<2x10240x64xf32, #tpu.memory_space<hbm>> -> memref<1x10240x64xf32, #tpu.memory_space<hbm>>
    %dma_wait3A_30 = tpu.memref_squeeze %dma_wait3A_29 : memref<1x10240x64xf32, #tpu.memory_space<hbm>> -> memref<10240x64xf32, #tpu.memory_space<hbm>>
    %dma_wait3A_31 = arith.constant 0 : i32
    %dma_wait3A_32 = arith.constant 0 : i32
    %dma_wait3A_33 = tpu.memref_slice %dma_wait3A_30[%dma_wait3A_31, %dma_wait3A_32] : memref<10240x64xf32, #tpu.memory_space<hbm>> -> memref<128x64xf32, #tpu.memory_space<hbm>>
    tpu.wait_dma2 semaphore(%arg15 : memref<!tpu.dma_semaphore, #tpu.memory_space<semaphore_mem>>) src(%dma_wait3A_33 : memref<128x64xf32, #tpu.memory_space<hbm>>) dst(%arg10 : memref<128x64xf32, #tpu.memory_space<vmem>>)
    %dma_wait3A_34 = arith.constant 0 : i32
    %dma_wait3A_35 = arith.constant 0 : i32
    %dma_wait3A_36 = arith.constant 0 : i32
    %dma_wait3A_37 = tpu.memref_slice %arg2[%dma_wait3A_34, %dma_wait3A_35, %dma_wait3A_36] : memref<2x10240x64xf32, #tpu.memory_space<hbm>> -> memref<1x10240x64xf32, #tpu.memory_space<hbm>>
    %dma_wait3A_38 = tpu.memref_squeeze %dma_wait3A_37 : memref<1x10240x64xf32, #tpu.memory_space<hbm>> -> memref<10240x64xf32, #tpu.memory_space<hbm>>
    %dma_wait3A_39 = arith.constant 0 : i32
    %dma_wait3A_40 = arith.constant 0 : i32
    %dma_wait3A_41 = tpu.memref_slice %dma_wait3A_38[%dma_wait3A_39, %dma_wait3A_40] : memref<10240x64xf32, #tpu.memory_space<hbm>> -> memref<128x64xf32, #tpu.memory_space<hbm>>
    %dma_wait3A_42 = arith.constant 0 : i32
    %dma_wait3A_43 = arith.constant 0 : i32
    %dma_wait3A_44 = tpu.memref_slice %arg2[%dma_wait3A_34, %dma_wait3A_42, %dma_wait3A_43] : memref<2x10240x64xf32, #tpu.memory_space<hbm>> -> memref<1x10240x64xf32, #tpu.memory_space<hbm>>
    %dma_wait3A_45 = tpu.memref_squeeze %dma_wait3A_44 : memref<1x10240x64xf32, #tpu.memory_space<hbm>> -> memref<10240x64xf32, #tpu.memory_space<hbm>>
    %dma_wait3A_46 = arith.constant 0 : i32
    %dma_wait3A_47 = arith.constant 0 : i32
    %dma_wait3A_48 = tpu.memref_slice %dma_wait3A_45[%dma_wait3A_46, %dma_wait3A_47] : memref<10240x64xf32, #tpu.memory_space<hbm>> -> memref<128x64xf32, #tpu.memory_space<hbm>>
    tpu.wait_dma2 semaphore(%arg15 : memref<!tpu.dma_semaphore, #tpu.memory_space<semaphore_mem>>) src(%dma_wait3A_48 : memref<128x64xf32, #tpu.memory_space<hbm>>) dst(%arg11 : memref<128x64xf32, #tpu.memory_space<vmem>>)
    "tpu.region"() ({
      %run_scoped3A = tpu.sem_alloc : memref<!tpu.dma_semaphore, #tpu.memory_space<semaphore_mem>>
      %dma_start3A_203 = arith.constant 40 : i32
      %dma_start3A_204 = arith.constant 0 : i32
      %dma_start3A_205 = tpu.memref_slice %arg3[%arg1, %dma_start3A_203, %dma_start3A_204] : memref<16x160x128xi32, #tpu.memory_space<hbm>> -> memref<1x40x128xi32, #tpu.memory_space<hbm>>
      %dma_start3A_206 = tpu.memref_squeeze %dma_start3A_205 : memref<1x40x128xi32, #tpu.memory_space<hbm>> -> memref<40x128xi32, #tpu.memory_space<hbm>>
      %dma_start3A_207 = arith.constant 40 : i32
      %dma_start3A_208 = arith.constant 0 : i32
      %dma_start3A_209 = tpu.memref_slice %arg3[%arg1, %dma_start3A_207, %dma_start3A_208] : memref<16x160x128xi32, #tpu.memory_space<hbm>> -> memref<1x40x128xi32, #tpu.memory_space<hbm>>
      %dma_start3A_210 = tpu.memref_squeeze %dma_start3A_209 : memref<1x40x128xi32, #tpu.memory_space<hbm>> -> memref<40x128xi32, #tpu.memory_space<hbm>>
      tpu.enqueue_dma source(%dma_start3A_210 : memref<40x128xi32, #tpu.memory_space<hbm>>) target(%arg6 : memref<40x128xi32, #tpu.memory_space<vmem>>) target_semaphore(%run_scoped3A : memref<!tpu.dma_semaphore, #tpu.memory_space<semaphore_mem>>)
      %dma_wait3A_211 = arith.constant 40 : i32
      %dma_wait3A_212 = arith.constant 0 : i32
      %dma_wait3A_213 = tpu.memref_slice %arg3[%arg1, %dma_wait3A_211, %dma_wait3A_212] : memref<16x160x128xi32, #tpu.memory_space<hbm>> -> memref<1x40x128xi32, #tpu.memory_space<hbm>>
      %dma_wait3A_214 = tpu.memref_squeeze %dma_wait3A_213 : memref<1x40x128xi32, #tpu.memory_space<hbm>> -> memref<40x128xi32, #tpu.memory_space<hbm>>
      %dma_wait3A_215 = arith.constant 40 : i32
      %dma_wait3A_216 = arith.constant 0 : i32
      %dma_wait3A_217 = tpu.memref_slice %arg3[%arg1, %dma_wait3A_215, %dma_wait3A_216] : memref<16x160x128xi32, #tpu.memory_space<hbm>> -> memref<1x40x128xi32, #tpu.memory_space<hbm>>
      %dma_wait3A_218 = tpu.memref_squeeze %dma_wait3A_217 : memref<1x40x128xi32, #tpu.memory_space<hbm>> -> memref<40x128xi32, #tpu.memory_space<hbm>>
      tpu.wait_dma2 semaphore(%run_scoped3A : memref<!tpu.dma_semaphore, #tpu.memory_space<semaphore_mem>>) src(%dma_wait3A_218 : memref<40x128xi32, #tpu.memory_space<hbm>>) dst(%arg6 : memref<40x128xi32, #tpu.memory_space<vmem>>)
      tpu.yield
    }) : () -> ()
    "tpu.region"() ({
      %run_scoped3A = tpu.sem_alloc : memref<!tpu.dma_semaphore, #tpu.memory_space<semaphore_mem>>
      %dma_start3A_203 = arith.constant 40 : i32
      %dma_start3A_204 = arith.constant 0 : i32
      %dma_start3A_205 = tpu.memref_slice %arg4[%arg1, %dma_start3A_203, %dma_start3A_204] : memref<16x160x128xi32, #tpu.memory_space<hbm>> -> memref<1x40x128xi32, #tpu.memory_space<hbm>>
      %dma_start3A_206 = tpu.memref_squeeze %dma_start3A_205 : memref<1x40x128xi32, #tpu.memory_space<hbm>> -> memref<40x128xi32, #tpu.memory_space<hbm>>
      %dma_start3A_207 = arith.constant 40 : i32
      %dma_start3A_208 = arith.constant 0 : i32
      %dma_start3A_209 = tpu.memref_slice %arg4[%arg1, %dma_start3A_207, %dma_start3A_208] : memref<16x160x128xi32, #tpu.memory_space<hbm>> -> memref<1x40x128xi32, #tpu.memory_space<hbm>>
      %dma_start3A_210 = tpu.memref_squeeze %dma_start3A_209 : memref<1x40x128xi32, #tpu.memory_space<hbm>> -> memref<40x128xi32, #tpu.memory_space<hbm>>
      tpu.enqueue_dma source(%dma_start3A_210 : memref<40x128xi32, #tpu.memory_space<hbm>>) target(%arg7 : memref<40x128xi32, #tpu.memory_space<vmem>>) target_semaphore(%run_scoped3A : memref<!tpu.dma_semaphore, #tpu.memory_space<semaphore_mem>>)
      %dma_wait3A_211 = arith.constant 40 : i32
      %dma_wait3A_212 = arith.constant 0 : i32
      %dma_wait3A_213 = tpu.memref_slice %arg4[%arg1, %dma_wait3A_211, %dma_wait3A_212] : memref<16x160x128xi32, #tpu.memory_space<hbm>> -> memref<1x40x128xi32, #tpu.memory_space<hbm>>
      %dma_wait3A_214 = tpu.memref_squeeze %dma_wait3A_213 : memref<1x40x128xi32, #tpu.memory_space<hbm>> -> memref<40x128xi32, #tpu.memory_space<hbm>>
      %dma_wait3A_215 = arith.constant 40 : i32
      %dma_wait3A_216 = arith.constant 0 : i32
      %dma_wait3A_217 = tpu.memref_slice %arg4[%arg1, %dma_wait3A_215, %dma_wait3A_216] : memref<16x160x128xi32, #tpu.memory_space<hbm>> -> memref<1x40x128xi32, #tpu.memory_space<hbm>>
      %dma_wait3A_218 = tpu.memref_squeeze %dma_wait3A_217 : memref<1x40x128xi32, #tpu.memory_space<hbm>> -> memref<40x128xi32, #tpu.memory_space<hbm>>
      tpu.wait_dma2 semaphore(%run_scoped3A : memref<!tpu.dma_semaphore, #tpu.memory_space<semaphore_mem>>) src(%dma_wait3A_218 : memref<40x128xi32, #tpu.memory_space<hbm>>) dst(%arg7 : memref<40x128xi32, #tpu.memory_space<vmem>>)
      tpu.yield
    }) : () -> ()
    %dma_start3A_49 = arith.constant 0 : i32
    %dma_start3A_50 = arith.constant 0 : i32
    %dma_start3A_51 = tpu.memref_slice %arg6[%dma_start3A_49, %dma_start3A_50] : memref<40x128xi32, #tpu.memory_space<vmem>> -> memref<1x128xi32, #tpu.memory_space<vmem>>
    %dma_start3A_52 = tpu.memref_squeeze %dma_start3A_51 : memref<1x128xi32, #tpu.memory_space<vmem>> -> memref<128xi32, #tpu.memory_space<vmem>>
    %dma_start3A_53 = arith.constant 0 : i32
    %dma_start3A_54 = arith.constant 0 : i32
    %dma_start3A_55 = tpu.memref_slice %arg12[%dma_start3A_53, %dma_start3A_54] : memref<10240x64xf32, #tpu.memory_space<vmem_shared>> -> memref<10240x64xf32, #tpu.memory_space<vmem_shared>>
    tpu.enqueue_indirect_dma source(%dma_start3A_55 : memref<10240x64xf32, #tpu.memory_space<vmem_shared>>) target(%arg8 : memref<128x64xf32, #tpu.memory_space<vmem>>) offsets(%dma_start3A_52 : memref<128xi32, #tpu.memory_space<vmem>>) semaphore(%arg14 : memref<!tpu.dma_semaphore, #tpu.memory_space<semaphore_mem>>)
    %dma_start3A_56 = arith.constant 1 : i32
    %dma_start3A_57 = arith.constant 0 : i32
    %dma_start3A_58 = tpu.memref_slice %arg6[%dma_start3A_56, %dma_start3A_57] : memref<40x128xi32, #tpu.memory_space<vmem>> -> memref<1x128xi32, #tpu.memory_space<vmem>>
    %dma_start3A_59 = tpu.memref_squeeze %dma_start3A_58 : memref<1x128xi32, #tpu.memory_space<vmem>> -> memref<128xi32, #tpu.memory_space<vmem>>
    %dma_start3A_60 = arith.constant 0 : i32
    %dma_start3A_61 = arith.constant 0 : i32
    %dma_start3A_62 = tpu.memref_slice %arg12[%dma_start3A_60, %dma_start3A_61] : memref<10240x64xf32, #tpu.memory_space<vmem_shared>> -> memref<10240x64xf32, #tpu.memory_space<vmem_shared>>
    tpu.enqueue_indirect_dma source(%dma_start3A_62 : memref<10240x64xf32, #tpu.memory_space<vmem_shared>>) target(%arg9 : memref<128x64xf32, #tpu.memory_space<vmem>>) offsets(%dma_start3A_59 : memref<128xi32, #tpu.memory_space<vmem>>) semaphore(%arg14 : memref<!tpu.dma_semaphore, #tpu.memory_space<semaphore_mem>>)
    %scan3A_63 = arith.constant 0 : i32
    %scan3A_64 = arith.constant 0 : i32
    %scan3A_65 = arith.constant 0 : i32
    %scan3A_66 = arith.constant 10 : i32
    %scan3A_67 = arith.addi %scan3A_65, %scan3A_66 : i32
    %scan3A_68 = arith.constant 1 : i32
    scf.for %scan3A_203 = %scan3A_65 to %scan3A_67 step %scan3A_68  : i32 {
      %mul3A_204 = arith.constant 4 : i32
      %mul3A_205 = arith.muli %scan3A_203, %mul3A_204 : i32
      %add3A = arith.constant 0 : i32
      %add3A_206 = arith.addi %mul3A_205, %add3A : i32
      %gt3A = arith.constant 0 : i32
      %gt3A_207 = arith.cmpi sgt, %scan3A_203, %gt3A : i32
      %convert_element_type3A = arith.extui %gt3A_207 : i1 to i32
      %cond3A = arith.constant 0 : i32
      %cond3A_208 = arith.cmpi ne, %convert_element_type3A, %cond3A : i32
      scf.if %cond3A_208 {
        %dma_wait3A_353 = arith.constant 0 : i32
        %dma_wait3A_354 = arith.constant 0 : i32
        %dma_wait3A_355 = tpu.memref_slice %arg2[%scan3A_64, %dma_wait3A_353, %dma_wait3A_354] : memref<2x10240x64xf32, #tpu.memory_space<hbm>> -> memref<1x10240x64xf32, #tpu.memory_space<hbm>>
        %dma_wait3A_356 = tpu.memref_squeeze %dma_wait3A_355 : memref<1x10240x64xf32, #tpu.memory_space<hbm>> -> memref<10240x64xf32, #tpu.memory_space<hbm>>
        %dma_wait3A_357 = arith.constant 0 : i32
        %dma_wait3A_358 = arith.constant 0 : i32
        %dma_wait3A_359 = tpu.memref_slice %dma_wait3A_356[%dma_wait3A_357, %dma_wait3A_358] : memref<10240x64xf32, #tpu.memory_space<hbm>> -> memref<128x64xf32, #tpu.memory_space<hbm>>
        %dma_wait3A_360 = arith.constant 0 : i32
        %dma_wait3A_361 = arith.constant 0 : i32
        %dma_wait3A_362 = tpu.memref_slice %arg2[%scan3A_64, %dma_wait3A_360, %dma_wait3A_361] : memref<2x10240x64xf32, #tpu.memory_space<hbm>> -> memref<1x10240x64xf32, #tpu.memory_space<hbm>>
        %dma_wait3A_363 = tpu.memref_squeeze %dma_wait3A_362 : memref<1x10240x64xf32, #tpu.memory_space<hbm>> -> memref<10240x64xf32, #tpu.memory_space<hbm>>
        %dma_wait3A_364 = arith.constant 0 : i32
        %dma_wait3A_365 = arith.constant 0 : i32
        %dma_wait3A_366 = tpu.memref_slice %dma_wait3A_363[%dma_wait3A_364, %dma_wait3A_365] : memref<10240x64xf32, #tpu.memory_space<hbm>> -> memref<128x64xf32, #tpu.memory_space<hbm>>
        tpu.wait_dma2 semaphore(%arg15 : memref<!tpu.dma_semaphore, #tpu.memory_space<semaphore_mem>>) src(%dma_wait3A_366 : memref<128x64xf32, #tpu.memory_space<hbm>>) dst(%arg10 : memref<128x64xf32, #tpu.memory_space<vmem>>)
      } else {
      }
      %add3A_209 = arith.constant 2 : i32
      %add3A_210 = arith.addi %add3A_206, %add3A_209 : i32
      %dma_start3A_211 = arith.constant 0 : i32
      %dma_start3A_212 = tpu.memref_slice %arg6[%add3A_210, %dma_start3A_211] : memref<40x128xi32, #tpu.memory_space<vmem>> -> memref<1x128xi32, #tpu.memory_space<vmem>>
      %dma_start3A_213 = tpu.memref_squeeze %dma_start3A_212 : memref<1x128xi32, #tpu.memory_space<vmem>> -> memref<128xi32, #tpu.memory_space<vmem>>
      %dma_start3A_214 = arith.constant 0 : i32
      %dma_start3A_215 = arith.constant 0 : i32
      %dma_start3A_216 = tpu.memref_slice %arg12[%dma_start3A_214, %dma_start3A_215] : memref<10240x64xf32, #tpu.memory_space<vmem_shared>> -> memref<10240x64xf32, #tpu.memory_space<vmem_shared>>
      tpu.enqueue_indirect_dma source(%dma_start3A_216 : memref<10240x64xf32, #tpu.memory_space<vmem_shared>>) target(%arg10 : memref<128x64xf32, #tpu.memory_space<vmem>>) offsets(%dma_start3A_213 : memref<128xi32, #tpu.memory_space<vmem>>) semaphore(%arg14 : memref<!tpu.dma_semaphore, #tpu.memory_space<semaphore_mem>>)
      %dma_wait3A_217 = arith.constant 0 : i32
      %dma_wait3A_218 = arith.constant 0 : i32
      %dma_wait3A_219 = tpu.memref_slice %arg2[%scan3A_64, %dma_wait3A_217, %dma_wait3A_218] : memref<2x10240x64xf32, #tpu.memory_space<hbm>> -> memref<1x10240x64xf32, #tpu.memory_space<hbm>>
      %dma_wait3A_220 = tpu.memref_squeeze %dma_wait3A_219 : memref<1x10240x64xf32, #tpu.memory_space<hbm>> -> memref<10240x64xf32, #tpu.memory_space<hbm>>
      %dma_wait3A_221 = arith.constant 0 : i32
      %dma_wait3A_222 = arith.constant 0 : i32
      %dma_wait3A_223 = tpu.memref_slice %dma_wait3A_220[%dma_wait3A_221, %dma_wait3A_222] : memref<10240x64xf32, #tpu.memory_space<hbm>> -> memref<128x64xf32, #tpu.memory_space<hbm>>
      %dma_wait3A_224 = arith.constant 0 : i32
      %dma_wait3A_225 = arith.constant 0 : i32
      %dma_wait3A_226 = tpu.memref_slice %arg2[%scan3A_64, %dma_wait3A_224, %dma_wait3A_225] : memref<2x10240x64xf32, #tpu.memory_space<hbm>> -> memref<1x10240x64xf32, #tpu.memory_space<hbm>>
      %dma_wait3A_227 = tpu.memref_squeeze %dma_wait3A_226 : memref<1x10240x64xf32, #tpu.memory_space<hbm>> -> memref<10240x64xf32, #tpu.memory_space<hbm>>
      %dma_wait3A_228 = arith.constant 0 : i32
      %dma_wait3A_229 = arith.constant 0 : i32
      %dma_wait3A_230 = tpu.memref_slice %dma_wait3A_227[%dma_wait3A_228, %dma_wait3A_229] : memref<10240x64xf32, #tpu.memory_space<hbm>> -> memref<128x64xf32, #tpu.memory_space<hbm>>
      tpu.wait_dma2 semaphore(%arg14 : memref<!tpu.dma_semaphore, #tpu.memory_space<semaphore_mem>>) src(%dma_wait3A_230 : memref<128x64xf32, #tpu.memory_space<hbm>>) dst(%arg8 : memref<128x64xf32, #tpu.memory_space<vmem>>)
      %dma_start3A_231 = arith.constant 0 : i32
      %dma_start3A_232 = tpu.memref_slice %arg7[%add3A_206, %dma_start3A_231] : memref<40x128xi32, #tpu.memory_space<vmem>> -> memref<1x128xi32, #tpu.memory_space<vmem>>
      %dma_start3A_233 = tpu.memref_squeeze %dma_start3A_232 : memref<1x128xi32, #tpu.memory_space<vmem>> -> memref<128xi32, #tpu.memory_space<vmem>>
      %dma_start3A_234 = arith.constant 0 : i32
      %dma_start3A_235 = arith.constant 0 : i32
      %dma_start3A_236 = tpu.memref_slice %arg13[%dma_start3A_234, %dma_start3A_235] : memref<10240x64xf32, #tpu.memory_space<vmem_shared>> -> memref<10240x64xf32, #tpu.memory_space<vmem_shared>>
      tpu.enqueue_indirect_dma source(%arg8 : memref<128x64xf32, #tpu.memory_space<vmem>>) target(%dma_start3A_236 : memref<10240x64xf32, #tpu.memory_space<vmem_shared>>) offsets(%dma_start3A_233 : memref<128xi32, #tpu.memory_space<vmem>>) semaphore(%arg15 : memref<!tpu.dma_semaphore, #tpu.memory_space<semaphore_mem>>) {add = true}
      %add3A_237 = arith.constant 1 : i32
      %add3A_238 = arith.addi %mul3A_205, %add3A_237 : i32
      %gt3A_239 = arith.constant 0 : i32
      %gt3A_240 = arith.cmpi sgt, %scan3A_203, %gt3A_239 : i32
      %convert_element_type3A_241 = arith.extui %gt3A_240 : i1 to i32
      %cond3A_242 = arith.constant 0 : i32
      %cond3A_243 = arith.cmpi ne, %convert_element_type3A_241, %cond3A_242 : i32
      scf.if %cond3A_243 {
        %dma_wait3A_353 = arith.constant 0 : i32
        %dma_wait3A_354 = arith.constant 0 : i32
        %dma_wait3A_355 = tpu.memref_slice %arg2[%scan3A_64, %dma_wait3A_353, %dma_wait3A_354] : memref<2x10240x64xf32, #tpu.memory_space<hbm>> -> memref<1x10240x64xf32, #tpu.memory_space<hbm>>
        %dma_wait3A_356 = tpu.memref_squeeze %dma_wait3A_355 : memref<1x10240x64xf32, #tpu.memory_space<hbm>> -> memref<10240x64xf32, #tpu.memory_space<hbm>>
        %dma_wait3A_357 = arith.constant 0 : i32
        %dma_wait3A_358 = arith.constant 0 : i32
        %dma_wait3A_359 = tpu.memref_slice %dma_wait3A_356[%dma_wait3A_357, %dma_wait3A_358] : memref<10240x64xf32, #tpu.memory_space<hbm>> -> memref<128x64xf32, #tpu.memory_space<hbm>>
        %dma_wait3A_360 = arith.constant 0 : i32
        %dma_wait3A_361 = arith.constant 0 : i32
        %dma_wait3A_362 = tpu.memref_slice %arg2[%scan3A_64, %dma_wait3A_360, %dma_wait3A_361] : memref<2x10240x64xf32, #tpu.memory_space<hbm>> -> memref<1x10240x64xf32, #tpu.memory_space<hbm>>
        %dma_wait3A_363 = tpu.memref_squeeze %dma_wait3A_362 : memref<1x10240x64xf32, #tpu.memory_space<hbm>> -> memref<10240x64xf32, #tpu.memory_space<hbm>>
        %dma_wait3A_364 = arith.constant 0 : i32
        %dma_wait3A_365 = arith.constant 0 : i32
        %dma_wait3A_366 = tpu.memref_slice %dma_wait3A_363[%dma_wait3A_364, %dma_wait3A_365] : memref<10240x64xf32, #tpu.memory_space<hbm>> -> memref<128x64xf32, #tpu.memory_space<hbm>>
        tpu.wait_dma2 semaphore(%arg15 : memref<!tpu.dma_semaphore, #tpu.memory_space<semaphore_mem>>) src(%dma_wait3A_366 : memref<128x64xf32, #tpu.memory_space<hbm>>) dst(%arg11 : memref<128x64xf32, #tpu.memory_space<vmem>>)
      } else {
      }
      %add3A_244 = arith.constant 2 : i32
      %add3A_245 = arith.addi %add3A_238, %add3A_244 : i32
      %dma_start3A_246 = arith.constant 0 : i32
      %dma_start3A_247 = tpu.memref_slice %arg6[%add3A_245, %dma_start3A_246] : memref<40x128xi32, #tpu.memory_space<vmem>> -> memref<1x128xi32, #tpu.memory_space<vmem>>
      %dma_start3A_248 = tpu.memref_squeeze %dma_start3A_247 : memref<1x128xi32, #tpu.memory_space<vmem>> -> memref<128xi32, #tpu.memory_space<vmem>>
      %dma_start3A_249 = arith.constant 0 : i32
      %dma_start3A_250 = arith.constant 0 : i32
      %dma_start3A_251 = tpu.memref_slice %arg12[%dma_start3A_249, %dma_start3A_250] : memref<10240x64xf32, #tpu.memory_space<vmem_shared>> -> memref<10240x64xf32, #tpu.memory_space<vmem_shared>>
      tpu.enqueue_indirect_dma source(%dma_start3A_251 : memref<10240x64xf32, #tpu.memory_space<vmem_shared>>) target(%arg11 : memref<128x64xf32, #tpu.memory_space<vmem>>) offsets(%dma_start3A_248 : memref<128xi32, #tpu.memory_space<vmem>>) semaphore(%arg14 : memref<!tpu.dma_semaphore, #tpu.memory_space<semaphore_mem>>)
      %dma_wait3A_252 = arith.constant 0 : i32
      %dma_wait3A_253 = arith.constant 0 : i32
      %dma_wait3A_254 = tpu.memref_slice %arg2[%scan3A_64, %dma_wait3A_252, %dma_wait3A_253] : memref<2x10240x64xf32, #tpu.memory_space<hbm>> -> memref<1x10240x64xf32, #tpu.memory_space<hbm>>
      %dma_wait3A_255 = tpu.memref_squeeze %dma_wait3A_254 : memref<1x10240x64xf32, #tpu.memory_space<hbm>> -> memref<10240x64xf32, #tpu.memory_space<hbm>>
      %dma_wait3A_256 = arith.constant 0 : i32
      %dma_wait3A_257 = arith.constant 0 : i32
      %dma_wait3A_258 = tpu.memref_slice %dma_wait3A_255[%dma_wait3A_256, %dma_wait3A_257] : memref<10240x64xf32, #tpu.memory_space<hbm>> -> memref<128x64xf32, #tpu.memory_space<hbm>>
      %dma_wait3A_259 = arith.constant 0 : i32
      %dma_wait3A_260 = arith.constant 0 : i32
      %dma_wait3A_261 = tpu.memref_slice %arg2[%scan3A_64, %dma_wait3A_259, %dma_wait3A_260] : memref<2x10240x64xf32, #tpu.memory_space<hbm>> -> memref<1x10240x64xf32, #tpu.memory_space<hbm>>
      %dma_wait3A_262 = tpu.memref_squeeze %dma_wait3A_261 : memref<1x10240x64xf32, #tpu.memory_space<hbm>> -> memref<10240x64xf32, #tpu.memory_space<hbm>>
      %dma_wait3A_263 = arith.constant 0 : i32
      %dma_wait3A_264 = arith.constant 0 : i32
      %dma_wait3A_265 = tpu.memref_slice %dma_wait3A_262[%dma_wait3A_263, %dma_wait3A_264] : memref<10240x64xf32, #tpu.memory_space<hbm>> -> memref<128x64xf32, #tpu.memory_space<hbm>>
      tpu.wait_dma2 semaphore(%arg14 : memref<!tpu.dma_semaphore, #tpu.memory_space<semaphore_mem>>) src(%dma_wait3A_265 : memref<128x64xf32, #tpu.memory_space<hbm>>) dst(%arg9 : memref<128x64xf32, #tpu.memory_space<vmem>>)
      %dma_start3A_266 = arith.constant 0 : i32
      %dma_start3A_267 = tpu.memref_slice %arg7[%add3A_238, %dma_start3A_266] : memref<40x128xi32, #tpu.memory_space<vmem>> -> memref<1x128xi32, #tpu.memory_space<vmem>>
      %dma_start3A_268 = tpu.memref_squeeze %dma_start3A_267 : memref<1x128xi32, #tpu.memory_space<vmem>> -> memref<128xi32, #tpu.memory_space<vmem>>
      %dma_start3A_269 = arith.constant 0 : i32
      %dma_start3A_270 = arith.constant 0 : i32
      %dma_start3A_271 = tpu.memref_slice %arg13[%dma_start3A_269, %dma_start3A_270] : memref<10240x64xf32, #tpu.memory_space<vmem_shared>> -> memref<10240x64xf32, #tpu.memory_space<vmem_shared>>
      tpu.enqueue_indirect_dma source(%arg9 : memref<128x64xf32, #tpu.memory_space<vmem>>) target(%dma_start3A_271 : memref<10240x64xf32, #tpu.memory_space<vmem_shared>>) offsets(%dma_start3A_268 : memref<128xi32, #tpu.memory_space<vmem>>) semaphore(%arg15 : memref<!tpu.dma_semaphore, #tpu.memory_space<semaphore_mem>>) {add = true}
      %add3A_272 = arith.constant 2 : i32
      %add3A_273 = arith.addi %mul3A_205, %add3A_272 : i32
      %dma_wait3A_274 = arith.constant 0 : i32
      %dma_wait3A_275 = arith.constant 0 : i32
      %dma_wait3A_276 = tpu.memref_slice %arg2[%scan3A_64, %dma_wait3A_274, %dma_wait3A_275] : memref<2x10240x64xf32, #tpu.memory_space<hbm>> -> memref<1x10240x64xf32, #tpu.memory_space<hbm>>
      %dma_wait3A_277 = tpu.memref_squeeze %dma_wait3A_276 : memref<1x10240x64xf32, #tpu.memory_space<hbm>> -> memref<10240x64xf32, #tpu.memory_space<hbm>>
      %dma_wait3A_278 = arith.constant 0 : i32
      %dma_wait3A_279 = arith.constant 0 : i32
      %dma_wait3A_280 = tpu.memref_slice %dma_wait3A_277[%dma_wait3A_278, %dma_wait3A_279] : memref<10240x64xf32, #tpu.memory_space<hbm>> -> memref<128x64xf32, #tpu.memory_space<hbm>>
      %dma_wait3A_281 = arith.constant 0 : i32
      %dma_wait3A_282 = arith.constant 0 : i32
      %dma_wait3A_283 = tpu.memref_slice %arg2[%scan3A_64, %dma_wait3A_281, %dma_wait3A_282] : memref<2x10240x64xf32, #tpu.memory_space<hbm>> -> memref<1x10240x64xf32, #tpu.memory_space<hbm>>
      %dma_wait3A_284 = tpu.memref_squeeze %dma_wait3A_283 : memref<1x10240x64xf32, #tpu.memory_space<hbm>> -> memref<10240x64xf32, #tpu.memory_space<hbm>>
      %dma_wait3A_285 = arith.constant 0 : i32
      %dma_wait3A_286 = arith.constant 0 : i32
      %dma_wait3A_287 = tpu.memref_slice %dma_wait3A_284[%dma_wait3A_285, %dma_wait3A_286] : memref<10240x64xf32, #tpu.memory_space<hbm>> -> memref<128x64xf32, #tpu.memory_space<hbm>>
      tpu.wait_dma2 semaphore(%arg15 : memref<!tpu.dma_semaphore, #tpu.memory_space<semaphore_mem>>) src(%dma_wait3A_287 : memref<128x64xf32, #tpu.memory_space<hbm>>) dst(%arg8 : memref<128x64xf32, #tpu.memory_space<vmem>>)
      %lt3A = arith.constant 9 : i32
      %lt3A_288 = arith.cmpi slt, %scan3A_203, %lt3A : i32
      %convert_element_type3A_289 = arith.extui %lt3A_288 : i1 to i32
      %cond3A_290 = arith.constant 0 : i32
      %cond3A_291 = arith.cmpi ne, %convert_element_type3A_289, %cond3A_290 : i32
      scf.if %cond3A_291 {
        %add3A_353 = arith.constant 2 : i32
        %add3A_354 = arith.addi %add3A_273, %add3A_353 : i32
        %dma_start3A_355 = arith.constant 0 : i32
        %dma_start3A_356 = tpu.memref_slice %arg6[%add3A_354, %dma_start3A_355] : memref<40x128xi32, #tpu.memory_space<vmem>> -> memref<1x128xi32, #tpu.memory_space<vmem>>
        %dma_start3A_357 = tpu.memref_squeeze %dma_start3A_356 : memref<1x128xi32, #tpu.memory_space<vmem>> -> memref<128xi32, #tpu.memory_space<vmem>>
        %dma_start3A_358 = arith.constant 0 : i32
        %dma_start3A_359 = arith.constant 0 : i32
        %dma_start3A_360 = tpu.memref_slice %arg12[%dma_start3A_358, %dma_start3A_359] : memref<10240x64xf32, #tpu.memory_space<vmem_shared>> -> memref<10240x64xf32, #tpu.memory_space<vmem_shared>>
        tpu.enqueue_indirect_dma source(%dma_start3A_360 : memref<10240x64xf32, #tpu.memory_space<vmem_shared>>) target(%arg8 : memref<128x64xf32, #tpu.memory_space<vmem>>) offsets(%dma_start3A_357 : memref<128xi32, #tpu.memory_space<vmem>>) semaphore(%arg14 : memref<!tpu.dma_semaphore, #tpu.memory_space<semaphore_mem>>)
      } else {
      }
      %dma_wait3A_292 = arith.constant 0 : i32
      %dma_wait3A_293 = arith.constant 0 : i32
      %dma_wait3A_294 = tpu.memref_slice %arg2[%scan3A_64, %dma_wait3A_292, %dma_wait3A_293] : memref<2x10240x64xf32, #tpu.memory_space<hbm>> -> memref<1x10240x64xf32, #tpu.memory_space<hbm>>
      %dma_wait3A_295 = tpu.memref_squeeze %dma_wait3A_294 : memref<1x10240x64xf32, #tpu.memory_space<hbm>> -> memref<10240x64xf32, #tpu.memory_space<hbm>>
      %dma_wait3A_296 = arith.constant 0 : i32
      %dma_wait3A_297 = arith.constant 0 : i32
      %dma_wait3A_298 = tpu.memref_slice %dma_wait3A_295[%dma_wait3A_296, %dma_wait3A_297] : memref<10240x64xf32, #tpu.memory_space<hbm>> -> memref<128x64xf32, #tpu.memory_space<hbm>>
      %dma_wait3A_299 = arith.constant 0 : i32
      %dma_wait3A_300 = arith.constant 0 : i32
      %dma_wait3A_301 = tpu.memref_slice %arg2[%scan3A_64, %dma_wait3A_299, %dma_wait3A_300] : memref<2x10240x64xf32, #tpu.memory_space<hbm>> -> memref<1x10240x64xf32, #tpu.memory_space<hbm>>
      %dma_wait3A_302 = tpu.memref_squeeze %dma_wait3A_301 : memref<1x10240x64xf32, #tpu.memory_space<hbm>> -> memref<10240x64xf32, #tpu.memory_space<hbm>>
      %dma_wait3A_303 = arith.constant 0 : i32
      %dma_wait3A_304 = arith.constant 0 : i32
      %dma_wait3A_305 = tpu.memref_slice %dma_wait3A_302[%dma_wait3A_303, %dma_wait3A_304] : memref<10240x64xf32, #tpu.memory_space<hbm>> -> memref<128x64xf32, #tpu.memory_space<hbm>>
      tpu.wait_dma2 semaphore(%arg14 : memref<!tpu.dma_semaphore, #tpu.memory_space<semaphore_mem>>) src(%dma_wait3A_305 : memref<128x64xf32, #tpu.memory_space<hbm>>) dst(%arg10 : memref<128x64xf32, #tpu.memory_space<vmem>>)
      %dma_start3A_306 = arith.constant 0 : i32
      %dma_start3A_307 = tpu.memref_slice %arg7[%add3A_273, %dma_start3A_306] : memref<40x128xi32, #tpu.memory_space<vmem>> -> memref<1x128xi32, #tpu.memory_space<vmem>>
      %dma_start3A_308 = tpu.memref_squeeze %dma_start3A_307 : memref<1x128xi32, #tpu.memory_space<vmem>> -> memref<128xi32, #tpu.memory_space<vmem>>
      %dma_start3A_309 = arith.constant 0 : i32
      %dma_start3A_310 = arith.constant 0 : i32
      %dma_start3A_311 = tpu.memref_slice %arg13[%dma_start3A_309, %dma_start3A_310] : memref<10240x64xf32, #tpu.memory_space<vmem_shared>> -> memref<10240x64xf32, #tpu.memory_space<vmem_shared>>
      tpu.enqueue_indirect_dma source(%arg10 : memref<128x64xf32, #tpu.memory_space<vmem>>) target(%dma_start3A_311 : memref<10240x64xf32, #tpu.memory_space<vmem_shared>>) offsets(%dma_start3A_308 : memref<128xi32, #tpu.memory_space<vmem>>) semaphore(%arg15 : memref<!tpu.dma_semaphore, #tpu.memory_space<semaphore_mem>>) {add = true}
      %add3A_312 = arith.constant 3 : i32
      %add3A_313 = arith.addi %mul3A_205, %add3A_312 : i32
      %dma_wait3A_314 = arith.constant 0 : i32
      %dma_wait3A_315 = arith.constant 0 : i32
      %dma_wait3A_316 = tpu.memref_slice %arg2[%scan3A_64, %dma_wait3A_314, %dma_wait3A_315] : memref<2x10240x64xf32, #tpu.memory_space<hbm>> -> memref<1x10240x64xf32, #tpu.memory_space<hbm>>
      %dma_wait3A_317 = tpu.memref_squeeze %dma_wait3A_316 : memref<1x10240x64xf32, #tpu.memory_space<hbm>> -> memref<10240x64xf32, #tpu.memory_space<hbm>>
      %dma_wait3A_318 = arith.constant 0 : i32
      %dma_wait3A_319 = arith.constant 0 : i32
      %dma_wait3A_320 = tpu.memref_slice %dma_wait3A_317[%dma_wait3A_318, %dma_wait3A_319] : memref<10240x64xf32, #tpu.memory_space<hbm>> -> memref<128x64xf32, #tpu.memory_space<hbm>>
      %dma_wait3A_321 = arith.constant 0 : i32
      %dma_wait3A_322 = arith.constant 0 : i32
      %dma_wait3A_323 = tpu.memref_slice %arg2[%scan3A_64, %dma_wait3A_321, %dma_wait3A_322] : memref<2x10240x64xf32, #tpu.memory_space<hbm>> -> memref<1x10240x64xf32, #tpu.memory_space<hbm>>
      %dma_wait3A_324 = tpu.memref_squeeze %dma_wait3A_323 : memref<1x10240x64xf32, #tpu.memory_space<hbm>> -> memref<10240x64xf32, #tpu.memory_space<hbm>>
      %dma_wait3A_325 = arith.constant 0 : i32
      %dma_wait3A_326 = arith.constant 0 : i32
      %dma_wait3A_327 = tpu.memref_slice %dma_wait3A_324[%dma_wait3A_325, %dma_wait3A_326] : memref<10240x64xf32, #tpu.memory_space<hbm>> -> memref<128x64xf32, #tpu.memory_space<hbm>>
      tpu.wait_dma2 semaphore(%arg15 : memref<!tpu.dma_semaphore, #tpu.memory_space<semaphore_mem>>) src(%dma_wait3A_327 : memref<128x64xf32, #tpu.memory_space<hbm>>) dst(%arg9 : memref<128x64xf32, #tpu.memory_space<vmem>>)
      %lt3A_328 = arith.constant 9 : i32
      %lt3A_329 = arith.cmpi slt, %scan3A_203, %lt3A_328 : i32
      %convert_element_type3A_330 = arith.extui %lt3A_329 : i1 to i32
      %cond3A_331 = arith.constant 0 : i32
      %cond3A_332 = arith.cmpi ne, %convert_element_type3A_330, %cond3A_331 : i32
      scf.if %cond3A_332 {
        %add3A_353 = arith.constant 2 : i32
        %add3A_354 = arith.addi %add3A_313, %add3A_353 : i32
        %dma_start3A_355 = arith.constant 0 : i32
        %dma_start3A_356 = tpu.memref_slice %arg6[%add3A_354, %dma_start3A_355] : memref<40x128xi32, #tpu.memory_space<vmem>> -> memref<1x128xi32, #tpu.memory_space<vmem>>
        %dma_start3A_357 = tpu.memref_squeeze %dma_start3A_356 : memref<1x128xi32, #tpu.memory_space<vmem>> -> memref<128xi32, #tpu.memory_space<vmem>>
        %dma_start3A_358 = arith.constant 0 : i32
        %dma_start3A_359 = arith.constant 0 : i32
        %dma_start3A_360 = tpu.memref_slice %arg12[%dma_start3A_358, %dma_start3A_359] : memref<10240x64xf32, #tpu.memory_space<vmem_shared>> -> memref<10240x64xf32, #tpu.memory_space<vmem_shared>>
        tpu.enqueue_indirect_dma source(%dma_start3A_360 : memref<10240x64xf32, #tpu.memory_space<vmem_shared>>) target(%arg9 : memref<128x64xf32, #tpu.memory_space<vmem>>) offsets(%dma_start3A_357 : memref<128xi32, #tpu.memory_space<vmem>>) semaphore(%arg14 : memref<!tpu.dma_semaphore, #tpu.memory_space<semaphore_mem>>)
      } else {
      }
      %dma_wait3A_333 = arith.constant 0 : i32
      %dma_wait3A_334 = arith.constant 0 : i32
      %dma_wait3A_335 = tpu.memref_slice %arg2[%scan3A_64, %dma_wait3A_333, %dma_wait3A_334] : memref<2x10240x64xf32, #tpu.memory_space<hbm>> -> memref<1x10240x64xf32, #tpu.memory_space<hbm>>
      %dma_wait3A_336 = tpu.memref_squeeze %dma_wait3A_335 : memref<1x10240x64xf32, #tpu.memory_space<hbm>> -> memref<10240x64xf32, #tpu.memory_space<hbm>>
      %dma_wait3A_337 = arith.constant 0 : i32
      %dma_wait3A_338 = arith.constant 0 : i32
      %dma_wait3A_339 = tpu.memref_slice %dma_wait3A_336[%dma_wait3A_337, %dma_wait3A_338] : memref<10240x64xf32, #tpu.memory_space<hbm>> -> memref<128x64xf32, #tpu.memory_space<hbm>>
      %dma_wait3A_340 = arith.constant 0 : i32
      %dma_wait3A_341 = arith.constant 0 : i32
      %dma_wait3A_342 = tpu.memref_slice %arg2[%scan3A_64, %dma_wait3A_340, %dma_wait3A_341] : memref<2x10240x64xf32, #tpu.memory_space<hbm>> -> memref<1x10240x64xf32, #tpu.memory_space<hbm>>
      %dma_wait3A_343 = tpu.memref_squeeze %dma_wait3A_342 : memref<1x10240x64xf32, #tpu.memory_space<hbm>> -> memref<10240x64xf32, #tpu.memory_space<hbm>>
      %dma_wait3A_344 = arith.constant 0 : i32
      %dma_wait3A_345 = arith.constant 0 : i32
      %dma_wait3A_346 = tpu.memref_slice %dma_wait3A_343[%dma_wait3A_344, %dma_wait3A_345] : memref<10240x64xf32, #tpu.memory_space<hbm>> -> memref<128x64xf32, #tpu.memory_space<hbm>>
      tpu.wait_dma2 semaphore(%arg14 : memref<!tpu.dma_semaphore, #tpu.memory_space<semaphore_mem>>) src(%dma_wait3A_346 : memref<128x64xf32, #tpu.memory_space<hbm>>) dst(%arg11 : memref<128x64xf32, #tpu.memory_space<vmem>>)
      %dma_start3A_347 = arith.constant 0 : i32
      %dma_start3A_348 = tpu.memref_slice %arg7[%add3A_313, %dma_start3A_347] : memref<40x128xi32, #tpu.memory_space<vmem>> -> memref<1x128xi32, #tpu.memory_space<vmem>>
      %dma_start3A_349 = tpu.memref_squeeze %dma_start3A_348 : memref<1x128xi32, #tpu.memory_space<vmem>> -> memref<128xi32, #tpu.memory_space<vmem>>
      %dma_start3A_350 = arith.constant 0 : i32
      %dma_start3A_351 = arith.constant 0 : i32
      %dma_start3A_352 = tpu.memref_slice %arg13[%dma_start3A_350, %dma_start3A_351] : memref<10240x64xf32, #tpu.memory_space<vmem_shared>> -> memref<10240x64xf32, #tpu.memory_space<vmem_shared>>
      tpu.enqueue_indirect_dma source(%arg11 : memref<128x64xf32, #tpu.memory_space<vmem>>) target(%dma_start3A_352 : memref<10240x64xf32, #tpu.memory_space<vmem_shared>>) offsets(%dma_start3A_349 : memref<128xi32, #tpu.memory_space<vmem>>) semaphore(%arg15 : memref<!tpu.dma_semaphore, #tpu.memory_space<semaphore_mem>>) {add = true}
    }
    %scan3A_69 = arith.constant 10 : i32
    %dma_wait3A_70 = arith.constant 0 : i32
    %dma_wait3A_71 = arith.constant 0 : i32
    %dma_wait3A_72 = arith.constant 0 : i32
    %dma_wait3A_73 = tpu.memref_slice %arg2[%dma_wait3A_70, %dma_wait3A_71, %dma_wait3A_72] : memref<2x10240x64xf32, #tpu.memory_space<hbm>> -> memref<1x10240x64xf32, #tpu.memory_space<hbm>>
    %dma_wait3A_74 = tpu.memref_squeeze %dma_wait3A_73 : memref<1x10240x64xf32, #tpu.memory_space<hbm>> -> memref<10240x64xf32, #tpu.memory_space<hbm>>
    %dma_wait3A_75 = arith.constant 0 : i32
    %dma_wait3A_76 = arith.constant 0 : i32
    %dma_wait3A_77 = tpu.memref_slice %dma_wait3A_74[%dma_wait3A_75, %dma_wait3A_76] : memref<10240x64xf32, #tpu.memory_space<hbm>> -> memref<128x64xf32, #tpu.memory_space<hbm>>
    %dma_wait3A_78 = arith.constant 0 : i32
    %dma_wait3A_79 = arith.constant 0 : i32
    %dma_wait3A_80 = tpu.memref_slice %arg2[%dma_wait3A_70, %dma_wait3A_78, %dma_wait3A_79] : memref<2x10240x64xf32, #tpu.memory_space<hbm>> -> memref<1x10240x64xf32, #tpu.memory_space<hbm>>
    %dma_wait3A_81 = tpu.memref_squeeze %dma_wait3A_80 : memref<1x10240x64xf32, #tpu.memory_space<hbm>> -> memref<10240x64xf32, #tpu.memory_space<hbm>>
    %dma_wait3A_82 = arith.constant 0 : i32
    %dma_wait3A_83 = arith.constant 0 : i32
    %dma_wait3A_84 = tpu.memref_slice %dma_wait3A_81[%dma_wait3A_82, %dma_wait3A_83] : memref<10240x64xf32, #tpu.memory_space<hbm>> -> memref<128x64xf32, #tpu.memory_space<hbm>>
    tpu.wait_dma2 semaphore(%arg15 : memref<!tpu.dma_semaphore, #tpu.memory_space<semaphore_mem>>) src(%dma_wait3A_84 : memref<128x64xf32, #tpu.memory_space<hbm>>) dst(%arg10 : memref<128x64xf32, #tpu.memory_space<vmem>>)
    %dma_wait3A_85 = arith.constant 0 : i32
    %dma_wait3A_86 = arith.constant 0 : i32
    %dma_wait3A_87 = arith.constant 0 : i32
    %dma_wait3A_88 = tpu.memref_slice %arg2[%dma_wait3A_85, %dma_wait3A_86, %dma_wait3A_87] : memref<2x10240x64xf32, #tpu.memory_space<hbm>> -> memref<1x10240x64xf32, #tpu.memory_space<hbm>>
    %dma_wait3A_89 = tpu.memref_squeeze %dma_wait3A_88 : memref<1x10240x64xf32, #tpu.memory_space<hbm>> -> memref<10240x64xf32, #tpu.memory_space<hbm>>
    %dma_wait3A_90 = arith.constant 0 : i32
    %dma_wait3A_91 = arith.constant 0 : i32
    %dma_wait3A_92 = tpu.memref_slice %dma_wait3A_89[%dma_wait3A_90, %dma_wait3A_91] : memref<10240x64xf32, #tpu.memory_space<hbm>> -> memref<128x64xf32, #tpu.memory_space<hbm>>
    %dma_wait3A_93 = arith.constant 0 : i32
    %dma_wait3A_94 = arith.constant 0 : i32
    %dma_wait3A_95 = tpu.memref_slice %arg2[%dma_wait3A_85, %dma_wait3A_93, %dma_wait3A_94] : memref<2x10240x64xf32, #tpu.memory_space<hbm>> -> memref<1x10240x64xf32, #tpu.memory_space<hbm>>
    %dma_wait3A_96 = tpu.memref_squeeze %dma_wait3A_95 : memref<1x10240x64xf32, #tpu.memory_space<hbm>> -> memref<10240x64xf32, #tpu.memory_space<hbm>>
    %dma_wait3A_97 = arith.constant 0 : i32
    %dma_wait3A_98 = arith.constant 0 : i32
    %dma_wait3A_99 = tpu.memref_slice %dma_wait3A_96[%dma_wait3A_97, %dma_wait3A_98] : memref<10240x64xf32, #tpu.memory_space<hbm>> -> memref<128x64xf32, #tpu.memory_space<hbm>>
    tpu.wait_dma2 semaphore(%arg15 : memref<!tpu.dma_semaphore, #tpu.memory_space<semaphore_mem>>) src(%dma_wait3A_99 : memref<128x64xf32, #tpu.memory_space<hbm>>) dst(%arg11 : memref<128x64xf32, #tpu.memory_space<vmem>>)
    "tpu.region"() ({
      %run_scoped3A = tpu.sem_alloc : memref<!tpu.dma_semaphore, #tpu.memory_space<semaphore_mem>>
      %dma_start3A_203 = arith.constant 80 : i32
      %dma_start3A_204 = arith.constant 0 : i32
      %dma_start3A_205 = tpu.memref_slice %arg3[%arg1, %dma_start3A_203, %dma_start3A_204] : memref<16x160x128xi32, #tpu.memory_space<hbm>> -> memref<1x40x128xi32, #tpu.memory_space<hbm>>
      %dma_start3A_206 = tpu.memref_squeeze %dma_start3A_205 : memref<1x40x128xi32, #tpu.memory_space<hbm>> -> memref<40x128xi32, #tpu.memory_space<hbm>>
      %dma_start3A_207 = arith.constant 80 : i32
      %dma_start3A_208 = arith.constant 0 : i32
      %dma_start3A_209 = tpu.memref_slice %arg3[%arg1, %dma_start3A_207, %dma_start3A_208] : memref<16x160x128xi32, #tpu.memory_space<hbm>> -> memref<1x40x128xi32, #tpu.memory_space<hbm>>
      %dma_start3A_210 = tpu.memref_squeeze %dma_start3A_209 : memref<1x40x128xi32, #tpu.memory_space<hbm>> -> memref<40x128xi32, #tpu.memory_space<hbm>>
      tpu.enqueue_dma source(%dma_start3A_210 : memref<40x128xi32, #tpu.memory_space<hbm>>) target(%arg6 : memref<40x128xi32, #tpu.memory_space<vmem>>) target_semaphore(%run_scoped3A : memref<!tpu.dma_semaphore, #tpu.memory_space<semaphore_mem>>)
      %dma_wait3A_211 = arith.constant 80 : i32
      %dma_wait3A_212 = arith.constant 0 : i32
      %dma_wait3A_213 = tpu.memref_slice %arg3[%arg1, %dma_wait3A_211, %dma_wait3A_212] : memref<16x160x128xi32, #tpu.memory_space<hbm>> -> memref<1x40x128xi32, #tpu.memory_space<hbm>>
      %dma_wait3A_214 = tpu.memref_squeeze %dma_wait3A_213 : memref<1x40x128xi32, #tpu.memory_space<hbm>> -> memref<40x128xi32, #tpu.memory_space<hbm>>
      %dma_wait3A_215 = arith.constant 80 : i32
      %dma_wait3A_216 = arith.constant 0 : i32
      %dma_wait3A_217 = tpu.memref_slice %arg3[%arg1, %dma_wait3A_215, %dma_wait3A_216] : memref<16x160x128xi32, #tpu.memory_space<hbm>> -> memref<1x40x128xi32, #tpu.memory_space<hbm>>
      %dma_wait3A_218 = tpu.memref_squeeze %dma_wait3A_217 : memref<1x40x128xi32, #tpu.memory_space<hbm>> -> memref<40x128xi32, #tpu.memory_space<hbm>>
      tpu.wait_dma2 semaphore(%run_scoped3A : memref<!tpu.dma_semaphore, #tpu.memory_space<semaphore_mem>>) src(%dma_wait3A_218 : memref<40x128xi32, #tpu.memory_space<hbm>>) dst(%arg6 : memref<40x128xi32, #tpu.memory_space<vmem>>)
      tpu.yield
    }) : () -> ()
    "tpu.region"() ({
      %run_scoped3A = tpu.sem_alloc : memref<!tpu.dma_semaphore, #tpu.memory_space<semaphore_mem>>
      %dma_start3A_203 = arith.constant 80 : i32
      %dma_start3A_204 = arith.constant 0 : i32
      %dma_start3A_205 = tpu.memref_slice %arg4[%arg1, %dma_start3A_203, %dma_start3A_204] : memref<16x160x128xi32, #tpu.memory_space<hbm>> -> memref<1x40x128xi32, #tpu.memory_space<hbm>>
      %dma_start3A_206 = tpu.memref_squeeze %dma_start3A_205 : memref<1x40x128xi32, #tpu.memory_space<hbm>> -> memref<40x128xi32, #tpu.memory_space<hbm>>
      %dma_start3A_207 = arith.constant 80 : i32
      %dma_start3A_208 = arith.constant 0 : i32
      %dma_start3A_209 = tpu.memref_slice %arg4[%arg1, %dma_start3A_207, %dma_start3A_208] : memref<16x160x128xi32, #tpu.memory_space<hbm>> -> memref<1x40x128xi32, #tpu.memory_space<hbm>>
      %dma_start3A_210 = tpu.memref_squeeze %dma_start3A_209 : memref<1x40x128xi32, #tpu.memory_space<hbm>> -> memref<40x128xi32, #tpu.memory_space<hbm>>
      tpu.enqueue_dma source(%dma_start3A_210 : memref<40x128xi32, #tpu.memory_space<hbm>>) target(%arg7 : memref<40x128xi32, #tpu.memory_space<vmem>>) target_semaphore(%run_scoped3A : memref<!tpu.dma_semaphore, #tpu.memory_space<semaphore_mem>>)
      %dma_wait3A_211 = arith.constant 80 : i32
      %dma_wait3A_212 = arith.constant 0 : i32
      %dma_wait3A_213 = tpu.memref_slice %arg4[%arg1, %dma_wait3A_211, %dma_wait3A_212] : memref<16x160x128xi32, #tpu.memory_space<hbm>> -> memref<1x40x128xi32, #tpu.memory_space<hbm>>
      %dma_wait3A_214 = tpu.memref_squeeze %dma_wait3A_213 : memref<1x40x128xi32, #tpu.memory_space<hbm>> -> memref<40x128xi32, #tpu.memory_space<hbm>>
      %dma_wait3A_215 = arith.constant 80 : i32
      %dma_wait3A_216 = arith.constant 0 : i32
      %dma_wait3A_217 = tpu.memref_slice %arg4[%arg1, %dma_wait3A_215, %dma_wait3A_216] : memref<16x160x128xi32, #tpu.memory_space<hbm>> -> memref<1x40x128xi32, #tpu.memory_space<hbm>>
      %dma_wait3A_218 = tpu.memref_squeeze %dma_wait3A_217 : memref<1x40x128xi32, #tpu.memory_space<hbm>> -> memref<40x128xi32, #tpu.memory_space<hbm>>
      tpu.wait_dma2 semaphore(%run_scoped3A : memref<!tpu.dma_semaphore, #tpu.memory_space<semaphore_mem>>) src(%dma_wait3A_218 : memref<40x128xi32, #tpu.memory_space<hbm>>) dst(%arg7 : memref<40x128xi32, #tpu.memory_space<vmem>>)
      tpu.yield
    }) : () -> ()
    %dma_start3A_100 = arith.constant 0 : i32
    %dma_start3A_101 = arith.constant 0 : i32
    %dma_start3A_102 = tpu.memref_slice %arg6[%dma_start3A_100, %dma_start3A_101] : memref<40x128xi32, #tpu.memory_space<vmem>> -> memref<1x128xi32, #tpu.memory_space<vmem>>
    %dma_start3A_103 = tpu.memref_squeeze %dma_start3A_102 : memref<1x128xi32, #tpu.memory_space<vmem>> -> memref<128xi32, #tpu.memory_space<vmem>>
    %dma_start3A_104 = arith.constant 0 : i32
    %dma_start3A_105 = arith.constant 0 : i32
    %dma_start3A_106 = tpu.memref_slice %arg12[%dma_start3A_104, %dma_start3A_105] : memref<10240x64xf32, #tpu.memory_space<vmem_shared>> -> memref<10240x64xf32, #tpu.memory_space<vmem_shared>>
    tpu.enqueue_indirect_dma source(%dma_start3A_106 : memref<10240x64xf32, #tpu.memory_space<vmem_shared>>) target(%arg8 : memref<128x64xf32, #tpu.memory_space<vmem>>) offsets(%dma_start3A_103 : memref<128xi32, #tpu.memory_space<vmem>>) semaphore(%arg14 : memref<!tpu.dma_semaphore, #tpu.memory_space<semaphore_mem>>)
    %dma_start3A_107 = arith.constant 1 : i32
    %dma_start3A_108 = arith.constant 0 : i32
    %dma_start3A_109 = tpu.memref_slice %arg6[%dma_start3A_107, %dma_start3A_108] : memref<40x128xi32, #tpu.memory_space<vmem>> -> memref<1x128xi32, #tpu.memory_space<vmem>>
    %dma_start3A_110 = tpu.memref_squeeze %dma_start3A_109 : memref<1x128xi32, #tpu.memory_space<vmem>> -> memref<128xi32, #tpu.memory_space<vmem>>
    %dma_start3A_111 = arith.constant 0 : i32
    %dma_start3A_112 = arith.constant 0 : i32
    %dma_start3A_113 = tpu.memref_slice %arg12[%dma_start3A_111, %dma_start3A_112] : memref<10240x64xf32, #tpu.memory_space<vmem_shared>> -> memref<10240x64xf32, #tpu.memory_space<vmem_shared>>
    tpu.enqueue_indirect_dma source(%dma_start3A_113 : memref<10240x64xf32, #tpu.memory_space<vmem_shared>>) target(%arg9 : memref<128x64xf32, #tpu.memory_space<vmem>>) offsets(%dma_start3A_110 : memref<128xi32, #tpu.memory_space<vmem>>) semaphore(%arg14 : memref<!tpu.dma_semaphore, #tpu.memory_space<semaphore_mem>>)
    %scan3A_114 = arith.constant 0 : i32
    %scan3A_115 = arith.constant 0 : i32
    %scan3A_116 = arith.constant 0 : i32
    %scan3A_117 = arith.constant 10 : i32
    %scan3A_118 = arith.addi %scan3A_116, %scan3A_117 : i32
    %scan3A_119 = arith.constant 1 : i32
    scf.for %scan3A_203 = %scan3A_116 to %scan3A_118 step %scan3A_119  : i32 {
      %mul3A_204 = arith.constant 4 : i32
      %mul3A_205 = arith.muli %scan3A_203, %mul3A_204 : i32
      %add3A = arith.constant 0 : i32
      %add3A_206 = arith.addi %mul3A_205, %add3A : i32
      %gt3A = arith.constant 0 : i32
      %gt3A_207 = arith.cmpi sgt, %scan3A_203, %gt3A : i32
      %convert_element_type3A = arith.extui %gt3A_207 : i1 to i32
      %cond3A = arith.constant 0 : i32
      %cond3A_208 = arith.cmpi ne, %convert_element_type3A, %cond3A : i32
      scf.if %cond3A_208 {
        %dma_wait3A_353 = arith.constant 0 : i32
        %dma_wait3A_354 = arith.constant 0 : i32
        %dma_wait3A_355 = tpu.memref_slice %arg2[%scan3A_115, %dma_wait3A_353, %dma_wait3A_354] : memref<2x10240x64xf32, #tpu.memory_space<hbm>> -> memref<1x10240x64xf32, #tpu.memory_space<hbm>>
        %dma_wait3A_356 = tpu.memref_squeeze %dma_wait3A_355 : memref<1x10240x64xf32, #tpu.memory_space<hbm>> -> memref<10240x64xf32, #tpu.memory_space<hbm>>
        %dma_wait3A_357 = arith.constant 0 : i32
        %dma_wait3A_358 = arith.constant 0 : i32
        %dma_wait3A_359 = tpu.memref_slice %dma_wait3A_356[%dma_wait3A_357, %dma_wait3A_358] : memref<10240x64xf32, #tpu.memory_space<hbm>> -> memref<128x64xf32, #tpu.memory_space<hbm>>
        %dma_wait3A_360 = arith.constant 0 : i32
        %dma_wait3A_361 = arith.constant 0 : i32
        %dma_wait3A_362 = tpu.memref_slice %arg2[%scan3A_115, %dma_wait3A_360, %dma_wait3A_361] : memref<2x10240x64xf32, #tpu.memory_space<hbm>> -> memref<1x10240x64xf32, #tpu.memory_space<hbm>>
        %dma_wait3A_363 = tpu.memref_squeeze %dma_wait3A_362 : memref<1x10240x64xf32, #tpu.memory_space<hbm>> -> memref<10240x64xf32, #tpu.memory_space<hbm>>
        %dma_wait3A_364 = arith.constant 0 : i32
        %dma_wait3A_365 = arith.constant 0 : i32
        %dma_wait3A_366 = tpu.memref_slice %dma_wait3A_363[%dma_wait3A_364, %dma_wait3A_365] : memref<10240x64xf32, #tpu.memory_space<hbm>> -> memref<128x64xf32, #tpu.memory_space<hbm>>
        tpu.wait_dma2 semaphore(%arg15 : memref<!tpu.dma_semaphore, #tpu.memory_space<semaphore_mem>>) src(%dma_wait3A_366 : memref<128x64xf32, #tpu.memory_space<hbm>>) dst(%arg10 : memref<128x64xf32, #tpu.memory_space<vmem>>)
      } else {
      }
      %add3A_209 = arith.constant 2 : i32
      %add3A_210 = arith.addi %add3A_206, %add3A_209 : i32
      %dma_start3A_211 = arith.constant 0 : i32
      %dma_start3A_212 = tpu.memref_slice %arg6[%add3A_210, %dma_start3A_211] : memref<40x128xi32, #tpu.memory_space<vmem>> -> memref<1x128xi32, #tpu.memory_space<vmem>>
      %dma_start3A_213 = tpu.memref_squeeze %dma_start3A_212 : memref<1x128xi32, #tpu.memory_space<vmem>> -> memref<128xi32, #tpu.memory_space<vmem>>
      %dma_start3A_214 = arith.constant 0 : i32
      %dma_start3A_215 = arith.constant 0 : i32
      %dma_start3A_216 = tpu.memref_slice %arg12[%dma_start3A_214, %dma_start3A_215] : memref<10240x64xf32, #tpu.memory_space<vmem_shared>> -> memref<10240x64xf32, #tpu.memory_space<vmem_shared>>
      tpu.enqueue_indirect_dma source(%dma_start3A_216 : memref<10240x64xf32, #tpu.memory_space<vmem_shared>>) target(%arg10 : memref<128x64xf32, #tpu.memory_space<vmem>>) offsets(%dma_start3A_213 : memref<128xi32, #tpu.memory_space<vmem>>) semaphore(%arg14 : memref<!tpu.dma_semaphore, #tpu.memory_space<semaphore_mem>>)
      %dma_wait3A_217 = arith.constant 0 : i32
      %dma_wait3A_218 = arith.constant 0 : i32
      %dma_wait3A_219 = tpu.memref_slice %arg2[%scan3A_115, %dma_wait3A_217, %dma_wait3A_218] : memref<2x10240x64xf32, #tpu.memory_space<hbm>> -> memref<1x10240x64xf32, #tpu.memory_space<hbm>>
      %dma_wait3A_220 = tpu.memref_squeeze %dma_wait3A_219 : memref<1x10240x64xf32, #tpu.memory_space<hbm>> -> memref<10240x64xf32, #tpu.memory_space<hbm>>
      %dma_wait3A_221 = arith.constant 0 : i32
      %dma_wait3A_222 = arith.constant 0 : i32
      %dma_wait3A_223 = tpu.memref_slice %dma_wait3A_220[%dma_wait3A_221, %dma_wait3A_222] : memref<10240x64xf32, #tpu.memory_space<hbm>> -> memref<128x64xf32, #tpu.memory_space<hbm>>
      %dma_wait3A_224 = arith.constant 0 : i32
      %dma_wait3A_225 = arith.constant 0 : i32
      %dma_wait3A_226 = tpu.memref_slice %arg2[%scan3A_115, %dma_wait3A_224, %dma_wait3A_225] : memref<2x10240x64xf32, #tpu.memory_space<hbm>> -> memref<1x10240x64xf32, #tpu.memory_space<hbm>>
      %dma_wait3A_227 = tpu.memref_squeeze %dma_wait3A_226 : memref<1x10240x64xf32, #tpu.memory_space<hbm>> -> memref<10240x64xf32, #tpu.memory_space<hbm>>
      %dma_wait3A_228 = arith.constant 0 : i32
      %dma_wait3A_229 = arith.constant 0 : i32
      %dma_wait3A_230 = tpu.memref_slice %dma_wait3A_227[%dma_wait3A_228, %dma_wait3A_229] : memref<10240x64xf32, #tpu.memory_space<hbm>> -> memref<128x64xf32, #tpu.memory_space<hbm>>
      tpu.wait_dma2 semaphore(%arg14 : memref<!tpu.dma_semaphore, #tpu.memory_space<semaphore_mem>>) src(%dma_wait3A_230 : memref<128x64xf32, #tpu.memory_space<hbm>>) dst(%arg8 : memref<128x64xf32, #tpu.memory_space<vmem>>)
      %dma_start3A_231 = arith.constant 0 : i32
      %dma_start3A_232 = tpu.memref_slice %arg7[%add3A_206, %dma_start3A_231] : memref<40x128xi32, #tpu.memory_space<vmem>> -> memref<1x128xi32, #tpu.memory_space<vmem>>
      %dma_start3A_233 = tpu.memref_squeeze %dma_start3A_232 : memref<1x128xi32, #tpu.memory_space<vmem>> -> memref<128xi32, #tpu.memory_space<vmem>>
      %dma_start3A_234 = arith.constant 0 : i32
      %dma_start3A_235 = arith.constant 0 : i32
      %dma_start3A_236 = tpu.memref_slice %arg13[%dma_start3A_234, %dma_start3A_235] : memref<10240x64xf32, #tpu.memory_space<vmem_shared>> -> memref<10240x64xf32, #tpu.memory_space<vmem_shared>>
      tpu.enqueue_indirect_dma source(%arg8 : memref<128x64xf32, #tpu.memory_space<vmem>>) target(%dma_start3A_236 : memref<10240x64xf32, #tpu.memory_space<vmem_shared>>) offsets(%dma_start3A_233 : memref<128xi32, #tpu.memory_space<vmem>>) semaphore(%arg15 : memref<!tpu.dma_semaphore, #tpu.memory_space<semaphore_mem>>) {add = true}
      %add3A_237 = arith.constant 1 : i32
      %add3A_238 = arith.addi %mul3A_205, %add3A_237 : i32
      %gt3A_239 = arith.constant 0 : i32
      %gt3A_240 = arith.cmpi sgt, %scan3A_203, %gt3A_239 : i32
      %convert_element_type3A_241 = arith.extui %gt3A_240 : i1 to i32
      %cond3A_242 = arith.constant 0 : i32
      %cond3A_243 = arith.cmpi ne, %convert_element_type3A_241, %cond3A_242 : i32
      scf.if %cond3A_243 {
        %dma_wait3A_353 = arith.constant 0 : i32
        %dma_wait3A_354 = arith.constant 0 : i32
        %dma_wait3A_355 = tpu.memref_slice %arg2[%scan3A_115, %dma_wait3A_353, %dma_wait3A_354] : memref<2x10240x64xf32, #tpu.memory_space<hbm>> -> memref<1x10240x64xf32, #tpu.memory_space<hbm>>
        %dma_wait3A_356 = tpu.memref_squeeze %dma_wait3A_355 : memref<1x10240x64xf32, #tpu.memory_space<hbm>> -> memref<10240x64xf32, #tpu.memory_space<hbm>>
        %dma_wait3A_357 = arith.constant 0 : i32
        %dma_wait3A_358 = arith.constant 0 : i32
        %dma_wait3A_359 = tpu.memref_slice %dma_wait3A_356[%dma_wait3A_357, %dma_wait3A_358] : memref<10240x64xf32, #tpu.memory_space<hbm>> -> memref<128x64xf32, #tpu.memory_space<hbm>>
        %dma_wait3A_360 = arith.constant 0 : i32
        %dma_wait3A_361 = arith.constant 0 : i32
        %dma_wait3A_362 = tpu.memref_slice %arg2[%scan3A_115, %dma_wait3A_360, %dma_wait3A_361] : memref<2x10240x64xf32, #tpu.memory_space<hbm>> -> memref<1x10240x64xf32, #tpu.memory_space<hbm>>
        %dma_wait3A_363 = tpu.memref_squeeze %dma_wait3A_362 : memref<1x10240x64xf32, #tpu.memory_space<hbm>> -> memref<10240x64xf32, #tpu.memory_space<hbm>>
        %dma_wait3A_364 = arith.constant 0 : i32
        %dma_wait3A_365 = arith.constant 0 : i32
        %dma_wait3A_366 = tpu.memref_slice %dma_wait3A_363[%dma_wait3A_364, %dma_wait3A_365] : memref<10240x64xf32, #tpu.memory_space<hbm>> -> memref<128x64xf32, #tpu.memory_space<hbm>>
        tpu.wait_dma2 semaphore(%arg15 : memref<!tpu.dma_semaphore, #tpu.memory_space<semaphore_mem>>) src(%dma_wait3A_366 : memref<128x64xf32, #tpu.memory_space<hbm>>) dst(%arg11 : memref<128x64xf32, #tpu.memory_space<vmem>>)
      } else {
      }
      %add3A_244 = arith.constant 2 : i32
      %add3A_245 = arith.addi %add3A_238, %add3A_244 : i32
      %dma_start3A_246 = arith.constant 0 : i32
      %dma_start3A_247 = tpu.memref_slice %arg6[%add3A_245, %dma_start3A_246] : memref<40x128xi32, #tpu.memory_space<vmem>> -> memref<1x128xi32, #tpu.memory_space<vmem>>
      %dma_start3A_248 = tpu.memref_squeeze %dma_start3A_247 : memref<1x128xi32, #tpu.memory_space<vmem>> -> memref<128xi32, #tpu.memory_space<vmem>>
      %dma_start3A_249 = arith.constant 0 : i32
      %dma_start3A_250 = arith.constant 0 : i32
      %dma_start3A_251 = tpu.memref_slice %arg12[%dma_start3A_249, %dma_start3A_250] : memref<10240x64xf32, #tpu.memory_space<vmem_shared>> -> memref<10240x64xf32, #tpu.memory_space<vmem_shared>>
      tpu.enqueue_indirect_dma source(%dma_start3A_251 : memref<10240x64xf32, #tpu.memory_space<vmem_shared>>) target(%arg11 : memref<128x64xf32, #tpu.memory_space<vmem>>) offsets(%dma_start3A_248 : memref<128xi32, #tpu.memory_space<vmem>>) semaphore(%arg14 : memref<!tpu.dma_semaphore, #tpu.memory_space<semaphore_mem>>)
      %dma_wait3A_252 = arith.constant 0 : i32
      %dma_wait3A_253 = arith.constant 0 : i32
      %dma_wait3A_254 = tpu.memref_slice %arg2[%scan3A_115, %dma_wait3A_252, %dma_wait3A_253] : memref<2x10240x64xf32, #tpu.memory_space<hbm>> -> memref<1x10240x64xf32, #tpu.memory_space<hbm>>
      %dma_wait3A_255 = tpu.memref_squeeze %dma_wait3A_254 : memref<1x10240x64xf32, #tpu.memory_space<hbm>> -> memref<10240x64xf32, #tpu.memory_space<hbm>>
      %dma_wait3A_256 = arith.constant 0 : i32
      %dma_wait3A_257 = arith.constant 0 : i32
      %dma_wait3A_258 = tpu.memref_slice %dma_wait3A_255[%dma_wait3A_256, %dma_wait3A_257] : memref<10240x64xf32, #tpu.memory_space<hbm>> -> memref<128x64xf32, #tpu.memory_space<hbm>>
      %dma_wait3A_259 = arith.constant 0 : i32
      %dma_wait3A_260 = arith.constant 0 : i32
      %dma_wait3A_261 = tpu.memref_slice %arg2[%scan3A_115, %dma_wait3A_259, %dma_wait3A_260] : memref<2x10240x64xf32, #tpu.memory_space<hbm>> -> memref<1x10240x64xf32, #tpu.memory_space<hbm>>
      %dma_wait3A_262 = tpu.memref_squeeze %dma_wait3A_261 : memref<1x10240x64xf32, #tpu.memory_space<hbm>> -> memref<10240x64xf32, #tpu.memory_space<hbm>>
      %dma_wait3A_263 = arith.constant 0 : i32
      %dma_wait3A_264 = arith.constant 0 : i32
      %dma_wait3A_265 = tpu.memref_slice %dma_wait3A_262[%dma_wait3A_263, %dma_wait3A_264] : memref<10240x64xf32, #tpu.memory_space<hbm>> -> memref<128x64xf32, #tpu.memory_space<hbm>>
      tpu.wait_dma2 semaphore(%arg14 : memref<!tpu.dma_semaphore, #tpu.memory_space<semaphore_mem>>) src(%dma_wait3A_265 : memref<128x64xf32, #tpu.memory_space<hbm>>) dst(%arg9 : memref<128x64xf32, #tpu.memory_space<vmem>>)
      %dma_start3A_266 = arith.constant 0 : i32
      %dma_start3A_267 = tpu.memref_slice %arg7[%add3A_238, %dma_start3A_266] : memref<40x128xi32, #tpu.memory_space<vmem>> -> memref<1x128xi32, #tpu.memory_space<vmem>>
      %dma_start3A_268 = tpu.memref_squeeze %dma_start3A_267 : memref<1x128xi32, #tpu.memory_space<vmem>> -> memref<128xi32, #tpu.memory_space<vmem>>
      %dma_start3A_269 = arith.constant 0 : i32
      %dma_start3A_270 = arith.constant 0 : i32
      %dma_start3A_271 = tpu.memref_slice %arg13[%dma_start3A_269, %dma_start3A_270] : memref<10240x64xf32, #tpu.memory_space<vmem_shared>> -> memref<10240x64xf32, #tpu.memory_space<vmem_shared>>
      tpu.enqueue_indirect_dma source(%arg9 : memref<128x64xf32, #tpu.memory_space<vmem>>) target(%dma_start3A_271 : memref<10240x64xf32, #tpu.memory_space<vmem_shared>>) offsets(%dma_start3A_268 : memref<128xi32, #tpu.memory_space<vmem>>) semaphore(%arg15 : memref<!tpu.dma_semaphore, #tpu.memory_space<semaphore_mem>>) {add = true}
      %add3A_272 = arith.constant 2 : i32
      %add3A_273 = arith.addi %mul3A_205, %add3A_272 : i32
      %dma_wait3A_274 = arith.constant 0 : i32
      %dma_wait3A_275 = arith.constant 0 : i32
      %dma_wait3A_276 = tpu.memref_slice %arg2[%scan3A_115, %dma_wait3A_274, %dma_wait3A_275] : memref<2x10240x64xf32, #tpu.memory_space<hbm>> -> memref<1x10240x64xf32, #tpu.memory_space<hbm>>
      %dma_wait3A_277 = tpu.memref_squeeze %dma_wait3A_276 : memref<1x10240x64xf32, #tpu.memory_space<hbm>> -> memref<10240x64xf32, #tpu.memory_space<hbm>>
      %dma_wait3A_278 = arith.constant 0 : i32
      %dma_wait3A_279 = arith.constant 0 : i32
      %dma_wait3A_280 = tpu.memref_slice %dma_wait3A_277[%dma_wait3A_278, %dma_wait3A_279] : memref<10240x64xf32, #tpu.memory_space<hbm>> -> memref<128x64xf32, #tpu.memory_space<hbm>>
      %dma_wait3A_281 = arith.constant 0 : i32
      %dma_wait3A_282 = arith.constant 0 : i32
      %dma_wait3A_283 = tpu.memref_slice %arg2[%scan3A_115, %dma_wait3A_281, %dma_wait3A_282] : memref<2x10240x64xf32, #tpu.memory_space<hbm>> -> memref<1x10240x64xf32, #tpu.memory_space<hbm>>
      %dma_wait3A_284 = tpu.memref_squeeze %dma_wait3A_283 : memref<1x10240x64xf32, #tpu.memory_space<hbm>> -> memref<10240x64xf32, #tpu.memory_space<hbm>>
      %dma_wait3A_285 = arith.constant 0 : i32
      %dma_wait3A_286 = arith.constant 0 : i32
      %dma_wait3A_287 = tpu.memref_slice %dma_wait3A_284[%dma_wait3A_285, %dma_wait3A_286] : memref<10240x64xf32, #tpu.memory_space<hbm>> -> memref<128x64xf32, #tpu.memory_space<hbm>>
      tpu.wait_dma2 semaphore(%arg15 : memref<!tpu.dma_semaphore, #tpu.memory_space<semaphore_mem>>) src(%dma_wait3A_287 : memref<128x64xf32, #tpu.memory_space<hbm>>) dst(%arg8 : memref<128x64xf32, #tpu.memory_space<vmem>>)
      %lt3A = arith.constant 9 : i32
      %lt3A_288 = arith.cmpi slt, %scan3A_203, %lt3A : i32
      %convert_element_type3A_289 = arith.extui %lt3A_288 : i1 to i32
      %cond3A_290 = arith.constant 0 : i32
      %cond3A_291 = arith.cmpi ne, %convert_element_type3A_289, %cond3A_290 : i32
      scf.if %cond3A_291 {
        %add3A_353 = arith.constant 2 : i32
        %add3A_354 = arith.addi %add3A_273, %add3A_353 : i32
        %dma_start3A_355 = arith.constant 0 : i32
        %dma_start3A_356 = tpu.memref_slice %arg6[%add3A_354, %dma_start3A_355] : memref<40x128xi32, #tpu.memory_space<vmem>> -> memref<1x128xi32, #tpu.memory_space<vmem>>
        %dma_start3A_357 = tpu.memref_squeeze %dma_start3A_356 : memref<1x128xi32, #tpu.memory_space<vmem>> -> memref<128xi32, #tpu.memory_space<vmem>>
        %dma_start3A_358 = arith.constant 0 : i32
        %dma_start3A_359 = arith.constant 0 : i32
        %dma_start3A_360 = tpu.memref_slice %arg12[%dma_start3A_358, %dma_start3A_359] : memref<10240x64xf32, #tpu.memory_space<vmem_shared>> -> memref<10240x64xf32, #tpu.memory_space<vmem_shared>>
        tpu.enqueue_indirect_dma source(%dma_start3A_360 : memref<10240x64xf32, #tpu.memory_space<vmem_shared>>) target(%arg8 : memref<128x64xf32, #tpu.memory_space<vmem>>) offsets(%dma_start3A_357 : memref<128xi32, #tpu.memory_space<vmem>>) semaphore(%arg14 : memref<!tpu.dma_semaphore, #tpu.memory_space<semaphore_mem>>)
      } else {
      }
      %dma_wait3A_292 = arith.constant 0 : i32
      %dma_wait3A_293 = arith.constant 0 : i32
      %dma_wait3A_294 = tpu.memref_slice %arg2[%scan3A_115, %dma_wait3A_292, %dma_wait3A_293] : memref<2x10240x64xf32, #tpu.memory_space<hbm>> -> memref<1x10240x64xf32, #tpu.memory_space<hbm>>
      %dma_wait3A_295 = tpu.memref_squeeze %dma_wait3A_294 : memref<1x10240x64xf32, #tpu.memory_space<hbm>> -> memref<10240x64xf32, #tpu.memory_space<hbm>>
      %dma_wait3A_296 = arith.constant 0 : i32
      %dma_wait3A_297 = arith.constant 0 : i32
      %dma_wait3A_298 = tpu.memref_slice %dma_wait3A_295[%dma_wait3A_296, %dma_wait3A_297] : memref<10240x64xf32, #tpu.memory_space<hbm>> -> memref<128x64xf32, #tpu.memory_space<hbm>>
      %dma_wait3A_299 = arith.constant 0 : i32
      %dma_wait3A_300 = arith.constant 0 : i32
      %dma_wait3A_301 = tpu.memref_slice %arg2[%scan3A_115, %dma_wait3A_299, %dma_wait3A_300] : memref<2x10240x64xf32, #tpu.memory_space<hbm>> -> memref<1x10240x64xf32, #tpu.memory_space<hbm>>
      %dma_wait3A_302 = tpu.memref_squeeze %dma_wait3A_301 : memref<1x10240x64xf32, #tpu.memory_space<hbm>> -> memref<10240x64xf32, #tpu.memory_space<hbm>>
      %dma_wait3A_303 = arith.constant 0 : i32
      %dma_wait3A_304 = arith.constant 0 : i32
      %dma_wait3A_305 = tpu.memref_slice %dma_wait3A_302[%dma_wait3A_303, %dma_wait3A_304] : memref<10240x64xf32, #tpu.memory_space<hbm>> -> memref<128x64xf32, #tpu.memory_space<hbm>>
      tpu.wait_dma2 semaphore(%arg14 : memref<!tpu.dma_semaphore, #tpu.memory_space<semaphore_mem>>) src(%dma_wait3A_305 : memref<128x64xf32, #tpu.memory_space<hbm>>) dst(%arg10 : memref<128x64xf32, #tpu.memory_space<vmem>>)
      %dma_start3A_306 = arith.constant 0 : i32
      %dma_start3A_307 = tpu.memref_slice %arg7[%add3A_273, %dma_start3A_306] : memref<40x128xi32, #tpu.memory_space<vmem>> -> memref<1x128xi32, #tpu.memory_space<vmem>>
      %dma_start3A_308 = tpu.memref_squeeze %dma_start3A_307 : memref<1x128xi32, #tpu.memory_space<vmem>> -> memref<128xi32, #tpu.memory_space<vmem>>
      %dma_start3A_309 = arith.constant 0 : i32
      %dma_start3A_310 = arith.constant 0 : i32
      %dma_start3A_311 = tpu.memref_slice %arg13[%dma_start3A_309, %dma_start3A_310] : memref<10240x64xf32, #tpu.memory_space<vmem_shared>> -> memref<10240x64xf32, #tpu.memory_space<vmem_shared>>
      tpu.enqueue_indirect_dma source(%arg10 : memref<128x64xf32, #tpu.memory_space<vmem>>) target(%dma_start3A_311 : memref<10240x64xf32, #tpu.memory_space<vmem_shared>>) offsets(%dma_start3A_308 : memref<128xi32, #tpu.memory_space<vmem>>) semaphore(%arg15 : memref<!tpu.dma_semaphore, #tpu.memory_space<semaphore_mem>>) {add = true}
      %add3A_312 = arith.constant 3 : i32
      %add3A_313 = arith.addi %mul3A_205, %add3A_312 : i32
      %dma_wait3A_314 = arith.constant 0 : i32
      %dma_wait3A_315 = arith.constant 0 : i32
      %dma_wait3A_316 = tpu.memref_slice %arg2[%scan3A_115, %dma_wait3A_314, %dma_wait3A_315] : memref<2x10240x64xf32, #tpu.memory_space<hbm>> -> memref<1x10240x64xf32, #tpu.memory_space<hbm>>
      %dma_wait3A_317 = tpu.memref_squeeze %dma_wait3A_316 : memref<1x10240x64xf32, #tpu.memory_space<hbm>> -> memref<10240x64xf32, #tpu.memory_space<hbm>>
      %dma_wait3A_318 = arith.constant 0 : i32
      %dma_wait3A_319 = arith.constant 0 : i32
      %dma_wait3A_320 = tpu.memref_slice %dma_wait3A_317[%dma_wait3A_318, %dma_wait3A_319] : memref<10240x64xf32, #tpu.memory_space<hbm>> -> memref<128x64xf32, #tpu.memory_space<hbm>>
      %dma_wait3A_321 = arith.constant 0 : i32
      %dma_wait3A_322 = arith.constant 0 : i32
      %dma_wait3A_323 = tpu.memref_slice %arg2[%scan3A_115, %dma_wait3A_321, %dma_wait3A_322] : memref<2x10240x64xf32, #tpu.memory_space<hbm>> -> memref<1x10240x64xf32, #tpu.memory_space<hbm>>
      %dma_wait3A_324 = tpu.memref_squeeze %dma_wait3A_323 : memref<1x10240x64xf32, #tpu.memory_space<hbm>> -> memref<10240x64xf32, #tpu.memory_space<hbm>>
      %dma_wait3A_325 = arith.constant 0 : i32
      %dma_wait3A_326 = arith.constant 0 : i32
      %dma_wait3A_327 = tpu.memref_slice %dma_wait3A_324[%dma_wait3A_325, %dma_wait3A_326] : memref<10240x64xf32, #tpu.memory_space<hbm>> -> memref<128x64xf32, #tpu.memory_space<hbm>>
      tpu.wait_dma2 semaphore(%arg15 : memref<!tpu.dma_semaphore, #tpu.memory_space<semaphore_mem>>) src(%dma_wait3A_327 : memref<128x64xf32, #tpu.memory_space<hbm>>) dst(%arg9 : memref<128x64xf32, #tpu.memory_space<vmem>>)
      %lt3A_328 = arith.constant 9 : i32
      %lt3A_329 = arith.cmpi slt, %scan3A_203, %lt3A_328 : i32
      %convert_element_type3A_330 = arith.extui %lt3A_329 : i1 to i32
      %cond3A_331 = arith.constant 0 : i32
      %cond3A_332 = arith.cmpi ne, %convert_element_type3A_330, %cond3A_331 : i32
      scf.if %cond3A_332 {
        %add3A_353 = arith.constant 2 : i32
        %add3A_354 = arith.addi %add3A_313, %add3A_353 : i32
        %dma_start3A_355 = arith.constant 0 : i32
        %dma_start3A_356 = tpu.memref_slice %arg6[%add3A_354, %dma_start3A_355] : memref<40x128xi32, #tpu.memory_space<vmem>> -> memref<1x128xi32, #tpu.memory_space<vmem>>
        %dma_start3A_357 = tpu.memref_squeeze %dma_start3A_356 : memref<1x128xi32, #tpu.memory_space<vmem>> -> memref<128xi32, #tpu.memory_space<vmem>>
        %dma_start3A_358 = arith.constant 0 : i32
        %dma_start3A_359 = arith.constant 0 : i32
        %dma_start3A_360 = tpu.memref_slice %arg12[%dma_start3A_358, %dma_start3A_359] : memref<10240x64xf32, #tpu.memory_space<vmem_shared>> -> memref<10240x64xf32, #tpu.memory_space<vmem_shared>>
        tpu.enqueue_indirect_dma source(%dma_start3A_360 : memref<10240x64xf32, #tpu.memory_space<vmem_shared>>) target(%arg9 : memref<128x64xf32, #tpu.memory_space<vmem>>) offsets(%dma_start3A_357 : memref<128xi32, #tpu.memory_space<vmem>>) semaphore(%arg14 : memref<!tpu.dma_semaphore, #tpu.memory_space<semaphore_mem>>)
      } else {
      }
      %dma_wait3A_333 = arith.constant 0 : i32
      %dma_wait3A_334 = arith.constant 0 : i32
      %dma_wait3A_335 = tpu.memref_slice %arg2[%scan3A_115, %dma_wait3A_333, %dma_wait3A_334] : memref<2x10240x64xf32, #tpu.memory_space<hbm>> -> memref<1x10240x64xf32, #tpu.memory_space<hbm>>
      %dma_wait3A_336 = tpu.memref_squeeze %dma_wait3A_335 : memref<1x10240x64xf32, #tpu.memory_space<hbm>> -> memref<10240x64xf32, #tpu.memory_space<hbm>>
      %dma_wait3A_337 = arith.constant 0 : i32
      %dma_wait3A_338 = arith.constant 0 : i32
      %dma_wait3A_339 = tpu.memref_slice %dma_wait3A_336[%dma_wait3A_337, %dma_wait3A_338] : memref<10240x64xf32, #tpu.memory_space<hbm>> -> memref<128x64xf32, #tpu.memory_space<hbm>>
      %dma_wait3A_340 = arith.constant 0 : i32
      %dma_wait3A_341 = arith.constant 0 : i32
      %dma_wait3A_342 = tpu.memref_slice %arg2[%scan3A_115, %dma_wait3A_340, %dma_wait3A_341] : memref<2x10240x64xf32, #tpu.memory_space<hbm>> -> memref<1x10240x64xf32, #tpu.memory_space<hbm>>
      %dma_wait3A_343 = tpu.memref_squeeze %dma_wait3A_342 : memref<1x10240x64xf32, #tpu.memory_space<hbm>> -> memref<10240x64xf32, #tpu.memory_space<hbm>>
      %dma_wait3A_344 = arith.constant 0 : i32
      %dma_wait3A_345 = arith.constant 0 : i32
      %dma_wait3A_346 = tpu.memref_slice %dma_wait3A_343[%dma_wait3A_344, %dma_wait3A_345] : memref<10240x64xf32, #tpu.memory_space<hbm>> -> memref<128x64xf32, #tpu.memory_space<hbm>>
      tpu.wait_dma2 semaphore(%arg14 : memref<!tpu.dma_semaphore, #tpu.memory_space<semaphore_mem>>) src(%dma_wait3A_346 : memref<128x64xf32, #tpu.memory_space<hbm>>) dst(%arg11 : memref<128x64xf32, #tpu.memory_space<vmem>>)
      %dma_start3A_347 = arith.constant 0 : i32
      %dma_start3A_348 = tpu.memref_slice %arg7[%add3A_313, %dma_start3A_347] : memref<40x128xi32, #tpu.memory_space<vmem>> -> memref<1x128xi32, #tpu.memory_space<vmem>>
      %dma_start3A_349 = tpu.memref_squeeze %dma_start3A_348 : memref<1x128xi32, #tpu.memory_space<vmem>> -> memref<128xi32, #tpu.memory_space<vmem>>
      %dma_start3A_350 = arith.constant 0 : i32
      %dma_start3A_351 = arith.constant 0 : i32
      %dma_start3A_352 = tpu.memref_slice %arg13[%dma_start3A_350, %dma_start3A_351] : memref<10240x64xf32, #tpu.memory_space<vmem_shared>> -> memref<10240x64xf32, #tpu.memory_space<vmem_shared>>
      tpu.enqueue_indirect_dma source(%arg11 : memref<128x64xf32, #tpu.memory_space<vmem>>) target(%dma_start3A_352 : memref<10240x64xf32, #tpu.memory_space<vmem_shared>>) offsets(%dma_start3A_349 : memref<128xi32, #tpu.memory_space<vmem>>) semaphore(%arg15 : memref<!tpu.dma_semaphore, #tpu.memory_space<semaphore_mem>>) {add = true}
    }
    %scan3A_120 = arith.constant 10 : i32
    %dma_wait3A_121 = arith.constant 0 : i32
    %dma_wait3A_122 = arith.constant 0 : i32
    %dma_wait3A_123 = arith.constant 0 : i32
    %dma_wait3A_124 = tpu.memref_slice %arg2[%dma_wait3A_121, %dma_wait3A_122, %dma_wait3A_123] : memref<2x10240x64xf32, #tpu.memory_space<hbm>> -> memref<1x10240x64xf32, #tpu.memory_space<hbm>>
    %dma_wait3A_125 = tpu.memref_squeeze %dma_wait3A_124 : memref<1x10240x64xf32, #tpu.memory_space<hbm>> -> memref<10240x64xf32, #tpu.memory_space<hbm>>
    %dma_wait3A_126 = arith.constant 0 : i32
    %dma_wait3A_127 = arith.constant 0 : i32
    %dma_wait3A_128 = tpu.memref_slice %dma_wait3A_125[%dma_wait3A_126, %dma_wait3A_127] : memref<10240x64xf32, #tpu.memory_space<hbm>> -> memref<128x64xf32, #tpu.memory_space<hbm>>
    %dma_wait3A_129 = arith.constant 0 : i32
    %dma_wait3A_130 = arith.constant 0 : i32
    %dma_wait3A_131 = tpu.memref_slice %arg2[%dma_wait3A_121, %dma_wait3A_129, %dma_wait3A_130] : memref<2x10240x64xf32, #tpu.memory_space<hbm>> -> memref<1x10240x64xf32, #tpu.memory_space<hbm>>
    %dma_wait3A_132 = tpu.memref_squeeze %dma_wait3A_131 : memref<1x10240x64xf32, #tpu.memory_space<hbm>> -> memref<10240x64xf32, #tpu.memory_space<hbm>>
    %dma_wait3A_133 = arith.constant 0 : i32
    %dma_wait3A_134 = arith.constant 0 : i32
    %dma_wait3A_135 = tpu.memref_slice %dma_wait3A_132[%dma_wait3A_133, %dma_wait3A_134] : memref<10240x64xf32, #tpu.memory_space<hbm>> -> memref<128x64xf32, #tpu.memory_space<hbm>>
    tpu.wait_dma2 semaphore(%arg15 : memref<!tpu.dma_semaphore, #tpu.memory_space<semaphore_mem>>) src(%dma_wait3A_135 : memref<128x64xf32, #tpu.memory_space<hbm>>) dst(%arg10 : memref<128x64xf32, #tpu.memory_space<vmem>>)
    %dma_wait3A_136 = arith.constant 0 : i32
    %dma_wait3A_137 = arith.constant 0 : i32
    %dma_wait3A_138 = arith.constant 0 : i32
    %dma_wait3A_139 = tpu.memref_slice %arg2[%dma_wait3A_136, %dma_wait3A_137, %dma_wait3A_138] : memref<2x10240x64xf32, #tpu.memory_space<hbm>> -> memref<1x10240x64xf32, #tpu.memory_space<hbm>>
    %dma_wait3A_140 = tpu.memref_squeeze %dma_wait3A_139 : memref<1x10240x64xf32, #tpu.memory_space<hbm>> -> memref<10240x64xf32, #tpu.memory_space<hbm>>
    %dma_wait3A_141 = arith.constant 0 : i32
    %dma_wait3A_142 = arith.constant 0 : i32
    %dma_wait3A_143 = tpu.memref_slice %dma_wait3A_140[%dma_wait3A_141, %dma_wait3A_142] : memref<10240x64xf32, #tpu.memory_space<hbm>> -> memref<128x64xf32, #tpu.memory_space<hbm>>
    %dma_wait3A_144 = arith.constant 0 : i32
    %dma_wait3A_145 = arith.constant 0 : i32
    %dma_wait3A_146 = tpu.memref_slice %arg2[%dma_wait3A_136, %dma_wait3A_144, %dma_wait3A_145] : memref<2x10240x64xf32, #tpu.memory_space<hbm>> -> memref<1x10240x64xf32, #tpu.memory_space<hbm>>
    %dma_wait3A_147 = tpu.memref_squeeze %dma_wait3A_146 : memref<1x10240x64xf32, #tpu.memory_space<hbm>> -> memref<10240x64xf32, #tpu.memory_space<hbm>>
    %dma_wait3A_148 = arith.constant 0 : i32
    %dma_wait3A_149 = arith.constant 0 : i32
    %dma_wait3A_150 = tpu.memref_slice %dma_wait3A_147[%dma_wait3A_148, %dma_wait3A_149] : memref<10240x64xf32, #tpu.memory_space<hbm>> -> memref<128x64xf32, #tpu.memory_space<hbm>>
    tpu.wait_dma2 semaphore(%arg15 : memref<!tpu.dma_semaphore, #tpu.memory_space<semaphore_mem>>) src(%dma_wait3A_150 : memref<128x64xf32, #tpu.memory_space<hbm>>) dst(%arg11 : memref<128x64xf32, #tpu.memory_space<vmem>>)
    "tpu.region"() ({
      %run_scoped3A = tpu.sem_alloc : memref<!tpu.dma_semaphore, #tpu.memory_space<semaphore_mem>>
      %dma_start3A_203 = arith.constant 120 : i32
      %dma_start3A_204 = arith.constant 0 : i32
      %dma_start3A_205 = tpu.memref_slice %arg3[%arg1, %dma_start3A_203, %dma_start3A_204] : memref<16x160x128xi32, #tpu.memory_space<hbm>> -> memref<1x40x128xi32, #tpu.memory_space<hbm>>
      %dma_start3A_206 = tpu.memref_squeeze %dma_start3A_205 : memref<1x40x128xi32, #tpu.memory_space<hbm>> -> memref<40x128xi32, #tpu.memory_space<hbm>>
      %dma_start3A_207 = arith.constant 120 : i32
      %dma_start3A_208 = arith.constant 0 : i32
      %dma_start3A_209 = tpu.memref_slice %arg3[%arg1, %dma_start3A_207, %dma_start3A_208] : memref<16x160x128xi32, #tpu.memory_space<hbm>> -> memref<1x40x128xi32, #tpu.memory_space<hbm>>
      %dma_start3A_210 = tpu.memref_squeeze %dma_start3A_209 : memref<1x40x128xi32, #tpu.memory_space<hbm>> -> memref<40x128xi32, #tpu.memory_space<hbm>>
      tpu.enqueue_dma source(%dma_start3A_210 : memref<40x128xi32, #tpu.memory_space<hbm>>) target(%arg6 : memref<40x128xi32, #tpu.memory_space<vmem>>) target_semaphore(%run_scoped3A : memref<!tpu.dma_semaphore, #tpu.memory_space<semaphore_mem>>)
      %dma_wait3A_211 = arith.constant 120 : i32
      %dma_wait3A_212 = arith.constant 0 : i32
      %dma_wait3A_213 = tpu.memref_slice %arg3[%arg1, %dma_wait3A_211, %dma_wait3A_212] : memref<16x160x128xi32, #tpu.memory_space<hbm>> -> memref<1x40x128xi32, #tpu.memory_space<hbm>>
      %dma_wait3A_214 = tpu.memref_squeeze %dma_wait3A_213 : memref<1x40x128xi32, #tpu.memory_space<hbm>> -> memref<40x128xi32, #tpu.memory_space<hbm>>
      %dma_wait3A_215 = arith.constant 120 : i32
      %dma_wait3A_216 = arith.constant 0 : i32
      %dma_wait3A_217 = tpu.memref_slice %arg3[%arg1, %dma_wait3A_215, %dma_wait3A_216] : memref<16x160x128xi32, #tpu.memory_space<hbm>> -> memref<1x40x128xi32, #tpu.memory_space<hbm>>
      %dma_wait3A_218 = tpu.memref_squeeze %dma_wait3A_217 : memref<1x40x128xi32, #tpu.memory_space<hbm>> -> memref<40x128xi32, #tpu.memory_space<hbm>>
      tpu.wait_dma2 semaphore(%run_scoped3A : memref<!tpu.dma_semaphore, #tpu.memory_space<semaphore_mem>>) src(%dma_wait3A_218 : memref<40x128xi32, #tpu.memory_space<hbm>>) dst(%arg6 : memref<40x128xi32, #tpu.memory_space<vmem>>)
      tpu.yield
    }) : () -> ()
    "tpu.region"() ({
      %run_scoped3A = tpu.sem_alloc : memref<!tpu.dma_semaphore, #tpu.memory_space<semaphore_mem>>
      %dma_start3A_203 = arith.constant 120 : i32
      %dma_start3A_204 = arith.constant 0 : i32
      %dma_start3A_205 = tpu.memref_slice %arg4[%arg1, %dma_start3A_203, %dma_start3A_204] : memref<16x160x128xi32, #tpu.memory_space<hbm>> -> memref<1x40x128xi32, #tpu.memory_space<hbm>>
      %dma_start3A_206 = tpu.memref_squeeze %dma_start3A_205 : memref<1x40x128xi32, #tpu.memory_space<hbm>> -> memref<40x128xi32, #tpu.memory_space<hbm>>
      %dma_start3A_207 = arith.constant 120 : i32
      %dma_start3A_208 = arith.constant 0 : i32
      %dma_start3A_209 = tpu.memref_slice %arg4[%arg1, %dma_start3A_207, %dma_start3A_208] : memref<16x160x128xi32, #tpu.memory_space<hbm>> -> memref<1x40x128xi32, #tpu.memory_space<hbm>>
      %dma_start3A_210 = tpu.memref_squeeze %dma_start3A_209 : memref<1x40x128xi32, #tpu.memory_space<hbm>> -> memref<40x128xi32, #tpu.memory_space<hbm>>
      tpu.enqueue_dma source(%dma_start3A_210 : memref<40x128xi32, #tpu.memory_space<hbm>>) target(%arg7 : memref<40x128xi32, #tpu.memory_space<vmem>>) target_semaphore(%run_scoped3A : memref<!tpu.dma_semaphore, #tpu.memory_space<semaphore_mem>>)
      %dma_wait3A_211 = arith.constant 120 : i32
      %dma_wait3A_212 = arith.constant 0 : i32
      %dma_wait3A_213 = tpu.memref_slice %arg4[%arg1, %dma_wait3A_211, %dma_wait3A_212] : memref<16x160x128xi32, #tpu.memory_space<hbm>> -> memref<1x40x128xi32, #tpu.memory_space<hbm>>
      %dma_wait3A_214 = tpu.memref_squeeze %dma_wait3A_213 : memref<1x40x128xi32, #tpu.memory_space<hbm>> -> memref<40x128xi32, #tpu.memory_space<hbm>>
      %dma_wait3A_215 = arith.constant 120 : i32
      %dma_wait3A_216 = arith.constant 0 : i32
      %dma_wait3A_217 = tpu.memref_slice %arg4[%arg1, %dma_wait3A_215, %dma_wait3A_216] : memref<16x160x128xi32, #tpu.memory_space<hbm>> -> memref<1x40x128xi32, #tpu.memory_space<hbm>>
      %dma_wait3A_218 = tpu.memref_squeeze %dma_wait3A_217 : memref<1x40x128xi32, #tpu.memory_space<hbm>> -> memref<40x128xi32, #tpu.memory_space<hbm>>
      tpu.wait_dma2 semaphore(%run_scoped3A : memref<!tpu.dma_semaphore, #tpu.memory_space<semaphore_mem>>) src(%dma_wait3A_218 : memref<40x128xi32, #tpu.memory_space<hbm>>) dst(%arg7 : memref<40x128xi32, #tpu.memory_space<vmem>>)
      tpu.yield
    }) : () -> ()
    %dma_start3A_151 = arith.constant 0 : i32
    %dma_start3A_152 = arith.constant 0 : i32
    %dma_start3A_153 = tpu.memref_slice %arg6[%dma_start3A_151, %dma_start3A_152] : memref<40x128xi32, #tpu.memory_space<vmem>> -> memref<1x128xi32, #tpu.memory_space<vmem>>
    %dma_start3A_154 = tpu.memref_squeeze %dma_start3A_153 : memref<1x128xi32, #tpu.memory_space<vmem>> -> memref<128xi32, #tpu.memory_space<vmem>>
    %dma_start3A_155 = arith.constant 0 : i32
    %dma_start3A_156 = arith.constant 0 : i32
    %dma_start3A_157 = tpu.memref_slice %arg12[%dma_start3A_155, %dma_start3A_156] : memref<10240x64xf32, #tpu.memory_space<vmem_shared>> -> memref<10240x64xf32, #tpu.memory_space<vmem_shared>>
    tpu.enqueue_indirect_dma source(%dma_start3A_157 : memref<10240x64xf32, #tpu.memory_space<vmem_shared>>) target(%arg8 : memref<128x64xf32, #tpu.memory_space<vmem>>) offsets(%dma_start3A_154 : memref<128xi32, #tpu.memory_space<vmem>>) semaphore(%arg14 : memref<!tpu.dma_semaphore, #tpu.memory_space<semaphore_mem>>)
    %dma_start3A_158 = arith.constant 1 : i32
    %dma_start3A_159 = arith.constant 0 : i32
    %dma_start3A_160 = tpu.memref_slice %arg6[%dma_start3A_158, %dma_start3A_159] : memref<40x128xi32, #tpu.memory_space<vmem>> -> memref<1x128xi32, #tpu.memory_space<vmem>>
    %dma_start3A_161 = tpu.memref_squeeze %dma_start3A_160 : memref<1x128xi32, #tpu.memory_space<vmem>> -> memref<128xi32, #tpu.memory_space<vmem>>
    %dma_start3A_162 = arith.constant 0 : i32
    %dma_start3A_163 = arith.constant 0 : i32
    %dma_start3A_164 = tpu.memref_slice %arg12[%dma_start3A_162, %dma_start3A_163] : memref<10240x64xf32, #tpu.memory_space<vmem_shared>> -> memref<10240x64xf32, #tpu.memory_space<vmem_shared>>
    tpu.enqueue_indirect_dma source(%dma_start3A_164 : memref<10240x64xf32, #tpu.memory_space<vmem_shared>>) target(%arg9 : memref<128x64xf32, #tpu.memory_space<vmem>>) offsets(%dma_start3A_161 : memref<128xi32, #tpu.memory_space<vmem>>) semaphore(%arg14 : memref<!tpu.dma_semaphore, #tpu.memory_space<semaphore_mem>>)
    %scan3A_165 = arith.constant 0 : i32
    %scan3A_166 = arith.constant 0 : i32
    %scan3A_167 = arith.constant 0 : i32
    %scan3A_168 = arith.constant 10 : i32
    %scan3A_169 = arith.addi %scan3A_167, %scan3A_168 : i32
    %scan3A_170 = arith.constant 1 : i32
    scf.for %scan3A_203 = %scan3A_167 to %scan3A_169 step %scan3A_170  : i32 {
      %mul3A_204 = arith.constant 4 : i32
      %mul3A_205 = arith.muli %scan3A_203, %mul3A_204 : i32
      %add3A = arith.constant 0 : i32
      %add3A_206 = arith.addi %mul3A_205, %add3A : i32
      %gt3A = arith.constant 0 : i32
      %gt3A_207 = arith.cmpi sgt, %scan3A_203, %gt3A : i32
      %convert_element_type3A = arith.extui %gt3A_207 : i1 to i32
      %cond3A = arith.constant 0 : i32
      %cond3A_208 = arith.cmpi ne, %convert_element_type3A, %cond3A : i32
      scf.if %cond3A_208 {
        %dma_wait3A_353 = arith.constant 0 : i32
        %dma_wait3A_354 = arith.constant 0 : i32
        %dma_wait3A_355 = tpu.memref_slice %arg2[%scan3A_166, %dma_wait3A_353, %dma_wait3A_354] : memref<2x10240x64xf32, #tpu.memory_space<hbm>> -> memref<1x10240x64xf32, #tpu.memory_space<hbm>>
        %dma_wait3A_356 = tpu.memref_squeeze %dma_wait3A_355 : memref<1x10240x64xf32, #tpu.memory_space<hbm>> -> memref<10240x64xf32, #tpu.memory_space<hbm>>
        %dma_wait3A_357 = arith.constant 0 : i32
        %dma_wait3A_358 = arith.constant 0 : i32
        %dma_wait3A_359 = tpu.memref_slice %dma_wait3A_356[%dma_wait3A_357, %dma_wait3A_358] : memref<10240x64xf32, #tpu.memory_space<hbm>> -> memref<128x64xf32, #tpu.memory_space<hbm>>
        %dma_wait3A_360 = arith.constant 0 : i32
        %dma_wait3A_361 = arith.constant 0 : i32
        %dma_wait3A_362 = tpu.memref_slice %arg2[%scan3A_166, %dma_wait3A_360, %dma_wait3A_361] : memref<2x10240x64xf32, #tpu.memory_space<hbm>> -> memref<1x10240x64xf32, #tpu.memory_space<hbm>>
        %dma_wait3A_363 = tpu.memref_squeeze %dma_wait3A_362 : memref<1x10240x64xf32, #tpu.memory_space<hbm>> -> memref<10240x64xf32, #tpu.memory_space<hbm>>
        %dma_wait3A_364 = arith.constant 0 : i32
        %dma_wait3A_365 = arith.constant 0 : i32
        %dma_wait3A_366 = tpu.memref_slice %dma_wait3A_363[%dma_wait3A_364, %dma_wait3A_365] : memref<10240x64xf32, #tpu.memory_space<hbm>> -> memref<128x64xf32, #tpu.memory_space<hbm>>
        tpu.wait_dma2 semaphore(%arg15 : memref<!tpu.dma_semaphore, #tpu.memory_space<semaphore_mem>>) src(%dma_wait3A_366 : memref<128x64xf32, #tpu.memory_space<hbm>>) dst(%arg10 : memref<128x64xf32, #tpu.memory_space<vmem>>)
      } else {
      }
      %add3A_209 = arith.constant 2 : i32
      %add3A_210 = arith.addi %add3A_206, %add3A_209 : i32
      %dma_start3A_211 = arith.constant 0 : i32
      %dma_start3A_212 = tpu.memref_slice %arg6[%add3A_210, %dma_start3A_211] : memref<40x128xi32, #tpu.memory_space<vmem>> -> memref<1x128xi32, #tpu.memory_space<vmem>>
      %dma_start3A_213 = tpu.memref_squeeze %dma_start3A_212 : memref<1x128xi32, #tpu.memory_space<vmem>> -> memref<128xi32, #tpu.memory_space<vmem>>
      %dma_start3A_214 = arith.constant 0 : i32
      %dma_start3A_215 = arith.constant 0 : i32
      %dma_start3A_216 = tpu.memref_slice %arg12[%dma_start3A_214, %dma_start3A_215] : memref<10240x64xf32, #tpu.memory_space<vmem_shared>> -> memref<10240x64xf32, #tpu.memory_space<vmem_shared>>
      tpu.enqueue_indirect_dma source(%dma_start3A_216 : memref<10240x64xf32, #tpu.memory_space<vmem_shared>>) target(%arg10 : memref<128x64xf32, #tpu.memory_space<vmem>>) offsets(%dma_start3A_213 : memref<128xi32, #tpu.memory_space<vmem>>) semaphore(%arg14 : memref<!tpu.dma_semaphore, #tpu.memory_space<semaphore_mem>>)
      %dma_wait3A_217 = arith.constant 0 : i32
      %dma_wait3A_218 = arith.constant 0 : i32
      %dma_wait3A_219 = tpu.memref_slice %arg2[%scan3A_166, %dma_wait3A_217, %dma_wait3A_218] : memref<2x10240x64xf32, #tpu.memory_space<hbm>> -> memref<1x10240x64xf32, #tpu.memory_space<hbm>>
      %dma_wait3A_220 = tpu.memref_squeeze %dma_wait3A_219 : memref<1x10240x64xf32, #tpu.memory_space<hbm>> -> memref<10240x64xf32, #tpu.memory_space<hbm>>
      %dma_wait3A_221 = arith.constant 0 : i32
      %dma_wait3A_222 = arith.constant 0 : i32
      %dma_wait3A_223 = tpu.memref_slice %dma_wait3A_220[%dma_wait3A_221, %dma_wait3A_222] : memref<10240x64xf32, #tpu.memory_space<hbm>> -> memref<128x64xf32, #tpu.memory_space<hbm>>
      %dma_wait3A_224 = arith.constant 0 : i32
      %dma_wait3A_225 = arith.constant 0 : i32
      %dma_wait3A_226 = tpu.memref_slice %arg2[%scan3A_166, %dma_wait3A_224, %dma_wait3A_225] : memref<2x10240x64xf32, #tpu.memory_space<hbm>> -> memref<1x10240x64xf32, #tpu.memory_space<hbm>>
      %dma_wait3A_227 = tpu.memref_squeeze %dma_wait3A_226 : memref<1x10240x64xf32, #tpu.memory_space<hbm>> -> memref<10240x64xf32, #tpu.memory_space<hbm>>
      %dma_wait3A_228 = arith.constant 0 : i32
      %dma_wait3A_229 = arith.constant 0 : i32
      %dma_wait3A_230 = tpu.memref_slice %dma_wait3A_227[%dma_wait3A_228, %dma_wait3A_229] : memref<10240x64xf32, #tpu.memory_space<hbm>> -> memref<128x64xf32, #tpu.memory_space<hbm>>
      tpu.wait_dma2 semaphore(%arg14 : memref<!tpu.dma_semaphore, #tpu.memory_space<semaphore_mem>>) src(%dma_wait3A_230 : memref<128x64xf32, #tpu.memory_space<hbm>>) dst(%arg8 : memref<128x64xf32, #tpu.memory_space<vmem>>)
      %dma_start3A_231 = arith.constant 0 : i32
      %dma_start3A_232 = tpu.memref_slice %arg7[%add3A_206, %dma_start3A_231] : memref<40x128xi32, #tpu.memory_space<vmem>> -> memref<1x128xi32, #tpu.memory_space<vmem>>
      %dma_start3A_233 = tpu.memref_squeeze %dma_start3A_232 : memref<1x128xi32, #tpu.memory_space<vmem>> -> memref<128xi32, #tpu.memory_space<vmem>>
      %dma_start3A_234 = arith.constant 0 : i32
      %dma_start3A_235 = arith.constant 0 : i32
      %dma_start3A_236 = tpu.memref_slice %arg13[%dma_start3A_234, %dma_start3A_235] : memref<10240x64xf32, #tpu.memory_space<vmem_shared>> -> memref<10240x64xf32, #tpu.memory_space<vmem_shared>>
      tpu.enqueue_indirect_dma source(%arg8 : memref<128x64xf32, #tpu.memory_space<vmem>>) target(%dma_start3A_236 : memref<10240x64xf32, #tpu.memory_space<vmem_shared>>) offsets(%dma_start3A_233 : memref<128xi32, #tpu.memory_space<vmem>>) semaphore(%arg15 : memref<!tpu.dma_semaphore, #tpu.memory_space<semaphore_mem>>) {add = true}
      %add3A_237 = arith.constant 1 : i32
      %add3A_238 = arith.addi %mul3A_205, %add3A_237 : i32
      %gt3A_239 = arith.constant 0 : i32
      %gt3A_240 = arith.cmpi sgt, %scan3A_203, %gt3A_239 : i32
      %convert_element_type3A_241 = arith.extui %gt3A_240 : i1 to i32
      %cond3A_242 = arith.constant 0 : i32
      %cond3A_243 = arith.cmpi ne, %convert_element_type3A_241, %cond3A_242 : i32
      scf.if %cond3A_243 {
        %dma_wait3A_353 = arith.constant 0 : i32
        %dma_wait3A_354 = arith.constant 0 : i32
        %dma_wait3A_355 = tpu.memref_slice %arg2[%scan3A_166, %dma_wait3A_353, %dma_wait3A_354] : memref<2x10240x64xf32, #tpu.memory_space<hbm>> -> memref<1x10240x64xf32, #tpu.memory_space<hbm>>
        %dma_wait3A_356 = tpu.memref_squeeze %dma_wait3A_355 : memref<1x10240x64xf32, #tpu.memory_space<hbm>> -> memref<10240x64xf32, #tpu.memory_space<hbm>>
        %dma_wait3A_357 = arith.constant 0 : i32
        %dma_wait3A_358 = arith.constant 0 : i32
        %dma_wait3A_359 = tpu.memref_slice %dma_wait3A_356[%dma_wait3A_357, %dma_wait3A_358] : memref<10240x64xf32, #tpu.memory_space<hbm>> -> memref<128x64xf32, #tpu.memory_space<hbm>>
        %dma_wait3A_360 = arith.constant 0 : i32
        %dma_wait3A_361 = arith.constant 0 : i32
        %dma_wait3A_362 = tpu.memref_slice %arg2[%scan3A_166, %dma_wait3A_360, %dma_wait3A_361] : memref<2x10240x64xf32, #tpu.memory_space<hbm>> -> memref<1x10240x64xf32, #tpu.memory_space<hbm>>
        %dma_wait3A_363 = tpu.memref_squeeze %dma_wait3A_362 : memref<1x10240x64xf32, #tpu.memory_space<hbm>> -> memref<10240x64xf32, #tpu.memory_space<hbm>>
        %dma_wait3A_364 = arith.constant 0 : i32
        %dma_wait3A_365 = arith.constant 0 : i32
        %dma_wait3A_366 = tpu.memref_slice %dma_wait3A_363[%dma_wait3A_364, %dma_wait3A_365] : memref<10240x64xf32, #tpu.memory_space<hbm>> -> memref<128x64xf32, #tpu.memory_space<hbm>>
        tpu.wait_dma2 semaphore(%arg15 : memref<!tpu.dma_semaphore, #tpu.memory_space<semaphore_mem>>) src(%dma_wait3A_366 : memref<128x64xf32, #tpu.memory_space<hbm>>) dst(%arg11 : memref<128x64xf32, #tpu.memory_space<vmem>>)
      } else {
      }
      %add3A_244 = arith.constant 2 : i32
      %add3A_245 = arith.addi %add3A_238, %add3A_244 : i32
      %dma_start3A_246 = arith.constant 0 : i32
      %dma_start3A_247 = tpu.memref_slice %arg6[%add3A_245, %dma_start3A_246] : memref<40x128xi32, #tpu.memory_space<vmem>> -> memref<1x128xi32, #tpu.memory_space<vmem>>
      %dma_start3A_248 = tpu.memref_squeeze %dma_start3A_247 : memref<1x128xi32, #tpu.memory_space<vmem>> -> memref<128xi32, #tpu.memory_space<vmem>>
      %dma_start3A_249 = arith.constant 0 : i32
      %dma_start3A_250 = arith.constant 0 : i32
      %dma_start3A_251 = tpu.memref_slice %arg12[%dma_start3A_249, %dma_start3A_250] : memref<10240x64xf32, #tpu.memory_space<vmem_shared>> -> memref<10240x64xf32, #tpu.memory_space<vmem_shared>>
      tpu.enqueue_indirect_dma source(%dma_start3A_251 : memref<10240x64xf32, #tpu.memory_space<vmem_shared>>) target(%arg11 : memref<128x64xf32, #tpu.memory_space<vmem>>) offsets(%dma_start3A_248 : memref<128xi32, #tpu.memory_space<vmem>>) semaphore(%arg14 : memref<!tpu.dma_semaphore, #tpu.memory_space<semaphore_mem>>)
      %dma_wait3A_252 = arith.constant 0 : i32
      %dma_wait3A_253 = arith.constant 0 : i32
      %dma_wait3A_254 = tpu.memref_slice %arg2[%scan3A_166, %dma_wait3A_252, %dma_wait3A_253] : memref<2x10240x64xf32, #tpu.memory_space<hbm>> -> memref<1x10240x64xf32, #tpu.memory_space<hbm>>
      %dma_wait3A_255 = tpu.memref_squeeze %dma_wait3A_254 : memref<1x10240x64xf32, #tpu.memory_space<hbm>> -> memref<10240x64xf32, #tpu.memory_space<hbm>>
      %dma_wait3A_256 = arith.constant 0 : i32
      %dma_wait3A_257 = arith.constant 0 : i32
      %dma_wait3A_258 = tpu.memref_slice %dma_wait3A_255[%dma_wait3A_256, %dma_wait3A_257] : memref<10240x64xf32, #tpu.memory_space<hbm>> -> memref<128x64xf32, #tpu.memory_space<hbm>>
      %dma_wait3A_259 = arith.constant 0 : i32
      %dma_wait3A_260 = arith.constant 0 : i32
      %dma_wait3A_261 = tpu.memref_slice %arg2[%scan3A_166, %dma_wait3A_259, %dma_wait3A_260] : memref<2x10240x64xf32, #tpu.memory_space<hbm>> -> memref<1x10240x64xf32, #tpu.memory_space<hbm>>
      %dma_wait3A_262 = tpu.memref_squeeze %dma_wait3A_261 : memref<1x10240x64xf32, #tpu.memory_space<hbm>> -> memref<10240x64xf32, #tpu.memory_space<hbm>>
      %dma_wait3A_263 = arith.constant 0 : i32
      %dma_wait3A_264 = arith.constant 0 : i32
      %dma_wait3A_265 = tpu.memref_slice %dma_wait3A_262[%dma_wait3A_263, %dma_wait3A_264] : memref<10240x64xf32, #tpu.memory_space<hbm>> -> memref<128x64xf32, #tpu.memory_space<hbm>>
      tpu.wait_dma2 semaphore(%arg14 : memref<!tpu.dma_semaphore, #tpu.memory_space<semaphore_mem>>) src(%dma_wait3A_265 : memref<128x64xf32, #tpu.memory_space<hbm>>) dst(%arg9 : memref<128x64xf32, #tpu.memory_space<vmem>>)
      %dma_start3A_266 = arith.constant 0 : i32
      %dma_start3A_267 = tpu.memref_slice %arg7[%add3A_238, %dma_start3A_266] : memref<40x128xi32, #tpu.memory_space<vmem>> -> memref<1x128xi32, #tpu.memory_space<vmem>>
      %dma_start3A_268 = tpu.memref_squeeze %dma_start3A_267 : memref<1x128xi32, #tpu.memory_space<vmem>> -> memref<128xi32, #tpu.memory_space<vmem>>
      %dma_start3A_269 = arith.constant 0 : i32
      %dma_start3A_270 = arith.constant 0 : i32
      %dma_start3A_271 = tpu.memref_slice %arg13[%dma_start3A_269, %dma_start3A_270] : memref<10240x64xf32, #tpu.memory_space<vmem_shared>> -> memref<10240x64xf32, #tpu.memory_space<vmem_shared>>
      tpu.enqueue_indirect_dma source(%arg9 : memref<128x64xf32, #tpu.memory_space<vmem>>) target(%dma_start3A_271 : memref<10240x64xf32, #tpu.memory_space<vmem_shared>>) offsets(%dma_start3A_268 : memref<128xi32, #tpu.memory_space<vmem>>) semaphore(%arg15 : memref<!tpu.dma_semaphore, #tpu.memory_space<semaphore_mem>>) {add = true}
      %add3A_272 = arith.constant 2 : i32
      %add3A_273 = arith.addi %mul3A_205, %add3A_272 : i32
      %dma_wait3A_274 = arith.constant 0 : i32
      %dma_wait3A_275 = arith.constant 0 : i32
      %dma_wait3A_276 = tpu.memref_slice %arg2[%scan3A_166, %dma_wait3A_274, %dma_wait3A_275] : memref<2x10240x64xf32, #tpu.memory_space<hbm>> -> memref<1x10240x64xf32, #tpu.memory_space<hbm>>
      %dma_wait3A_277 = tpu.memref_squeeze %dma_wait3A_276 : memref<1x10240x64xf32, #tpu.memory_space<hbm>> -> memref<10240x64xf32, #tpu.memory_space<hbm>>
      %dma_wait3A_278 = arith.constant 0 : i32
      %dma_wait3A_279 = arith.constant 0 : i32
      %dma_wait3A_280 = tpu.memref_slice %dma_wait3A_277[%dma_wait3A_278, %dma_wait3A_279] : memref<10240x64xf32, #tpu.memory_space<hbm>> -> memref<128x64xf32, #tpu.memory_space<hbm>>
      %dma_wait3A_281 = arith.constant 0 : i32
      %dma_wait3A_282 = arith.constant 0 : i32
      %dma_wait3A_283 = tpu.memref_slice %arg2[%scan3A_166, %dma_wait3A_281, %dma_wait3A_282] : memref<2x10240x64xf32, #tpu.memory_space<hbm>> -> memref<1x10240x64xf32, #tpu.memory_space<hbm>>
      %dma_wait3A_284 = tpu.memref_squeeze %dma_wait3A_283 : memref<1x10240x64xf32, #tpu.memory_space<hbm>> -> memref<10240x64xf32, #tpu.memory_space<hbm>>
      %dma_wait3A_285 = arith.constant 0 : i32
      %dma_wait3A_286 = arith.constant 0 : i32
      %dma_wait3A_287 = tpu.memref_slice %dma_wait3A_284[%dma_wait3A_285, %dma_wait3A_286] : memref<10240x64xf32, #tpu.memory_space<hbm>> -> memref<128x64xf32, #tpu.memory_space<hbm>>
      tpu.wait_dma2 semaphore(%arg15 : memref<!tpu.dma_semaphore, #tpu.memory_space<semaphore_mem>>) src(%dma_wait3A_287 : memref<128x64xf32, #tpu.memory_space<hbm>>) dst(%arg8 : memref<128x64xf32, #tpu.memory_space<vmem>>)
      %lt3A = arith.constant 9 : i32
      %lt3A_288 = arith.cmpi slt, %scan3A_203, %lt3A : i32
      %convert_element_type3A_289 = arith.extui %lt3A_288 : i1 to i32
      %cond3A_290 = arith.constant 0 : i32
      %cond3A_291 = arith.cmpi ne, %convert_element_type3A_289, %cond3A_290 : i32
      scf.if %cond3A_291 {
        %add3A_353 = arith.constant 2 : i32
        %add3A_354 = arith.addi %add3A_273, %add3A_353 : i32
        %dma_start3A_355 = arith.constant 0 : i32
        %dma_start3A_356 = tpu.memref_slice %arg6[%add3A_354, %dma_start3A_355] : memref<40x128xi32, #tpu.memory_space<vmem>> -> memref<1x128xi32, #tpu.memory_space<vmem>>
        %dma_start3A_357 = tpu.memref_squeeze %dma_start3A_356 : memref<1x128xi32, #tpu.memory_space<vmem>> -> memref<128xi32, #tpu.memory_space<vmem>>
        %dma_start3A_358 = arith.constant 0 : i32
        %dma_start3A_359 = arith.constant 0 : i32
        %dma_start3A_360 = tpu.memref_slice %arg12[%dma_start3A_358, %dma_start3A_359] : memref<10240x64xf32, #tpu.memory_space<vmem_shared>> -> memref<10240x64xf32, #tpu.memory_space<vmem_shared>>
        tpu.enqueue_indirect_dma source(%dma_start3A_360 : memref<10240x64xf32, #tpu.memory_space<vmem_shared>>) target(%arg8 : memref<128x64xf32, #tpu.memory_space<vmem>>) offsets(%dma_start3A_357 : memref<128xi32, #tpu.memory_space<vmem>>) semaphore(%arg14 : memref<!tpu.dma_semaphore, #tpu.memory_space<semaphore_mem>>)
      } else {
      }
      %dma_wait3A_292 = arith.constant 0 : i32
      %dma_wait3A_293 = arith.constant 0 : i32
      %dma_wait3A_294 = tpu.memref_slice %arg2[%scan3A_166, %dma_wait3A_292, %dma_wait3A_293] : memref<2x10240x64xf32, #tpu.memory_space<hbm>> -> memref<1x10240x64xf32, #tpu.memory_space<hbm>>
      %dma_wait3A_295 = tpu.memref_squeeze %dma_wait3A_294 : memref<1x10240x64xf32, #tpu.memory_space<hbm>> -> memref<10240x64xf32, #tpu.memory_space<hbm>>
      %dma_wait3A_296 = arith.constant 0 : i32
      %dma_wait3A_297 = arith.constant 0 : i32
      %dma_wait3A_298 = tpu.memref_slice %dma_wait3A_295[%dma_wait3A_296, %dma_wait3A_297] : memref<10240x64xf32, #tpu.memory_space<hbm>> -> memref<128x64xf32, #tpu.memory_space<hbm>>
      %dma_wait3A_299 = arith.constant 0 : i32
      %dma_wait3A_300 = arith.constant 0 : i32
      %dma_wait3A_301 = tpu.memref_slice %arg2[%scan3A_166, %dma_wait3A_299, %dma_wait3A_300] : memref<2x10240x64xf32, #tpu.memory_space<hbm>> -> memref<1x10240x64xf32, #tpu.memory_space<hbm>>
      %dma_wait3A_302 = tpu.memref_squeeze %dma_wait3A_301 : memref<1x10240x64xf32, #tpu.memory_space<hbm>> -> memref<10240x64xf32, #tpu.memory_space<hbm>>
      %dma_wait3A_303 = arith.constant 0 : i32
      %dma_wait3A_304 = arith.constant 0 : i32
      %dma_wait3A_305 = tpu.memref_slice %dma_wait3A_302[%dma_wait3A_303, %dma_wait3A_304] : memref<10240x64xf32, #tpu.memory_space<hbm>> -> memref<128x64xf32, #tpu.memory_space<hbm>>
      tpu.wait_dma2 semaphore(%arg14 : memref<!tpu.dma_semaphore, #tpu.memory_space<semaphore_mem>>) src(%dma_wait3A_305 : memref<128x64xf32, #tpu.memory_space<hbm>>) dst(%arg10 : memref<128x64xf32, #tpu.memory_space<vmem>>)
      %dma_start3A_306 = arith.constant 0 : i32
      %dma_start3A_307 = tpu.memref_slice %arg7[%add3A_273, %dma_start3A_306] : memref<40x128xi32, #tpu.memory_space<vmem>> -> memref<1x128xi32, #tpu.memory_space<vmem>>
      %dma_start3A_308 = tpu.memref_squeeze %dma_start3A_307 : memref<1x128xi32, #tpu.memory_space<vmem>> -> memref<128xi32, #tpu.memory_space<vmem>>
      %dma_start3A_309 = arith.constant 0 : i32
      %dma_start3A_310 = arith.constant 0 : i32
      %dma_start3A_311 = tpu.memref_slice %arg13[%dma_start3A_309, %dma_start3A_310] : memref<10240x64xf32, #tpu.memory_space<vmem_shared>> -> memref<10240x64xf32, #tpu.memory_space<vmem_shared>>
      tpu.enqueue_indirect_dma source(%arg10 : memref<128x64xf32, #tpu.memory_space<vmem>>) target(%dma_start3A_311 : memref<10240x64xf32, #tpu.memory_space<vmem_shared>>) offsets(%dma_start3A_308 : memref<128xi32, #tpu.memory_space<vmem>>) semaphore(%arg15 : memref<!tpu.dma_semaphore, #tpu.memory_space<semaphore_mem>>) {add = true}
      %add3A_312 = arith.constant 3 : i32
      %add3A_313 = arith.addi %mul3A_205, %add3A_312 : i32
      %dma_wait3A_314 = arith.constant 0 : i32
      %dma_wait3A_315 = arith.constant 0 : i32
      %dma_wait3A_316 = tpu.memref_slice %arg2[%scan3A_166, %dma_wait3A_314, %dma_wait3A_315] : memref<2x10240x64xf32, #tpu.memory_space<hbm>> -> memref<1x10240x64xf32, #tpu.memory_space<hbm>>
      %dma_wait3A_317 = tpu.memref_squeeze %dma_wait3A_316 : memref<1x10240x64xf32, #tpu.memory_space<hbm>> -> memref<10240x64xf32, #tpu.memory_space<hbm>>
      %dma_wait3A_318 = arith.constant 0 : i32
      %dma_wait3A_319 = arith.constant 0 : i32
      %dma_wait3A_320 = tpu.memref_slice %dma_wait3A_317[%dma_wait3A_318, %dma_wait3A_319] : memref<10240x64xf32, #tpu.memory_space<hbm>> -> memref<128x64xf32, #tpu.memory_space<hbm>>
      %dma_wait3A_321 = arith.constant 0 : i32
      %dma_wait3A_322 = arith.constant 0 : i32
      %dma_wait3A_323 = tpu.memref_slice %arg2[%scan3A_166, %dma_wait3A_321, %dma_wait3A_322] : memref<2x10240x64xf32, #tpu.memory_space<hbm>> -> memref<1x10240x64xf32, #tpu.memory_space<hbm>>
      %dma_wait3A_324 = tpu.memref_squeeze %dma_wait3A_323 : memref<1x10240x64xf32, #tpu.memory_space<hbm>> -> memref<10240x64xf32, #tpu.memory_space<hbm>>
      %dma_wait3A_325 = arith.constant 0 : i32
      %dma_wait3A_326 = arith.constant 0 : i32
      %dma_wait3A_327 = tpu.memref_slice %dma_wait3A_324[%dma_wait3A_325, %dma_wait3A_326] : memref<10240x64xf32, #tpu.memory_space<hbm>> -> memref<128x64xf32, #tpu.memory_space<hbm>>
      tpu.wait_dma2 semaphore(%arg15 : memref<!tpu.dma_semaphore, #tpu.memory_space<semaphore_mem>>) src(%dma_wait3A_327 : memref<128x64xf32, #tpu.memory_space<hbm>>) dst(%arg9 : memref<128x64xf32, #tpu.memory_space<vmem>>)
      %lt3A_328 = arith.constant 9 : i32
      %lt3A_329 = arith.cmpi slt, %scan3A_203, %lt3A_328 : i32
      %convert_element_type3A_330 = arith.extui %lt3A_329 : i1 to i32
      %cond3A_331 = arith.constant 0 : i32
      %cond3A_332 = arith.cmpi ne, %convert_element_type3A_330, %cond3A_331 : i32
      scf.if %cond3A_332 {
        %add3A_353 = arith.constant 2 : i32
        %add3A_354 = arith.addi %add3A_313, %add3A_353 : i32
        %dma_start3A_355 = arith.constant 0 : i32
        %dma_start3A_356 = tpu.memref_slice %arg6[%add3A_354, %dma_start3A_355] : memref<40x128xi32, #tpu.memory_space<vmem>> -> memref<1x128xi32, #tpu.memory_space<vmem>>
        %dma_start3A_357 = tpu.memref_squeeze %dma_start3A_356 : memref<1x128xi32, #tpu.memory_space<vmem>> -> memref<128xi32, #tpu.memory_space<vmem>>
        %dma_start3A_358 = arith.constant 0 : i32
        %dma_start3A_359 = arith.constant 0 : i32
        %dma_start3A_360 = tpu.memref_slice %arg12[%dma_start3A_358, %dma_start3A_359] : memref<10240x64xf32, #tpu.memory_space<vmem_shared>> -> memref<10240x64xf32, #tpu.memory_space<vmem_shared>>
        tpu.enqueue_indirect_dma source(%dma_start3A_360 : memref<10240x64xf32, #tpu.memory_space<vmem_shared>>) target(%arg9 : memref<128x64xf32, #tpu.memory_space<vmem>>) offsets(%dma_start3A_357 : memref<128xi32, #tpu.memory_space<vmem>>) semaphore(%arg14 : memref<!tpu.dma_semaphore, #tpu.memory_space<semaphore_mem>>)
      } else {
      }
      %dma_wait3A_333 = arith.constant 0 : i32
      %dma_wait3A_334 = arith.constant 0 : i32
      %dma_wait3A_335 = tpu.memref_slice %arg2[%scan3A_166, %dma_wait3A_333, %dma_wait3A_334] : memref<2x10240x64xf32, #tpu.memory_space<hbm>> -> memref<1x10240x64xf32, #tpu.memory_space<hbm>>
      %dma_wait3A_336 = tpu.memref_squeeze %dma_wait3A_335 : memref<1x10240x64xf32, #tpu.memory_space<hbm>> -> memref<10240x64xf32, #tpu.memory_space<hbm>>
      %dma_wait3A_337 = arith.constant 0 : i32
      %dma_wait3A_338 = arith.constant 0 : i32
      %dma_wait3A_339 = tpu.memref_slice %dma_wait3A_336[%dma_wait3A_337, %dma_wait3A_338] : memref<10240x64xf32, #tpu.memory_space<hbm>> -> memref<128x64xf32, #tpu.memory_space<hbm>>
      %dma_wait3A_340 = arith.constant 0 : i32
      %dma_wait3A_341 = arith.constant 0 : i32
      %dma_wait3A_342 = tpu.memref_slice %arg2[%scan3A_166, %dma_wait3A_340, %dma_wait3A_341] : memref<2x10240x64xf32, #tpu.memory_space<hbm>> -> memref<1x10240x64xf32, #tpu.memory_space<hbm>>
      %dma_wait3A_343 = tpu.memref_squeeze %dma_wait3A_342 : memref<1x10240x64xf32, #tpu.memory_space<hbm>> -> memref<10240x64xf32, #tpu.memory_space<hbm>>
      %dma_wait3A_344 = arith.constant 0 : i32
      %dma_wait3A_345 = arith.constant 0 : i32
      %dma_wait3A_346 = tpu.memref_slice %dma_wait3A_343[%dma_wait3A_344, %dma_wait3A_345] : memref<10240x64xf32, #tpu.memory_space<hbm>> -> memref<128x64xf32, #tpu.memory_space<hbm>>
      tpu.wait_dma2 semaphore(%arg14 : memref<!tpu.dma_semaphore, #tpu.memory_space<semaphore_mem>>) src(%dma_wait3A_346 : memref<128x64xf32, #tpu.memory_space<hbm>>) dst(%arg11 : memref<128x64xf32, #tpu.memory_space<vmem>>)
      %dma_start3A_347 = arith.constant 0 : i32
      %dma_start3A_348 = tpu.memref_slice %arg7[%add3A_313, %dma_start3A_347] : memref<40x128xi32, #tpu.memory_space<vmem>> -> memref<1x128xi32, #tpu.memory_space<vmem>>
      %dma_start3A_349 = tpu.memref_squeeze %dma_start3A_348 : memref<1x128xi32, #tpu.memory_space<vmem>> -> memref<128xi32, #tpu.memory_space<vmem>>
      %dma_start3A_350 = arith.constant 0 : i32
      %dma_start3A_351 = arith.constant 0 : i32
      %dma_start3A_352 = tpu.memref_slice %arg13[%dma_start3A_350, %dma_start3A_351] : memref<10240x64xf32, #tpu.memory_space<vmem_shared>> -> memref<10240x64xf32, #tpu.memory_space<vmem_shared>>
      tpu.enqueue_indirect_dma source(%arg11 : memref<128x64xf32, #tpu.memory_space<vmem>>) target(%dma_start3A_352 : memref<10240x64xf32, #tpu.memory_space<vmem_shared>>) offsets(%dma_start3A_349 : memref<128xi32, #tpu.memory_space<vmem>>) semaphore(%arg15 : memref<!tpu.dma_semaphore, #tpu.memory_space<semaphore_mem>>) {add = true}
    }
    %scan3A_171 = arith.constant 10 : i32
    %dma_wait3A_172 = arith.constant 0 : i32
    %dma_wait3A_173 = arith.constant 0 : i32
    %dma_wait3A_174 = arith.constant 0 : i32
    %dma_wait3A_175 = tpu.memref_slice %arg2[%dma_wait3A_172, %dma_wait3A_173, %dma_wait3A_174] : memref<2x10240x64xf32, #tpu.memory_space<hbm>> -> memref<1x10240x64xf32, #tpu.memory_space<hbm>>
    %dma_wait3A_176 = tpu.memref_squeeze %dma_wait3A_175 : memref<1x10240x64xf32, #tpu.memory_space<hbm>> -> memref<10240x64xf32, #tpu.memory_space<hbm>>
    %dma_wait3A_177 = arith.constant 0 : i32
    %dma_wait3A_178 = arith.constant 0 : i32
    %dma_wait3A_179 = tpu.memref_slice %dma_wait3A_176[%dma_wait3A_177, %dma_wait3A_178] : memref<10240x64xf32, #tpu.memory_space<hbm>> -> memref<128x64xf32, #tpu.memory_space<hbm>>
    %dma_wait3A_180 = arith.constant 0 : i32
    %dma_wait3A_181 = arith.constant 0 : i32
    %dma_wait3A_182 = tpu.memref_slice %arg2[%dma_wait3A_172, %dma_wait3A_180, %dma_wait3A_181] : memref<2x10240x64xf32, #tpu.memory_space<hbm>> -> memref<1x10240x64xf32, #tpu.memory_space<hbm>>
    %dma_wait3A_183 = tpu.memref_squeeze %dma_wait3A_182 : memref<1x10240x64xf32, #tpu.memory_space<hbm>> -> memref<10240x64xf32, #tpu.memory_space<hbm>>
    %dma_wait3A_184 = arith.constant 0 : i32
    %dma_wait3A_185 = arith.constant 0 : i32
    %dma_wait3A_186 = tpu.memref_slice %dma_wait3A_183[%dma_wait3A_184, %dma_wait3A_185] : memref<10240x64xf32, #tpu.memory_space<hbm>> -> memref<128x64xf32, #tpu.memory_space<hbm>>
    tpu.wait_dma2 semaphore(%arg15 : memref<!tpu.dma_semaphore, #tpu.memory_space<semaphore_mem>>) src(%dma_wait3A_186 : memref<128x64xf32, #tpu.memory_space<hbm>>) dst(%arg10 : memref<128x64xf32, #tpu.memory_space<vmem>>)
    %dma_wait3A_187 = arith.constant 0 : i32
    %dma_wait3A_188 = arith.constant 0 : i32
    %dma_wait3A_189 = arith.constant 0 : i32
    %dma_wait3A_190 = tpu.memref_slice %arg2[%dma_wait3A_187, %dma_wait3A_188, %dma_wait3A_189] : memref<2x10240x64xf32, #tpu.memory_space<hbm>> -> memref<1x10240x64xf32, #tpu.memory_space<hbm>>
    %dma_wait3A_191 = tpu.memref_squeeze %dma_wait3A_190 : memref<1x10240x64xf32, #tpu.memory_space<hbm>> -> memref<10240x64xf32, #tpu.memory_space<hbm>>
    %dma_wait3A_192 = arith.constant 0 : i32
    %dma_wait3A_193 = arith.constant 0 : i32
    %dma_wait3A_194 = tpu.memref_slice %dma_wait3A_191[%dma_wait3A_192, %dma_wait3A_193] : memref<10240x64xf32, #tpu.memory_space<hbm>> -> memref<128x64xf32, #tpu.memory_space<hbm>>
    %dma_wait3A_195 = arith.constant 0 : i32
    %dma_wait3A_196 = arith.constant 0 : i32
    %dma_wait3A_197 = tpu.memref_slice %arg2[%dma_wait3A_187, %dma_wait3A_195, %dma_wait3A_196] : memref<2x10240x64xf32, #tpu.memory_space<hbm>> -> memref<1x10240x64xf32, #tpu.memory_space<hbm>>
    %dma_wait3A_198 = tpu.memref_squeeze %dma_wait3A_197 : memref<1x10240x64xf32, #tpu.memory_space<hbm>> -> memref<10240x64xf32, #tpu.memory_space<hbm>>
    %dma_wait3A_199 = arith.constant 0 : i32
    %dma_wait3A_200 = arith.constant 0 : i32
    %dma_wait3A_201 = tpu.memref_slice %dma_wait3A_198[%dma_wait3A_199, %dma_wait3A_200] : memref<10240x64xf32, #tpu.memory_space<hbm>> -> memref<128x64xf32, #tpu.memory_space<hbm>>
    tpu.wait_dma2 semaphore(%arg15 : memref<!tpu.dma_semaphore, #tpu.memory_space<semaphore_mem>>) src(%dma_wait3A_201 : memref<128x64xf32, #tpu.memory_space<hbm>>) dst(%arg11 : memref<128x64xf32, #tpu.memory_space<vmem>>)
    %barrier3A_202 = arith.constant 0 : index
    tpu.barrier barrier_id(%barrier3A_202)
    "tpu.region"() ({
      %run_scoped3A = tpu.sem_alloc : memref<!tpu.dma_semaphore, #tpu.memory_space<semaphore_mem>>
      %dma_start3A_203 = arith.constant 0 : i32
      %dma_start3A_204 = tpu.memref_slice %arg5[%arg0, %mul3A_0, %dma_start3A_203] : memref<2x10240x64xf32, #tpu.memory_space<hbm>> -> memref<1x640x64xf32, #tpu.memory_space<hbm>>
      %dma_start3A_205 = tpu.memref_squeeze %dma_start3A_204 : memref<1x640x64xf32, #tpu.memory_space<hbm>> -> memref<640x64xf32, #tpu.memory_space<hbm>>
      %dma_start3A_206 = arith.constant 0 : i32
      %dma_start3A_207 = tpu.memref_slice %arg13[%mul3A_0, %dma_start3A_206] : memref<10240x64xf32, #tpu.memory_space<vmem_shared>> -> memref<640x64xf32, #tpu.memory_space<vmem_shared>>
      tpu.enqueue_dma source(%dma_start3A_207 : memref<640x64xf32, #tpu.memory_space<vmem_shared>>) target(%dma_start3A_205 : memref<640x64xf32, #tpu.memory_space<hbm>>) target_semaphore(%run_scoped3A : memref<!tpu.dma_semaphore, #tpu.memory_space<semaphore_mem>>)
      %dma_wait3A_208 = arith.constant 0 : i32
      %dma_wait3A_209 = tpu.memref_slice %arg5[%arg0, %mul3A_0, %dma_wait3A_208] : memref<2x10240x64xf32, #tpu.memory_space<hbm>> -> memref<1x640x64xf32, #tpu.memory_space<hbm>>
      %dma_wait3A_210 = tpu.memref_squeeze %dma_wait3A_209 : memref<1x640x64xf32, #tpu.memory_space<hbm>> -> memref<640x64xf32, #tpu.memory_space<hbm>>
      %dma_wait3A_211 = arith.constant 0 : i32
      %dma_wait3A_212 = tpu.memref_slice %arg13[%mul3A_0, %dma_wait3A_211] : memref<10240x64xf32, #tpu.memory_space<vmem_shared>> -> memref<640x64xf32, #tpu.memory_space<vmem_shared>>
      tpu.wait_dma2 semaphore(%run_scoped3A : memref<!tpu.dma_semaphore, #tpu.memory_space<semaphore_mem>>) src(%dma_wait3A_212 : memref<640x64xf32, #tpu.memory_space<vmem_shared>>) dst(%dma_wait3A_210 : memref<640x64xf32, #tpu.memory_space<hbm>>)
      tpu.yield
    }) : () -> ()
    return
  }
}

module attributes {stable_mosaic.version = 14 : i64} {
  func.func @body(%arg0: memref<10000x128xf32, #tpu.memory_space<vmem>>, %arg1: memref<128x128xf32, #tpu.memory_space<vmem>>, %arg2: memref<2x10240x1xf32, #tpu.memory_space<vmem>>, %arg3: memref<2x10240x64xf32, #tpu.memory_space<vmem>>, %arg4: memref<10240x1xf32, #tpu.memory_space<vmem>>) attributes {dimension_semantics = [], scalar_prefetch = 0 : i64, scratch_operands = 0 : i64, tpu.core_type = #tpu.core_type<tc>} {
    %get3A = arith.constant 0 : index
    %get3A_0 = arith.constant 0 : index
    %get3A_1 = arith.constant 0 : index
    %get3A_2 = vector.load %arg2[%get3A, %get3A_0, %get3A_1] : memref<2x10240x1xf32, #tpu.memory_space<vmem>>, vector<1x10240x1xf32>
    %get3A_3 = vector.shape_cast %get3A_2 : vector<1x10240x1xf32> to vector<10240x1xf32>
    %get3A_4 = arith.constant 1 : index
    %get3A_5 = arith.constant 0 : index
    %get3A_6 = arith.constant 0 : index
    %get3A_7 = vector.load %arg2[%get3A_4, %get3A_5, %get3A_6] : memref<2x10240x1xf32, #tpu.memory_space<vmem>>, vector<1x10240x1xf32>
    %get3A_8 = vector.shape_cast %get3A_7 : vector<1x10240x1xf32> to vector<10240x1xf32>
    %add3A = arith.addf %get3A_3, %get3A_8 : vector<10240x1xf32>
    %add3A_9 = arith.constant 1.000000e+00 : f32
    %add3A_10 = vector.broadcast %add3A_9 : f32 to vector<10240x1xf32>
    %add3A_11 = arith.addf %add3A, %add3A_10 : vector<10240x1xf32>
    %rsqrt3A = math.rsqrt %add3A_11 : vector<10240x1xf32>
    %swap3A = arith.constant 0 : index
    %swap3A_12 = arith.constant 0 : index
    %swap3A_13 = vector.load %arg4[%swap3A, %swap3A_12] : memref<10240x1xf32, #tpu.memory_space<vmem>>, vector<10240x1xf32>
    tpu.vector_store %arg4[%swap3A, %swap3A_12], %rsqrt3A {strides = array<i32>} : memref<10240x1xf32, #tpu.memory_space<vmem>>, vector<10240x1xf32>,
    %get3A_14 = arith.constant 0 : index
    %get3A_15 = arith.constant 0 : index
    %get3A_16 = vector.load %arg0[%get3A_14, %get3A_15] : memref<10000x128xf32, #tpu.memory_space<vmem>>, vector<10000x128xf32>
    %get3A_17 = arith.constant 0 : index
    %get3A_18 = arith.constant 0 : index
    %get3A_19 = vector.load %arg1[%get3A_17, %get3A_18] : memref<128x128xf32, #tpu.memory_space<vmem>>, vector<128x128xf32>
    %dot_general3A = arith.constant dense<0.000000e+00> : vector<10000x128xf32>
    %dot_general3A_20 = tpu.matmul %get3A_16, %get3A_19, %dot_general3A {dimension_numbers = #tpu.dot_dimension_numbers<[1], [1], [0], [0], [0, 0, 1, 0], [], []>, transpose_lhs_hint = false} : vector<10000x128xf32>, vector<128x128xf32>, vector<10000x128xf32> -> vector<10000x128xf32>
    %slice3A = vector.extract_strided_slice %rsqrt3A {offsets = [0, 0], sizes = [10000, 1], strides = [1, 1]} : vector<10240x1xf32> to vector<10000x1xf32>
    %mul3A = vector.broadcast %slice3A : vector<10000x1xf32> to vector<10000x128xf32>
    %mul3A_21 = arith.mulf %dot_general3A_20, %mul3A : vector<10000x128xf32>
    %slice3A_22 = vector.extract_strided_slice %mul3A_21 {offsets = [0, 0], sizes = [10000, 64], strides = [1, 1]} : vector<10000x128xf32> to vector<10000x64xf32>
    %swap3A_23 = arith.constant 0 : index
    %swap3A_24 = arith.constant 0 : index
    %swap3A_25 = arith.constant 0 : index
    %swap3A_26 = vector.load %arg3[%swap3A_23, %swap3A_24, %swap3A_25] : memref<2x10240x64xf32, #tpu.memory_space<vmem>>, vector<1x10000x64xf32>
    %swap3A_27 = vector.shape_cast %swap3A_26 : vector<1x10000x64xf32> to vector<10000x64xf32>
    %swap3A_28 = vector.shape_cast %slice3A_22 : vector<10000x64xf32> to vector<1x10000x64xf32>
    tpu.vector_store %arg3[%swap3A_23, %swap3A_24, %swap3A_25], %swap3A_28 {strides = array<i32>} : memref<2x10240x64xf32, #tpu.memory_space<vmem>>, vector<1x10000x64xf32>,
    %slice3A_29 = vector.extract_strided_slice %mul3A_21 {offsets = [0, 64], sizes = [10000, 64], strides = [1, 1]} : vector<10000x128xf32> to vector<10000x64xf32>
    %swap3A_30 = arith.constant 1 : index
    %swap3A_31 = arith.constant 0 : index
    %swap3A_32 = arith.constant 0 : index
    %swap3A_33 = vector.load %arg3[%swap3A_30, %swap3A_31, %swap3A_32] : memref<2x10240x64xf32, #tpu.memory_space<vmem>>, vector<1x10000x64xf32>
    %swap3A_34 = vector.shape_cast %swap3A_33 : vector<1x10000x64xf32> to vector<10000x64xf32>
    %swap3A_35 = vector.shape_cast %slice3A_29 : vector<10000x64xf32> to vector<1x10000x64xf32>
    tpu.vector_store %arg3[%swap3A_30, %swap3A_31, %swap3A_32], %swap3A_35 {strides = array<i32>} : memref<2x10240x64xf32, #tpu.memory_space<vmem>>, vector<1x10000x64xf32>,
    %broadcast_in_dim3A = arith.constant 0.000000e+00 : f32
    %broadcast_in_dim3A_36 = vector.broadcast %broadcast_in_dim3A : f32 to vector<240x64xf32>
    %swap3A_37 = arith.constant 0 : index
    %swap3A_38 = arith.constant 10000 : index
    %swap3A_39 = arith.constant 0 : index
    %swap3A_40 = vector.load %arg3[%swap3A_37, %swap3A_38, %swap3A_39] : memref<2x10240x64xf32, #tpu.memory_space<vmem>>, vector<1x240x64xf32>
    %swap3A_41 = vector.shape_cast %swap3A_40 : vector<1x240x64xf32> to vector<240x64xf32>
    %swap3A_42 = vector.shape_cast %broadcast_in_dim3A_36 : vector<240x64xf32> to vector<1x240x64xf32>
    tpu.vector_store %arg3[%swap3A_37, %swap3A_38, %swap3A_39], %swap3A_42 {strides = array<i32>} : memref<2x10240x64xf32, #tpu.memory_space<vmem>>, vector<1x240x64xf32>,
    %swap3A_43 = arith.constant 1 : index
    %swap3A_44 = arith.constant 10000 : index
    %swap3A_45 = arith.constant 0 : index
    %swap3A_46 = vector.load %arg3[%swap3A_43, %swap3A_44, %swap3A_45] : memref<2x10240x64xf32, #tpu.memory_space<vmem>>, vector<1x240x64xf32>
    %swap3A_47 = vector.shape_cast %swap3A_46 : vector<1x240x64xf32> to vector<240x64xf32>
    %swap3A_48 = vector.shape_cast %broadcast_in_dim3A_36 : vector<240x64xf32> to vector<1x240x64xf32>
    tpu.vector_store %arg3[%swap3A_43, %swap3A_44, %swap3A_45], %swap3A_48 {strides = array<i32>} : memref<2x10240x64xf32, #tpu.memory_space<vmem>>, vector<1x240x64xf32>,
    return
  }
}

module attributes {stable_mosaic.version = 14 : i64} {
  func.func @body(%arg0: memref<2x10240x64xf32, #tpu.memory_space<vmem>>, %arg1: memref<10240x1xf32, #tpu.memory_space<vmem>>, %arg2: memref<1x128xf32, #tpu.memory_space<vmem>>, %arg3: memref<64x128xf32, #tpu.memory_space<vmem>>, %arg4: memref<10240x64xf32, #tpu.memory_space<vmem>>) attributes {dimension_semantics = [], scalar_prefetch = 0 : i64, scratch_operands = 0 : i64, tpu.core_type = #tpu.core_type<tc>} {
    %get3A = arith.constant 0 : index
    %get3A_0 = arith.constant 0 : index
    %get3A_1 = arith.constant 0 : index
    %get3A_2 = vector.load %arg0[%get3A, %get3A_0, %get3A_1] : memref<2x10240x64xf32, #tpu.memory_space<vmem>>, vector<1x10240x64xf32>
    %get3A_3 = vector.shape_cast %get3A_2 : vector<1x10240x64xf32> to vector<10240x64xf32>
    %get3A_4 = arith.constant 1 : index
    %get3A_5 = arith.constant 0 : index
    %get3A_6 = arith.constant 0 : index
    %get3A_7 = vector.load %arg0[%get3A_4, %get3A_5, %get3A_6] : memref<2x10240x64xf32, #tpu.memory_space<vmem>>, vector<1x10240x64xf32>
    %get3A_8 = vector.shape_cast %get3A_7 : vector<1x10240x64xf32> to vector<10240x64xf32>
    %concatenate3A = tpu.concatenate %get3A_3, %get3A_8 in 1 : vector<10240x64xf32>, vector<10240x64xf32> -> vector<10240x128xf32>
    %get3A_9 = arith.constant 0 : index
    %get3A_10 = arith.constant 0 : index
    %get3A_11 = vector.load %arg1[%get3A_9, %get3A_10] : memref<10240x1xf32, #tpu.memory_space<vmem>>, vector<10240x1xf32>
    %mul3A = vector.broadcast %get3A_11 : vector<10240x1xf32> to vector<10240x128xf32>
    %mul3A_12 = arith.mulf %concatenate3A, %mul3A : vector<10240x128xf32>
    %get3A_13 = arith.constant 0 : index
    %get3A_14 = arith.constant 0 : index
    %get3A_15 = vector.load %arg2[%get3A_13, %get3A_14] : memref<1x128xf32, #tpu.memory_space<vmem>>, vector<1x128xf32>
    %add3A = vector.broadcast %get3A_15 : vector<1x128xf32> to vector<10240x128xf32>
    %add3A_16 = arith.addf %mul3A_12, %add3A : vector<10240x128xf32>
    %max3A = arith.constant 0.000000e+00 : f32
    %max3A_17 = vector.broadcast %max3A : f32 to vector<10240x128xf32>
    %max3A_18 = arith.maximumf %add3A_16, %max3A_17 : vector<10240x128xf32>
    %get3A_19 = arith.constant 0 : index
    %get3A_20 = arith.constant 0 : index
    %get3A_21 = vector.load %arg3[%get3A_19, %get3A_20] : memref<64x128xf32, #tpu.memory_space<vmem>>, vector<64x128xf32>
    %dot_general3A = arith.constant dense<0.000000e+00> : vector<10240x64xf32>
    %dot_general3A_22 = tpu.matmul %max3A_18, %get3A_21, %dot_general3A {dimension_numbers = #tpu.dot_dimension_numbers<[1], [1], [0], [0], [0, 0, 1, 0], [], []>, transpose_lhs_hint = false} : vector<10240x128xf32>, vector<64x128xf32>, vector<10240x64xf32> -> vector<10240x64xf32>
    %get3A_23 = arith.constant 0 : index
    %get3A_24 = arith.constant 0 : index
    %get3A_25 = vector.load %arg1[%get3A_23, %get3A_24] : memref<10240x1xf32, #tpu.memory_space<vmem>>, vector<10240x1xf32>
    %mul3A_26 = vector.broadcast %get3A_25 : vector<10240x1xf32> to vector<10240x64xf32>
    %mul3A_27 = arith.mulf %dot_general3A_22, %mul3A_26 : vector<10240x64xf32>
    %swap3A = arith.constant 0 : index
    %swap3A_28 = arith.constant 0 : index
    %swap3A_29 = vector.load %arg4[%swap3A, %swap3A_28] : memref<10240x64xf32, #tpu.memory_space<vmem>>, vector<10240x64xf32>
    tpu.vector_store %arg4[%swap3A, %swap3A_28], %mul3A_27 {strides = array<i32>} : memref<10240x64xf32, #tpu.memory_space<vmem>>, vector<10240x64xf32>,
    return
  }
}

module attributes {stable_mosaic.version = 14 : i64} {
  func.func @body(%arg0: memref<2x10240x64xf32, #tpu.memory_space<vmem>>, %arg1: memref<10240x64xf32, #tpu.memory_space<vmem>>, %arg2: memref<10240x1xf32, #tpu.memory_space<vmem>>, %arg3: memref<1x64xf32, #tpu.memory_space<vmem>>, %arg4: memref<10000x64xf32, #tpu.memory_space<vmem>>) attributes {dimension_semantics = [], scalar_prefetch = 0 : i64, scratch_operands = 0 : i64, tpu.core_type = #tpu.core_type<tc>} {
    %get3A = arith.constant 0 : index
    %get3A_0 = arith.constant 0 : index
    %get3A_1 = arith.constant 0 : index
    %get3A_2 = vector.load %arg0[%get3A, %get3A_0, %get3A_1] : memref<2x10240x64xf32, #tpu.memory_space<vmem>>, vector<1x10240x64xf32>
    %get3A_3 = vector.shape_cast %get3A_2 : vector<1x10240x64xf32> to vector<10240x64xf32>
    %get3A_4 = arith.constant 1 : index
    %get3A_5 = arith.constant 0 : index
    %get3A_6 = arith.constant 0 : index
    %get3A_7 = vector.load %arg0[%get3A_4, %get3A_5, %get3A_6] : memref<2x10240x64xf32, #tpu.memory_space<vmem>>, vector<1x10240x64xf32>
    %get3A_8 = vector.shape_cast %get3A_7 : vector<1x10240x64xf32> to vector<10240x64xf32>
    %add3A = arith.addf %get3A_3, %get3A_8 : vector<10240x64xf32>
    %get3A_9 = arith.constant 0 : index
    %get3A_10 = arith.constant 0 : index
    %get3A_11 = vector.load %arg1[%get3A_9, %get3A_10] : memref<10240x64xf32, #tpu.memory_space<vmem>>, vector<10240x64xf32>
    %sub3A = arith.subf %add3A, %get3A_11 : vector<10240x64xf32>
    %get3A_12 = arith.constant 0 : index
    %get3A_13 = arith.constant 0 : index
    %get3A_14 = vector.load %arg2[%get3A_12, %get3A_13] : memref<10240x1xf32, #tpu.memory_space<vmem>>, vector<10240x1xf32>
    %mul3A = vector.broadcast %get3A_14 : vector<10240x1xf32> to vector<10240x64xf32>
    %mul3A_15 = arith.mulf %sub3A, %mul3A : vector<10240x64xf32>
    %get3A_16 = arith.constant 0 : index
    %get3A_17 = arith.constant 0 : index
    %get3A_18 = vector.load %arg3[%get3A_16, %get3A_17] : memref<1x64xf32, #tpu.memory_space<vmem>>, vector<1x64xf32>
    %add3A_19 = vector.broadcast %get3A_18 : vector<1x64xf32> to vector<10240x64xf32>
    %add3A_20 = arith.addf %mul3A_15, %add3A_19 : vector<10240x64xf32>
    %reduce_max3A = arith.constant dense<0xFF800000> : vector<10240xf32>
    %reduce_max3A_21 = vector.multi_reduction <maximumf>, %add3A_20, %reduce_max3A [1] : vector<10240x64xf32> to vector<10240xf32>
    %broadcast_in_dim3A = vector.shape_cast %reduce_max3A_21 : vector<10240xf32> to vector<10240x1xf32>
    %sub3A_22 = vector.broadcast %broadcast_in_dim3A : vector<10240x1xf32> to vector<10240x64xf32>
    %sub3A_23 = arith.subf %add3A_20, %sub3A_22 : vector<10240x64xf32>
    %exp3A = math.exp %sub3A_23 : vector<10240x64xf32>
    %reduce_sum3A = arith.constant dense<0.000000e+00> : vector<10240xf32>
    %reduce_sum3A_24 = vector.multi_reduction <add>, %exp3A, %reduce_sum3A [1] : vector<10240x64xf32> to vector<10240xf32>
    %broadcast_in_dim3A_25 = vector.shape_cast %reduce_sum3A_24 : vector<10240xf32> to vector<10240x1xf32>
    %log3A = math.log %broadcast_in_dim3A_25 : vector<10240x1xf32>
    %add3A_26 = arith.addf %log3A, %broadcast_in_dim3A : vector<10240x1xf32>
    %sub3A_27 = vector.broadcast %add3A_26 : vector<10240x1xf32> to vector<10240x64xf32>
    %sub3A_28 = arith.subf %add3A_20, %sub3A_27 : vector<10240x64xf32>
    %slice3A = vector.extract_strided_slice %sub3A_28 {offsets = [0, 0], sizes = [10000, 64], strides = [1, 1]} : vector<10240x64xf32> to vector<10000x64xf32>
    %swap3A = arith.constant 0 : index
    %swap3A_29 = arith.constant 0 : index
    %swap3A_30 = vector.load %arg4[%swap3A, %swap3A_29] : memref<10000x64xf32, #tpu.memory_space<vmem>>, vector<10000x64xf32>
    tpu.vector_store %arg4[%swap3A, %swap3A_29], %slice3A {strides = array<i32>} : memref<10000x64xf32, #tpu.memory_space<vmem>>, vector<10000x64xf32>,
    return
  }
}

</mosaic_0001>

<sc_bundles>
// kernel: kernel.11.cloned.1.call-start
scs
__scs_entry_jumppad:
0x0: {  	(pc) =	sbr.rel $0x88, $3  }
0x1: {  	(tag) =	ssettag $0x0;
	lr =	simm.s32 $0x1  }
0x2: {  	[smem:$0x3F9B] =	sst lr;
	_ =	strace $0xD0000000  }
0x3: {  	_ = 	snop  }
0x4: {  	_ = 	snop  }
0x5: {  	_ = 	snop  }
0x6: {  	_ = 	snop  }
0x7: {  	_ = 	snop  }
__scs_overlays_trampoline_lowered:
0x8: {  	[smem:$0x3FAA] =	sst s0  }
0x9: {  	[smem:$0x3FAB] =	sst s1  }
0xa: {  	[smem:$0x3FAC] =	sst s2  }
0xb: {  	[smem:$0x3FAD] =	sst s3  }
0xc: {  	[smem:$0x3FAE] =	sst s4  }
0xd: {  	[smem:$0x3FAF] =	sst s5  }
0xe: {  	[smem:$0x3FB0] =	sst s6  }
0xf: {  	[smem:$0x3FB1] =	sst s7  }
0x10: {  	[smem:$0x3FB2] =	sst s8  }
0x11: {  	[smem:$0x3FB3] =	sst s9;
	s0 =	simm.s32 @!p0 $0x0  }
0x12: {  	s1 =	sld [smem:$0x3F99];
	s0 =	simm.s32 @p0 $0x1  }
0x13: {  	[smem:$0x3FB4] =	sst s0;
	s0 =	simm.s32 @!p1 $0x0  }
0x14: {  	s2 =	sld [smem:$0x3F98];
	s0 =	simm.s32 @p1 $0x1  }
0x15: {  	[smem:$0x3FB5] =	sst s0;
	s0 =	simm.s32 @!p2 $0x0  }
0x16: {  	s3 =	sld [smem:$0x3FDB];
	s0 =	simm.s32 @p2 $0x1  }
0x17: {  	s4 =	simm.s32 $0x1BF5;
	[smem:$0x3FB7] =	sst s0  }
0x18: {  	s0 =	sld [smem:$0x3F9A];
	_ =	swait.ge [sflag:s4], $0x0  }
0x19: {  	s7 =	sld [smem:$0x3F9B]  }
0x1a: {  	s8 =	sadd.s32 $0xFFFFE003, lr  }
0x1b: {  	s9 =	sadd.s32 $0xFFFFFEF7, lr;
	s5 =	simm.s32 $0xFFFFFFFF;
	p2 =	slt.u32 s8, $0xFFFFF086  }
0x1c: {  	p1 =	slt.u32 s9, $0xF7A;
	s5 =	simm.s32 @!p2 $0x0  }
0x1d: {  	s5 =	simm.s32 @p1 $0x1;
	p0 =	seq.s32 s7, s2  }
0x1e: {  	s7 =	smul.u32 @!p0 $0xF7A, s2;
	p2 =	seq.s32 @!p0 s5, $0x0  }
0x1f: {  	s9 =	smul.u32 $0xF7A, s1;
	s8 =	simm.s32 @!p0 $0x1BF5;
	p2 =	por !p2, p0  }
0x20: {  	[sflag:s8] =	ssyncset.s32 @!p0 $0xFFFFF086;
	s6 =	sadd.s32 @!p0 s3, s7;
	s7 =	simm.s32 @!p0 $0x108  }
0x21: {  	s3 =	sadd.s32 s3, s9;
	s6 =	sadd.s32 @!p0 $0x88, s6;
	s7 =	simm.s32 @p2 $0x1082  }
0x22: {  	[simem:s7], [sflag:s8] =	dma.local @!p0 [hbm:s6], $0xF7A  }
0x23: {  	s9 =	sor.u32 $0xD0000000, s2;
	s6 =	simm.s32 $0x108;
	_ =	swait.ge @!p0 [sflag:s8], $0x0  }
0x24: {  	s3 =	sadd.s32 $0x88, s3;
	s6 =	simm.s32 @!p1 $0x1082;
	[sflag:s4] =	ssyncset.s32 $0xFFFFF086  }
0x25: {  	[simem:s6], [sflag:s4] =	dma.local [hbm:s3], $0xF7A  }
0x26: {  	[smem:$0x3F9B] =	sst s1;
	(tag) =	ssettag s2;
	_ =	strace s9  }
0x27: {  	s1 =	sld [smem:$0x3FAB]  }
0x28: {  	s2 =	sld [smem:$0x3FAC]  }
0x29: {  	s4 =	sld [smem:$0x3FAE]  }
0x2a: {  	p0 =	seq.s32 s5, $0x0;
	s5 =	sld [smem:$0x3FAF]  }
0x2b: {  	s6 =	sld [smem:$0x3FB0]  }
0x2c: {  	s7 =	sld [smem:$0x3FB1]  }
0x2d: {  	s3 =	simm.s32 $0x108;
	s8 =	sld [smem:$0x3FB2]  }
0x2e: {  	s3 =	simm.s32 @!p0 $0x1082;
	s9 =	sld [smem:$0x3FB3]  }
0x2f: {  	lr =	sadd.s32 s0, s3;
	s0 =	sld [smem:$0x3FAA]  }
0x30: {  	s3 =	sld [smem:$0x3FAD]  }
0x31: {  	[smem:$0x3FB6] =	sst s10  }
0x32: {  	s10 =	sld [smem:$0x3FB4];
	_ =	sdelay $0x3  }
0x33: {  	p0 =	seq.s32 s10, $0x1;
	s10 =	sld [smem:$0x3FB6];
	_ =	sdelay $0x3  }
0x34: {  	[smem:$0x3FB6] =	sst s10  }
0x35: {  	s10 =	sld [smem:$0x3FB5];
	_ =	sdelay $0x3  }
0x36: {  	p1 =	seq.s32 s10, $0x1;
	s10 =	sld [smem:$0x3FB6];
	_ =	sdelay $0x3  }
0x37: {  	[smem:$0x3FB6] =	sst s10  }
0x38: {  	s10 =	sld [smem:$0x3FB7]  }
0x39: {  	_ = 	snop;
	(pc) =	sbr.ind lr, $3  }
0x3a: {  	_ = 	snop  }
0x3b: {  	_ = 	snop  }
0x3c: {  	p2 =	seq.s32 s10, $0x1;
	s10 =	sld [smem:$0x3FB6]  }
0x3d: {  	_ =	shalt  }
0x3e: {  	_ =	shalt  }
0x3f: {  	_ =	shalt  }
0x40: {  	_ =	shalt  }
0x41: {  	_ =	shalt  }
0x42: {  	_ =	shalt  }
0x43: {  	_ =	shalt  }
0x44: {  	_ =	shalt  }
0x45: {  	_ =	shalt  }
0x46: {  	_ =	shalt  }
0x47: {  	_ =	shalt  }
0x48: {  	_ =	shalt  }
0x49: {  	_ =	shalt  }
0x4a: {  	_ =	shalt  }
0x4b: {  	_ =	shalt  }
0x4c: {  	_ =	shalt  }
0x4d: {  	_ =	shalt  }
0x4e: {  	_ =	shalt  }
0x4f: {  	_ =	shalt  }
0x50: {  	_ =	shalt  }
0x51: {  	_ =	shalt  }
0x52: {  	_ =	shalt  }
0x53: {  	_ =	shalt  }
0x54: {  	_ =	shalt  }
0x55: {  	_ =	shalt  }
0x56: {  	_ =	shalt  }
0x57: {  	_ =	shalt  }
0x58: {  	_ =	shalt  }
0x59: {  	_ =	shalt  }
0x5a: {  	_ =	shalt  }
0x5b: {  	_ =	shalt  }
0x5c: {  	_ =	shalt  }
0x5d: {  	_ =	shalt  }
0x5e: {  	_ =	shalt  }
0x5f: {  	_ =	shalt  }
0x60: {  	_ =	shalt  }
0x61: {  	_ =	shalt  }
0x62: {  	_ =	shalt  }
0x63: {  	_ =	shalt  }
0x64: {  	_ =	shalt  }
0x65: {  	_ =	shalt  }
0x66: {  	_ =	shalt  }
0x67: {  	_ =	shalt  }
0x68: {  	_ =	shalt  }
0x69: {  	_ =	shalt  }
0x6a: {  	_ =	shalt  }
0x6b: {  	_ =	shalt  }
0x6c: {  	_ =	shalt  }
0x6d: {  	_ =	shalt  }
0x6e: {  	_ =	shalt  }
0x6f: {  	_ =	shalt  }
0x70: {  	_ =	shalt  }
0x71: {  	_ =	shalt  }
0x72: {  	_ =	shalt  }
0x73: {  	_ =	shalt  }
0x74: {  	_ =	shalt  }
0x75: {  	_ =	shalt  }
0x76: {  	_ =	shalt  }
0x77: {  	_ =	shalt  }
0x78: {  	_ =	shalt  }
0x79: {  	_ =	shalt  }
0x7a: {  	_ =	shalt  }
0x7b: {  	_ =	shalt  }
0x7c: {  	_ =	shalt  }
0x7d: {  	_ =	shalt  }
0x7e: {  	_ =	shalt  }
0x7f: {  	_ =	shalt  }
0x80: {  	_ =	shalt  }
0x81: {  	_ =	shalt  }
0x82: {  	_ =	shalt  }
0x83: {  	_ =	shalt  }
0x84: {  	_ =	shalt  }
0x85: {  	_ =	shalt  }
0x86: {  	_ =	shalt  }
0x87: {  	_ =	shalt  }
.Lfunc_end0:
.L_simem_size_0:
called_computation.1_lowered:
.L_overlay_start_0:
0x88: {  	s2 =	sld [smem:$0x3FD9]  }
0x89: {  	s3 =	sld [smem:$0x3FFE];
	_ =	sdelay $0x1  }
0x8a: {  	s1 =	srdreg.scid  }
0x8b: {  	s0 =	sand.u32 $0x1, s1  }
0x8c: {  	s17 =	sshll.u32 s0, $0xA;
	s2 =	sadd.s32 s3, s2  }
0x8d: {  	s2 =	sadd.s32 s2, s17  }
0x8e: {  	[smem:$0x3FC2] =	sst s2  }
0x8f: {  	_ = 	snop  }
0x90: {  	s2 =	sld [smem:$0x3FD0];
	(tm) =	ssettm $0x1  }
0x91: {  	s18 =	sld [smem:$0x3FFB];
	_ =	sdelay $0x3  }
0x92: {  	_ =	strace s18  }
0x93: {  	s3 =	sld [smem:$0x3FFC];
	_ =	sdelay $0x3  }
0x94: {  	_ =	strace s3  }
0x95: {  	s3 =	sld [smem:$0x3FFD];
	_ =	sdelay $0x3  }
0x96: {  	_ =	strace s3  }
0x97: {  	_ =	strace $0x8FFFFFFF  }
0x98: {  	s19 =	sld [smem:$0x3FDB];
	_ =	sdelay $0x1  }
0x99: {  	s4 =	simm.s32 $_scs_section_size  }
0x9a: {  	s5 =	simm.s32 $_size__tile_overlayer_lowered;
	s6 =	simm.s32 $_tile_overlayer_lowered  }
0x9b: {  	s22 =	simm.s32 $0x1BFF;
	s21 =	sshll.u32 s6, $0x1;
	s3 =	sadd.s32 s4, s19  }
0x9c: {  	s7 =	simm.s32 $0x0;
	s20 =	sshll.u32 s5, $0x1;
	s5 =	sadd.s32 s21, s3  }
0x9d: {  	[timem:s7], [sflag:s22] =	dma.local [hbm:s5], s20  }
0x9e: {  	_ =	swait.ge [sflag:s22], s20  }
0x9f: {  	s4 =	ssub.s32 $0x0, s20;
	[sflag:s22] =	ssyncset.done $0x0  }
0xa0: {  	[sflag:s22] =	ssyncadd.s32 s4;
	_ =	sdelay $0x1  }
0xa1: {  	s23 =	simm.s32 $0x1B8B  }
0xa2: {  	_ =	swait.ge [sflag:s23], $0x1  }
0xa3: {  	[sflag:s23] =	ssyncset.done $0x0  }
0xa4: {  	s25 =	simm.s32 $0x1B8E;
	s24 =	sld [smem:$0x3FFE];
	[sflag:s23] =	ssyncadd.s32 $0xFFFFFFFF  }
0xa5: {  	s26 =	simm.s32 $execute0_lowered;
	[smem:$0x3FD2] =	sst s25  }
0xa6: {  	s5 =	sshll.u32 s26, $0x1;
	_ =	strace $0x80000049;
	[dreg:$0x1] =	wrdreg $0xFFFFFFFF  }
0xa7: {  	s28 =	simm.s32 $_size_execute0_lowered;
	s3 =	sadd.s32 s3, s5;
	[dreg:$0x0] =	wrdreg $0x0  }
0xa8: {  	s5 =	sshll.u32 s28, $0x1;
	[dreg:$0x2] =	wrdreg s3  }
0xa9: {  	[dreg:$0x3] =	wrdreg s5  }
0xaa: {  	[dreg:$0x4] =	wrdreg $0xC0  }
0xab: {  	_ =	task [dreg:s7], $0x5FFFF  }
0xac: {  	[dreg:$0x1] =	wrdreg $0xFFFFFFFF  }
0xad: {  	[dreg:$0x0] =	wrdreg $0x60  }
0xae: {  	[dreg:$0x2] =	wrdreg s24  }
0xaf: {  	[dreg:$0x3] =	wrdreg s2  }
0xb0: {  	[dreg:$0x4] =	wrdreg $0xA8000  }
0xb1: {  	[dreg:$0x5] =	wrdreg $0x148000  }
0xb2: {  	[dreg:$0x6] =	wrdreg $0x9  }
0xb3: {  	_ =	task.clear_ibuf [dreg:s7], $0x7FFFF;
	_ =	strace $0x90000049  }
0xb4: {  	s29 =	simm.s32 $0x9;
	_ =	strace $0x8000004B  }
0xb5: {  	_ =	swait.ge [sflag:s29], $0x1  }
0xb6: {  	[sflag:s29] =	ssyncadd.s32 $0xFFFFFFFF  }
0xb7: {  	_ =	strace $0x9000004B  }
0xb8: {  	_ =	sfence  }
0xb9: {  	s30 =	sld [smem:$0x0];
	_ =	sdelay $0x2  }
0xba: {  	s31 =	sshll.u32 s1, $0xD;
	s1 =	sshrl.u32 s1, $0x2  }
0xbb: {  	s3 =	sand.u32 $0x4000, s31;
	s1 =	sadd.s32 s1, s30  }
0xbc: {  	s0 =	sor.u32 s3, s0;
	s1 =	sshll.u32 s1, $0x11  }
0xbd: {  	s0 =	sor.u32 s1, s0  }
0xbe: {  	s0 =	sadd.s32 $0x8F2B, s0  }
0xbf: {  	[sflag:s0] =	ssyncadd.remote.s32 $0x1  }
0xc0: {  	_ =	sfence.sel $0xFFFF  }
0xc1: {  	[dreg:$0x0] =	wrdreg $0xFFFFFFFF;
	(pc) =	sbr.abs _section_cstart, $3  }
0xc2: {  	[dreg:$0x1] =	wrdreg $0xFFFFFFFF  }
0xc3: {  	_ =	task.clear_ibuf [dreg:s7], $0x2FFFF;
	_ =	strace $0x9FFFFFFF  }
0xc4: {  	(tm) =	ssettm $0x7FFFFFFF  }
0xc5: {  	_ =	shalt  }
tec
execute0_lowered:
.L_overlay_start_1:
0x0: {  	(tag) =	ssettag $0x1  }
0x1: {  	s0 =	rddreg [dreg:$0x0]  }
0x2: {  	s3 =	rddreg [dreg:$0x1]  }
0x3: {  	s1 =	rddreg [dreg:$0x2]  }
0x4: {  	s2 =	rddreg [dreg:$0x3];
	s4 =	srdreg.scid;
	s7 =	simm.s32 $0x0  }
0x5: {  	s12 =	stileid.u32;
	s28 =	simm.s32 $0x180;
	s29 =	simm.s32 $0x8800  }
0x6: {  	s30 =	simm.s32 $0x1480;
	s31 =	simm.s32 $0x2;
	s5 =	sand.u32 $0x1, s4  }
0x7: {  	[smem:$0x7FF] =	sst s7;
	s13 =	smul.u32 $0xA000, s12;
	s8 =	sadd.s32 $0x2000, s0  }
0x8: {  	s10 =	smul.u32 $0x5000, s12;
	s14 =	sshll.u32 s12, $0x6;
	s7 =	simm.s32 $0x280  }
0x9: {  	s12 =	simm.s32 $0x2680;
	s6 =	smul.u32 $0xA0000, s5;
	s5 =	ssub.s32 $0x2, s5  }
0xa: {  	_ =	strace $0x8000004A;
	s9 =	sshrl.u32 s5, $0x1;
	s11 =	sadd.s32 s13, s1  }
0xb: {  	s10 =	sshrl.u32 s10, $0x3;
	s15 =	sadd.s32 s13, s2;
	s6 =	sadd.s32 s13, s6  }
0xc: {  	s9 =	ssub.s32 s5, s9;
	[dreg:$0x5] =	wrdreg s15;
	s16 =	sadd.s32 $0x280, s10  }
0xd: {  	s17 =	sadd.s32 s8, s10;
	s18 =	sadd.s32 s3, s10;
	s21 =	sadd.s32 $0x500, s10  }
0xe: {  	s10 =	sadd.s32 $0x780, s10;
	s26 =	sshrl.u32 s11, $0x3;
	[dreg:$0x6] =	wrdreg s17  }
0xf: {  	s11 =	simm.s32 $0x1380;
	s13 =	simm.s32 $0x2700;
	[dreg:$0x7] =	wrdreg s18  }
0x10: {  	s15 =	simm.s32 $0x0;
	s19 =	sadd.s32 s8, s16;
	[dreg:$0x10] =	wrdreg s26  }
0x11: {  	s6 =	sshrl.u32 s6, $0x3;
	s20 =	sadd.s32 s3, s16;
	[dreg:$0x8] =	wrdreg s19  }
0x12: {  	s22 =	sadd.s32 s8, s21;
	s23 =	sadd.s32 s3, s21;
	[dreg:$0x9] =	wrdreg s20  }
0x13: {  	s24 =	sadd.s32 s8, s10;
	s3 =	sadd.s32 s3, s10;
	[dreg:$0xa] =	wrdreg s22  }
0x14: {  	s25 =	smax.u32 s9, $0x1;
	s21 =	simm.s32 $0x80;
	[dreg:$0xb] =	wrdreg s23  }
0x15: {  	s26 =	simm.s32 $0x1;
	s8 =	simm.s32 $0x1580;
	[dreg:$0xc] =	wrdreg s24  }
0x16: {  	s9 =	simm.s32 $0x1300;
	s10 =	simm.s32 $0x2600;
	[dreg:$0xd] =	wrdreg s3  }
0x17: {  	s0 =	sadd.s32 s6, s0;
	s6 =	sor.u32 $0x1C03, s14;
	[dreg:$0xf] =	wrdreg s25  }
0x18: {  	s19 =	simm.s32 $0x3;
	s20 =	simm.s32 $0x1400;
	s22 =	simm.s32 $0x2800  }
0x19: {  	s23 =	simm.s32 $0x4800;
	s24 =	simm.s32 $0x100;
	s25 =	simm.s32 $0x6800  }
0x1a: {  	s3 =	simm.s32 $0x1500;
	s5 =	sadd.s32 $0xC000, s0;
	s0 =	sadd.s32 $0x34000, s0  }
0x1b: {  	s14 =	simm.s32 $0x2780;
	[dreg:$0xe] =	wrdreg s0;
	s0 =	simm.s32 $0x200  }
.LBB2_1:
0x1c: {  	s4 =	rddreg [dreg:$0x10]  }
0x1d: {  	[spmem:s4], [sflag:s6] =	dma.local [hbm:s5], $0x1400  }
0x1e: {  	_ =	swait.ge [sflag:s19], $0x1400  }
0x1f: {  	[sflag:s19] =	ssyncset.done $0x0;
	s17 =	rddreg [dreg:$0x5]  }
0x20: {  	[sflag:s19] =	ssyncadd.s32 $0xFFFFEC00;
	s16 =	sshrl.u32 s17, $0x3  }
0x21: {  	[spmem:s16], [sflag:s6] =	dma.local [hbm:s5], $0x1400  }
0x22: {  	_ =	swait.ge [sflag:s19], $0x1400  }
0x23: {  	[sflag:s19] =	ssyncset.done $0x0  }
0x24: {  	[sflag:s19] =	ssyncadd.s32 $0xFFFFEC00  }
0x25: {  	[bflag:$0x0] =	sbarrier.arrive $0xFFFF  }
0x26: {  	s4 =	simm.s32 $0x0;
	s17 =	rddreg [dreg:$0x6]  }
0x27: {  	[tilespmem:s4], [sflag:$0x3] =	stream.linear.gather [hbm4b:s17+s4], $0x1400, $0x38;
	[tilespmem:$0x1E800] =	vst v63  }
0x28: {  	_ =	swait.ge [sflag:s19], $0x1400  }
0x29: {  	[sflag:s19] =	ssyncset.done $0x0  }
0x2a: {  	s18 =	rddreg [dreg:$0x7];
	[sflag:s19] =	ssyncadd.s32 $0xFFFFEC00  }
0x2b: {  	[tilespmem:s20], [sflag:$0x3] =	stream.linear.gather [hbm4b:s18+s4], $0x1400, $0x38;
	[tilespmem:$0x1E800] =	vst v63  }
0x2c: {  	_ =	swait.ge [sflag:s19], $0x1400  }
0x2d: {  	[sflag:s19] =	ssyncset.done $0x0  }
0x2e: {  	[sflag:s19] =	ssyncadd.s32 $0xFFFFEC00  }
0x2f: {  	[tilespmem:s22], [sflag:$0x1] =	stream.indirect.gather [spmem:s1], $0x40, s4, s21, $0xb8;
	[tilespmem:$0x1E800] =	vst v63  }
0x30: {  	_ = 	snop  }
0x31: {  	[tilespmem:s23], [sflag:$0x1] =	stream.indirect.gather [spmem:s1], $0x40, s21, s21, $0xb8;
	[tilespmem:$0x1E800] =	vst v63  }
0x32: {  	_ = 	snop  }
0x33: {  	[tilespmem:s25], [sflag:$0x1] =	stream.indirect.gather [spmem:s1], $0x40, s24, s21, $0xb8;
	[tilespmem:$0x1E800] =	vst v63  }
0x34: {  	_ =	swait.ge [sflag:s26], $0x2000  }
0x35: {  	[sflag:s26] =	ssyncset.done $0x0  }
0x36: {  	[sflag:s26] =	ssyncadd.s32 $0xFFFFE000  }
0x37: {  	[spmem:s2] =	stream.indirect.scatter.add.f32 [tilespmem:s22], [sflag:$0x2], $0x40, s20, s21, $0xb8;
	[tilespmem:$0x1E800] =	vst v63  }
0x38: {  	_ = 	snop  }
0x39: {  	[tilespmem:s29], [sflag:$0x1] =	stream.indirect.gather [spmem:s1], $0x40, s28, s21, $0xb8;
	[tilespmem:$0x1E800] =	vst v63  }
0x3a: {  	_ =	swait.ge [sflag:s26], $0x2000  }
0x3b: {  	[sflag:s26] =	ssyncset.done $0x0  }
0x3c: {  	[sflag:s26] =	ssyncadd.s32 $0xFFFFE000  }
0x3d: {  	[spmem:s2] =	stream.indirect.scatter.add.f32 [tilespmem:s23], [sflag:$0x2], $0x40, s30, s21, $0xb8;
	[tilespmem:$0x1E800] =	vst v63  }
0x3e: {  	_ =	swait.ge [sflag:s31], $0x2000  }
0x3f: {  	[sflag:s31] =	ssyncset.done $0x0  }
0x40: {  	[sflag:s31] =	ssyncadd.s32 $0xFFFFE000  }
0x41: {  	[tilespmem:s22], [sflag:$0x1] =	stream.indirect.gather [spmem:s1], $0x40, s0, s21, $0xb8;
	[tilespmem:$0x1E800] =	vst v63  }
0x42: {  	_ =	swait.ge [sflag:s26], $0x2000  }
0x43: {  	[sflag:s26] =	ssyncset.done $0x0  }
0x44: {  	[sflag:s26] =	ssyncadd.s32 $0xFFFFE000  }
0x45: {  	[spmem:s2] =	stream.indirect.scatter.add.f32 [tilespmem:s25], [sflag:$0x2], $0x40, s3, s21, $0xb8;
	[tilespmem:$0x1E800] =	vst v63  }
0x46: {  	_ =	swait.ge [sflag:s31], $0x2000  }
0x47: {  	[sflag:s31] =	ssyncset.done $0x0  }
0x48: {  	[sflag:s31] =	ssyncadd.s32 $0xFFFFE000  }
0x49: {  	[tilespmem:s23], [sflag:$0x1] =	stream.indirect.gather [spmem:s1], $0x40, s7, s21, $0xb8;
	[tilespmem:$0x1E800] =	vst v63  }
0x4a: {  	_ =	swait.ge [sflag:s26], $0x2000  }
0x4b: {  	[sflag:s26] =	ssyncset.done $0x0  }
0x4c: {  	[sflag:s26] =	ssyncadd.s32 $0xFFFFE000  }
0x4d: {  	[spmem:s2] =	stream.indirect.scatter.add.f32 [tilespmem:s29], [sflag:$0x2], $0x40, s8, s21, $0xb8;
	[tilespmem:$0x1E800] =	vst v63  }
0x4e: {  	_ =	swait.ge [sflag:s31], $0x2000  }
0x4f: {  	[sflag:s31] =	ssyncset.done $0x0  }
0x50: {  	s18 =	simm.s32 $0x300;
	[sflag:s31] =	ssyncadd.s32 $0xFFFFE000  }
0x51: {  	[tilespmem:s25], [sflag:$0x1] =	stream.indirect.gather [spmem:s1], $0x40, s18, s21, $0xb8;
	[tilespmem:$0x1E800] =	vst v63  }
0x52: {  	_ =	swait.ge [sflag:s26], $0x2000  }
0x53: {  	[sflag:s26] =	ssyncset.done $0x0  }
0x54: {  	s4 =	simm.s32 $0x1600;
	[sflag:s26] =	ssyncadd.s32 $0xFFFFE000  }
0x55: {  	[spmem:s2] =	stream.indirect.scatter.add.f32 [tilespmem:s22], [sflag:$0x2], $0x40, s4, s21, $0xb8;
	[tilespmem:$0x1E800] =	vst v63  }
0x56: {  	_ =	swait.ge [sflag:s31], $0x2000  }
0x57: {  	[sflag:s31] =	ssyncset.done $0x0  }
0x58: {  	s18 =	simm.s32 $0x380;
	[sflag:s31] =	ssyncadd.s32 $0xFFFFE000  }
0x59: {  	[tilespmem:s29], [sflag:$0x1] =	stream.indirect.gather [spmem:s1], $0x40, s18, s21, $0xb8;
	[tilespmem:$0x1E800] =	vst v63  }
0x5a: {  	_ =	swait.ge [sflag:s26], $0x2000  }
0x5b: {  	[sflag:s26] =	ssyncset.done $0x0  }
0x5c: {  	s4 =	simm.s32 $0x1680;
	[sflag:s26] =	ssyncadd.s32 $0xFFFFE000  }
0x5d: {  	[spmem:s2] =	stream.indirect.scatter.add.f32 [tilespmem:s23], [sflag:$0x2], $0x40, s4, s21, $0xb8;
	[tilespmem:$0x1E800] =	vst v63  }
0x5e: {  	_ =	swait.ge [sflag:s31], $0x2000  }
0x5f: {  	[sflag:s31] =	ssyncset.done $0x0  }
0x60: {  	s18 =	simm.s32 $0x400;
	[sflag:s31] =	ssyncadd.s32 $0xFFFFE000  }
0x61: {  	[tilespmem:s22], [sflag:$0x1] =	stream.indirect.gather [spmem:s1], $0x40, s18, s21, $0xb8;
	[tilespmem:$0x1E800] =	vst v63  }
0x62: {  	_ =	swait.ge [sflag:s26], $0x2000  }
0x63: {  	[sflag:s26] =	ssyncset.done $0x0  }
0x64: {  	s4 =	simm.s32 $0x1700;
	[sflag:s26] =	ssyncadd.s32 $0xFFFFE000  }
0x65: {  	[spmem:s2] =	stream.indirect.scatter.add.f32 [tilespmem:s25], [sflag:$0x2], $0x40, s4, s21, $0xb8;
	[tilespmem:$0x1E800] =	vst v63  }
0x66: {  	_ =	swait.ge [sflag:s31], $0x2000  }
0x67: {  	[sflag:s31] =	ssyncset.done $0x0  }
0x68: {  	s18 =	simm.s32 $0x480;
	[sflag:s31] =	ssyncadd.s32 $0xFFFFE000  }
0x69: {  	[tilespmem:s23], [sflag:$0x1] =	stream.indirect.gather [spmem:s1], $0x40, s18, s21, $0xb8;
	[tilespmem:$0x1E800] =	vst v63  }
0x6a: {  	_ =	swait.ge [sflag:s26], $0x2000  }
0x6b: {  	[sflag:s26] =	ssyncset.done $0x0  }
0x6c: {  	s17 =	simm.s32 $0x800;
	s18 =	simm.s32 $0x1780;
	[sflag:s26] =	ssyncadd.s32 $0xFFFFE000  }
.LBB2_2:
0x6d: {  	[spmem:s2] =	stream.indirect.scatter.add.f32 [tilespmem:s29], [sflag:$0x2], $0x40, s18, s21, $0xb8;
	[tilespmem:$0x1E800] =	vst v63  }
0x6e: {  	s18 =	smov.u32 s17  }
0x6f: {  	p0 =	sne.s32 s17, $0x3800;
	s17 =	sadd.s32 $0x800, s17;
	_ =	swait.ge [sflag:s31], $0x2000  }
0x70: {  	s18 =	sshra.s32 s18, $0x2;
	[sflag:s31] =	ssyncset.done $0x0  }
0x71: {  	s4 =	sadd.s32 $0x300, s18;
	[sflag:s31] =	ssyncadd.s32 $0xFFFFE000  }
0x72: {  	[tilespmem:s25], [sflag:$0x1] =	stream.indirect.gather [spmem:s1], $0x40, s4, s21, $0xb8;
	[tilespmem:$0x1E800] =	vst v63  }
0x73: {  	_ =	swait.ge [sflag:s26], $0x2000  }
0x74: {  	[sflag:s26] =	ssyncset.done $0x0  }
0x75: {  	s4 =	sadd.s32 $0x1600, s18;
	[sflag:s26] =	ssyncadd.s32 $0xFFFFE000  }
0x76: {  	[spmem:s2] =	stream.indirect.scatter.add.f32 [tilespmem:s22], [sflag:$0x2], $0x40, s4, s21, $0xb8;
	[tilespmem:$0x1E800] =	vst v63  }
0x77: {  	_ =	swait.ge [sflag:s31], $0x2000  }
0x78: {  	[sflag:s31] =	ssyncset.done $0x0  }
0x79: {  	s4 =	sadd.s32 $0x380, s18;
	[sflag:s31] =	ssyncadd.s32 $0xFFFFE000  }
0x7a: {  	[tilespmem:s29], [sflag:$0x1] =	stream.indirect.gather [spmem:s1], $0x40, s4, s21, $0xb8;
	[tilespmem:$0x1E800] =	vst v63  }
0x7b: {  	_ =	swait.ge [sflag:s26], $0x2000  }
0x7c: {  	[sflag:s26] =	ssyncset.done $0x0  }
0x7d: {  	s4 =	sadd.s32 $0x1680, s18;
	[sflag:s26] =	ssyncadd.s32 $0xFFFFE000  }
0x7e: {  	[spmem:s2] =	stream.indirect.scatter.add.f32 [tilespmem:s23], [sflag:$0x2], $0x40, s4, s21, $0xb8;
	[tilespmem:$0x1E800] =	vst v63  }
0x7f: {  	_ =	swait.ge [sflag:s31], $0x2000  }
0x80: {  	[sflag:s31] =	ssyncset.done $0x0  }
0x81: {  	s4 =	sadd.s32 $0x400, s18;
	[sflag:s31] =	ssyncadd.s32 $0xFFFFE000  }
0x82: {  	[tilespmem:s22], [sflag:$0x1] =	stream.indirect.gather [spmem:s1], $0x40, s4, s21, $0xb8;
	[tilespmem:$0x1E800] =	vst v63  }
0x83: {  	_ =	swait.ge [sflag:s26], $0x2000  }
0x84: {  	[sflag:s26] =	ssyncset.done $0x0  }
0x85: {  	s4 =	sadd.s32 $0x1700, s18;
	[sflag:s26] =	ssyncadd.s32 $0xFFFFE000  }
0x86: {  	[spmem:s2] =	stream.indirect.scatter.add.f32 [tilespmem:s25], [sflag:$0x2], $0x40, s4, s21, $0xb8;
	[tilespmem:$0x1E800] =	vst v63  }
0x87: {  	_ =	swait.ge [sflag:s31], $0x2000  }
0x88: {  	[sflag:s31] =	ssyncset.done $0x0  }
.Ltmp0:
0x89: {  	s4 =	sadd.s32 $0x480, s18;
	[sflag:s31] =	ssyncadd.s32 $0xFFFFE000;
	(pc) =	sbr.rel @p0 .LBB2_2-.Ltmp0, $4  }
0x8a: {  	[tilespmem:s23], [sflag:$0x1] =	stream.indirect.gather [spmem:s1], $0x40, s4, s21, $0xb8;
	[tilespmem:$0x1E800] =	vst v63  }
0x8b: {  	_ =	swait.ge [sflag:s26], $0x2000  }
0x8c: {  	[sflag:s26] =	ssyncset.done $0x0  }
0x8d: {  	s18 =	sadd.s32 $0x1780, s18;
	[sflag:s26] =	ssyncadd.s32 $0xFFFFE000  }
0x8e: {  	[spmem:s2] =	stream.indirect.scatter.add.f32 [tilespmem:s29], [sflag:$0x2], $0x40, s18, s21, $0xb8;
	[tilespmem:$0x1E800] =	vst v63  }
0x8f: {  	_ =	swait.ge [sflag:s31], $0x2000  }
0x90: {  	[sflag:s31] =	ssyncset.done $0x0  }
0x91: {  	[sflag:s31] =	ssyncadd.s32 $0xFFFFE000  }
0x92: {  	[tilespmem:s25], [sflag:$0x1] =	stream.indirect.gather [spmem:s1], $0x40, s9, s21, $0xb8;
	[tilespmem:$0x1E800] =	vst v63  }
0x93: {  	_ =	swait.ge [sflag:s26], $0x2000  }
0x94: {  	[sflag:s26] =	ssyncset.done $0x0  }
0x95: {  	[sflag:s26] =	ssyncadd.s32 $0xFFFFE000  }
0x96: {  	[spmem:s2] =	stream.indirect.scatter.add.f32 [tilespmem:s22], [sflag:$0x2], $0x40, s10, s21, $0xb8;
	[tilespmem:$0x1E800] =	vst v63  }
0x97: {  	_ =	swait.ge [sflag:s31], $0x2000  }
0x98: {  	[sflag:s31] =	ssyncset.done $0x0  }
0x99: {  	[sflag:s31] =	ssyncadd.s32 $0xFFFFE000  }
0x9a: {  	[tilespmem:s29], [sflag:$0x1] =	stream.indirect.gather [spmem:s1], $0x40, s11, s21, $0xb8;
	[tilespmem:$0x1E800] =	vst v63  }
0x9b: {  	_ =	swait.ge [sflag:s26], $0x2000  }
0x9c: {  	[sflag:s26] =	ssyncset.done $0x0  }
0x9d: {  	[sflag:s26] =	ssyncadd.s32 $0xFFFFE000  }
0x9e: {  	[spmem:s2] =	stream.indirect.scatter.add.f32 [tilespmem:s23], [sflag:$0x2], $0x40, s12, s21, $0xb8;
	[tilespmem:$0x1E800] =	vst v63  }
0x9f: {  	_ =	swait.ge [sflag:s31], $0x2000  }
0xa0: {  	[sflag:s31] =	ssyncset.done $0x0  }
0xa1: {  	[sflag:s31] =	ssyncadd.s32 $0xFFFFE000  }
0xa2: {  	_ =	swait.ge [sflag:s26], $0x2000  }
0xa3: {  	[sflag:s26] =	ssyncset.done $0x0  }
0xa4: {  	[sflag:s26] =	ssyncadd.s32 $0xFFFFE000  }
0xa5: {  	[spmem:s2] =	stream.indirect.scatter.add.f32 [tilespmem:s25], [sflag:$0x2], $0x40, s13, s21, $0xb8;
	[tilespmem:$0x1E800] =	vst v63  }
0xa6: {  	_ =	swait.ge [sflag:s31], $0x2000  }
0xa7: {  	[sflag:s31] =	ssyncset.done $0x0  }
0xa8: {  	[sflag:s31] =	ssyncadd.s32 $0xFFFFE000  }
0xa9: {  	_ =	swait.ge [sflag:s26], $0x2000  }
0xaa: {  	[sflag:s26] =	ssyncset.done $0x0  }
0xab: {  	[sflag:s26] =	ssyncadd.s32 $0xFFFFE000  }
0xac: {  	[spmem:s2] =	stream.indirect.scatter.add.f32 [tilespmem:s29], [sflag:$0x2], $0x40, s14, s21, $0xb8;
	[tilespmem:$0x1E800] =	vst v63  }
0xad: {  	_ =	swait.ge [sflag:s31], $0x2000  }
0xae: {  	[sflag:s31] =	ssyncset.done $0x0  }
0xaf: {  	[sflag:s31] =	ssyncadd.s32 $0xFFFFE000  }
0xb0: {  	_ =	swait.ge [sflag:s31], $0x2000  }
0xb1: {  	[sflag:s31] =	ssyncset.done $0x0  }
0xb2: {  	s4 =	simm.s32 $0x0;
	s17 =	rddreg [dreg:$0x8];
	[sflag:s31] =	ssyncadd.s32 $0xFFFFE000  }
0xb3: {  	[tilespmem:s4], [sflag:$0x3] =	stream.linear.gather [hbm4b:s17+s4], $0x1400, $0x38;
	[tilespmem:$0x1E800] =	vst v63  }
0xb4: {  	_ =	swait.ge [sflag:s19], $0x1400  }
0xb5: {  	[sflag:s19] =	ssyncset.done $0x0  }
0xb6: {  	s18 =	rddreg [dreg:$0x9];
	[sflag:s19] =	ssyncadd.s32 $0xFFFFEC00  }
0xb7: {  	[tilespmem:s20], [sflag:$0x3] =	stream.linear.gather [hbm4b:s18+s4], $0x1400, $0x38;
	[tilespmem:$0x1E800] =	vst v63  }
0xb8: {  	_ =	swait.ge [sflag:s19], $0x1400  }
0xb9: {  	[sflag:s19] =	ssyncset.done $0x0  }
0xba: {  	[sflag:s19] =	ssyncadd.s32 $0xFFFFEC00  }
0xbb: {  	[tilespmem:s22], [sflag:$0x1] =	stream.indirect.gather [spmem:s1], $0x40, s4, s21, $0xb8;
	[tilespmem:$0x1E800] =	vst v63  }
0xbc: {  	_ = 	snop  }
0xbd: {  	[tilespmem:s23], [sflag:$0x1] =	stream.indirect.gather [spmem:s1], $0x40, s21, s21, $0xb8;
	[tilespmem:$0x1E800] =	vst v63  }
0xbe: {  	_ = 	snop  }
0xbf: {  	[tilespmem:s25], [sflag:$0x1] =	stream.indirect.gather [spmem:s1], $0x40, s24, s21, $0xb8;
	[tilespmem:$0x1E800] =	vst v63  }
0xc0: {  	_ =	swait.ge [sflag:s26], $0x2000  }
0xc1: {  	[sflag:s26] =	ssyncset.done $0x0  }
0xc2: {  	[sflag:s26] =	ssyncadd.s32 $0xFFFFE000  }
0xc3: {  	[spmem:s2] =	stream.indirect.scatter.add.f32 [tilespmem:s22], [sflag:$0x2], $0x40, s20, s21, $0xb8;
	[tilespmem:$0x1E800] =	vst v63  }
0xc4: {  	_ = 	snop  }
0xc5: {  	[tilespmem:s29], [sflag:$0x1] =	stream.indirect.gather [spmem:s1], $0x40, s28, s21, $0xb8;
	[tilespmem:$0x1E800] =	vst v63  }
0xc6: {  	_ =	swait.ge [sflag:s26], $0x2000  }
0xc7: {  	[sflag:s26] =	ssyncset.done $0x0  }
0xc8: {  	[sflag:s26] =	ssyncadd.s32 $0xFFFFE000  }
0xc9: {  	[spmem:s2] =	stream.indirect.scatter.add.f32 [tilespmem:s23], [sflag:$0x2], $0x40, s30, s21, $0xb8;
	[tilespmem:$0x1E800] =	vst v63  }
0xca: {  	_ =	swait.ge [sflag:s31], $0x2000  }
0xcb: {  	[sflag:s31] =	ssyncset.done $0x0  }
0xcc: {  	[sflag:s31] =	ssyncadd.s32 $0xFFFFE000  }
0xcd: {  	[tilespmem:s22], [sflag:$0x1] =	stream.indirect.gather [spmem:s1], $0x40, s0, s21, $0xb8;
	[tilespmem:$0x1E800] =	vst v63  }
0xce: {  	_ =	swait.ge [sflag:s26], $0x2000  }
0xcf: {  	[sflag:s26] =	ssyncset.done $0x0  }
0xd0: {  	[sflag:s26] =	ssyncadd.s32 $0xFFFFE000  }
0xd1: {  	[spmem:s2] =	stream.indirect.scatter.add.f32 [tilespmem:s25], [sflag:$0x2], $0x40, s3, s21, $0xb8;
	[tilespmem:$0x1E800] =	vst v63  }
0xd2: {  	_ =	swait.ge [sflag:s31], $0x2000  }
0xd3: {  	[sflag:s31] =	ssyncset.done $0x0  }
0xd4: {  	[sflag:s31] =	ssyncadd.s32 $0xFFFFE000  }
0xd5: {  	[tilespmem:s23], [sflag:$0x1] =	stream.indirect.gather [spmem:s1], $0x40, s7, s21, $0xb8;
	[tilespmem:$0x1E800] =	vst v63  }
0xd6: {  	_ =	swait.ge [sflag:s26], $0x2000  }
0xd7: {  	[sflag:s26] =	ssyncset.done $0x0  }
0xd8: {  	[sflag:s26] =	ssyncadd.s32 $0xFFFFE000  }
0xd9: {  	[spmem:s2] =	stream.indirect.scatter.add.f32 [tilespmem:s29], [sflag:$0x2], $0x40, s8, s21, $0xb8;
	[tilespmem:$0x1E800] =	vst v63  }
0xda: {  	_ =	swait.ge [sflag:s31], $0x2000  }
0xdb: {  	[sflag:s31] =	ssyncset.done $0x0  }
0xdc: {  	s18 =	simm.s32 $0x300;
	[sflag:s31] =	ssyncadd.s32 $0xFFFFE000  }
0xdd: {  	[tilespmem:s25], [sflag:$0x1] =	stream.indirect.gather [spmem:s1], $0x40, s18, s21, $0xb8;
	[tilespmem:$0x1E800] =	vst v63  }
0xde: {  	_ =	swait.ge [sflag:s26], $0x2000  }
0xdf: {  	[sflag:s26] =	ssyncset.done $0x0  }
0xe0: {  	s17 =	simm.s32 $0x1600;
	[sflag:s26] =	ssyncadd.s32 $0xFFFFE000  }
0xe1: {  	[spmem:s2] =	stream.indirect.scatter.add.f32 [tilespmem:s22], [sflag:$0x2], $0x40, s17, s21, $0xb8;
	[tilespmem:$0x1E800] =	vst v63  }
0xe2: {  	_ =	swait.ge [sflag:s31], $0x2000  }
0xe3: {  	[sflag:s31] =	ssyncset.done $0x0  }
0xe4: {  	s18 =	simm.s32 $0x380;
	[sflag:s31] =	ssyncadd.s32 $0xFFFFE000  }
0xe5: {  	[tilespmem:s29], [sflag:$0x1] =	stream.indirect.gather [spmem:s1], $0x40, s18, s21, $0xb8;
	[tilespmem:$0x1E800] =	vst v63  }
0xe6: {  	_ =	swait.ge [sflag:s26], $0x2000  }
0xe7: {  	[sflag:s26] =	ssyncset.done $0x0  }
0xe8: {  	s17 =	simm.s32 $0x1680;
	[sflag:s26] =	ssyncadd.s32 $0xFFFFE000  }
0xe9: {  	[spmem:s2] =	stream.indirect.scatter.add.f32 [tilespmem:s23], [sflag:$0x2], $0x40, s17, s21, $0xb8;
	[tilespmem:$0x1E800] =	vst v63  }
0xea: {  	_ =	swait.ge [sflag:s31], $0x2000  }
0xeb: {  	[sflag:s31] =	ssyncset.done $0x0  }
0xec: {  	s18 =	simm.s32 $0x400;
	[sflag:s31] =	ssyncadd.s32 $0xFFFFE000  }
0xed: {  	[tilespmem:s22], [sflag:$0x1] =	stream.indirect.gather [spmem:s1], $0x40, s18, s21, $0xb8;
	[tilespmem:$0x1E800] =	vst v63  }
0xee: {  	_ =	swait.ge [sflag:s26], $0x2000  }
0xef: {  	[sflag:s26] =	ssyncset.done $0x0  }
0xf0: {  	s17 =	simm.s32 $0x1700;
	[sflag:s26] =	ssyncadd.s32 $0xFFFFE000  }
0xf1: {  	[spmem:s2] =	stream.indirect.scatter.add.f32 [tilespmem:s25], [sflag:$0x2], $0x40, s17, s21, $0xb8;
	[tilespmem:$0x1E800] =	vst v63  }
0xf2: {  	_ =	swait.ge [sflag:s31], $0x2000  }
0xf3: {  	[sflag:s31] =	ssyncset.done $0x0  }
0xf4: {  	s18 =	simm.s32 $0x480;
	[sflag:s31] =	ssyncadd.s32 $0xFFFFE000  }
0xf5: {  	[tilespmem:s23], [sflag:$0x1] =	stream.indirect.gather [spmem:s1], $0x40, s18, s21, $0xb8;
	[tilespmem:$0x1E800] =	vst v63  }
0xf6: {  	_ =	swait.ge [sflag:s26], $0x2000  }
0xf7: {  	[sflag:s26] =	ssyncset.done $0x0  }
0xf8: {  	s17 =	simm.s32 $0x800;
	s18 =	simm.s32 $0x1780;
	[sflag:s26] =	ssyncadd.s32 $0xFFFFE000  }
.LBB2_4:
0xf9: {  	[spmem:s2] =	stream.indirect.scatter.add.f32 [tilespmem:s29], [sflag:$0x2], $0x40, s18, s21, $0xb8;
	[tilespmem:$0x1E800] =	vst v63  }
0xfa: {  	s4 =	smov.u32 s17  }
0xfb: {  	p0 =	sne.s32 s17, $0x3800;
	s17 =	sadd.s32 $0x800, s17;
	_ =	swait.ge [sflag:s31], $0x2000  }
0xfc: {  	s18 =	sshra.s32 s4, $0x2;
	[sflag:s31] =	ssyncset.done $0x0  }
0xfd: {  	s4 =	sadd.s32 $0x300, s18;
	[sflag:s31] =	ssyncadd.s32 $0xFFFFE000  }
0xfe: {  	[tilespmem:s25], [sflag:$0x1] =	stream.indirect.gather [spmem:s1], $0x40, s4, s21, $0xb8;
	[tilespmem:$0x1E800] =	vst v63  }
0xff: {  	_ =	swait.ge [sflag:s26], $0x2000  }
0x100: {  	[sflag:s26] =	ssyncset.done $0x0  }
0x101: {  	s4 =	sadd.s32 $0x1600, s18;
	[sflag:s26] =	ssyncadd.s32 $0xFFFFE000  }
0x102: {  	[spmem:s2] =	stream.indirect.scatter.add.f32 [tilespmem:s22], [sflag:$0x2], $0x40, s4, s21, $0xb8;
	[tilespmem:$0x1E800] =	vst v63  }
0x103: {  	_ =	swait.ge [sflag:s31], $0x2000  }
0x104: {  	[sflag:s31] =	ssyncset.done $0x0  }
0x105: {  	s4 =	sadd.s32 $0x380, s18;
	[sflag:s31] =	ssyncadd.s32 $0xFFFFE000  }
0x106: {  	[tilespmem:s29], [sflag:$0x1] =	stream.indirect.gather [spmem:s1], $0x40, s4, s21, $0xb8;
	[tilespmem:$0x1E800] =	vst v63  }
0x107: {  	_ =	swait.ge [sflag:s26], $0x2000  }
0x108: {  	[sflag:s26] =	ssyncset.done $0x0  }
0x109: {  	s4 =	sadd.s32 $0x1680, s18;
	[sflag:s26] =	ssyncadd.s32 $0xFFFFE000  }
0x10a: {  	[spmem:s2] =	stream.indirect.scatter.add.f32 [tilespmem:s23], [sflag:$0x2], $0x40, s4, s21, $0xb8;
	[tilespmem:$0x1E800] =	vst v63  }
0x10b: {  	_ =	swait.ge [sflag:s31], $0x2000  }
0x10c: {  	[sflag:s31] =	ssyncset.done $0x0  }
0x10d: {  	s4 =	sadd.s32 $0x400, s18;
	[sflag:s31] =	ssyncadd.s32 $0xFFFFE000  }
0x10e: {  	[tilespmem:s22], [sflag:$0x1] =	stream.indirect.gather [spmem:s1], $0x40, s4, s21, $0xb8;
	[tilespmem:$0x1E800] =	vst v63  }
0x10f: {  	_ =	swait.ge [sflag:s26], $0x2000  }
0x110: {  	[sflag:s26] =	ssyncset.done $0x0  }
0x111: {  	s4 =	sadd.s32 $0x1700, s18;
	[sflag:s26] =	ssyncadd.s32 $0xFFFFE000  }
0x112: {  	[spmem:s2] =	stream.indirect.scatter.add.f32 [tilespmem:s25], [sflag:$0x2], $0x40, s4, s21, $0xb8;
	[tilespmem:$0x1E800] =	vst v63  }
0x113: {  	_ =	swait.ge [sflag:s31], $0x2000  }
0x114: {  	[sflag:s31] =	ssyncset.done $0x0  }
.Ltmp1:
0x115: {  	s4 =	sadd.s32 $0x480, s18;
	[sflag:s31] =	ssyncadd.s32 $0xFFFFE000;
	(pc) =	sbr.rel @p0 .LBB2_4-.Ltmp1, $4  }
0x116: {  	[tilespmem:s23], [sflag:$0x1] =	stream.indirect.gather [spmem:s1], $0x40, s4, s21, $0xb8;
	[tilespmem:$0x1E800] =	vst v63  }
0x117: {  	_ =	swait.ge [sflag:s26], $0x2000  }
0x118: {  	[sflag:s26] =	ssyncset.done $0x0  }
0x119: {  	s18 =	sadd.s32 $0x1780, s18;
	[sflag:s26] =	ssyncadd.s32 $0xFFFFE000  }
0x11a: {  	[spmem:s2] =	stream.indirect.scatter.add.f32 [tilespmem:s29], [sflag:$0x2], $0x40, s18, s21, $0xb8;
	[tilespmem:$0x1E800] =	vst v63  }
0x11b: {  	_ =	swait.ge [sflag:s31], $0x2000  }
0x11c: {  	[sflag:s31] =	ssyncset.done $0x0  }
0x11d: {  	[sflag:s31] =	ssyncadd.s32 $0xFFFFE000  }
0x11e: {  	[tilespmem:s25], [sflag:$0x1] =	stream.indirect.gather [spmem:s1], $0x40, s9, s21, $0xb8;
	[tilespmem:$0x1E800] =	vst v63  }
0x11f: {  	_ =	swait.ge [sflag:s26], $0x2000  }
0x120: {  	[sflag:s26] =	ssyncset.done $0x0  }
0x121: {  	[sflag:s26] =	ssyncadd.s32 $0xFFFFE000  }
0x122: {  	[spmem:s2] =	stream.indirect.scatter.add.f32 [tilespmem:s22], [sflag:$0x2], $0x40, s10, s21, $0xb8;
	[tilespmem:$0x1E800] =	vst v63  }
0x123: {  	_ =	swait.ge [sflag:s31], $0x2000  }
0x124: {  	[sflag:s31] =	ssyncset.done $0x0  }
0x125: {  	[sflag:s31] =	ssyncadd.s32 $0xFFFFE000  }
0x126: {  	[tilespmem:s29], [sflag:$0x1] =	stream.indirect.gather [spmem:s1], $0x40, s11, s21, $0xb8;
	[tilespmem:$0x1E800] =	vst v63  }
0x127: {  	_ =	swait.ge [sflag:s26], $0x2000  }
0x128: {  	[sflag:s26] =	ssyncset.done $0x0  }
0x129: {  	[sflag:s26] =	ssyncadd.s32 $0xFFFFE000  }
0x12a: {  	[spmem:s2] =	stream.indirect.scatter.add.f32 [tilespmem:s23], [sflag:$0x2], $0x40, s12, s21, $0xb8;
	[tilespmem:$0x1E800] =	vst v63  }
0x12b: {  	_ =	swait.ge [sflag:s31], $0x2000  }
0x12c: {  	[sflag:s31] =	ssyncset.done $0x0  }
0x12d: {  	[sflag:s31] =	ssyncadd.s32 $0xFFFFE000  }
0x12e: {  	_ =	swait.ge [sflag:s26], $0x2000  }
0x12f: {  	[sflag:s26] =	ssyncset.done $0x0  }
0x130: {  	[sflag:s26] =	ssyncadd.s32 $0xFFFFE000  }
0x131: {  	[spmem:s2] =	stream.indirect.scatter.add.f32 [tilespmem:s25], [sflag:$0x2], $0x40, s13, s21, $0xb8;
	[tilespmem:$0x1E800] =	vst v63  }
0x132: {  	_ =	swait.ge [sflag:s31], $0x2000  }
0x133: {  	[sflag:s31] =	ssyncset.done $0x0  }
0x134: {  	[sflag:s31] =	ssyncadd.s32 $0xFFFFE000  }
0x135: {  	_ =	swait.ge [sflag:s26], $0x2000  }
0x136: {  	[sflag:s26] =	ssyncset.done $0x0  }
0x137: {  	[sflag:s26] =	ssyncadd.s32 $0xFFFFE000  }
0x138: {  	[spmem:s2] =	stream.indirect.scatter.add.f32 [tilespmem:s29], [sflag:$0x2], $0x40, s14, s21, $0xb8;
	[tilespmem:$0x1E800] =	vst v63  }
0x139: {  	_ =	swait.ge [sflag:s31], $0x2000  }
0x13a: {  	[sflag:s31] =	ssyncset.done $0x0  }
0x13b: {  	[sflag:s31] =	ssyncadd.s32 $0xFFFFE000  }
0x13c: {  	_ =	swait.ge [sflag:s31], $0x2000  }
0x13d: {  	[sflag:s31] =	ssyncset.done $0x0  }
0x13e: {  	s4 =	simm.s32 $0x0;
	s17 =	rddreg [dreg:$0xa];
	[sflag:s31] =	ssyncadd.s32 $0xFFFFE000  }
0x13f: {  	[tilespmem:s4], [sflag:$0x3] =	stream.linear.gather [hbm4b:s17+s4], $0x1400, $0x38;
	[tilespmem:$0x1E800] =	vst v63  }
0x140: {  	_ =	swait.ge [sflag:s19], $0x1400  }
0x141: {  	[sflag:s19] =	ssyncset.done $0x0  }
0x142: {  	s18 =	rddreg [dreg:$0xb];
	[sflag:s19] =	ssyncadd.s32 $0xFFFFEC00  }
0x143: {  	[tilespmem:s20], [sflag:$0x3] =	stream.linear.gather [hbm4b:s18+s4], $0x1400, $0x38;
	[tilespmem:$0x1E800] =	vst v63  }
0x144: {  	_ =	swait.ge [sflag:s19], $0x1400  }
0x145: {  	[sflag:s19] =	ssyncset.done $0x0  }
0x146: {  	[sflag:s19] =	ssyncadd.s32 $0xFFFFEC00  }
0x147: {  	[tilespmem:s22], [sflag:$0x1] =	stream.indirect.gather [spmem:s1], $0x40, s4, s21, $0xb8;
	[tilespmem:$0x1E800] =	vst v63  }
0x148: {  	_ = 	snop  }
0x149: {  	[tilespmem:s23], [sflag:$0x1] =	stream.indirect.gather [spmem:s1], $0x40, s21, s21, $0xb8;
	[tilespmem:$0x1E800] =	vst v63  }
0x14a: {  	_ = 	snop  }
0x14b: {  	[tilespmem:s25], [sflag:$0x1] =	stream.indirect.gather [spmem:s1], $0x40, s24, s21, $0xb8;
	[tilespmem:$0x1E800] =	vst v63  }
0x14c: {  	_ =	swait.ge [sflag:s26], $0x2000  }
0x14d: {  	[sflag:s26] =	ssyncset.done $0x0  }
0x14e: {  	[sflag:s26] =	ssyncadd.s32 $0xFFFFE000  }
0x14f: {  	[spmem:s2] =	stream.indirect.scatter.add.f32 [tilespmem:s22], [sflag:$0x2], $0x40, s20, s21, $0xb8;
	[tilespmem:$0x1E800] =	vst v63  }
0x150: {  	_ = 	snop  }
0x151: {  	[tilespmem:s29], [sflag:$0x1] =	stream.indirect.gather [spmem:s1], $0x40, s28, s21, $0xb8;
	[tilespmem:$0x1E800] =	vst v63  }
0x152: {  	_ =	swait.ge [sflag:s26], $0x2000  }
0x153: {  	[sflag:s26] =	ssyncset.done $0x0  }
0x154: {  	[sflag:s26] =	ssyncadd.s32 $0xFFFFE000  }
0x155: {  	[spmem:s2] =	stream.indirect.scatter.add.f32 [tilespmem:s23], [sflag:$0x2], $0x40, s30, s21, $0xb8;
	[tilespmem:$0x1E800] =	vst v63  }
0x156: {  	_ =	swait.ge [sflag:s31], $0x2000  }
0x157: {  	[sflag:s31] =	ssyncset.done $0x0  }
0x158: {  	[sflag:s31] =	ssyncadd.s32 $0xFFFFE000  }
0x159: {  	[tilespmem:s22], [sflag:$0x1] =	stream.indirect.gather [spmem:s1], $0x40, s0, s21, $0xb8;
	[tilespmem:$0x1E800] =	vst v63  }
0x15a: {  	_ =	swait.ge [sflag:s26], $0x2000  }
0x15b: {  	[sflag:s26] =	ssyncset.done $0x0  }
0x15c: {  	[sflag:s26] =	ssyncadd.s32 $0xFFFFE000  }
0x15d: {  	[spmem:s2] =	stream.indirect.scatter.add.f32 [tilespmem:s25], [sflag:$0x2], $0x40, s3, s21, $0xb8;
	[tilespmem:$0x1E800] =	vst v63  }
0x15e: {  	_ =	swait.ge [sflag:s31], $0x2000  }
0x15f: {  	[sflag:s31] =	ssyncset.done $0x0  }
0x160: {  	[sflag:s31] =	ssyncadd.s32 $0xFFFFE000  }
0x161: {  	[tilespmem:s23], [sflag:$0x1] =	stream.indirect.gather [spmem:s1], $0x40, s7, s21, $0xb8;
	[tilespmem:$0x1E800] =	vst v63  }
0x162: {  	_ =	swait.ge [sflag:s26], $0x2000  }
0x163: {  	[sflag:s26] =	ssyncset.done $0x0  }
0x164: {  	[sflag:s26] =	ssyncadd.s32 $0xFFFFE000  }
0x165: {  	[spmem:s2] =	stream.indirect.scatter.add.f32 [tilespmem:s29], [sflag:$0x2], $0x40, s8, s21, $0xb8;
	[tilespmem:$0x1E800] =	vst v63  }
0x166: {  	_ =	swait.ge [sflag:s31], $0x2000  }
0x167: {  	[sflag:s31] =	ssyncset.done $0x0  }
0x168: {  	s18 =	simm.s32 $0x300;
	[sflag:s31] =	ssyncadd.s32 $0xFFFFE000  }
0x169: {  	[tilespmem:s25], [sflag:$0x1] =	stream.indirect.gather [spmem:s1], $0x40, s18, s21, $0xb8;
	[tilespmem:$0x1E800] =	vst v63  }
0x16a: {  	_ =	swait.ge [sflag:s26], $0x2000  }
0x16b: {  	[sflag:s26] =	ssyncset.done $0x0  }
0x16c: {  	s17 =	simm.s32 $0x1600;
	[sflag:s26] =	ssyncadd.s32 $0xFFFFE000  }
0x16d: {  	[spmem:s2] =	stream.indirect.scatter.add.f32 [tilespmem:s22], [sflag:$0x2], $0x40, s17, s21, $0xb8;
	[tilespmem:$0x1E800] =	vst v63  }
0x16e: {  	_ =	swait.ge [sflag:s31], $0x2000  }
0x16f: {  	[sflag:s31] =	ssyncset.done $0x0  }
0x170: {  	s18 =	simm.s32 $0x380;
	[sflag:s31] =	ssyncadd.s32 $0xFFFFE000  }
0x171: {  	[tilespmem:s29], [sflag:$0x1] =	stream.indirect.gather [spmem:s1], $0x40, s18, s21, $0xb8;
	[tilespmem:$0x1E800] =	vst v63  }
0x172: {  	_ =	swait.ge [sflag:s26], $0x2000  }
0x173: {  	[sflag:s26] =	ssyncset.done $0x0  }
0x174: {  	s17 =	simm.s32 $0x1680;
	[sflag:s26] =	ssyncadd.s32 $0xFFFFE000  }
0x175: {  	[spmem:s2] =	stream.indirect.scatter.add.f32 [tilespmem:s23], [sflag:$0x2], $0x40, s17, s21, $0xb8;
	[tilespmem:$0x1E800] =	vst v63  }
0x176: {  	_ =	swait.ge [sflag:s31], $0x2000  }
0x177: {  	[sflag:s31] =	ssyncset.done $0x0  }
0x178: {  	s18 =	simm.s32 $0x400;
	[sflag:s31] =	ssyncadd.s32 $0xFFFFE000  }
0x179: {  	[tilespmem:s22], [sflag:$0x1] =	stream.indirect.gather [spmem:s1], $0x40, s18, s21, $0xb8;
	[tilespmem:$0x1E800] =	vst v63  }
0x17a: {  	_ =	swait.ge [sflag:s26], $0x2000  }
0x17b: {  	[sflag:s26] =	ssyncset.done $0x0  }
0x17c: {  	s17 =	simm.s32 $0x1700;
	[sflag:s26] =	ssyncadd.s32 $0xFFFFE000  }
0x17d: {  	[spmem:s2] =	stream.indirect.scatter.add.f32 [tilespmem:s25], [sflag:$0x2], $0x40, s17, s21, $0xb8;
	[tilespmem:$0x1E800] =	vst v63  }
0x17e: {  	_ =	swait.ge [sflag:s31], $0x2000  }
0x17f: {  	[sflag:s31] =	ssyncset.done $0x0  }
0x180: {  	s18 =	simm.s32 $0x480;
	[sflag:s31] =	ssyncadd.s32 $0xFFFFE000  }
0x181: {  	[tilespmem:s23], [sflag:$0x1] =	stream.indirect.gather [spmem:s1], $0x40, s18, s21, $0xb8;
	[tilespmem:$0x1E800] =	vst v63  }
0x182: {  	_ =	swait.ge [sflag:s26], $0x2000  }
0x183: {  	[sflag:s26] =	ssyncset.done $0x0  }
0x184: {  	s17 =	simm.s32 $0x800;
	s18 =	simm.s32 $0x1780;
	[sflag:s26] =	ssyncadd.s32 $0xFFFFE000  }
.LBB2_6:
0x185: {  	[spmem:s2] =	stream.indirect.scatter.add.f32 [tilespmem:s29], [sflag:$0x2], $0x40, s18, s21, $0xb8;
	[tilespmem:$0x1E800] =	vst v63  }
0x186: {  	s4 =	smov.u32 s17  }
0x187: {  	p0 =	sne.s32 s17, $0x3800;
	s17 =	sadd.s32 $0x800, s17;
	_ =	swait.ge [sflag:s31], $0x2000  }
0x188: {  	s18 =	sshra.s32 s4, $0x2;
	[sflag:s31] =	ssyncset.done $0x0  }
0x189: {  	s4 =	sadd.s32 $0x300, s18;
	[sflag:s31] =	ssyncadd.s32 $0xFFFFE000  }
0x18a: {  	[tilespmem:s25], [sflag:$0x1] =	stream.indirect.gather [spmem:s1], $0x40, s4, s21, $0xb8;
	[tilespmem:$0x1E800] =	vst v63  }
0x18b: {  	_ =	swait.ge [sflag:s26], $0x2000  }
0x18c: {  	[sflag:s26] =	ssyncset.done $0x0  }
0x18d: {  	s4 =	sadd.s32 $0x1600, s18;
	[sflag:s26] =	ssyncadd.s32 $0xFFFFE000  }
0x18e: {  	[spmem:s2] =	stream.indirect.scatter.add.f32 [tilespmem:s22], [sflag:$0x2], $0x40, s4, s21, $0xb8;
	[tilespmem:$0x1E800] =	vst v63  }
0x18f: {  	_ =	swait.ge [sflag:s31], $0x2000  }
0x190: {  	[sflag:s31] =	ssyncset.done $0x0  }
0x191: {  	s4 =	sadd.s32 $0x380, s18;
	[sflag:s31] =	ssyncadd.s32 $0xFFFFE000  }
0x192: {  	[tilespmem:s29], [sflag:$0x1] =	stream.indirect.gather [spmem:s1], $0x40, s4, s21, $0xb8;
	[tilespmem:$0x1E800] =	vst v63  }
0x193: {  	_ =	swait.ge [sflag:s26], $0x2000  }
0x194: {  	[sflag:s26] =	ssyncset.done $0x0  }
0x195: {  	s4 =	sadd.s32 $0x1680, s18;
	[sflag:s26] =	ssyncadd.s32 $0xFFFFE000  }
0x196: {  	[spmem:s2] =	stream.indirect.scatter.add.f32 [tilespmem:s23], [sflag:$0x2], $0x40, s4, s21, $0xb8;
	[tilespmem:$0x1E800] =	vst v63  }
0x197: {  	_ =	swait.ge [sflag:s31], $0x2000  }
0x198: {  	[sflag:s31] =	ssyncset.done $0x0  }
0x199: {  	s4 =	sadd.s32 $0x400, s18;
	[sflag:s31] =	ssyncadd.s32 $0xFFFFE000  }
0x19a: {  	[tilespmem:s22], [sflag:$0x1] =	stream.indirect.gather [spmem:s1], $0x40, s4, s21, $0xb8;
	[tilespmem:$0x1E800] =	vst v63  }
0x19b: {  	_ =	swait.ge [sflag:s26], $0x2000  }
0x19c: {  	[sflag:s26] =	ssyncset.done $0x0  }
0x19d: {  	s4 =	sadd.s32 $0x1700, s18;
	[sflag:s26] =	ssyncadd.s32 $0xFFFFE000  }
0x19e: {  	[spmem:s2] =	stream.indirect.scatter.add.f32 [tilespmem:s25], [sflag:$0x2], $0x40, s4, s21, $0xb8;
	[tilespmem:$0x1E800] =	vst v63  }
0x19f: {  	_ =	swait.ge [sflag:s31], $0x2000  }
0x1a0: {  	[sflag:s31] =	ssyncset.done $0x0  }
.Ltmp2:
0x1a1: {  	s4 =	sadd.s32 $0x480, s18;
	[sflag:s31] =	ssyncadd.s32 $0xFFFFE000;
	(pc) =	sbr.rel @p0 .LBB2_6-.Ltmp2, $4  }
0x1a2: {  	[tilespmem:s23], [sflag:$0x1] =	stream.indirect.gather [spmem:s1], $0x40, s4, s21, $0xb8;
	[tilespmem:$0x1E800] =	vst v63  }
0x1a3: {  	_ =	swait.ge [sflag:s26], $0x2000  }
0x1a4: {  	[sflag:s26] =	ssyncset.done $0x0  }
0x1a5: {  	s18 =	sadd.s32 $0x1780, s18;
	[sflag:s26] =	ssyncadd.s32 $0xFFFFE000  }
0x1a6: {  	[spmem:s2] =	stream.indirect.scatter.add.f32 [tilespmem:s29], [sflag:$0x2], $0x40, s18, s21, $0xb8;
	[tilespmem:$0x1E800] =	vst v63  }
0x1a7: {  	_ =	swait.ge [sflag:s31], $0x2000  }
0x1a8: {  	[sflag:s31] =	ssyncset.done $0x0  }
0x1a9: {  	[sflag:s31] =	ssyncadd.s32 $0xFFFFE000  }
0x1aa: {  	[tilespmem:s25], [sflag:$0x1] =	stream.indirect.gather [spmem:s1], $0x40, s9, s21, $0xb8;
	[tilespmem:$0x1E800] =	vst v63  }
0x1ab: {  	_ =	swait.ge [sflag:s26], $0x2000  }
0x1ac: {  	[sflag:s26] =	ssyncset.done $0x0  }
0x1ad: {  	[sflag:s26] =	ssyncadd.s32 $0xFFFFE000  }
0x1ae: {  	[spmem:s2] =	stream.indirect.scatter.add.f32 [tilespmem:s22], [sflag:$0x2], $0x40, s10, s21, $0xb8;
	[tilespmem:$0x1E800] =	vst v63  }
0x1af: {  	_ =	swait.ge [sflag:s31], $0x2000  }
0x1b0: {  	[sflag:s31] =	ssyncset.done $0x0  }
0x1b1: {  	[sflag:s31] =	ssyncadd.s32 $0xFFFFE000  }
0x1b2: {  	[tilespmem:s29], [sflag:$0x1] =	stream.indirect.gather [spmem:s1], $0x40, s11, s21, $0xb8;
	[tilespmem:$0x1E800] =	vst v63  }
0x1b3: {  	_ =	swait.ge [sflag:s26], $0x2000  }
0x1b4: {  	[sflag:s26] =	ssyncset.done $0x0  }
0x1b5: {  	[sflag:s26] =	ssyncadd.s32 $0xFFFFE000  }
0x1b6: {  	[spmem:s2] =	stream.indirect.scatter.add.f32 [tilespmem:s23], [sflag:$0x2], $0x40, s12, s21, $0xb8;
	[tilespmem:$0x1E800] =	vst v63  }
0x1b7: {  	_ =	swait.ge [sflag:s31], $0x2000  }
0x1b8: {  	[sflag:s31] =	ssyncset.done $0x0  }
0x1b9: {  	[sflag:s31] =	ssyncadd.s32 $0xFFFFE000  }
0x1ba: {  	_ =	swait.ge [sflag:s26], $0x2000  }
0x1bb: {  	[sflag:s26] =	ssyncset.done $0x0  }
0x1bc: {  	[sflag:s26] =	ssyncadd.s32 $0xFFFFE000  }
0x1bd: {  	[spmem:s2] =	stream.indirect.scatter.add.f32 [tilespmem:s25], [sflag:$0x2], $0x40, s13, s21, $0xb8;
	[tilespmem:$0x1E800] =	vst v63  }
0x1be: {  	_ =	swait.ge [sflag:s31], $0x2000  }
0x1bf: {  	[sflag:s31] =	ssyncset.done $0x0  }
0x1c0: {  	[sflag:s31] =	ssyncadd.s32 $0xFFFFE000  }
0x1c1: {  	_ =	swait.ge [sflag:s26], $0x2000  }
0x1c2: {  	[sflag:s26] =	ssyncset.done $0x0  }
0x1c3: {  	[sflag:s26] =	ssyncadd.s32 $0xFFFFE000  }
0x1c4: {  	[spmem:s2] =	stream.indirect.scatter.add.f32 [tilespmem:s29], [sflag:$0x2], $0x40, s14, s21, $0xb8;
	[tilespmem:$0x1E800] =	vst v63  }
0x1c5: {  	_ =	swait.ge [sflag:s31], $0x2000  }
0x1c6: {  	[sflag:s31] =	ssyncset.done $0x0  }
0x1c7: {  	[sflag:s31] =	ssyncadd.s32 $0xFFFFE000  }
0x1c8: {  	_ =	swait.ge [sflag:s31], $0x2000  }
0x1c9: {  	[sflag:s31] =	ssyncset.done $0x0  }
0x1ca: {  	s4 =	simm.s32 $0x0;
	s17 =	rddreg [dreg:$0xc];
	[sflag:s31] =	ssyncadd.s32 $0xFFFFE000  }
0x1cb: {  	[tilespmem:s4], [sflag:$0x3] =	stream.linear.gather [hbm4b:s17+s4], $0x1400, $0x38;
	[tilespmem:$0x1E800] =	vst v63  }
0x1cc: {  	_ =	swait.ge [sflag:s19], $0x1400  }
0x1cd: {  	[sflag:s19] =	ssyncset.done $0x0  }
0x1ce: {  	s18 =	rddreg [dreg:$0xd];
	[sflag:s19] =	ssyncadd.s32 $0xFFFFEC00  }
0x1cf: {  	[tilespmem:s20], [sflag:$0x3] =	stream.linear.gather [hbm4b:s18+s4], $0x1400, $0x38;
	[tilespmem:$0x1E800] =	vst v63  }
0x1d0: {  	_ =	swait.ge [sflag:s19], $0x1400  }
0x1d1: {  	[sflag:s19] =	ssyncset.done $0x0  }
0x1d2: {  	[sflag:s19] =	ssyncadd.s32 $0xFFFFEC00  }
0x1d3: {  	[tilespmem:s22], [sflag:$0x1] =	stream.indirect.gather [spmem:s1], $0x40, s4, s21, $0xb8;
	[tilespmem:$0x1E800] =	vst v63  }
0x1d4: {  	_ = 	snop  }
0x1d5: {  	[tilespmem:s23], [sflag:$0x1] =	stream.indirect.gather [spmem:s1], $0x40, s21, s21, $0xb8;
	[tilespmem:$0x1E800] =	vst v63  }
0x1d6: {  	_ = 	snop  }
0x1d7: {  	[tilespmem:s25], [sflag:$0x1] =	stream.indirect.gather [spmem:s1], $0x40, s24, s21, $0xb8;
	[tilespmem:$0x1E800] =	vst v63  }
0x1d8: {  	_ =	swait.ge [sflag:s26], $0x2000  }
0x1d9: {  	[sflag:s26] =	ssyncset.done $0x0  }
0x1da: {  	[sflag:s26] =	ssyncadd.s32 $0xFFFFE000  }
0x1db: {  	[spmem:s2] =	stream.indirect.scatter.add.f32 [tilespmem:s22], [sflag:$0x2], $0x40, s20, s21, $0xb8;
	[tilespmem:$0x1E800] =	vst v63  }
0x1dc: {  	_ = 	snop  }
0x1dd: {  	[tilespmem:s29], [sflag:$0x1] =	stream.indirect.gather [spmem:s1], $0x40, s28, s21, $0xb8;
	[tilespmem:$0x1E800] =	vst v63  }
0x1de: {  	_ =	swait.ge [sflag:s26], $0x2000  }
0x1df: {  	[sflag:s26] =	ssyncset.done $0x0  }
0x1e0: {  	[sflag:s26] =	ssyncadd.s32 $0xFFFFE000  }
0x1e1: {  	[spmem:s2] =	stream.indirect.scatter.add.f32 [tilespmem:s23], [sflag:$0x2], $0x40, s30, s21, $0xb8;
	[tilespmem:$0x1E800] =	vst v63  }
0x1e2: {  	_ =	swait.ge [sflag:s31], $0x2000  }
0x1e3: {  	[sflag:s31] =	ssyncset.done $0x0  }
0x1e4: {  	[sflag:s31] =	ssyncadd.s32 $0xFFFFE000  }
0x1e5: {  	[tilespmem:s22], [sflag:$0x1] =	stream.indirect.gather [spmem:s1], $0x40, s0, s21, $0xb8;
	[tilespmem:$0x1E800] =	vst v63  }
0x1e6: {  	_ =	swait.ge [sflag:s26], $0x2000  }
0x1e7: {  	[sflag:s26] =	ssyncset.done $0x0  }
0x1e8: {  	[sflag:s26] =	ssyncadd.s32 $0xFFFFE000  }
0x1e9: {  	[spmem:s2] =	stream.indirect.scatter.add.f32 [tilespmem:s25], [sflag:$0x2], $0x40, s3, s21, $0xb8;
	[tilespmem:$0x1E800] =	vst v63  }
0x1ea: {  	_ =	swait.ge [sflag:s31], $0x2000  }
0x1eb: {  	[sflag:s31] =	ssyncset.done $0x0  }
0x1ec: {  	[sflag:s31] =	ssyncadd.s32 $0xFFFFE000  }
0x1ed: {  	[tilespmem:s23], [sflag:$0x1] =	stream.indirect.gather [spmem:s1], $0x40, s7, s21, $0xb8;
	[tilespmem:$0x1E800] =	vst v63  }
0x1ee: {  	_ =	swait.ge [sflag:s26], $0x2000  }
0x1ef: {  	[sflag:s26] =	ssyncset.done $0x0  }
0x1f0: {  	[sflag:s26] =	ssyncadd.s32 $0xFFFFE000  }
0x1f1: {  	[spmem:s2] =	stream.indirect.scatter.add.f32 [tilespmem:s29], [sflag:$0x2], $0x40, s8, s21, $0xb8;
	[tilespmem:$0x1E800] =	vst v63  }
0x1f2: {  	_ =	swait.ge [sflag:s31], $0x2000  }
0x1f3: {  	[sflag:s31] =	ssyncset.done $0x0  }
0x1f4: {  	s18 =	simm.s32 $0x300;
	[sflag:s31] =	ssyncadd.s32 $0xFFFFE000  }
0x1f5: {  	[tilespmem:s25], [sflag:$0x1] =	stream.indirect.gather [spmem:s1], $0x40, s18, s21, $0xb8;
	[tilespmem:$0x1E800] =	vst v63  }
0x1f6: {  	_ =	swait.ge [sflag:s26], $0x2000  }
0x1f7: {  	[sflag:s26] =	ssyncset.done $0x0  }
0x1f8: {  	s17 =	simm.s32 $0x1600;
	[sflag:s26] =	ssyncadd.s32 $0xFFFFE000  }
0x1f9: {  	[spmem:s2] =	stream.indirect.scatter.add.f32 [tilespmem:s22], [sflag:$0x2], $0x40, s17, s21, $0xb8;
	[tilespmem:$0x1E800] =	vst v63  }
0x1fa: {  	_ =	swait.ge [sflag:s31], $0x2000  }
0x1fb: {  	[sflag:s31] =	ssyncset.done $0x0  }
0x1fc: {  	s18 =	simm.s32 $0x380;
	[sflag:s31] =	ssyncadd.s32 $0xFFFFE000  }
0x1fd: {  	[tilespmem:s29], [sflag:$0x1] =	stream.indirect.gather [spmem:s1], $0x40, s18, s21, $0xb8;
	[tilespmem:$0x1E800] =	vst v63  }
0x1fe: {  	_ =	swait.ge [sflag:s26], $0x2000  }
0x1ff: {  	[sflag:s26] =	ssyncset.done $0x0  }
0x200: {  	s17 =	simm.s32 $0x1680;
	[sflag:s26] =	ssyncadd.s32 $0xFFFFE000  }
0x201: {  	[spmem:s2] =	stream.indirect.scatter.add.f32 [tilespmem:s23], [sflag:$0x2], $0x40, s17, s21, $0xb8;
	[tilespmem:$0x1E800] =	vst v63  }
0x202: {  	_ =	swait.ge [sflag:s31], $0x2000  }
0x203: {  	[sflag:s31] =	ssyncset.done $0x0  }
0x204: {  	s18 =	simm.s32 $0x400;
	[sflag:s31] =	ssyncadd.s32 $0xFFFFE000  }
0x205: {  	[tilespmem:s22], [sflag:$0x1] =	stream.indirect.gather [spmem:s1], $0x40, s18, s21, $0xb8;
	[tilespmem:$0x1E800] =	vst v63  }
0x206: {  	_ =	swait.ge [sflag:s26], $0x2000  }
0x207: {  	[sflag:s26] =	ssyncset.done $0x0  }
0x208: {  	s17 =	simm.s32 $0x1700;
	[sflag:s26] =	ssyncadd.s32 $0xFFFFE000  }
0x209: {  	[spmem:s2] =	stream.indirect.scatter.add.f32 [tilespmem:s25], [sflag:$0x2], $0x40, s17, s21, $0xb8;
	[tilespmem:$0x1E800] =	vst v63  }
0x20a: {  	_ =	swait.ge [sflag:s31], $0x2000  }
0x20b: {  	[sflag:s31] =	ssyncset.done $0x0  }
0x20c: {  	s18 =	simm.s32 $0x480;
	[sflag:s31] =	ssyncadd.s32 $0xFFFFE000  }
0x20d: {  	[tilespmem:s23], [sflag:$0x1] =	stream.indirect.gather [spmem:s1], $0x40, s18, s21, $0xb8;
	[tilespmem:$0x1E800] =	vst v63  }
0x20e: {  	_ =	swait.ge [sflag:s26], $0x2000  }
0x20f: {  	[sflag:s26] =	ssyncset.done $0x0  }
0x210: {  	s17 =	simm.s32 $0x800;
	s18 =	simm.s32 $0x1780;
	[sflag:s26] =	ssyncadd.s32 $0xFFFFE000  }
.LBB2_8:
0x211: {  	[spmem:s2] =	stream.indirect.scatter.add.f32 [tilespmem:s29], [sflag:$0x2], $0x40, s18, s21, $0xb8;
	[tilespmem:$0x1E800] =	vst v63  }
0x212: {  	s4 =	smov.u32 s17  }
0x213: {  	p0 =	sne.s32 s17, $0x3800;
	s17 =	sadd.s32 $0x800, s17;
	_ =	swait.ge [sflag:s31], $0x2000  }
0x214: {  	s18 =	sshra.s32 s4, $0x2;
	[sflag:s31] =	ssyncset.done $0x0  }
0x215: {  	s4 =	sadd.s32 $0x300, s18;
	[sflag:s31] =	ssyncadd.s32 $0xFFFFE000  }
0x216: {  	[tilespmem:s25], [sflag:$0x1] =	stream.indirect.gather [spmem:s1], $0x40, s4, s21, $0xb8;
	[tilespmem:$0x1E800] =	vst v63  }
0x217: {  	_ =	swait.ge [sflag:s26], $0x2000  }
0x218: {  	[sflag:s26] =	ssyncset.done $0x0  }
0x219: {  	s4 =	sadd.s32 $0x1600, s18;
	[sflag:s26] =	ssyncadd.s32 $0xFFFFE000  }
0x21a: {  	[spmem:s2] =	stream.indirect.scatter.add.f32 [tilespmem:s22], [sflag:$0x2], $0x40, s4, s21, $0xb8;
	[tilespmem:$0x1E800] =	vst v63  }
0x21b: {  	_ =	swait.ge [sflag:s31], $0x2000  }
0x21c: {  	[sflag:s31] =	ssyncset.done $0x0  }
0x21d: {  	s4 =	sadd.s32 $0x380, s18;
	[sflag:s31] =	ssyncadd.s32 $0xFFFFE000  }
0x21e: {  	[tilespmem:s29], [sflag:$0x1] =	stream.indirect.gather [spmem:s1], $0x40, s4, s21, $0xb8;
	[tilespmem:$0x1E800] =	vst v63  }
0x21f: {  	_ =	swait.ge [sflag:s26], $0x2000  }
0x220: {  	[sflag:s26] =	ssyncset.done $0x0  }
0x221: {  	s4 =	sadd.s32 $0x1680, s18;
	[sflag:s26] =	ssyncadd.s32 $0xFFFFE000  }
0x222: {  	[spmem:s2] =	stream.indirect.scatter.add.f32 [tilespmem:s23], [sflag:$0x2], $0x40, s4, s21, $0xb8;
	[tilespmem:$0x1E800] =	vst v63  }
0x223: {  	_ =	swait.ge [sflag:s31], $0x2000  }
0x224: {  	[sflag:s31] =	ssyncset.done $0x0  }
0x225: {  	s4 =	sadd.s32 $0x400, s18;
	[sflag:s31] =	ssyncadd.s32 $0xFFFFE000  }
0x226: {  	[tilespmem:s22], [sflag:$0x1] =	stream.indirect.gather [spmem:s1], $0x40, s4, s21, $0xb8;
	[tilespmem:$0x1E800] =	vst v63  }
0x227: {  	_ =	swait.ge [sflag:s26], $0x2000  }
0x228: {  	[sflag:s26] =	ssyncset.done $0x0  }
0x229: {  	s4 =	sadd.s32 $0x1700, s18;
	[sflag:s26] =	ssyncadd.s32 $0xFFFFE000  }
0x22a: {  	[spmem:s2] =	stream.indirect.scatter.add.f32 [tilespmem:s25], [sflag:$0x2], $0x40, s4, s21, $0xb8;
	[tilespmem:$0x1E800] =	vst v63  }
0x22b: {  	_ =	swait.ge [sflag:s31], $0x2000  }
0x22c: {  	[sflag:s31] =	ssyncset.done $0x0  }
.Ltmp3:
0x22d: {  	s4 =	sadd.s32 $0x480, s18;
	[sflag:s31] =	ssyncadd.s32 $0xFFFFE000;
	(pc) =	sbr.rel @p0 .LBB2_8-.Ltmp3, $4  }
0x22e: {  	[tilespmem:s23], [sflag:$0x1] =	stream.indirect.gather [spmem:s1], $0x40, s4, s21, $0xb8;
	[tilespmem:$0x1E800] =	vst v63  }
0x22f: {  	_ =	swait.ge [sflag:s26], $0x2000  }
0x230: {  	[sflag:s26] =	ssyncset.done $0x0  }
0x231: {  	s18 =	sadd.s32 $0x1780, s18;
	[sflag:s26] =	ssyncadd.s32 $0xFFFFE000  }
0x232: {  	[spmem:s2] =	stream.indirect.scatter.add.f32 [tilespmem:s29], [sflag:$0x2], $0x40, s18, s21, $0xb8;
	[tilespmem:$0x1E800] =	vst v63  }
0x233: {  	_ =	swait.ge [sflag:s31], $0x2000  }
0x234: {  	[sflag:s31] =	ssyncset.done $0x0  }
0x235: {  	[sflag:s31] =	ssyncadd.s32 $0xFFFFE000  }
0x236: {  	[tilespmem:s25], [sflag:$0x1] =	stream.indirect.gather [spmem:s1], $0x40, s9, s21, $0xb8;
	[tilespmem:$0x1E800] =	vst v63  }
0x237: {  	_ =	swait.ge [sflag:s26], $0x2000  }
0x238: {  	[sflag:s26] =	ssyncset.done $0x0  }
0x239: {  	[sflag:s26] =	ssyncadd.s32 $0xFFFFE000  }
0x23a: {  	[spmem:s2] =	stream.indirect.scatter.add.f32 [tilespmem:s22], [sflag:$0x2], $0x40, s10, s21, $0xb8;
	[tilespmem:$0x1E800] =	vst v63  }
0x23b: {  	_ =	swait.ge [sflag:s31], $0x2000  }
0x23c: {  	[sflag:s31] =	ssyncset.done $0x0  }
0x23d: {  	[sflag:s31] =	ssyncadd.s32 $0xFFFFE000  }
0x23e: {  	[tilespmem:s29], [sflag:$0x1] =	stream.indirect.gather [spmem:s1], $0x40, s11, s21, $0xb8;
	[tilespmem:$0x1E800] =	vst v63  }
0x23f: {  	_ =	swait.ge [sflag:s26], $0x2000  }
0x240: {  	[sflag:s26] =	ssyncset.done $0x0  }
0x241: {  	[sflag:s26] =	ssyncadd.s32 $0xFFFFE000  }
0x242: {  	[spmem:s2] =	stream.indirect.scatter.add.f32 [tilespmem:s23], [sflag:$0x2], $0x40, s12, s21, $0xb8;
	[tilespmem:$0x1E800] =	vst v63  }
0x243: {  	_ =	swait.ge [sflag:s31], $0x2000  }
0x244: {  	[sflag:s31] =	ssyncset.done $0x0  }
0x245: {  	[sflag:s31] =	ssyncadd.s32 $0xFFFFE000  }
0x246: {  	_ =	swait.ge [sflag:s26], $0x2000  }
0x247: {  	[sflag:s26] =	ssyncset.done $0x0  }
0x248: {  	[sflag:s26] =	ssyncadd.s32 $0xFFFFE000  }
0x249: {  	[spmem:s2] =	stream.indirect.scatter.add.f32 [tilespmem:s25], [sflag:$0x2], $0x40, s13, s21, $0xb8;
	[tilespmem:$0x1E800] =	vst v63  }
0x24a: {  	_ =	swait.ge [sflag:s31], $0x2000  }
0x24b: {  	[sflag:s31] =	ssyncset.done $0x0  }
0x24c: {  	[sflag:s31] =	ssyncadd.s32 $0xFFFFE000  }
0x24d: {  	_ =	swait.ge [sflag:s26], $0x2000  }
0x24e: {  	[sflag:s26] =	ssyncset.done $0x0  }
0x24f: {  	[sflag:s26] =	ssyncadd.s32 $0xFFFFE000  }
0x250: {  	[spmem:s2] =	stream.indirect.scatter.add.f32 [tilespmem:s29], [sflag:$0x2], $0x40, s14, s21, $0xb8;
	[tilespmem:$0x1E800] =	vst v63  }
0x251: {  	_ =	swait.ge [sflag:s31], $0x2000  }
0x252: {  	[sflag:s31] =	ssyncset.done $0x0  }
0x253: {  	[sflag:s31] =	ssyncadd.s32 $0xFFFFE000  }
0x254: {  	_ =	swait.ge [sflag:s31], $0x2000  }
0x255: {  	[sflag:s31] =	ssyncset.done $0x0  }
0x256: {  	[sflag:s31] =	ssyncadd.s32 $0xFFFFE000  }
0x257: {  	[bflag:$0x0] =	sbarrier.arrive $0xFFFF  }
0x258: {  	s4 =	rddreg [dreg:$0xe]  }
0x259: {  	[hbm:s4], [sflag:s6] =	dma.local [spmem:s16], $0x1400  }
0x25a: {  	_ =	swait.ge [sflag:s19], $0x1400  }
0x25b: {  	s15 =	sadd.s32 $0x1, s15;
	s18 =	rddreg [dreg:$0xf]  }
0x25c: {  	p0 =	sne.s32 s15, s18  }
.Ltmp4:
0x25d: {  	_ = 	snop;
	(pc) =	sbr.rel @p0 .LBB2_1-.Ltmp4, $3  }
0x25e: {  	_ =	sdelay $0x1  }
0x25f: {  	[sflag:s19] =	ssyncset.done $0x0  }
0x260: {  	[sflag:s19] =	ssyncadd.s32 $0xFFFFEC00  }
0x261: {  	_ =	sfence.sel $0x180000  }
0x262: {  	[bflag:$0x0] =	sbarrier.arrive $0xFFFF  }
0x263: {  	_ =	strace $0x9000004A  }
0x264: {  	s0 =	stileid.u32;
	[bflag:$0x2] =	sbarrier.arrive $0xFFFF  }
0x265: {  	p0 =	sne.s32 s0, $0x0;
	s0 =	rddreg [dreg:$0x4]  }
0x266: {  	s0 =	sadd.s32 @!p0 $0x100000, s0  }
0x267: {  	[sflag:s0] =	ssyncadd.tile.s32 @!p0 $0x1;
	_ =	shalt  }
.Lfunc_end2:
_tile_overlayer_lowered:
.L_overlay_start_2:
0x268: {  	(tag) =	ssettag $0x2  }
0x269: {  	s0 =	rddreg [dreg:$0x0];
	s2 =	stileid.u32  }
0x26a: {  	s1 =	rddreg [dreg:$0x1];
	p0 =	sne.s32 s2, $0x0  }
0x26b: {  	s3 =	rddreg [dreg:$0x2];
	[bflag:$0x3] =	sbarrier.arrive $0xFFFF;
	s2 =	simm.s32 @!p0 $0x1C03  }
0x26c: {  	[timem:s3], [sflag:s2] =	dma.local @!p0 [hbm:s0], s1  }
0x26d: {  	s0 =	simm.s32 @!p0 $0x3  }
0x26e: {  	_ =	swait.ge @!p0 [sflag:s0], s1  }
0x26f: {  	s1 =	ssub.s32 @!p0 $0x0, s1;
	[sflag:s0] =	ssyncset.done @!p0 $0x0  }
0x270: {  	[sflag:s0] =	ssyncadd.s32 @!p0 s1  }
0x271: {  	[bflag:$0x3] =	sbarrier.arrive $0xFFFF  }
0x272: {  	_ =	shalt  }

// kernel: kernel.14.cloned.1.call-start
scs
__scs_entry_jumppad:
0x0: {  	(pc) =	sbr.rel $0x88, $3  }
0x1: {  	(tag) =	ssettag $0x0;
	lr =	simm.s32 $0x1  }
0x2: {  	[smem:$0x3F9B] =	sst lr;
	_ =	strace $0xD0000000  }
0x3: {  	_ = 	snop  }
0x4: {  	_ = 	snop  }
0x5: {  	_ = 	snop  }
0x6: {  	_ = 	snop  }
0x7: {  	_ = 	snop  }
__scs_overlays_trampoline_lowered:
0x8: {  	[smem:$0x3FAA] =	sst s0  }
0x9: {  	[smem:$0x3FAB] =	sst s1  }
0xa: {  	[smem:$0x3FAC] =	sst s2  }
0xb: {  	[smem:$0x3FAD] =	sst s3  }
0xc: {  	[smem:$0x3FAE] =	sst s4  }
0xd: {  	[smem:$0x3FAF] =	sst s5  }
0xe: {  	[smem:$0x3FB0] =	sst s6  }
0xf: {  	[smem:$0x3FB1] =	sst s7  }
0x10: {  	[smem:$0x3FB2] =	sst s8  }
0x11: {  	[smem:$0x3FB3] =	sst s9;
	s0 =	simm.s32 @!p0 $0x0  }
0x12: {  	s1 =	sld [smem:$0x3F99];
	s0 =	simm.s32 @p0 $0x1  }
0x13: {  	[smem:$0x3FB4] =	sst s0;
	s0 =	simm.s32 @!p1 $0x0  }
0x14: {  	s2 =	sld [smem:$0x3F98];
	s0 =	simm.s32 @p1 $0x1  }
0x15: {  	[smem:$0x3FB5] =	sst s0;
	s0 =	simm.s32 @!p2 $0x0  }
0x16: {  	s3 =	sld [smem:$0x3FDB];
	s0 =	simm.s32 @p2 $0x1  }
0x17: {  	s4 =	simm.s32 $0x1BF5;
	[smem:$0x3FB7] =	sst s0  }
0x18: {  	s0 =	sld [smem:$0x3F9A];
	_ =	swait.ge [sflag:s4], $0x0  }
0x19: {  	s7 =	sld [smem:$0x3F9B]  }
0x1a: {  	s8 =	sadd.s32 $0xFFFFE003, lr  }
0x1b: {  	s9 =	sadd.s32 $0xFFFFFEF7, lr;
	s5 =	simm.s32 $0xFFFFFFFF;
	p2 =	slt.u32 s8, $0xFFFFF086  }
0x1c: {  	p1 =	slt.u32 s9, $0xF7A;
	s5 =	simm.s32 @!p2 $0x0  }
0x1d: {  	s5 =	simm.s32 @p1 $0x1;
	p0 =	seq.s32 s7, s2  }
0x1e: {  	s7 =	smul.u32 @!p0 $0xF7A, s2;
	p2 =	seq.s32 @!p0 s5, $0x0  }
0x1f: {  	s9 =	smul.u32 $0xF7A, s1;
	s8 =	simm.s32 @!p0 $0x1BF5;
	p2 =	por !p2, p0  }
0x20: {  	[sflag:s8] =	ssyncset.s32 @!p0 $0xFFFFF086;
	s6 =	sadd.s32 @!p0 s3, s7;
	s7 =	simm.s32 @!p0 $0x108  }
0x21: {  	s3 =	sadd.s32 s3, s9;
	s6 =	sadd.s32 @!p0 $0x88, s6;
	s7 =	simm.s32 @p2 $0x1082  }
0x22: {  	[simem:s7], [sflag:s8] =	dma.local @!p0 [hbm:s6], $0xF7A  }
0x23: {  	s9 =	sor.u32 $0xD0000000, s2;
	s6 =	simm.s32 $0x108;
	_ =	swait.ge @!p0 [sflag:s8], $0x0  }
0x24: {  	s3 =	sadd.s32 $0x88, s3;
	s6 =	simm.s32 @!p1 $0x1082;
	[sflag:s4] =	ssyncset.s32 $0xFFFFF086  }
0x25: {  	[simem:s6], [sflag:s4] =	dma.local [hbm:s3], $0xF7A  }
0x26: {  	[smem:$0x3F9B] =	sst s1;
	(tag) =	ssettag s2;
	_ =	strace s9  }
0x27: {  	s1 =	sld [smem:$0x3FAB]  }
0x28: {  	s2 =	sld [smem:$0x3FAC]  }
0x29: {  	s4 =	sld [smem:$0x3FAE]  }
0x2a: {  	p0 =	seq.s32 s5, $0x0;
	s5 =	sld [smem:$0x3FAF]  }
0x2b: {  	s6 =	sld [smem:$0x3FB0]  }
0x2c: {  	s7 =	sld [smem:$0x3FB1]  }
0x2d: {  	s3 =	simm.s32 $0x108;
	s8 =	sld [smem:$0x3FB2]  }
0x2e: {  	s3 =	simm.s32 @!p0 $0x1082;
	s9 =	sld [smem:$0x3FB3]  }
0x2f: {  	lr =	sadd.s32 s0, s3;
	s0 =	sld [smem:$0x3FAA]  }
0x30: {  	s3 =	sld [smem:$0x3FAD]  }
0x31: {  	[smem:$0x3FB6] =	sst s10  }
0x32: {  	s10 =	sld [smem:$0x3FB4];
	_ =	sdelay $0x3  }
0x33: {  	p0 =	seq.s32 s10, $0x1;
	s10 =	sld [smem:$0x3FB6];
	_ =	sdelay $0x3  }
0x34: {  	[smem:$0x3FB6] =	sst s10  }
0x35: {  	s10 =	sld [smem:$0x3FB5];
	_ =	sdelay $0x3  }
0x36: {  	p1 =	seq.s32 s10, $0x1;
	s10 =	sld [smem:$0x3FB6];
	_ =	sdelay $0x3  }
0x37: {  	[smem:$0x3FB6] =	sst s10  }
0x38: {  	s10 =	sld [smem:$0x3FB7]  }
0x39: {  	_ = 	snop;
	(pc) =	sbr.ind lr, $3  }
0x3a: {  	_ = 	snop  }
0x3b: {  	_ = 	snop  }
0x3c: {  	p2 =	seq.s32 s10, $0x1;
	s10 =	sld [smem:$0x3FB6]  }
0x3d: {  	_ =	shalt  }
0x3e: {  	_ =	shalt  }
0x3f: {  	_ =	shalt  }
0x40: {  	_ =	shalt  }
0x41: {  	_ =	shalt  }
0x42: {  	_ =	shalt  }
0x43: {  	_ =	shalt  }
0x44: {  	_ =	shalt  }
0x45: {  	_ =	shalt  }
0x46: {  	_ =	shalt  }
0x47: {  	_ =	shalt  }
0x48: {  	_ =	shalt  }
0x49: {  	_ =	shalt  }
0x4a: {  	_ =	shalt  }
0x4b: {  	_ =	shalt  }
0x4c: {  	_ =	shalt  }
0x4d: {  	_ =	shalt  }
0x4e: {  	_ =	shalt  }
0x4f: {  	_ =	shalt  }
0x50: {  	_ =	shalt  }
0x51: {  	_ =	shalt  }
0x52: {  	_ =	shalt  }
0x53: {  	_ =	shalt  }
0x54: {  	_ =	shalt  }
0x55: {  	_ =	shalt  }
0x56: {  	_ =	shalt  }
0x57: {  	_ =	shalt  }
0x58: {  	_ =	shalt  }
0x59: {  	_ =	shalt  }
0x5a: {  	_ =	shalt  }
0x5b: {  	_ =	shalt  }
0x5c: {  	_ =	shalt  }
0x5d: {  	_ =	shalt  }
0x5e: {  	_ =	shalt  }
0x5f: {  	_ =	shalt  }
0x60: {  	_ =	shalt  }
0x61: {  	_ =	shalt  }
0x62: {  	_ =	shalt  }
0x63: {  	_ =	shalt  }
0x64: {  	_ =	shalt  }
0x65: {  	_ =	shalt  }
0x66: {  	_ =	shalt  }
0x67: {  	_ =	shalt  }
0x68: {  	_ =	shalt  }
0x69: {  	_ =	shalt  }
0x6a: {  	_ =	shalt  }
0x6b: {  	_ =	shalt  }
0x6c: {  	_ =	shalt  }
0x6d: {  	_ =	shalt  }
0x6e: {  	_ =	shalt  }
0x6f: {  	_ =	shalt  }
0x70: {  	_ =	shalt  }
0x71: {  	_ =	shalt  }
0x72: {  	_ =	shalt  }
0x73: {  	_ =	shalt  }
0x74: {  	_ =	shalt  }
0x75: {  	_ =	shalt  }
0x76: {  	_ =	shalt  }
0x77: {  	_ =	shalt  }
0x78: {  	_ =	shalt  }
0x79: {  	_ =	shalt  }
0x7a: {  	_ =	shalt  }
0x7b: {  	_ =	shalt  }
0x7c: {  	_ =	shalt  }
0x7d: {  	_ =	shalt  }
0x7e: {  	_ =	shalt  }
0x7f: {  	_ =	shalt  }
0x80: {  	_ =	shalt  }
0x81: {  	_ =	shalt  }
0x82: {  	_ =	shalt  }
0x83: {  	_ =	shalt  }
0x84: {  	_ =	shalt  }
0x85: {  	_ =	shalt  }
0x86: {  	_ =	shalt  }
0x87: {  	_ =	shalt  }
.Lfunc_end0:
.L_simem_size_0:
called_computation.2_lowered:
.L_overlay_start_0:
0x88: {  	s2 =	sld [smem:$0x3FD9]  }
0x89: {  	s3 =	sld [smem:$0x3FFE];
	_ =	sdelay $0x1  }
0x8a: {  	s1 =	srdreg.scid  }
0x8b: {  	s0 =	sand.u32 $0x1, s1  }
0x8c: {  	s17 =	sshll.u32 s0, $0xA;
	s2 =	sadd.s32 s3, s2  }
0x8d: {  	s2 =	sadd.s32 s2, s17  }
0x8e: {  	[smem:$0x3FC2] =	sst s2  }
0x8f: {  	_ = 	snop  }
0x90: {  	s2 =	sld [smem:$0x3FD0];
	(tm) =	ssettm $0x1  }
0x91: {  	s18 =	sld [smem:$0x3FFB];
	_ =	sdelay $0x3  }
0x92: {  	_ =	strace s18  }
0x93: {  	s3 =	sld [smem:$0x3FFC];
	_ =	sdelay $0x3  }
0x94: {  	_ =	strace s3  }
0x95: {  	s3 =	sld [smem:$0x3FFD];
	_ =	sdelay $0x3  }
0x96: {  	_ =	strace s3  }
0x97: {  	_ =	strace $0x8FFFFFFF  }
0x98: {  	s19 =	sld [smem:$0x3FDB];
	_ =	sdelay $0x1  }
0x99: {  	s4 =	simm.s32 $_scs_section_size  }
0x9a: {  	s5 =	simm.s32 $_size__tile_overlayer_lowered;
	s6 =	simm.s32 $_tile_overlayer_lowered  }
0x9b: {  	s22 =	simm.s32 $0x1BFF;
	s21 =	sshll.u32 s6, $0x1;
	s3 =	sadd.s32 s4, s19  }
0x9c: {  	s7 =	simm.s32 $0x0;
	s20 =	sshll.u32 s5, $0x1;
	s5 =	sadd.s32 s21, s3  }
0x9d: {  	[timem:s7], [sflag:s22] =	dma.local [hbm:s5], s20  }
0x9e: {  	_ =	swait.ge [sflag:s22], s20  }
0x9f: {  	s4 =	ssub.s32 $0x0, s20;
	[sflag:s22] =	ssyncset.done $0x0  }
0xa0: {  	[sflag:s22] =	ssyncadd.s32 s4;
	_ =	sdelay $0x1  }
0xa1: {  	s23 =	simm.s32 $0x1B8B  }
0xa2: {  	_ =	swait.ge [sflag:s23], $0x1  }
0xa3: {  	[sflag:s23] =	ssyncset.done $0x0  }
0xa4: {  	s25 =	simm.s32 $0x1B8E;
	s24 =	sld [smem:$0x3FFE];
	[sflag:s23] =	ssyncadd.s32 $0xFFFFFFFF  }
0xa5: {  	s26 =	simm.s32 $execute0_lowered;
	[smem:$0x3FD2] =	sst s25  }
0xa6: {  	s5 =	sshll.u32 s26, $0x1;
	_ =	strace $0x8000004C;
	[dreg:$0x1] =	wrdreg $0xFFFFFFFF  }
0xa7: {  	s28 =	simm.s32 $_size_execute0_lowered;
	s3 =	sadd.s32 s3, s5;
	[dreg:$0x0] =	wrdreg $0x0  }
0xa8: {  	s5 =	sshll.u32 s28, $0x1;
	[dreg:$0x2] =	wrdreg s3  }
0xa9: {  	[dreg:$0x3] =	wrdreg s5  }
0xaa: {  	[dreg:$0x4] =	wrdreg $0xC0  }
0xab: {  	_ =	task [dreg:s7], $0x5FFFF  }
0xac: {  	[dreg:$0x1] =	wrdreg $0xFFFFFFFF  }
0xad: {  	[dreg:$0x0] =	wrdreg $0x60  }
0xae: {  	[dreg:$0x2] =	wrdreg s24  }
0xaf: {  	[dreg:$0x3] =	wrdreg s2  }
0xb0: {  	[dreg:$0x4] =	wrdreg $0xA8000  }
0xb1: {  	[dreg:$0x5] =	wrdreg $0x148000  }
0xb2: {  	[dreg:$0x6] =	wrdreg $0x9  }
0xb3: {  	_ =	task.clear_ibuf [dreg:s7], $0x7FFFF;
	_ =	strace $0x9000004C  }
0xb4: {  	s29 =	simm.s32 $0x9;
	_ =	strace $0x8000004E  }
0xb5: {  	_ =	swait.ge [sflag:s29], $0x1  }
0xb6: {  	[sflag:s29] =	ssyncadd.s32 $0xFFFFFFFF  }
0xb7: {  	_ =	strace $0x9000004E  }
0xb8: {  	_ =	sfence  }
0xb9: {  	s30 =	sld [smem:$0x0];
	_ =	sdelay $0x2  }
0xba: {  	s31 =	sshll.u32 s1, $0xD;
	s1 =	sshrl.u32 s1, $0x2  }
0xbb: {  	s3 =	sand.u32 $0x4000, s31;
	s1 =	sadd.s32 s1, s30  }
0xbc: {  	s0 =	sor.u32 s3, s0;
	s1 =	sshll.u32 s1, $0x11  }
0xbd: {  	s0 =	sor.u32 s1, s0  }
0xbe: {  	s0 =	sadd.s32 $0x8F2B, s0  }
0xbf: {  	[sflag:s0] =	ssyncadd.remote.s32 $0x1  }
0xc0: {  	_ =	sfence.sel $0xFFFF  }
0xc1: {  	[dreg:$0x0] =	wrdreg $0xFFFFFFFF;
	(pc) =	sbr.abs _section_cstart, $3  }
0xc2: {  	[dreg:$0x1] =	wrdreg $0xFFFFFFFF  }
0xc3: {  	_ =	task.clear_ibuf [dreg:s7], $0x2FFFF;
	_ =	strace $0x9FFFFFFF  }
0xc4: {  	(tm) =	ssettm $0x7FFFFFFF  }
0xc5: {  	_ =	shalt  }
tec
execute0_lowered:
.L_overlay_start_1:
0x0: {  	(tag) =	ssettag $0x1  }
0x1: {  	s0 =	rddreg [dreg:$0x0]  }
0x2: {  	s1 =	rddreg [dreg:$0x1]  }
0x3: {  	s2 =	rddreg [dreg:$0x2]  }
0x4: {  	s3 =	rddreg [dreg:$0x3];
	s12 =	stileid.u32  }
0x5: {  	s5 =	srdreg.scid;
	s4 =	simm.s32 $0x0;
	s14 =	simm.s32 $0x3  }
0x6: {  	s16 =	simm.s32 $0x1400;
	s17 =	simm.s32 $0x80;
	s18 =	simm.s32 $0x2800  }
0x7: {  	s19 =	simm.s32 $0x4800;
	s21 =	simm.s32 $0x6800;
	s28 =	simm.s32 $0x200  }
0x8: {  	s29 =	simm.s32 $0x1500;
	s30 =	simm.s32 $0x280;
	s31 =	simm.s32 $0x1580  }
0x9: {  	s7 =	smul.u32 $0xA000, s12;
	s5 =	sand.u32 $0x1, s5;
	[smem:$0x7FF] =	sst s4  }
0xa: {  	s9 =	sadd.s32 $0x2000, s0;
	s8 =	smul.u32 $0xA0000, s5;
	_ =	strace $0x8000004D  }
0xb: {  	s10 =	sshll.u32 s5, $0x4;
	s5 =	ssub.s32 $0x2, s5;
	s6 =	sshrl.u32 s7, $0x3  }
0xc: {  	s10 =	sor.u32 s12, s10;
	s22 =	sshrl.u32 s5, $0x1;
	s11 =	sadd.s32 s7, s2  }
0xd: {  	s12 =	sshll.u32 s12, $0x6;
	s6 =	sadd.s32 s6, s0;
	s8 =	sadd.s32 s7, s8  }
0xe: {  	s10 =	smul.u32 $0x2800, s10;
	s7 =	sadd.s32 s7, s3;
	s26 =	sshrl.u32 s11, $0x3  }
0xf: {  	s11 =	simm.s32 $0x0;
	s8 =	sshrl.u32 s8, $0x3;
	[dreg:$0xb] =	wrdreg s26  }
0x10: {  	s15 =	sshrl.u32 s7, $0x3;
	s26 =	simm.s32 $0x2;
	s7 =	simm.s32 $0x1380  }
0x11: {  	s0 =	sadd.s32 s8, s0;
	s8 =	ssub.s32 s5, s22;
	s10 =	sshrl.u32 s10, $0x3  }
0x12: {  	s5 =	sadd.s32 $0xC000, s6;
	s6 =	sor.u32 $0x1C03, s12;
	s23 =	sadd.s32 s9, s10  }
0x13: {  	s24 =	sadd.s32 $0x280, s10;
	s10 =	sadd.s32 s1, s10;
	[dreg:$0x5] =	wrdreg s23  }
0x14: {  	s22 =	simm.s32 $0x1;
	s0 =	sadd.s32 $0x20000, s0;
	[dreg:$0x6] =	wrdreg s10  }
0x15: {  	s25 =	smax.u32 s8, $0x1;
	s8 =	simm.s32 $0x2680;
	[dreg:$0x9] =	wrdreg s0  }
0x16: {  	s9 =	sadd.s32 s9, s24;
	s1 =	sadd.s32 s1, s24;
	[dreg:$0xa] =	wrdreg s25  }
0x17: {  	s23 =	simm.s32 $0x180;
	s24 =	simm.s32 $0x8800;
	s25 =	simm.s32 $0x1480  }
0x18: {  	s0 =	simm.s32 $0x2600;
	s10 =	simm.s32 $0x2780;
	[dreg:$0x7] =	wrdreg s9  }
0x19: {  	[dreg:$0x8] =	wrdreg s1;
	s1 =	simm.s32 $0x1300;
	s9 =	simm.s32 $0x2700  }
.LBB2_1:
0x1a: {  	s12 =	rddreg [dreg:$0xb]  }
0x1b: {  	[spmem:s12], [sflag:s6] =	dma.local [hbm:s5], $0x1400  }
0x1c: {  	_ =	swait.ge [sflag:s14], $0x1400  }
0x1d: {  	[sflag:s14] =	ssyncset.done $0x0  }
0x1e: {  	[sflag:s14] =	ssyncadd.s32 $0xFFFFEC00  }
0x1f: {  	[spmem:s15], [sflag:s6] =	dma.local [hbm:s5], $0x1400  }
0x20: {  	_ =	swait.ge [sflag:s14], $0x1400  }
0x21: {  	[sflag:s14] =	ssyncset.done $0x0  }
0x22: {  	[sflag:s14] =	ssyncadd.s32 $0xFFFFEC00  }
0x23: {  	[bflag:$0x0] =	sbarrier.arrive $0xFFFF  }
0x24: {  	s13 =	rddreg [dreg:$0x5]  }
0x25: {  	[tilespmem:s4], [sflag:$0x3] =	stream.linear.gather [hbm4b:s13+s4], $0x1400, $0x38;
	[tilespmem:$0x1E800] =	vst v63  }
0x26: {  	_ =	swait.ge [sflag:s14], $0x1400  }
0x27: {  	[sflag:s14] =	ssyncset.done $0x0  }
0x28: {  	s20 =	rddreg [dreg:$0x6];
	[sflag:s14] =	ssyncadd.s32 $0xFFFFEC00  }
0x29: {  	[tilespmem:s16], [sflag:$0x3] =	stream.linear.gather [hbm4b:s20+s4], $0x1400, $0x38;
	[tilespmem:$0x1E800] =	vst v63  }
0x2a: {  	_ =	swait.ge [sflag:s14], $0x1400  }
0x2b: {  	[sflag:s14] =	ssyncset.done $0x0  }
0x2c: {  	[sflag:s14] =	ssyncadd.s32 $0xFFFFEC00  }
0x2d: {  	[tilespmem:s18], [sflag:$0x1] =	stream.indirect.gather [spmem:s2], $0x40, s4, s17, $0xb8;
	[tilespmem:$0x1E800] =	vst v63  }
0x2e: {  	_ = 	snop  }
0x2f: {  	[tilespmem:s19], [sflag:$0x1] =	stream.indirect.gather [spmem:s2], $0x40, s17, s17, $0xb8;
	[tilespmem:$0x1E800] =	vst v63  }
0x30: {  	s13 =	simm.s32 $0x100  }
0x31: {  	[tilespmem:s21], [sflag:$0x1] =	stream.indirect.gather [spmem:s2], $0x40, s13, s17, $0xb8;
	[tilespmem:$0x1E800] =	vst v63  }
0x32: {  	_ =	swait.ge [sflag:s22], $0x2000  }
0x33: {  	[sflag:s22] =	ssyncset.done $0x0  }
0x34: {  	[sflag:s22] =	ssyncadd.s32 $0xFFFFE000  }
0x35: {  	[spmem:s3] =	stream.indirect.scatter.add.f32 [tilespmem:s18], [sflag:$0x2], $0x40, s16, s17, $0xb8;
	[tilespmem:$0x1E800] =	vst v63  }
0x36: {  	_ = 	snop  }
0x37: {  	[tilespmem:s24], [sflag:$0x1] =	stream.indirect.gather [spmem:s2], $0x40, s23, s17, $0xb8;
	[tilespmem:$0x1E800] =	vst v63  }
0x38: {  	_ =	swait.ge [sflag:s22], $0x2000  }
0x39: {  	[sflag:s22] =	ssyncset.done $0x0  }
0x3a: {  	[sflag:s22] =	ssyncadd.s32 $0xFFFFE000  }
0x3b: {  	[spmem:s3] =	stream.indirect.scatter.add.f32 [tilespmem:s19], [sflag:$0x2], $0x40, s25, s17, $0xb8;
	[tilespmem:$0x1E800] =	vst v63  }
0x3c: {  	_ =	swait.ge [sflag:s26], $0x2000  }
0x3d: {  	[sflag:s26] =	ssyncset.done $0x0  }
0x3e: {  	[sflag:s26] =	ssyncadd.s32 $0xFFFFE000  }
0x3f: {  	[tilespmem:s18], [sflag:$0x1] =	stream.indirect.gather [spmem:s2], $0x40, s28, s17, $0xb8;
	[tilespmem:$0x1E800] =	vst v63  }
0x40: {  	_ =	swait.ge [sflag:s22], $0x2000  }
0x41: {  	[sflag:s22] =	ssyncset.done $0x0  }
0x42: {  	[sflag:s22] =	ssyncadd.s32 $0xFFFFE000  }
0x43: {  	[spmem:s3] =	stream.indirect.scatter.add.f32 [tilespmem:s21], [sflag:$0x2], $0x40, s29, s17, $0xb8;
	[tilespmem:$0x1E800] =	vst v63  }
0x44: {  	_ =	swait.ge [sflag:s26], $0x2000  }
0x45: {  	[sflag:s26] =	ssyncset.done $0x0  }
0x46: {  	[sflag:s26] =	ssyncadd.s32 $0xFFFFE000  }
0x47: {  	[tilespmem:s19], [sflag:$0x1] =	stream.indirect.gather [spmem:s2], $0x40, s30, s17, $0xb8;
	[tilespmem:$0x1E800] =	vst v63  }
0x48: {  	_ =	swait.ge [sflag:s22], $0x2000  }
0x49: {  	[sflag:s22] =	ssyncset.done $0x0  }
0x4a: {  	[sflag:s22] =	ssyncadd.s32 $0xFFFFE000  }
0x4b: {  	[spmem:s3] =	stream.indirect.scatter.add.f32 [tilespmem:s24], [sflag:$0x2], $0x40, s31, s17, $0xb8;
	[tilespmem:$0x1E800] =	vst v63  }
0x4c: {  	_ =	swait.ge [sflag:s26], $0x2000  }
0x4d: {  	[sflag:s26] =	ssyncset.done $0x0  }
0x4e: {  	s20 =	simm.s32 $0x300;
	[sflag:s26] =	ssyncadd.s32 $0xFFFFE000  }
0x4f: {  	[tilespmem:s21], [sflag:$0x1] =	stream.indirect.gather [spmem:s2], $0x40, s20, s17, $0xb8;
	[tilespmem:$0x1E800] =	vst v63  }
0x50: {  	_ =	swait.ge [sflag:s22], $0x2000  }
0x51: {  	[sflag:s22] =	ssyncset.done $0x0  }
0x52: {  	s13 =	simm.s32 $0x1600;
	[sflag:s22] =	ssyncadd.s32 $0xFFFFE000  }
0x53: {  	[spmem:s3] =	stream.indirect.scatter.add.f32 [tilespmem:s18], [sflag:$0x2], $0x40, s13, s17, $0xb8;
	[tilespmem:$0x1E800] =	vst v63  }
0x54: {  	_ =	swait.ge [sflag:s26], $0x2000  }
0x55: {  	[sflag:s26] =	ssyncset.done $0x0  }
0x56: {  	s20 =	simm.s32 $0x380;
	[sflag:s26] =	ssyncadd.s32 $0xFFFFE000  }
0x57: {  	[tilespmem:s24], [sflag:$0x1] =	stream.indirect.gather [spmem:s2], $0x40, s20, s17, $0xb8;
	[tilespmem:$0x1E800] =	vst v63  }
0x58: {  	_ =	swait.ge [sflag:s22], $0x2000  }
0x59: {  	[sflag:s22] =	ssyncset.done $0x0  }
0x5a: {  	s13 =	simm.s32 $0x1680;
	[sflag:s22] =	ssyncadd.s32 $0xFFFFE000  }
0x5b: {  	[spmem:s3] =	stream.indirect.scatter.add.f32 [tilespmem:s19], [sflag:$0x2], $0x40, s13, s17, $0xb8;
	[tilespmem:$0x1E800] =	vst v63  }
0x5c: {  	_ =	swait.ge [sflag:s26], $0x2000  }
0x5d: {  	[sflag:s26] =	ssyncset.done $0x0  }
0x5e: {  	s20 =	simm.s32 $0x400;
	[sflag:s26] =	ssyncadd.s32 $0xFFFFE000  }
0x5f: {  	[tilespmem:s18], [sflag:$0x1] =	stream.indirect.gather [spmem:s2], $0x40, s20, s17, $0xb8;
	[tilespmem:$0x1E800] =	vst v63  }
0x60: {  	_ =	swait.ge [sflag:s22], $0x2000  }
0x61: {  	[sflag:s22] =	ssyncset.done $0x0  }
0x62: {  	s13 =	simm.s32 $0x1700;
	[sflag:s22] =	ssyncadd.s32 $0xFFFFE000  }
0x63: {  	[spmem:s3] =	stream.indirect.scatter.add.f32 [tilespmem:s21], [sflag:$0x2], $0x40, s13, s17, $0xb8;
	[tilespmem:$0x1E800] =	vst v63  }
0x64: {  	_ =	swait.ge [sflag:s26], $0x2000  }
0x65: {  	[sflag:s26] =	ssyncset.done $0x0  }
0x66: {  	s20 =	simm.s32 $0x480;
	[sflag:s26] =	ssyncadd.s32 $0xFFFFE000  }
0x67: {  	[tilespmem:s19], [sflag:$0x1] =	stream.indirect.gather [spmem:s2], $0x40, s20, s17, $0xb8;
	[tilespmem:$0x1E800] =	vst v63  }
0x68: {  	_ =	swait.ge [sflag:s22], $0x2000  }
0x69: {  	[sflag:s22] =	ssyncset.done $0x0  }
0x6a: {  	s12 =	simm.s32 $0x800;
	s13 =	simm.s32 $0x1780;
	[sflag:s22] =	ssyncadd.s32 $0xFFFFE000  }
.LBB2_2:
0x6b: {  	[spmem:s3] =	stream.indirect.scatter.add.f32 [tilespmem:s24], [sflag:$0x2], $0x40, s13, s17, $0xb8;
	[tilespmem:$0x1E800] =	vst v63  }
0x6c: {  	s13 =	smov.u32 s12  }
0x6d: {  	p0 =	sne.s32 s12, $0x3800;
	s12 =	sadd.s32 $0x800, s12;
	_ =	swait.ge [sflag:s26], $0x2000  }
0x6e: {  	s13 =	sshra.s32 s13, $0x2;
	[sflag:s26] =	ssyncset.done $0x0  }
0x6f: {  	s20 =	sadd.s32 $0x300, s13;
	[sflag:s26] =	ssyncadd.s32 $0xFFFFE000  }
0x70: {  	[tilespmem:s21], [sflag:$0x1] =	stream.indirect.gather [spmem:s2], $0x40, s20, s17, $0xb8;
	[tilespmem:$0x1E800] =	vst v63  }
0x71: {  	_ =	swait.ge [sflag:s22], $0x2000  }
0x72: {  	[sflag:s22] =	ssyncset.done $0x0  }
0x73: {  	s20 =	sadd.s32 $0x1600, s13;
	[sflag:s22] =	ssyncadd.s32 $0xFFFFE000  }
0x74: {  	[spmem:s3] =	stream.indirect.scatter.add.f32 [tilespmem:s18], [sflag:$0x2], $0x40, s20, s17, $0xb8;
	[tilespmem:$0x1E800] =	vst v63  }
0x75: {  	_ =	swait.ge [sflag:s26], $0x2000  }
0x76: {  	[sflag:s26] =	ssyncset.done $0x0  }
0x77: {  	s20 =	sadd.s32 $0x380, s13;
	[sflag:s26] =	ssyncadd.s32 $0xFFFFE000  }
0x78: {  	[tilespmem:s24], [sflag:$0x1] =	stream.indirect.gather [spmem:s2], $0x40, s20, s17, $0xb8;
	[tilespmem:$0x1E800] =	vst v63  }
0x79: {  	_ =	swait.ge [sflag:s22], $0x2000  }
0x7a: {  	[sflag:s22] =	ssyncset.done $0x0  }
0x7b: {  	s20 =	sadd.s32 $0x1680, s13;
	[sflag:s22] =	ssyncadd.s32 $0xFFFFE000  }
0x7c: {  	[spmem:s3] =	stream.indirect.scatter.add.f32 [tilespmem:s19], [sflag:$0x2], $0x40, s20, s17, $0xb8;
	[tilespmem:$0x1E800] =	vst v63  }
0x7d: {  	_ =	swait.ge [sflag:s26], $0x2000  }
0x7e: {  	[sflag:s26] =	ssyncset.done $0x0  }
0x7f: {  	s20 =	sadd.s32 $0x400, s13;
	[sflag:s26] =	ssyncadd.s32 $0xFFFFE000  }
0x80: {  	[tilespmem:s18], [sflag:$0x1] =	stream.indirect.gather [spmem:s2], $0x40, s20, s17, $0xb8;
	[tilespmem:$0x1E800] =	vst v63  }
0x81: {  	_ =	swait.ge [sflag:s22], $0x2000  }
0x82: {  	[sflag:s22] =	ssyncset.done $0x0  }
0x83: {  	s20 =	sadd.s32 $0x1700, s13;
	[sflag:s22] =	ssyncadd.s32 $0xFFFFE000  }
0x84: {  	[spmem:s3] =	stream.indirect.scatter.add.f32 [tilespmem:s21], [sflag:$0x2], $0x40, s20, s17, $0xb8;
	[tilespmem:$0x1E800] =	vst v63  }
0x85: {  	_ =	swait.ge [sflag:s26], $0x2000  }
0x86: {  	[sflag:s26] =	ssyncset.done $0x0  }
.Ltmp0:
0x87: {  	s20 =	sadd.s32 $0x480, s13;
	[sflag:s26] =	ssyncadd.s32 $0xFFFFE000;
	(pc) =	sbr.rel @p0 .LBB2_2-.Ltmp0, $4  }
0x88: {  	[tilespmem:s19], [sflag:$0x1] =	stream.indirect.gather [spmem:s2], $0x40, s20, s17, $0xb8;
	[tilespmem:$0x1E800] =	vst v63  }
0x89: {  	_ =	swait.ge [sflag:s22], $0x2000  }
0x8a: {  	[sflag:s22] =	ssyncset.done $0x0  }
0x8b: {  	s13 =	sadd.s32 $0x1780, s13;
	[sflag:s22] =	ssyncadd.s32 $0xFFFFE000  }
0x8c: {  	[spmem:s3] =	stream.indirect.scatter.add.f32 [tilespmem:s24], [sflag:$0x2], $0x40, s13, s17, $0xb8;
	[tilespmem:$0x1E800] =	vst v63  }
0x8d: {  	_ =	swait.ge [sflag:s26], $0x2000  }
0x8e: {  	[sflag:s26] =	ssyncset.done $0x0  }
0x8f: {  	[sflag:s26] =	ssyncadd.s32 $0xFFFFE000  }
0x90: {  	[tilespmem:s21], [sflag:$0x1] =	stream.indirect.gather [spmem:s2], $0x40, s1, s17, $0xb8;
	[tilespmem:$0x1E800] =	vst v63  }
0x91: {  	_ =	swait.ge [sflag:s22], $0x2000  }
0x92: {  	[sflag:s22] =	ssyncset.done $0x0  }
0x93: {  	[sflag:s22] =	ssyncadd.s32 $0xFFFFE000  }
0x94: {  	[spmem:s3] =	stream.indirect.scatter.add.f32 [tilespmem:s18], [sflag:$0x2], $0x40, s0, s17, $0xb8;
	[tilespmem:$0x1E800] =	vst v63  }
0x95: {  	_ =	swait.ge [sflag:s26], $0x2000  }
0x96: {  	[sflag:s26] =	ssyncset.done $0x0  }
0x97: {  	[sflag:s26] =	ssyncadd.s32 $0xFFFFE000  }
0x98: {  	[tilespmem:s24], [sflag:$0x1] =	stream.indirect.gather [spmem:s2], $0x40, s7, s17, $0xb8;
	[tilespmem:$0x1E800] =	vst v63  }
0x99: {  	_ =	swait.ge [sflag:s22], $0x2000  }
0x9a: {  	[sflag:s22] =	ssyncset.done $0x0  }
0x9b: {  	[sflag:s22] =	ssyncadd.s32 $0xFFFFE000  }
0x9c: {  	[spmem:s3] =	stream.indirect.scatter.add.f32 [tilespmem:s19], [sflag:$0x2], $0x40, s8, s17, $0xb8;
	[tilespmem:$0x1E800] =	vst v63  }
0x9d: {  	_ =	swait.ge [sflag:s26], $0x2000  }
0x9e: {  	[sflag:s26] =	ssyncset.done $0x0  }
0x9f: {  	[sflag:s26] =	ssyncadd.s32 $0xFFFFE000  }
0xa0: {  	_ =	swait.ge [sflag:s22], $0x2000  }
0xa1: {  	[sflag:s22] =	ssyncset.done $0x0  }
0xa2: {  	[sflag:s22] =	ssyncadd.s32 $0xFFFFE000  }
0xa3: {  	[spmem:s3] =	stream.indirect.scatter.add.f32 [tilespmem:s21], [sflag:$0x2], $0x40, s9, s17, $0xb8;
	[tilespmem:$0x1E800] =	vst v63  }
0xa4: {  	_ =	swait.ge [sflag:s26], $0x2000  }
0xa5: {  	[sflag:s26] =	ssyncset.done $0x0  }
0xa6: {  	[sflag:s26] =	ssyncadd.s32 $0xFFFFE000  }
0xa7: {  	_ =	swait.ge [sflag:s22], $0x2000  }
0xa8: {  	[sflag:s22] =	ssyncset.done $0x0  }
0xa9: {  	[sflag:s22] =	ssyncadd.s32 $0xFFFFE000  }
0xaa: {  	[spmem:s3] =	stream.indirect.scatter.add.f32 [tilespmem:s24], [sflag:$0x2], $0x40, s10, s17, $0xb8;
	[tilespmem:$0x1E800] =	vst v63  }
0xab: {  	_ =	swait.ge [sflag:s26], $0x2000  }
0xac: {  	[sflag:s26] =	ssyncset.done $0x0  }
0xad: {  	[sflag:s26] =	ssyncadd.s32 $0xFFFFE000  }
0xae: {  	_ =	swait.ge [sflag:s26], $0x2000  }
0xaf: {  	[sflag:s26] =	ssyncset.done $0x0  }
0xb0: {  	s12 =	simm.s32 $0x0;
	s20 =	rddreg [dreg:$0x7];
	[sflag:s26] =	ssyncadd.s32 $0xFFFFE000  }
0xb1: {  	[tilespmem:s12], [sflag:$0x3] =	stream.linear.gather [hbm4b:s20+s12], $0x1400, $0x38;
	[tilespmem:$0x1E800] =	vst v63  }
0xb2: {  	_ =	swait.ge [sflag:s14], $0x1400  }
0xb3: {  	[sflag:s14] =	ssyncset.done $0x0  }
0xb4: {  	s20 =	rddreg [dreg:$0x8];
	[sflag:s14] =	ssyncadd.s32 $0xFFFFEC00  }
0xb5: {  	[tilespmem:s16], [sflag:$0x3] =	stream.linear.gather [hbm4b:s20+s12], $0x1400, $0x38;
	[tilespmem:$0x1E800] =	vst v63  }
0xb6: {  	_ =	swait.ge [sflag:s14], $0x1400  }
0xb7: {  	[sflag:s14] =	ssyncset.done $0x0  }
0xb8: {  	[sflag:s14] =	ssyncadd.s32 $0xFFFFEC00  }
0xb9: {  	[tilespmem:s18], [sflag:$0x1] =	stream.indirect.gather [spmem:s2], $0x40, s12, s17, $0xb8;
	[tilespmem:$0x1E800] =	vst v63  }
0xba: {  	_ = 	snop  }
0xbb: {  	[tilespmem:s19], [sflag:$0x1] =	stream.indirect.gather [spmem:s2], $0x40, s17, s17, $0xb8;
	[tilespmem:$0x1E800] =	vst v63  }
0xbc: {  	s13 =	simm.s32 $0x100  }
0xbd: {  	[tilespmem:s21], [sflag:$0x1] =	stream.indirect.gather [spmem:s2], $0x40, s13, s17, $0xb8;
	[tilespmem:$0x1E800] =	vst v63  }
0xbe: {  	_ =	swait.ge [sflag:s22], $0x2000  }
0xbf: {  	[sflag:s22] =	ssyncset.done $0x0  }
0xc0: {  	[sflag:s22] =	ssyncadd.s32 $0xFFFFE000  }
0xc1: {  	[spmem:s3] =	stream.indirect.scatter.add.f32 [tilespmem:s18], [sflag:$0x2], $0x40, s16, s17, $0xb8;
	[tilespmem:$0x1E800] =	vst v63  }
0xc2: {  	_ = 	snop  }
0xc3: {  	[tilespmem:s24], [sflag:$0x1] =	stream.indirect.gather [spmem:s2], $0x40, s23, s17, $0xb8;
	[tilespmem:$0x1E800] =	vst v63  }
0xc4: {  	_ =	swait.ge [sflag:s22], $0x2000  }
0xc5: {  	[sflag:s22] =	ssyncset.done $0x0  }
0xc6: {  	[sflag:s22] =	ssyncadd.s32 $0xFFFFE000  }
0xc7: {  	[spmem:s3] =	stream.indirect.scatter.add.f32 [tilespmem:s19], [sflag:$0x2], $0x40, s25, s17, $0xb8;
	[tilespmem:$0x1E800] =	vst v63  }
0xc8: {  	_ =	swait.ge [sflag:s26], $0x2000  }
0xc9: {  	[sflag:s26] =	ssyncset.done $0x0  }
0xca: {  	[sflag:s26] =	ssyncadd.s32 $0xFFFFE000  }
0xcb: {  	[tilespmem:s18], [sflag:$0x1] =	stream.indirect.gather [spmem:s2], $0x40, s28, s17, $0xb8;
	[tilespmem:$0x1E800] =	vst v63  }
0xcc: {  	_ =	swait.ge [sflag:s22], $0x2000  }
0xcd: {  	[sflag:s22] =	ssyncset.done $0x0  }
0xce: {  	[sflag:s22] =	ssyncadd.s32 $0xFFFFE000  }
0xcf: {  	[spmem:s3] =	stream.indirect.scatter.add.f32 [tilespmem:s21], [sflag:$0x2], $0x40, s29, s17, $0xb8;
	[tilespmem:$0x1E800] =	vst v63  }
0xd0: {  	_ =	swait.ge [sflag:s26], $0x2000  }
0xd1: {  	[sflag:s26] =	ssyncset.done $0x0  }
0xd2: {  	[sflag:s26] =	ssyncadd.s32 $0xFFFFE000  }
0xd3: {  	[tilespmem:s19], [sflag:$0x1] =	stream.indirect.gather [spmem:s2], $0x40, s30, s17, $0xb8;
	[tilespmem:$0x1E800] =	vst v63  }
0xd4: {  	_ =	swait.ge [sflag:s22], $0x2000  }
0xd5: {  	[sflag:s22] =	ssyncset.done $0x0  }
0xd6: {  	[sflag:s22] =	ssyncadd.s32 $0xFFFFE000  }
0xd7: {  	[spmem:s3] =	stream.indirect.scatter.add.f32 [tilespmem:s24], [sflag:$0x2], $0x40, s31, s17, $0xb8;
	[tilespmem:$0x1E800] =	vst v63  }
0xd8: {  	_ =	swait.ge [sflag:s26], $0x2000  }
0xd9: {  	[sflag:s26] =	ssyncset.done $0x0  }
0xda: {  	s20 =	simm.s32 $0x300;
	[sflag:s26] =	ssyncadd.s32 $0xFFFFE000  }
0xdb: {  	[tilespmem:s21], [sflag:$0x1] =	stream.indirect.gather [spmem:s2], $0x40, s20, s17, $0xb8;
	[tilespmem:$0x1E800] =	vst v63  }
0xdc: {  	_ =	swait.ge [sflag:s22], $0x2000  }
0xdd: {  	[sflag:s22] =	ssyncset.done $0x0  }
0xde: {  	s13 =	simm.s32 $0x1600;
	[sflag:s22] =	ssyncadd.s32 $0xFFFFE000  }
0xdf: {  	[spmem:s3] =	stream.indirect.scatter.add.f32 [tilespmem:s18], [sflag:$0x2], $0x40, s13, s17, $0xb8;
	[tilespmem:$0x1E800] =	vst v63  }
0xe0: {  	_ =	swait.ge [sflag:s26], $0x2000  }
0xe1: {  	[sflag:s26] =	ssyncset.done $0x0  }
0xe2: {  	s20 =	simm.s32 $0x380;
	[sflag:s26] =	ssyncadd.s32 $0xFFFFE000  }
0xe3: {  	[tilespmem:s24], [sflag:$0x1] =	stream.indirect.gather [spmem:s2], $0x40, s20, s17, $0xb8;
	[tilespmem:$0x1E800] =	vst v63  }
0xe4: {  	_ =	swait.ge [sflag:s22], $0x2000  }
0xe5: {  	[sflag:s22] =	ssyncset.done $0x0  }
0xe6: {  	s13 =	simm.s32 $0x1680;
	[sflag:s22] =	ssyncadd.s32 $0xFFFFE000  }
0xe7: {  	[spmem:s3] =	stream.indirect.scatter.add.f32 [tilespmem:s19], [sflag:$0x2], $0x40, s13, s17, $0xb8;
	[tilespmem:$0x1E800] =	vst v63  }
0xe8: {  	_ =	swait.ge [sflag:s26], $0x2000  }
0xe9: {  	[sflag:s26] =	ssyncset.done $0x0  }
0xea: {  	s20 =	simm.s32 $0x400;
	[sflag:s26] =	ssyncadd.s32 $0xFFFFE000  }
0xeb: {  	[tilespmem:s18], [sflag:$0x1] =	stream.indirect.gather [spmem:s2], $0x40, s20, s17, $0xb8;
	[tilespmem:$0x1E800] =	vst v63  }
0xec: {  	_ =	swait.ge [sflag:s22], $0x2000  }
0xed: {  	[sflag:s22] =	ssyncset.done $0x0  }
0xee: {  	s13 =	simm.s32 $0x1700;
	[sflag:s22] =	ssyncadd.s32 $0xFFFFE000  }
0xef: {  	[spmem:s3] =	stream.indirect.scatter.add.f32 [tilespmem:s21], [sflag:$0x2], $0x40, s13, s17, $0xb8;
	[tilespmem:$0x1E800] =	vst v63  }
0xf0: {  	_ =	swait.ge [sflag:s26], $0x2000  }
0xf1: {  	[sflag:s26] =	ssyncset.done $0x0  }
0xf2: {  	s20 =	simm.s32 $0x480;
	[sflag:s26] =	ssyncadd.s32 $0xFFFFE000  }
0xf3: {  	[tilespmem:s19], [sflag:$0x1] =	stream.indirect.gather [spmem:s2], $0x40, s20, s17, $0xb8;
	[tilespmem:$0x1E800] =	vst v63  }
0xf4: {  	_ =	swait.ge [sflag:s22], $0x2000  }
0xf5: {  	[sflag:s22] =	ssyncset.done $0x0  }
0xf6: {  	s12 =	simm.s32 $0x800;
	s13 =	simm.s32 $0x1780;
	[sflag:s22] =	ssyncadd.s32 $0xFFFFE000  }
.LBB2_4:
0xf7: {  	[spmem:s3] =	stream.indirect.scatter.add.f32 [tilespmem:s24], [sflag:$0x2], $0x40, s13, s17, $0xb8;
	[tilespmem:$0x1E800] =	vst v63  }
0xf8: {  	s13 =	smov.u32 s12  }
0xf9: {  	p0 =	sne.s32 s12, $0x3800;
	s12 =	sadd.s32 $0x800, s12;
	_ =	swait.ge [sflag:s26], $0x2000  }
0xfa: {  	s13 =	sshra.s32 s13, $0x2;
	[sflag:s26] =	ssyncset.done $0x0  }
0xfb: {  	s20 =	sadd.s32 $0x300, s13;
	[sflag:s26] =	ssyncadd.s32 $0xFFFFE000  }
0xfc: {  	[tilespmem:s21], [sflag:$0x1] =	stream.indirect.gather [spmem:s2], $0x40, s20, s17, $0xb8;
	[tilespmem:$0x1E800] =	vst v63  }
0xfd: {  	_ =	swait.ge [sflag:s22], $0x2000  }
0xfe: {  	[sflag:s22] =	ssyncset.done $0x0  }
0xff: {  	s20 =	sadd.s32 $0x1600, s13;
	[sflag:s22] =	ssyncadd.s32 $0xFFFFE000  }
0x100: {  	[spmem:s3] =	stream.indirect.scatter.add.f32 [tilespmem:s18], [sflag:$0x2], $0x40, s20, s17, $0xb8;
	[tilespmem:$0x1E800] =	vst v63  }
0x101: {  	_ =	swait.ge [sflag:s26], $0x2000  }
0x102: {  	[sflag:s26] =	ssyncset.done $0x0  }
0x103: {  	s20 =	sadd.s32 $0x380, s13;
	[sflag:s26] =	ssyncadd.s32 $0xFFFFE000  }
0x104: {  	[tilespmem:s24], [sflag:$0x1] =	stream.indirect.gather [spmem:s2], $0x40, s20, s17, $0xb8;
	[tilespmem:$0x1E800] =	vst v63  }
0x105: {  	_ =	swait.ge [sflag:s22], $0x2000  }
0x106: {  	[sflag:s22] =	ssyncset.done $0x0  }
0x107: {  	s20 =	sadd.s32 $0x1680, s13;
	[sflag:s22] =	ssyncadd.s32 $0xFFFFE000  }
0x108: {  	[spmem:s3] =	stream.indirect.scatter.add.f32 [tilespmem:s19], [sflag:$0x2], $0x40, s20, s17, $0xb8;
	[tilespmem:$0x1E800] =	vst v63  }
0x109: {  	_ =	swait.ge [sflag:s26], $0x2000  }
0x10a: {  	[sflag:s26] =	ssyncset.done $0x0  }
0x10b: {  	s20 =	sadd.s32 $0x400, s13;
	[sflag:s26] =	ssyncadd.s32 $0xFFFFE000  }
0x10c: {  	[tilespmem:s18], [sflag:$0x1] =	stream.indirect.gather [spmem:s2], $0x40, s20, s17, $0xb8;
	[tilespmem:$0x1E800] =	vst v63  }
0x10d: {  	_ =	swait.ge [sflag:s22], $0x2000  }
0x10e: {  	[sflag:s22] =	ssyncset.done $0x0  }
0x10f: {  	s20 =	sadd.s32 $0x1700, s13;
	[sflag:s22] =	ssyncadd.s32 $0xFFFFE000  }
0x110: {  	[spmem:s3] =	stream.indirect.scatter.add.f32 [tilespmem:s21], [sflag:$0x2], $0x40, s20, s17, $0xb8;
	[tilespmem:$0x1E800] =	vst v63  }
0x111: {  	_ =	swait.ge [sflag:s26], $0x2000  }
0x112: {  	[sflag:s26] =	ssyncset.done $0x0  }
.Ltmp1:
0x113: {  	s20 =	sadd.s32 $0x480, s13;
	[sflag:s26] =	ssyncadd.s32 $0xFFFFE000;
	(pc) =	sbr.rel @p0 .LBB2_4-.Ltmp1, $4  }
0x114: {  	[tilespmem:s19], [sflag:$0x1] =	stream.indirect.gather [spmem:s2], $0x40, s20, s17, $0xb8;
	[tilespmem:$0x1E800] =	vst v63  }
0x115: {  	_ =	swait.ge [sflag:s22], $0x2000  }
0x116: {  	[sflag:s22] =	ssyncset.done $0x0  }
0x117: {  	s13 =	sadd.s32 $0x1780, s13;
	[sflag:s22] =	ssyncadd.s32 $0xFFFFE000  }
0x118: {  	[spmem:s3] =	stream.indirect.scatter.add.f32 [tilespmem:s24], [sflag:$0x2], $0x40, s13, s17, $0xb8;
	[tilespmem:$0x1E800] =	vst v63  }
0x119: {  	_ =	swait.ge [sflag:s26], $0x2000  }
0x11a: {  	[sflag:s26] =	ssyncset.done $0x0  }
0x11b: {  	[sflag:s26] =	ssyncadd.s32 $0xFFFFE000  }
0x11c: {  	[tilespmem:s21], [sflag:$0x1] =	stream.indirect.gather [spmem:s2], $0x40, s1, s17, $0xb8;
	[tilespmem:$0x1E800] =	vst v63  }
0x11d: {  	_ =	swait.ge [sflag:s22], $0x2000  }
0x11e: {  	[sflag:s22] =	ssyncset.done $0x0  }
0x11f: {  	[sflag:s22] =	ssyncadd.s32 $0xFFFFE000  }
0x120: {  	[spmem:s3] =	stream.indirect.scatter.add.f32 [tilespmem:s18], [sflag:$0x2], $0x40, s0, s17, $0xb8;
	[tilespmem:$0x1E800] =	vst v63  }
0x121: {  	_ =	swait.ge [sflag:s26], $0x2000  }
0x122: {  	[sflag:s26] =	ssyncset.done $0x0  }
0x123: {  	[sflag:s26] =	ssyncadd.s32 $0xFFFFE000  }
0x124: {  	[tilespmem:s24], [sflag:$0x1] =	stream.indirect.gather [spmem:s2], $0x40, s7, s17, $0xb8;
	[tilespmem:$0x1E800] =	vst v63  }
0x125: {  	_ =	swait.ge [sflag:s22], $0x2000  }
0x126: {  	[sflag:s22] =	ssyncset.done $0x0  }
0x127: {  	[sflag:s22] =	ssyncadd.s32 $0xFFFFE000  }
0x128: {  	[spmem:s3] =	stream.indirect.scatter.add.f32 [tilespmem:s19], [sflag:$0x2], $0x40, s8, s17, $0xb8;
	[tilespmem:$0x1E800] =	vst v63  }
0x129: {  	_ =	swait.ge [sflag:s26], $0x2000  }
0x12a: {  	[sflag:s26] =	ssyncset.done $0x0  }
0x12b: {  	[sflag:s26] =	ssyncadd.s32 $0xFFFFE000  }
0x12c: {  	_ =	swait.ge [sflag:s22], $0x2000  }
0x12d: {  	[sflag:s22] =	ssyncset.done $0x0  }
0x12e: {  	[sflag:s22] =	ssyncadd.s32 $0xFFFFE000  }
0x12f: {  	[spmem:s3] =	stream.indirect.scatter.add.f32 [tilespmem:s21], [sflag:$0x2], $0x40, s9, s17, $0xb8;
	[tilespmem:$0x1E800] =	vst v63  }
0x130: {  	_ =	swait.ge [sflag:s26], $0x2000  }
0x131: {  	[sflag:s26] =	ssyncset.done $0x0  }
0x132: {  	[sflag:s26] =	ssyncadd.s32 $0xFFFFE000  }
0x133: {  	_ =	swait.ge [sflag:s22], $0x2000  }
0x134: {  	[sflag:s22] =	ssyncset.done $0x0  }
0x135: {  	[sflag:s22] =	ssyncadd.s32 $0xFFFFE000  }
0x136: {  	[spmem:s3] =	stream.indirect.scatter.add.f32 [tilespmem:s24], [sflag:$0x2], $0x40, s10, s17, $0xb8;
	[tilespmem:$0x1E800] =	vst v63  }
0x137: {  	_ =	swait.ge [sflag:s26], $0x2000  }
0x138: {  	[sflag:s26] =	ssyncset.done $0x0  }
0x139: {  	[sflag:s26] =	ssyncadd.s32 $0xFFFFE000  }
0x13a: {  	_ =	swait.ge [sflag:s26], $0x2000  }
0x13b: {  	[sflag:s26] =	ssyncset.done $0x0  }
0x13c: {  	[sflag:s26] =	ssyncadd.s32 $0xFFFFE000  }
0x13d: {  	[bflag:$0x0] =	sbarrier.arrive $0xFFFF  }
0x13e: {  	s12 =	rddreg [dreg:$0x9]  }
0x13f: {  	[hbm:s12], [sflag:s6] =	dma.local [spmem:s15], $0x1400  }
0x140: {  	_ =	swait.ge [sflag:s14], $0x1400  }
0x141: {  	s11 =	sadd.s32 $0x1, s11;
	s20 =	rddreg [dreg:$0xa]  }
0x142: {  	p0 =	sne.s32 s11, s20  }
.Ltmp2:
0x143: {  	_ = 	snop;
	(pc) =	sbr.rel @p0 .LBB2_1-.Ltmp2, $3  }
0x144: {  	_ =	sdelay $0x1  }
0x145: {  	[sflag:s14] =	ssyncset.done $0x0  }
0x146: {  	[sflag:s14] =	ssyncadd.s32 $0xFFFFEC00  }
0x147: {  	_ =	sfence.sel $0x180000  }
0x148: {  	[bflag:$0x0] =	sbarrier.arrive $0xFFFF  }
0x149: {  	_ =	strace $0x9000004D  }
0x14a: {  	s0 =	stileid.u32;
	[bflag:$0x2] =	sbarrier.arrive $0xFFFF  }
0x14b: {  	p0 =	sne.s32 s0, $0x0;
	s0 =	rddreg [dreg:$0x4]  }
0x14c: {  	s0 =	sadd.s32 @!p0 $0x100000, s0  }
0x14d: {  	[sflag:s0] =	ssyncadd.tile.s32 @!p0 $0x1;
	_ =	shalt  }
.Lfunc_end2:
_tile_overlayer_lowered:
.L_overlay_start_2:
0x14e: {  	(tag) =	ssettag $0x2  }
0x14f: {  	s0 =	rddreg [dreg:$0x0];
	s2 =	stileid.u32  }
0x150: {  	s1 =	rddreg [dreg:$0x1];
	p0 =	sne.s32 s2, $0x0  }
0x151: {  	s3 =	rddreg [dreg:$0x2];
	[bflag:$0x3] =	sbarrier.arrive $0xFFFF;
	s2 =	simm.s32 @!p0 $0x1C03  }
0x152: {  	[timem:s3], [sflag:s2] =	dma.local @!p0 [hbm:s0], s1  }
0x153: {  	s0 =	simm.s32 @!p0 $0x3  }
0x154: {  	_ =	swait.ge @!p0 [sflag:s0], s1  }
0x155: {  	s1 =	ssub.s32 @!p0 $0x0, s1;
	[sflag:s0] =	ssyncset.done @!p0 $0x0  }
0x156: {  	[sflag:s0] =	ssyncadd.s32 @!p0 s1  }
0x157: {  	[bflag:$0x3] =	sbarrier.arrive $0xFFFF  }
0x158: {  	_ =	shalt  }

// kernel: kernel.8.cloned.1.call-start
scs
__scs_entry_jumppad:
0x0: {  	(pc) =	sbr.rel $0x88, $3  }
0x1: {  	(tag) =	ssettag $0x0;
	lr =	simm.s32 $0x1  }
0x2: {  	[smem:$0x3F9B] =	sst lr;
	_ =	strace $0xD0000000  }
0x3: {  	_ = 	snop  }
0x4: {  	_ = 	snop  }
0x5: {  	_ = 	snop  }
0x6: {  	_ = 	snop  }
0x7: {  	_ = 	snop  }
__scs_overlays_trampoline_lowered:
0x8: {  	[smem:$0x3FAA] =	sst s0  }
0x9: {  	[smem:$0x3FAB] =	sst s1  }
0xa: {  	[smem:$0x3FAC] =	sst s2  }
0xb: {  	[smem:$0x3FAD] =	sst s3  }
0xc: {  	[smem:$0x3FAE] =	sst s4  }
0xd: {  	[smem:$0x3FAF] =	sst s5  }
0xe: {  	[smem:$0x3FB0] =	sst s6  }
0xf: {  	[smem:$0x3FB1] =	sst s7  }
0x10: {  	[smem:$0x3FB2] =	sst s8  }
0x11: {  	[smem:$0x3FB3] =	sst s9;
	s0 =	simm.s32 @!p0 $0x0  }
0x12: {  	s1 =	sld [smem:$0x3F99];
	s0 =	simm.s32 @p0 $0x1  }
0x13: {  	[smem:$0x3FB4] =	sst s0;
	s0 =	simm.s32 @!p1 $0x0  }
0x14: {  	s2 =	sld [smem:$0x3F98];
	s0 =	simm.s32 @p1 $0x1  }
0x15: {  	[smem:$0x3FB5] =	sst s0;
	s0 =	simm.s32 @!p2 $0x0  }
0x16: {  	s3 =	sld [smem:$0x3FDB];
	s0 =	simm.s32 @p2 $0x1  }
0x17: {  	s4 =	simm.s32 $0x1BF5;
	[smem:$0x3FB7] =	sst s0  }
0x18: {  	s0 =	sld [smem:$0x3F9A];
	_ =	swait.ge [sflag:s4], $0x0  }
0x19: {  	s7 =	sld [smem:$0x3F9B]  }
0x1a: {  	s8 =	sadd.s32 $0xFFFFE003, lr  }
0x1b: {  	s9 =	sadd.s32 $0xFFFFFEF7, lr;
	s5 =	simm.s32 $0xFFFFFFFF;
	p2 =	slt.u32 s8, $0xFFFFF086  }
0x1c: {  	p1 =	slt.u32 s9, $0xF7A;
	s5 =	simm.s32 @!p2 $0x0  }
0x1d: {  	s5 =	simm.s32 @p1 $0x1;
	p0 =	seq.s32 s7, s2  }
0x1e: {  	s7 =	smul.u32 @!p0 $0xF7A, s2;
	p2 =	seq.s32 @!p0 s5, $0x0  }
0x1f: {  	s9 =	smul.u32 $0xF7A, s1;
	s8 =	simm.s32 @!p0 $0x1BF5;
	p2 =	por !p2, p0  }
0x20: {  	[sflag:s8] =	ssyncset.s32 @!p0 $0xFFFFF086;
	s6 =	sadd.s32 @!p0 s3, s7;
	s7 =	simm.s32 @!p0 $0x108  }
0x21: {  	s3 =	sadd.s32 s3, s9;
	s6 =	sadd.s32 @!p0 $0x88, s6;
	s7 =	simm.s32 @p2 $0x1082  }
0x22: {  	[simem:s7], [sflag:s8] =	dma.local @!p0 [hbm:s6], $0xF7A  }
0x23: {  	s9 =	sor.u32 $0xD0000000, s2;
	s6 =	simm.s32 $0x108;
	_ =	swait.ge @!p0 [sflag:s8], $0x0  }
0x24: {  	s3 =	sadd.s32 $0x88, s3;
	s6 =	simm.s32 @!p1 $0x1082;
	[sflag:s4] =	ssyncset.s32 $0xFFFFF086  }
0x25: {  	[simem:s6], [sflag:s4] =	dma.local [hbm:s3], $0xF7A  }
0x26: {  	[smem:$0x3F9B] =	sst s1;
	(tag) =	ssettag s2;
	_ =	strace s9  }
0x27: {  	s1 =	sld [smem:$0x3FAB]  }
0x28: {  	s2 =	sld [smem:$0x3FAC]  }
0x29: {  	s4 =	sld [smem:$0x3FAE]  }
0x2a: {  	p0 =	seq.s32 s5, $0x0;
	s5 =	sld [smem:$0x3FAF]  }
0x2b: {  	s6 =	sld [smem:$0x3FB0]  }
0x2c: {  	s7 =	sld [smem:$0x3FB1]  }
0x2d: {  	s3 =	simm.s32 $0x108;
	s8 =	sld [smem:$0x3FB2]  }
0x2e: {  	s3 =	simm.s32 @!p0 $0x1082;
	s9 =	sld [smem:$0x3FB3]  }
0x2f: {  	lr =	sadd.s32 s0, s3;
	s0 =	sld [smem:$0x3FAA]  }
0x30: {  	s3 =	sld [smem:$0x3FAD]  }
0x31: {  	[smem:$0x3FB6] =	sst s10  }
0x32: {  	s10 =	sld [smem:$0x3FB4];
	_ =	sdelay $0x3  }
0x33: {  	p0 =	seq.s32 s10, $0x1;
	s10 =	sld [smem:$0x3FB6];
	_ =	sdelay $0x3  }
0x34: {  	[smem:$0x3FB6] =	sst s10  }
0x35: {  	s10 =	sld [smem:$0x3FB5];
	_ =	sdelay $0x3  }
0x36: {  	p1 =	seq.s32 s10, $0x1;
	s10 =	sld [smem:$0x3FB6];
	_ =	sdelay $0x3  }
0x37: {  	[smem:$0x3FB6] =	sst s10  }
0x38: {  	s10 =	sld [smem:$0x3FB7]  }
0x39: {  	_ = 	snop;
	(pc) =	sbr.ind lr, $3  }
0x3a: {  	_ = 	snop  }
0x3b: {  	_ = 	snop  }
0x3c: {  	p2 =	seq.s32 s10, $0x1;
	s10 =	sld [smem:$0x3FB6]  }
0x3d: {  	_ =	shalt  }
0x3e: {  	_ =	shalt  }
0x3f: {  	_ =	shalt  }
0x40: {  	_ =	shalt  }
0x41: {  	_ =	shalt  }
0x42: {  	_ =	shalt  }
0x43: {  	_ =	shalt  }
0x44: {  	_ =	shalt  }
0x45: {  	_ =	shalt  }
0x46: {  	_ =	shalt  }
0x47: {  	_ =	shalt  }
0x48: {  	_ =	shalt  }
0x49: {  	_ =	shalt  }
0x4a: {  	_ =	shalt  }
0x4b: {  	_ =	shalt  }
0x4c: {  	_ =	shalt  }
0x4d: {  	_ =	shalt  }
0x4e: {  	_ =	shalt  }
0x4f: {  	_ =	shalt  }
0x50: {  	_ =	shalt  }
0x51: {  	_ =	shalt  }
0x52: {  	_ =	shalt  }
0x53: {  	_ =	shalt  }
0x54: {  	_ =	shalt  }
0x55: {  	_ =	shalt  }
0x56: {  	_ =	shalt  }
0x57: {  	_ =	shalt  }
0x58: {  	_ =	shalt  }
0x59: {  	_ =	shalt  }
0x5a: {  	_ =	shalt  }
0x5b: {  	_ =	shalt  }
0x5c: {  	_ =	shalt  }
0x5d: {  	_ =	shalt  }
0x5e: {  	_ =	shalt  }
0x5f: {  	_ =	shalt  }
0x60: {  	_ =	shalt  }
0x61: {  	_ =	shalt  }
0x62: {  	_ =	shalt  }
0x63: {  	_ =	shalt  }
0x64: {  	_ =	shalt  }
0x65: {  	_ =	shalt  }
0x66: {  	_ =	shalt  }
0x67: {  	_ =	shalt  }
0x68: {  	_ =	shalt  }
0x69: {  	_ =	shalt  }
0x6a: {  	_ =	shalt  }
0x6b: {  	_ =	shalt  }
0x6c: {  	_ =	shalt  }
0x6d: {  	_ =	shalt  }
0x6e: {  	_ =	shalt  }
0x6f: {  	_ =	shalt  }
0x70: {  	_ =	shalt  }
0x71: {  	_ =	shalt  }
0x72: {  	_ =	shalt  }
0x73: {  	_ =	shalt  }
0x74: {  	_ =	shalt  }
0x75: {  	_ =	shalt  }
0x76: {  	_ =	shalt  }
0x77: {  	_ =	shalt  }
0x78: {  	_ =	shalt  }
0x79: {  	_ =	shalt  }
0x7a: {  	_ =	shalt  }
0x7b: {  	_ =	shalt  }
0x7c: {  	_ =	shalt  }
0x7d: {  	_ =	shalt  }
0x7e: {  	_ =	shalt  }
0x7f: {  	_ =	shalt  }
0x80: {  	_ =	shalt  }
0x81: {  	_ =	shalt  }
0x82: {  	_ =	shalt  }
0x83: {  	_ =	shalt  }
0x84: {  	_ =	shalt  }
0x85: {  	_ =	shalt  }
0x86: {  	_ =	shalt  }
0x87: {  	_ =	shalt  }
.Lfunc_end0:
.L_simem_size_0:
called_computation_lowered:
.L_overlay_start_0:
0x88: {  	s2 =	sld [smem:$0x3FD9]  }
0x89: {  	s3 =	sld [smem:$0x3FFE];
	_ =	sdelay $0x1  }
0x8a: {  	s1 =	srdreg.scid  }
0x8b: {  	s0 =	sand.u32 $0x1, s1  }
0x8c: {  	s17 =	sshll.u32 s0, $0xA;
	s2 =	sadd.s32 s3, s2  }
0x8d: {  	s2 =	sadd.s32 s2, s17  }
0x8e: {  	[smem:$0x3FC2] =	sst s2  }
0x8f: {  	_ = 	snop  }
0x90: {  	s2 =	sld [smem:$0x3FD0];
	(tm) =	ssettm $0x1  }
0x91: {  	s18 =	sld [smem:$0x3FFB];
	_ =	sdelay $0x3  }
0x92: {  	_ =	strace s18  }
0x93: {  	s3 =	sld [smem:$0x3FFC];
	_ =	sdelay $0x3  }
0x94: {  	_ =	strace s3  }
0x95: {  	s3 =	sld [smem:$0x3FFD];
	_ =	sdelay $0x3  }
0x96: {  	_ =	strace s3  }
0x97: {  	_ =	strace $0x8FFFFFFF  }
0x98: {  	s19 =	sld [smem:$0x3FDB];
	_ =	sdelay $0x1  }
0x99: {  	s4 =	simm.s32 $_scs_section_size  }
0x9a: {  	s5 =	simm.s32 $_size__tile_overlayer_lowered;
	s6 =	simm.s32 $_tile_overlayer_lowered  }
0x9b: {  	s22 =	simm.s32 $0x1BFF;
	s21 =	sshll.u32 s6, $0x1;
	s3 =	sadd.s32 s4, s19  }
0x9c: {  	s7 =	simm.s32 $0x0;
	s20 =	sshll.u32 s5, $0x1;
	s5 =	sadd.s32 s21, s3  }
0x9d: {  	[timem:s7], [sflag:s22] =	dma.local [hbm:s5], s20  }
0x9e: {  	_ =	swait.ge [sflag:s22], s20  }
0x9f: {  	s4 =	ssub.s32 $0x0, s20;
	[sflag:s22] =	ssyncset.done $0x0  }
0xa0: {  	[sflag:s22] =	ssyncadd.s32 s4;
	_ =	sdelay $0x1  }
0xa1: {  	s23 =	simm.s32 $0x1B8B  }
0xa2: {  	_ =	swait.ge [sflag:s23], $0x1  }
0xa3: {  	[sflag:s23] =	ssyncset.done $0x0  }
0xa4: {  	s25 =	simm.s32 $0x1B8E;
	s24 =	sld [smem:$0x3FFE];
	[sflag:s23] =	ssyncadd.s32 $0xFFFFFFFF  }
0xa5: {  	s26 =	simm.s32 $execute0_lowered;
	[smem:$0x3FD2] =	sst s25  }
0xa6: {  	s5 =	sshll.u32 s26, $0x1;
	_ =	strace $0x80000046;
	[dreg:$0x1] =	wrdreg $0xFFFFFFFF  }
0xa7: {  	s28 =	simm.s32 $_size_execute0_lowered;
	s3 =	sadd.s32 s3, s5;
	[dreg:$0x0] =	wrdreg $0x0  }
0xa8: {  	s5 =	sshll.u32 s28, $0x1;
	[dreg:$0x2] =	wrdreg s3  }
0xa9: {  	[dreg:$0x3] =	wrdreg s5  }
0xaa: {  	[dreg:$0x4] =	wrdreg $0xC0  }
0xab: {  	_ =	task [dreg:s7], $0x5FFFF  }
0xac: {  	[dreg:$0x1] =	wrdreg $0xFFFFFFFF  }
0xad: {  	[dreg:$0x0] =	wrdreg $0x60  }
0xae: {  	[dreg:$0x2] =	wrdreg s2  }
0xaf: {  	[dreg:$0x3] =	wrdreg s24  }
0xb0: {  	[dreg:$0x4] =	wrdreg $0x2B000  }
0xb1: {  	[dreg:$0x5] =	wrdreg $0x9  }
0xb2: {  	_ =	task.clear_ibuf [dreg:s7], $0x6FFFF;
	_ =	strace $0x90000046  }
0xb3: {  	s29 =	simm.s32 $0x9;
	_ =	strace $0x80000048  }
0xb4: {  	_ =	swait.ge [sflag:s29], $0x1  }
0xb5: {  	[sflag:s29] =	ssyncadd.s32 $0xFFFFFFFF  }
0xb6: {  	_ =	strace $0x90000048  }
0xb7: {  	_ =	sfence  }
0xb8: {  	s30 =	sld [smem:$0x0];
	_ =	sdelay $0x2  }
0xb9: {  	s31 =	sshll.u32 s1, $0xD;
	s1 =	sshrl.u32 s1, $0x2  }
0xba: {  	s3 =	sand.u32 $0x4000, s31;
	s1 =	sadd.s32 s1, s30  }
0xbb: {  	s0 =	sor.u32 s3, s0;
	s1 =	sshll.u32 s1, $0x11  }
0xbc: {  	s0 =	sor.u32 s1, s0  }
0xbd: {  	s0 =	sadd.s32 $0x8F2B, s0  }
0xbe: {  	[sflag:s0] =	ssyncadd.remote.s32 $0x1  }
0xbf: {  	_ =	sfence.sel $0xFFFF  }
0xc0: {  	[dreg:$0x0] =	wrdreg $0xFFFFFFFF;
	(pc) =	sbr.abs _section_cstart, $3  }
0xc1: {  	[dreg:$0x1] =	wrdreg $0xFFFFFFFF  }
0xc2: {  	_ =	task.clear_ibuf [dreg:s7], $0x2FFFF;
	_ =	strace $0x9FFFFFFF  }
0xc3: {  	(tm) =	ssettm $0x7FFFFFFF  }
tec
execute0_lowered:
.L_overlay_start_1:
0x0: {  	(tag) =	ssettag $0x1  }
0x1: {  	s4 =	rddreg [dreg:$0x0]  }
0x2: {  	s5 =	rddreg [dreg:$0x1]  }
0x3: {  	s2 =	rddreg [dreg:$0x2]  }
0x4: {  	s0 =	rddreg [dreg:$0x3]  }
0x5: {  	s3 =	simm.s32 $0x0;
	s6 =	srdreg.scid;
	s1 =	stileid.u32  }
0x6: {  	s11 =	simm.s32 $0x2800;
	s14 =	simm.s32 $0x20;
	s15 =	simm.s32 $0x10  }
0x7: {  	s16 =	simm.s32 $0x0;
	[smem:$0x7FF] =	sst s3;
	s7 =	smul.u32 $0x500, s1  }
0x8: {  	s6 =	sand.u32 $0x1, s6;
	s30 =	smul.u32 $0xA00, s1;
	s12 =	sshll.u32 s1, $0x6  }
0x9: {  	_ =	strace $0x80000047;
	s8 =	sshll.u32 s6, $0x7;
	s9 =	sshll.u32 s6, $0x4  }
0xa: {  	s6 =	ssub.s32 $0x2, s6;
	s12 =	sor.u32 $0x1C01, s12;
	s7 =	sor.u32 s8, s7  }
0xb: {  	s29 =	sor.u32 s1, s9;
	s31 =	sshrl.u32 s6, $0x1;
	s9 =	sshrl.u32 s30, $0x2  }
0xc: {  	s7 =	sshrl.u32 s7, $0x3;
	s8 =	smul.u32 $0x500, s29;
	s10 =	ssub.s32 s6, s31  }
0xd: {  	s7 =	sadd.s32 s7, s5;
	s5 =	sadd.s32 s9, s2;
	s9 =	simm.s32 $0x2880  }
0xe: {  	s4 =	sadd.s32 s4, s8;
	s6 =	sadd.s32 $0x1600, s7;
	s7 =	smax.u32 s10, $0x1  }
0xf: {  	v0 =	vimm.f32 $1.000000000e+00;
	v1 =	vimm.f32 $0.0e+00;
	s8 =	simm.s32 $0x1;
	s10 =	simm.s32 $0x80;
	s13 =	sshrl.u32 s5, $0x3  }
.LBB2_1:
0x10: {  	[tilespmem:s3], [sflag:$0x1] =	stream.linear.gather [hbm4b:s4+s3], $0x2800, $0x38;
	[tilespmem:$0x2D80] =	vst v63  }
0x11: {  	_ =	swait.ge [sflag:s8], $0x2800  }
0x12: {  	[sflag:s8] =	ssyncset.done $0x0  }
0x13: {  	[sflag:s8] =	ssyncadd.s32 $0xFFFFD800  }
0x14: {  	[tilespmem:$0x2800] =	vst v0  }
0x15: {  	[tilespmem:$0x2810] =	vst v0  }
0x16: {  	[tilespmem:$0x2820] =	vst v0  }
0x17: {  	[tilespmem:$0x2830] =	vst v0  }
0x18: {  	[tilespmem:$0x2840] =	vst v0  }
0x19: {  	[tilespmem:$0x2850] =	vst v0  }
0x1a: {  	[tilespmem:$0x2860] =	vst v0  }
0x1b: {  	[tilespmem:$0x2870] =	vst v0  }
0x1c: {  	[tilespmem:$0x2880] =	vst v1  }
0x1d: {  	[tilespmem:$0x2890] =	vst v1  }
0x1e: {  	[tilespmem:$0x28A0] =	vst v1  }
0x1f: {  	[tilespmem:$0x28B0] =	vst v1  }
0x20: {  	[tilespmem:$0x28C0] =	vst v1  }
0x21: {  	[tilespmem:$0x28D0] =	vst v1  }
0x22: {  	[tilespmem:$0x28E0] =	vst v1  }
0x23: {  	[tilespmem:$0x28F0] =	vst v1  }
0x24: {  	[tilespmem:$0x2900] =	vst v1  }
0x25: {  	[tilespmem:$0x2910] =	vst v1  }
0x26: {  	[tilespmem:$0x2920] =	vst v1  }
0x27: {  	[tilespmem:$0x2930] =	vst v1  }
0x28: {  	[tilespmem:$0x2940] =	vst v1  }
0x29: {  	[tilespmem:$0x2950] =	vst v1  }
0x2a: {  	[tilespmem:$0x2960] =	vst v1  }
0x2b: {  	[tilespmem:$0x2970] =	vst v1  }
0x2c: {  	[tilespmem:$0x2980] =	vst v1  }
0x2d: {  	[tilespmem:$0x2990] =	vst v1  }
0x2e: {  	[tilespmem:$0x29A0] =	vst v1  }
0x2f: {  	[tilespmem:$0x29B0] =	vst v1  }
0x30: {  	[tilespmem:$0x29C0] =	vst v1  }
0x31: {  	[tilespmem:$0x29D0] =	vst v1  }
0x32: {  	[tilespmem:$0x29E0] =	vst v1  }
0x33: {  	[tilespmem:$0x29F0] =	vst v1  }
0x34: {  	[tilespmem:$0x2A00] =	vst v1  }
0x35: {  	[tilespmem:$0x2A10] =	vst v1  }
0x36: {  	[tilespmem:$0x2A20] =	vst v1  }
0x37: {  	[tilespmem:$0x2A30] =	vst v1  }
0x38: {  	[tilespmem:$0x2A40] =	vst v1  }
0x39: {  	[tilespmem:$0x2A50] =	vst v1  }
0x3a: {  	[tilespmem:$0x2A60] =	vst v1  }
0x3b: {  	[tilespmem:$0x2A70] =	vst v1  }
0x3c: {  	[tilespmem:$0x2A80] =	vst v1  }
0x3d: {  	[tilespmem:$0x2A90] =	vst v1  }
0x3e: {  	[tilespmem:$0x2AA0] =	vst v1  }
0x3f: {  	[tilespmem:$0x2AB0] =	vst v1  }
0x40: {  	[tilespmem:$0x2AC0] =	vst v1  }
0x41: {  	[tilespmem:$0x2AD0] =	vst v1  }
0x42: {  	[tilespmem:$0x2AE0] =	vst v1  }
0x43: {  	[tilespmem:$0x2AF0] =	vst v1  }
0x44: {  	[spmem:s5] =	stream.linear.scatter [tilespmem:s9], [sflag:$0x1], $0x280, $0x38;
	[tilespmem:$0x2D80] =	vst v63  }
0x45: {  	_ =	swait.ge [sflag:s8], $0x280  }
0x46: {  	[sflag:s8] =	ssyncset.done $0x0  }
0x47: {  	[sflag:s8] =	ssyncadd.s32 $0xFFFFFD80  }
0x48: {  	s17 =	simm.s32 $0x0;
	[bflag:$0x0] =	sbarrier.arrive $0xFFFF  }
0x49: {  	[spmem:s2] =	stream.indirect.scatter.add.f32 [tilespmem:s11], [sflag:$0x1], $0x1, s17, s10, $0xb8;
	[tilespmem:$0x2D80] =	vst v63  }
0x4a: {  	_ =	swait.ge [sflag:s8], $0x80  }
0x4b: {  	s17 =	simm.s32 $0x200;
	[sflag:s8] =	ssyncset.done $0x0  }
.LBB2_2:
0x4c: {  	s18 =	sshra.s32 s17, $0x2;
	[sflag:s8] =	ssyncadd.s32 $0xFFFFFF80;
	p0 =	sne.s32 s17, $0x9E00  }
0x4d: {  	[spmem:s2] =	stream.indirect.scatter.add.f32 [tilespmem:s11], [sflag:$0x1], $0x1, s18, s10, $0xb8;
	[tilespmem:$0x2D80] =	vst v63  }
.Ltmp0:
0x4e: {  	_ = 	snop;
	(pc) =	sbr.rel @p0 .LBB2_2-.Ltmp0, $4  }
0x4f: {  	_ = 	snop  }
0x50: {  	s17 =	sadd.s32 $0x200, s17  }
0x51: {  	_ =	swait.ge [sflag:s8], $0x80  }
0x52: {  	[sflag:s8] =	ssyncset.done $0x0  }
0x53: {  	s16 =	sadd.s32 $0x1, s16  }
0x54: {  	[sflag:s8] =	ssyncadd.s32 $0xFFFFFF80;
	p0 =	sne.s32 s16, s7  }
.Ltmp1:
0x55: {  	[bflag:$0x0] =	sbarrier.arrive $0xFFFF;
	(pc) =	sbr.rel @p0 .LBB2_1-.Ltmp1, $4  }
0x56: {  	[hbm:s6@s14], [sflag:s12] =	dma.strided [spmem:s13@s15], $0x50, s8, $0x10   }
0x57: {  	_ =	swait.ge [sflag:s8], $0x50  }
0x58: {  	[sflag:s8] =	ssyncset.done $0x0  }
0x59: {  	[sflag:s8] =	ssyncadd.s32 $0xFFFFFFB0  }
0x5a: {  	_ =	sfence.sel $0x180000  }
0x5b: {  	[bflag:$0x0] =	sbarrier.arrive $0xFFFF  }
0x5c: {  	p0 =	sne.s32 s1, $0x0;
	_ =	strace $0x90000047  }
0x5d: {  	s0 =	sadd.s32 @!p0 $0x100000, s0;
	[bflag:$0x2] =	sbarrier.arrive $0xFFFF  }
0x5e: {  	[sflag:s0] =	ssyncadd.tile.s32 @!p0 $0x1;
	_ =	shalt  }
.Lfunc_end2:
_tile_overlayer_lowered:
.L_overlay_start_2:
0x5f: {  	(tag) =	ssettag $0x2  }
0x60: {  	s0 =	rddreg [dreg:$0x0];
	s2 =	stileid.u32  }
0x61: {  	s1 =	rddreg [dreg:$0x1];
	p0 =	sne.s32 s2, $0x0  }
0x62: {  	s3 =	rddreg [dreg:$0x2];
	[bflag:$0x3] =	sbarrier.arrive $0xFFFF;
	s2 =	simm.s32 @!p0 $0x1C01  }
0x63: {  	[timem:s3], [sflag:s2] =	dma.local @!p0 [hbm:s0], s1  }
0x64: {  	s0 =	simm.s32 @!p0 $0x1  }
0x65: {  	_ =	swait.ge @!p0 [sflag:s0], s1  }
0x66: {  	s1 =	ssub.s32 @!p0 $0x0, s1;
	[sflag:s0] =	ssyncset.done @!p0 $0x0  }
0x67: {  	[sflag:s0] =	ssyncadd.s32 @!p0 s1  }
0x68: {  	[bflag:$0x3] =	sbarrier.arrive $0xFFFF  }
0x69: {  	_ =	shalt  }

</sc_bundles>
